<compile_context>
chip_gen: v7x
topology: tpu7x:2x2x1
jax: 0.10.2.dev20260603
libtpu: 0.0.44.dev20260713+nightly
codegen_flags: <defaults>
</compile_context>

<pallas_src>
import functools

import jax
import jax.numpy as jnp
from jax import lax
from jax.experimental import pallas as pl
from jax.experimental.pallas import tpu as pltpu
from jax.experimental.pallas import tpu_sc as plsc

_N = 10000
_E = 160000
_T = 4
_IN_C = 32
_OUT_C = 32
_D_EDGE = 16
_HID = 32

_C4 = _T * 32
_NW = 32
_ZR = 624
_ZR_TAIL = _N - 16 * _ZR

_EB = 1280
_NB = 2000


def _sc_mesh():
    return plsc.VectorSubcoreMesh(core_axis_name="c", subcore_axis_name="s")


def _gather(xcat, idx3d, nch, ch):
    pw = nch * ch

    @functools.partial(
        pl.kernel,
        out_type=jax.ShapeDtypeStruct((_NW * pw, _C4), jnp.float32),
        mesh=_sc_mesh(),
        scratch_types=[
            pltpu.VMEM((nch, ch), jnp.int32),
            pltpu.VMEM((ch, _C4), jnp.float32),
            pltpu.SemaphoreType.DMA,
        ],
    )
    def k(x_hbm, idx_hbm, out_hbm, idx_v, rows_v, sem):
        wid = lax.axis_index("s") * 2 + lax.axis_index("c")
        pltpu.sync_copy(idx_hbm.at[wid], idx_v)

        def body(j, carry):
            off = wid * pw + j * ch
            pltpu.async_copy(x_hbm.at[idx_v.at[j]], rows_v, sem).wait()
            pltpu.sync_copy(rows_v, out_hbm.at[pl.ds(off, ch)])
            return carry

        lax.fori_loop(0, nch, body, 0)

    return k(xcat, idx3d)


def _scatter(msg4, idx3d, init, nch, ch):
    pw = nch * ch

    @functools.partial(
        pl.kernel,
        out_type=jax.ShapeDtypeStruct((2, _N, _C4), jnp.float32),
        mesh=_sc_mesh(),
        scratch_types=[
            pltpu.VMEM((nch, ch), jnp.int32),
            pltpu.VMEM((ch, _C4), jnp.float32),
            pltpu.VMEM_SHARED((_N, _C4), jnp.float32),
            pltpu.SemaphoreType.DMA,
        ],
    )
    def k(msg_hbm, idx_hbm, init_hbm, out_hbm, idx_v, rows_v, agg_sh, sem):
        cid = lax.axis_index("c")
        sid = lax.axis_index("s")
        wid = sid * 2 + cid
        pltpu.sync_copy(init_hbm.at[cid, pl.ds(sid * _ZR, _ZR)],
                        agg_sh.at[pl.ds(sid * _ZR, _ZR)])

        @pl.when(sid == 15)
        def _():
            pltpu.sync_copy(init_hbm.at[cid, pl.ds(16 * _ZR, _ZR_TAIL)],
                            agg_sh.at[pl.ds(16 * _ZR, _ZR_TAIL)])

        pltpu.sync_copy(idx_hbm.at[wid], idx_v)
        plsc.subcore_barrier()

        def body(j, carry):
            off = wid * pw + j * ch
            pltpu.sync_copy(msg_hbm.at[pl.ds(off, ch)], rows_v)
            pltpu.sync_copy(rows_v, agg_sh.at[idx_v.at[j]], add=True)
            return carry

        lax.fori_loop(0, nch, body, 0)
        plsc.subcore_barrier()
        pltpu.sync_copy(
            agg_sh.at[pl.ds(sid * _ZR, _ZR)],
            out_hbm.at[cid, pl.ds(sid * _ZR, _ZR)],
        )

        @pl.when(sid == 15)
        def _():
            pltpu.sync_copy(agg_sh.at[pl.ds(16 * _ZR, _ZR_TAIL)],
                            out_hbm.at[cid, pl.ds(16 * _ZR, _ZR_TAIL)])

    return k(msg4, idx3d, init)


_ZW = _D_EDGE * 32


def _mm(a, b, out=jnp.float32):
    return lax.dot_general(a, b, (((1,), (0,)), ((), ())),
                           preferred_element_type=out)


def _mm_t(a, b, out=jnp.float32):
    return lax.dot_general(a, b, (((0,), (0,)), ((), ())),
                           preferred_element_type=out)


def _dense_body(eat_ref, xj_ref, rrep_ref, srep_ref, w24_ref, bbig_ref,
                msg_ref):
    xj4 = xj_ref[...]
    eat = eat_ref[...]
    rrep = rrep_ref[...]
    acc = _mm(xj4, bbig_ref[...])
    for t in range(_T):
        eat_t = eat[t * _D_EDGE : (t + 1) * _D_EDGE]
        er = _mm_t(eat_t, rrep)
        xr = _mm(xj4, srep_ref[t])
        acc = acc + _mm(er * xr, w24_ref[t])
    msg_ref[...] = acc


def _dense(eat64, xj4, rrep, srep, w24, bbig, e_h, blk_off):
    grid = (e_h // _EB,)
    return pl.pallas_call(
        _dense_body,
        grid=grid,
        in_specs=[
            pl.BlockSpec((_T * _D_EDGE, _EB), lambda i: (0, i + blk_off)),
            pl.BlockSpec((_EB, _C4), lambda i: (i, 0)),
            pl.BlockSpec((_D_EDGE, _ZW), lambda i: (0, 0)),
            pl.BlockSpec((_T, _C4, _ZW), lambda i: (0, 0, 0)),
            pl.BlockSpec((_T, _ZW, _C4), lambda i: (0, 0, 0)),
            pl.BlockSpec((_C4, _C4), lambda i: (0, 0)),
        ],
        out_specs=pl.BlockSpec((_EB, _C4), lambda i: (i, 0)),
        out_shape=jax.ShapeDtypeStruct((e_h, _C4), jnp.float32),
    )(eat64, xj4, rrep, srep, w24, bbig)


def _head_body(p_ref, x_ref, wr_ref, wih_ref, whh_ref, brow_ref, bsum_ref,
               h_ref, c_ref):
    wr = wr_ref[...]
    wih = wih_ref[...]
    whh = whh_ref[...]
    brow = brow_ref[...]
    bsum = bsum_ref[...]
    h = jnp.zeros((_NB, _HID), jnp.float32)
    c = jnp.zeros((_NB, _HID), jnp.float32)
    for t in range(_T):
        sl = slice(t * 32, (t + 1) * 32)
        xt = x_ref[:, sl]
        agg = p_ref[0][:, sl] + p_ref[1][:, sl]
        s = jax.nn.relu(
            agg
            + lax.dot_general(xt, wr, (((1,), (0,)), ((), ())),
                              preferred_element_type=jnp.float32)
            + brow
        )
        g = (
            lax.dot_general(s, wih, (((1,), (0,)), ((), ())),
                            preferred_element_type=jnp.float32)
            + lax.dot_general(h, whh, (((1,), (0,)), ((), ())),
                              preferred_element_type=jnp.float32)
            + bsum
        )
        i_g = jax.nn.sigmoid(g[:, 0:32])
        f_g = jax.nn.sigmoid(g[:, 32:64])
        g_g = jnp.tanh(g[:, 64:96])
        o_g = jax.nn.sigmoid(g[:, 96:128])
        c = f_g * c + i_g * g_g
        h = o_g * jnp.tanh(c)
    h_ref[...] = h
    c_ref[...] = c


def _head(partials, xcat, wr_t, wih_t, whh_t, brow, bsum):
    grid = (_N // _NB,)
    return pl.pallas_call(
        _head_body,
        grid=grid,
        in_specs=[
            pl.BlockSpec((2, _NB, _C4), lambda i: (0, i, 0)),
            pl.BlockSpec((_NB, _C4), lambda i: (i, 0)),
            pl.BlockSpec((32, 32), lambda i: (0, 0)),
            pl.BlockSpec((32, 128), lambda i: (0, 0)),
            pl.BlockSpec((_HID, 128), lambda i: (0, 0)),
            pl.BlockSpec((1, 32), lambda i: (0, 0)),
            pl.BlockSpec((1, 128), lambda i: (0, 0)),
        ],
        out_specs=[
            pl.BlockSpec((_NB, _HID), lambda i: (i, 0)),
            pl.BlockSpec((_NB, _HID), lambda i: (i, 0)),
        ],
        out_shape=[
            jax.ShapeDtypeStruct((_N, _HID), jnp.float32),
            jax.ShapeDtypeStruct((_N, _HID), jnp.float32),
        ],
    )(partials, xcat, wr_t, wih_t, whh_t, brow, bsum)


def kernel(x, edge_index, edge_attr, W_lin, b_lin, W_root, bias, W_ih, W_hh,
           b_ih, b_hh):
    src = edge_index[0]
    dst = edge_index[1]
    ofs = [0, 20480, 61440, 102400, 143360, _E]
    chs = [128, 128, 128, 128, 40]

    xcat = x.transpose(1, 0, 2).reshape(_N, _C4)

    w3 = W_lin.reshape(_IN_C, _OUT_C, _D_EDGE)
    w2 = jnp.concatenate(
        [w3.transpose(2, 0, 1).reshape(_D_EDGE * _IN_C, _OUT_C),
         b_lin.reshape(_IN_C, _OUT_C)],
        axis=0,
    )
    w2a = w2[: _ZW]
    rrep = jnp.repeat(jnp.eye(_D_EDGE, dtype=jnp.float32), 32, axis=1)
    eye32 = jnp.eye(32, dtype=jnp.float32)
    srep = jnp.stack([
        jnp.tile(jnp.pad(eye32, ((t * 32, 96 - t * 32), (0, 0))), (1, 16))
        for t in range(_T)])
    w24 = jnp.stack([
        jnp.pad(w2a, ((0, 0), (t * 32, 96 - t * 32))) for t in range(_T)])
    bbig = jnp.kron(jnp.eye(_T, dtype=jnp.float32),
                    b_lin.reshape(_IN_C, _OUT_C))

    eat64 = edge_attr.transpose(0, 2, 1).reshape(_T * _D_EDGE, _E)

    msgs, dsts, nchs = [], [], []
    for lo, hi, ch in zip(ofs[:-1], ofs[1:], chs):
        e_h = hi - lo
        nch = e_h // _NW // ch
        src3 = src[lo:hi].reshape(_NW, nch, ch)
        xj4 = _gather(xcat, src3, nch, ch)
        msgs.append(_dense(eat64, xj4, rrep, srep, w24, bbig, e_h, lo // _EB))
        dsts.append(dst[lo:hi].reshape(_NW, nch, ch))
        nchs.append((nch, ch))
    partials = jnp.zeros((2, _N, _C4), jnp.float32)
    for msg4, dst3, (nch, ch) in zip(msgs, dsts, nchs):
        partials = _scatter(msg4, dst3, partials, nch, ch)

    h_n, c_n = _head(
        partials, xcat,
        W_root.T, W_ih.T, W_hh.T,
        bias.reshape(1, 32), (b_ih + b_hh).reshape(1, 128),
    )
    return (h_n[None], c_n[None])

# --- scband reference (transcript-rebuilt; emitter-appended) ---
"""Pipeline reference for scband-encoder-net-64252710748566 (READ-ONLY COPY).

The authoritative reference and input builder live on the scoring server;
editing this copy changes nothing except your own understanding.
"""

import jax, jax.numpy as jnp
import numpy as np

N = 10000
E = 160000
T = 4
IN_C = 32
OUT_C = 32
D_EDGE = 16
HID = 32


def setup_inputs(seed: int = 0) -> dict:
    key = jax.random.key(seed)
    ks = jax.random.split(key, 12)
    x = jax.random.normal(ks[0], (T, N, IN_C), dtype=jnp.float32)
    edge_index = jax.random.randint(ks[1], (2, E), 0, N, dtype=jnp.int32)
    edge_attr = jax.random.normal(ks[2], (T, E, D_EDGE), dtype=jnp.float32)
    # conv_lin: Linear(D_EDGE -> IN_C*OUT_C)
    W_lin = jax.random.normal(ks[3], (IN_C * OUT_C, D_EDGE), dtype=jnp.float32) * 0.05
    b_lin = jnp.zeros((IN_C * OUT_C,), dtype=jnp.float32)
    # NNConv root linear (in -> out, no bias) + conv bias
    W_root = jax.random.normal(ks[4], (OUT_C, IN_C), dtype=jnp.float32) * 0.1
    bias = jnp.zeros((OUT_C,), dtype=jnp.float32)
    # LSTM(OUT_C -> HID), 1 layer, PyTorch gate order i,f,g,o
    W_ih = jax.random.normal(ks[5], (4 * HID, OUT_C), dtype=jnp.float32) * 0.1
    W_hh = jax.random.normal(ks[6], (4 * HID, HID), dtype=jnp.float32) * 0.1
    b_ih = jnp.zeros((4 * HID,), dtype=jnp.float32)
    b_hh = jnp.zeros((4 * HID,), dtype=jnp.float32)
    return {"x": x, "edge_index": edge_index, "edge_attr": edge_attr,
            "W_lin": W_lin, "b_lin": b_lin, "W_root": W_root, "bias": bias,
            "W_ih": W_ih, "W_hh": W_hh, "b_ih": b_ih, "b_hh": b_hh}


def reference(x, edge_index, edge_attr, W_lin, b_lin, W_root, bias, W_ih, W_hh, b_ih, b_hh):
    src = edge_index[0]
    dst = edge_index[1]

    def nnconv(xt, eat):
        # per-edge weight matrices from the edge-attr MLP (NNConv)
        we = (eat @ W_lin.T + b_lin).reshape(E, IN_C, OUT_C)
        xj = jnp.take(xt, src, axis=0)                # gather source node features
        msg = jnp.einsum('ei,eio->eo', xj, we)        # x_j^T * Theta(e_ij)
        agg = jnp.zeros((N, OUT_C), dtype=xt.dtype).at[dst].add(msg)  # scatter-add aggr
        return jax.nn.relu(agg + xt @ W_root.T + bias)

    steps = [nnconv(x[t], edge_attr[t]) for t in range(T)]
    seq = jnp.stack(steps)                            # [T, N, OUT_C]

    def lstm_step(carry, xt):
        h, c = carry
        g = xt @ W_ih.T + b_ih + h @ W_hh.T + b_hh
        i, f, gg, o = jnp.split(g, 4, axis=-1)
        i = jax.nn.sigmoid(i)
        f = jax.nn.sigmoid(f)
        gg = jnp.tanh(gg)
        o = jax.nn.sigmoid(o)
        c = f * c + i * gg
        h = o * jnp.tanh(c)
        return (h, c), None

    h0 = jnp.zeros((N, HID), dtype=jnp.float32)
    c0 = jnp.zeros((N, HID), dtype=jnp.float32)
    (h_n, c_n), _ = jax.lax.scan(lstm_step, (h0, c0), seq)
    # PyTorch LSTM final_hidden = (h_n, c_n) with shape [num_layers=1, batch, hidden]
    return (h_n[None], c_n[None])

if __name__ == "__main__":
    import jax
    _d = setup_inputs()
    print(jax.jit(kernel)(*tuple(_d.values())))

</pallas_src>

<mosaic_0001>
#map = affine_map<(d0, d1) -> (0, 0)>
#map1 = affine_map<(d0, d1) -> (0, 0, 0)>
module attributes {stable_mosaic.version = 14 : i64} {
  func.func @k(%arg0: i32, %arg1: i32, %arg2: memref<10000x128xf32, #tpu.memory_space<hbm>>, %arg3: memref<32x10x128xi32, #tpu.memory_space<hbm>>, %arg4: memref<40960x128xf32, #tpu.memory_space<hbm>>, %arg5: memref<10x128xi32, #tpu.memory_space<vmem>>, %arg6: memref<128x128xf32, #tpu.memory_space<vmem>>, %arg7: memref<!tpu.dma_semaphore, #tpu.memory_space<semaphore_mem>>) attributes {dimension_semantics = [#tpu.dimension_semantics<core_parallel>, #tpu.dimension_semantics<subcore_parallel>], iteration_bounds = array<i64: 2, 16>, scalar_prefetch = 0 : i64, scratch_operands = 3 : i64, tpu.core_type = #tpu.core_type<sc_vector_subcore>, window_params = [{transform_indices = #map}, {transform_indices = #map1}, {transform_indices = #map}]} {
    %mul3A = arith.constant 2 : i32
    %mul3A_0 = arith.muli %arg1, %mul3A : i32
    %add3A = arith.addi %mul3A_0, %arg0 : i32
    "tpu.region"() ({
      %run_scoped3A = tpu.sem_alloc : memref<!tpu.dma_semaphore, #tpu.memory_space<semaphore_mem>>
      %dma_start3A = arith.constant 0 : i32
      %dma_start3A_6 = arith.constant 0 : i32
      %dma_start3A_7 = tpu.memref_slice %arg3[%add3A, %dma_start3A, %dma_start3A_6] : memref<32x10x128xi32, #tpu.memory_space<hbm>> -> memref<1x10x128xi32, #tpu.memory_space<hbm>>
      %dma_start3A_8 = tpu.memref_squeeze %dma_start3A_7 : memref<1x10x128xi32, #tpu.memory_space<hbm>> -> memref<10x128xi32, #tpu.memory_space<hbm>>
      %dma_start3A_9 = arith.constant 0 : i32
      %dma_start3A_10 = arith.constant 0 : i32
      %dma_start3A_11 = tpu.memref_slice %arg3[%add3A, %dma_start3A_9, %dma_start3A_10] : memref<32x10x128xi32, #tpu.memory_space<hbm>> -> memref<1x10x128xi32, #tpu.memory_space<hbm>>
      %dma_start3A_12 = tpu.memref_squeeze %dma_start3A_11 : memref<1x10x128xi32, #tpu.memory_space<hbm>> -> memref<10x128xi32, #tpu.memory_space<hbm>>
      tpu.enqueue_dma source(%dma_start3A_12 : memref<10x128xi32, #tpu.memory_space<hbm>>) target(%arg5 : memref<10x128xi32, #tpu.memory_space<vmem>>) target_semaphore(%run_scoped3A : memref<!tpu.dma_semaphore, #tpu.memory_space<semaphore_mem>>)
      %dma_wait3A = arith.constant 0 : i32
      %dma_wait3A_13 = arith.constant 0 : i32
      %dma_wait3A_14 = tpu.memref_slice %arg3[%add3A, %dma_wait3A, %dma_wait3A_13] : memref<32x10x128xi32, #tpu.memory_space<hbm>> -> memref<1x10x128xi32, #tpu.memory_space<hbm>>
      %dma_wait3A_15 = tpu.memref_squeeze %dma_wait3A_14 : memref<1x10x128xi32, #tpu.memory_space<hbm>> -> memref<10x128xi32, #tpu.memory_space<hbm>>
      %dma_wait3A_16 = arith.constant 0 : i32
      %dma_wait3A_17 = arith.constant 0 : i32
      %dma_wait3A_18 = tpu.memref_slice %arg3[%add3A, %dma_wait3A_16, %dma_wait3A_17] : memref<32x10x128xi32, #tpu.memory_space<hbm>> -> memref<1x10x128xi32, #tpu.memory_space<hbm>>
      %dma_wait3A_19 = tpu.memref_squeeze %dma_wait3A_18 : memref<1x10x128xi32, #tpu.memory_space<hbm>> -> memref<10x128xi32, #tpu.memory_space<hbm>>
      tpu.wait_dma2 semaphore(%run_scoped3A : memref<!tpu.dma_semaphore, #tpu.memory_space<semaphore_mem>>) src(%dma_wait3A_19 : memref<10x128xi32, #tpu.memory_space<hbm>>) dst(%arg5 : memref<10x128xi32, #tpu.memory_space<vmem>>)
      tpu.yield
    }) : () -> ()
    %scan3A = arith.constant 0 : i32
    %scan3A_1 = arith.constant 0 : i32
    %scan3A_2 = arith.constant 10 : i32
    %scan3A_3 = arith.addi %scan3A_1, %scan3A_2 : i32
    %scan3A_4 = arith.constant 1 : i32
    scf.for %scan3A_6 = %scan3A_1 to %scan3A_3 step %scan3A_4  : i32 {
      %mul3A_7 = arith.constant 1280 : i32
      %mul3A_8 = arith.muli %add3A, %mul3A_7 : i32
      %mul3A_9 = arith.constant 128 : i32
      %mul3A_10 = arith.muli %scan3A_6, %mul3A_9 : i32
      %add3A_11 = arith.addi %mul3A_8, %mul3A_10 : i32
      %dma_start3A = arith.constant 0 : i32
      %dma_start3A_12 = tpu.memref_slice %arg5[%scan3A_6, %dma_start3A] : memref<10x128xi32, #tpu.memory_space<vmem>> -> memref<1x128xi32, #tpu.memory_space<vmem>>
      %dma_start3A_13 = tpu.memref_squeeze %dma_start3A_12 : memref<1x128xi32, #tpu.memory_space<vmem>> -> memref<128xi32, #tpu.memory_space<vmem>>
      %dma_start3A_14 = arith.constant 0 : i32
      %dma_start3A_15 = arith.constant 0 : i32
      %dma_start3A_16 = tpu.memref_slice %arg2[%dma_start3A_14, %dma_start3A_15] : memref<10000x128xf32, #tpu.memory_space<hbm>> -> memref<10000x128xf32, #tpu.memory_space<hbm>>
      tpu.enqueue_indirect_dma source(%dma_start3A_16 : memref<10000x128xf32, #tpu.memory_space<hbm>>) target(%arg6 : memref<128x128xf32, #tpu.memory_space<vmem>>) offsets(%dma_start3A_13 : memref<128xi32, #tpu.memory_space<vmem>>) semaphore(%arg7 : memref<!tpu.dma_semaphore, #tpu.memory_space<semaphore_mem>>)
      %dma_wait3A = arith.constant 0 : i32
      %dma_wait3A_17 = tpu.memref_slice %arg5[%scan3A_6, %dma_wait3A] : memref<10x128xi32, #tpu.memory_space<vmem>> -> memref<1x128xi32, #tpu.memory_space<vmem>>
      %dma_wait3A_18 = tpu.memref_squeeze %dma_wait3A_17 : memref<1x128xi32, #tpu.memory_space<vmem>> -> memref<128xi32, #tpu.memory_space<vmem>>
      %dma_wait3A_19 = arith.constant 0 : i32
      %dma_wait3A_20 = arith.constant 0 : i32
      %dma_wait3A_21 = tpu.memref_slice %arg2[%dma_wait3A_19, %dma_wait3A_20] : memref<10000x128xf32, #tpu.memory_space<hbm>> -> memref<10000x128xf32, #tpu.memory_space<hbm>>
      tpu.wait_indirect_dma semaphore(%arg7 : memref<!tpu.dma_semaphore, #tpu.memory_space<semaphore_mem>>) src(%dma_wait3A_21 : memref<10000x128xf32, #tpu.memory_space<hbm>>) dst(%arg6 : memref<128x128xf32, #tpu.memory_space<vmem>>)
      "tpu.region"() ({
        %run_scoped3A = tpu.sem_alloc : memref<!tpu.dma_semaphore, #tpu.memory_space<semaphore_mem>>
        %dma_start3A_22 = arith.constant 0 : i32
        %dma_start3A_23 = tpu.memref_slice %arg4[%add3A_11, %dma_start3A_22] : memref<40960x128xf32, #tpu.memory_space<hbm>> -> memref<128x128xf32, #tpu.memory_space<hbm>>
        %dma_start3A_24 = arith.constant 0 : i32
        %dma_start3A_25 = tpu.memref_slice %arg4[%add3A_11, %dma_start3A_24] : memref<40960x128xf32, #tpu.memory_space<hbm>> -> memref<128x128xf32, #tpu.memory_space<hbm>>
        tpu.enqueue_dma source(%arg6 : memref<128x128xf32, #tpu.memory_space<vmem>>) target(%dma_start3A_25 : memref<128x128xf32, #tpu.memory_space<hbm>>) target_semaphore(%run_scoped3A : memref<!tpu.dma_semaphore, #tpu.memory_space<semaphore_mem>>)
        %dma_wait3A_26 = arith.constant 0 : i32
        %dma_wait3A_27 = tpu.memref_slice %arg4[%add3A_11, %dma_wait3A_26] : memref<40960x128xf32, #tpu.memory_space<hbm>> -> memref<128x128xf32, #tpu.memory_space<hbm>>
        %dma_wait3A_28 = arith.constant 0 : i32
        %dma_wait3A_29 = tpu.memref_slice %arg4[%add3A_11, %dma_wait3A_28] : memref<40960x128xf32, #tpu.memory_space<hbm>> -> memref<128x128xf32, #tpu.memory_space<hbm>>
        tpu.wait_dma2 semaphore(%run_scoped3A : memref<!tpu.dma_semaphore, #tpu.memory_space<semaphore_mem>>) src(%arg6 : memref<128x128xf32, #tpu.memory_space<vmem>>) dst(%dma_wait3A_29 : memref<128x128xf32, #tpu.memory_space<hbm>>)
        tpu.yield
      }) : () -> ()
    }
    %scan3A_5 = arith.constant 10 : i32
    return
  }
}

#map = affine_map<(d0, d1) -> (0, 0)>
#map1 = affine_map<(d0, d1) -> (0, 0, 0)>
module attributes {stable_mosaic.version = 14 : i64} {
  func.func @k(%arg0: i32, %arg1: i32, %arg2: memref<10000x128xf32, #tpu.memory_space<hbm>>, %arg3: memref<32x10x128xi32, #tpu.memory_space<hbm>>, %arg4: memref<40960x128xf32, #tpu.memory_space<hbm>>, %arg5: memref<10x128xi32, #tpu.memory_space<vmem>>, %arg6: memref<128x128xf32, #tpu.memory_space<vmem>>, %arg7: memref<!tpu.dma_semaphore, #tpu.memory_space<semaphore_mem>>) attributes {dimension_semantics = [#tpu.dimension_semantics<core_parallel>, #tpu.dimension_semantics<subcore_parallel>], iteration_bounds = array<i64: 2, 16>, scalar_prefetch = 0 : i64, scratch_operands = 3 : i64, tpu.core_type = #tpu.core_type<sc_vector_subcore>, window_params = [{transform_indices = #map}, {transform_indices = #map1}, {transform_indices = #map}]} {
    %mul3A = arith.constant 2 : i32
    %mul3A_0 = arith.muli %arg1, %mul3A : i32
    %add3A = arith.addi %mul3A_0, %arg0 : i32
    "tpu.region"() ({
      %run_scoped3A = tpu.sem_alloc : memref<!tpu.dma_semaphore, #tpu.memory_space<semaphore_mem>>
      %dma_start3A = arith.constant 0 : i32
      %dma_start3A_6 = arith.constant 0 : i32
      %dma_start3A_7 = tpu.memref_slice %arg3[%add3A, %dma_start3A, %dma_start3A_6] : memref<32x10x128xi32, #tpu.memory_space<hbm>> -> memref<1x10x128xi32, #tpu.memory_space<hbm>>
      %dma_start3A_8 = tpu.memref_squeeze %dma_start3A_7 : memref<1x10x128xi32, #tpu.memory_space<hbm>> -> memref<10x128xi32, #tpu.memory_space<hbm>>
      %dma_start3A_9 = arith.constant 0 : i32
      %dma_start3A_10 = arith.constant 0 : i32
      %dma_start3A_11 = tpu.memref_slice %arg3[%add3A, %dma_start3A_9, %dma_start3A_10] : memref<32x10x128xi32, #tpu.memory_space<hbm>> -> memref<1x10x128xi32, #tpu.memory_space<hbm>>
      %dma_start3A_12 = tpu.memref_squeeze %dma_start3A_11 : memref<1x10x128xi32, #tpu.memory_space<hbm>> -> memref<10x128xi32, #tpu.memory_space<hbm>>
      tpu.enqueue_dma source(%dma_start3A_12 : memref<10x128xi32, #tpu.memory_space<hbm>>) target(%arg5 : memref<10x128xi32, #tpu.memory_space<vmem>>) target_semaphore(%run_scoped3A : memref<!tpu.dma_semaphore, #tpu.memory_space<semaphore_mem>>)
      %dma_wait3A = arith.constant 0 : i32
      %dma_wait3A_13 = arith.constant 0 : i32
      %dma_wait3A_14 = tpu.memref_slice %arg3[%add3A, %dma_wait3A, %dma_wait3A_13] : memref<32x10x128xi32, #tpu.memory_space<hbm>> -> memref<1x10x128xi32, #tpu.memory_space<hbm>>
      %dma_wait3A_15 = tpu.memref_squeeze %dma_wait3A_14 : memref<1x10x128xi32, #tpu.memory_space<hbm>> -> memref<10x128xi32, #tpu.memory_space<hbm>>
      %dma_wait3A_16 = arith.constant 0 : i32
      %dma_wait3A_17 = arith.constant 0 : i32
      %dma_wait3A_18 = tpu.memref_slice %arg3[%add3A, %dma_wait3A_16, %dma_wait3A_17] : memref<32x10x128xi32, #tpu.memory_space<hbm>> -> memref<1x10x128xi32, #tpu.memory_space<hbm>>
      %dma_wait3A_19 = tpu.memref_squeeze %dma_wait3A_18 : memref<1x10x128xi32, #tpu.memory_space<hbm>> -> memref<10x128xi32, #tpu.memory_space<hbm>>
      tpu.wait_dma2 semaphore(%run_scoped3A : memref<!tpu.dma_semaphore, #tpu.memory_space<semaphore_mem>>) src(%dma_wait3A_19 : memref<10x128xi32, #tpu.memory_space<hbm>>) dst(%arg5 : memref<10x128xi32, #tpu.memory_space<vmem>>)
      tpu.yield
    }) : () -> ()
    %scan3A = arith.constant 0 : i32
    %scan3A_1 = arith.constant 0 : i32
    %scan3A_2 = arith.constant 10 : i32
    %scan3A_3 = arith.addi %scan3A_1, %scan3A_2 : i32
    %scan3A_4 = arith.constant 1 : i32
    scf.for %scan3A_6 = %scan3A_1 to %scan3A_3 step %scan3A_4  : i32 {
      %mul3A_7 = arith.constant 1280 : i32
      %mul3A_8 = arith.muli %add3A, %mul3A_7 : i32
      %mul3A_9 = arith.constant 128 : i32
      %mul3A_10 = arith.muli %scan3A_6, %mul3A_9 : i32
      %add3A_11 = arith.addi %mul3A_8, %mul3A_10 : i32
      %dma_start3A = arith.constant 0 : i32
      %dma_start3A_12 = tpu.memref_slice %arg5[%scan3A_6, %dma_start3A] : memref<10x128xi32, #tpu.memory_space<vmem>> -> memref<1x128xi32, #tpu.memory_space<vmem>>
      %dma_start3A_13 = tpu.memref_squeeze %dma_start3A_12 : memref<1x128xi32, #tpu.memory_space<vmem>> -> memref<128xi32, #tpu.memory_space<vmem>>
      %dma_start3A_14 = arith.constant 0 : i32
      %dma_start3A_15 = arith.constant 0 : i32
      %dma_start3A_16 = tpu.memref_slice %arg2[%dma_start3A_14, %dma_start3A_15] : memref<10000x128xf32, #tpu.memory_space<hbm>> -> memref<10000x128xf32, #tpu.memory_space<hbm>>
      tpu.enqueue_indirect_dma source(%dma_start3A_16 : memref<10000x128xf32, #tpu.memory_space<hbm>>) target(%arg6 : memref<128x128xf32, #tpu.memory_space<vmem>>) offsets(%dma_start3A_13 : memref<128xi32, #tpu.memory_space<vmem>>) semaphore(%arg7 : memref<!tpu.dma_semaphore, #tpu.memory_space<semaphore_mem>>)
      %dma_wait3A = arith.constant 0 : i32
      %dma_wait3A_17 = tpu.memref_slice %arg5[%scan3A_6, %dma_wait3A] : memref<10x128xi32, #tpu.memory_space<vmem>> -> memref<1x128xi32, #tpu.memory_space<vmem>>
      %dma_wait3A_18 = tpu.memref_squeeze %dma_wait3A_17 : memref<1x128xi32, #tpu.memory_space<vmem>> -> memref<128xi32, #tpu.memory_space<vmem>>
      %dma_wait3A_19 = arith.constant 0 : i32
      %dma_wait3A_20 = arith.constant 0 : i32
      %dma_wait3A_21 = tpu.memref_slice %arg2[%dma_wait3A_19, %dma_wait3A_20] : memref<10000x128xf32, #tpu.memory_space<hbm>> -> memref<10000x128xf32, #tpu.memory_space<hbm>>
      tpu.wait_indirect_dma semaphore(%arg7 : memref<!tpu.dma_semaphore, #tpu.memory_space<semaphore_mem>>) src(%dma_wait3A_21 : memref<10000x128xf32, #tpu.memory_space<hbm>>) dst(%arg6 : memref<128x128xf32, #tpu.memory_space<vmem>>)
      "tpu.region"() ({
        %run_scoped3A = tpu.sem_alloc : memref<!tpu.dma_semaphore, #tpu.memory_space<semaphore_mem>>
        %dma_start3A_22 = arith.constant 0 : i32
        %dma_start3A_23 = tpu.memref_slice %arg4[%add3A_11, %dma_start3A_22] : memref<40960x128xf32, #tpu.memory_space<hbm>> -> memref<128x128xf32, #tpu.memory_space<hbm>>
        %dma_start3A_24 = arith.constant 0 : i32
        %dma_start3A_25 = tpu.memref_slice %arg4[%add3A_11, %dma_start3A_24] : memref<40960x128xf32, #tpu.memory_space<hbm>> -> memref<128x128xf32, #tpu.memory_space<hbm>>
        tpu.enqueue_dma source(%arg6 : memref<128x128xf32, #tpu.memory_space<vmem>>) target(%dma_start3A_25 : memref<128x128xf32, #tpu.memory_space<hbm>>) target_semaphore(%run_scoped3A : memref<!tpu.dma_semaphore, #tpu.memory_space<semaphore_mem>>)
        %dma_wait3A_26 = arith.constant 0 : i32
        %dma_wait3A_27 = tpu.memref_slice %arg4[%add3A_11, %dma_wait3A_26] : memref<40960x128xf32, #tpu.memory_space<hbm>> -> memref<128x128xf32, #tpu.memory_space<hbm>>
        %dma_wait3A_28 = arith.constant 0 : i32
        %dma_wait3A_29 = tpu.memref_slice %arg4[%add3A_11, %dma_wait3A_28] : memref<40960x128xf32, #tpu.memory_space<hbm>> -> memref<128x128xf32, #tpu.memory_space<hbm>>
        tpu.wait_dma2 semaphore(%run_scoped3A : memref<!tpu.dma_semaphore, #tpu.memory_space<semaphore_mem>>) src(%arg6 : memref<128x128xf32, #tpu.memory_space<vmem>>) dst(%dma_wait3A_29 : memref<128x128xf32, #tpu.memory_space<hbm>>)
        tpu.yield
      }) : () -> ()
    }
    %scan3A_5 = arith.constant 10 : i32
    return
  }
}

#map = affine_map<(d0, d1) -> (0, 0)>
#map1 = affine_map<(d0, d1) -> (0, 0, 0)>
module attributes {stable_mosaic.version = 14 : i64} {
  func.func @k(%arg0: i32, %arg1: i32, %arg2: memref<20480x128xf32, #tpu.memory_space<hbm>>, %arg3: memref<32x5x128xi32, #tpu.memory_space<hbm>>, %arg4: memref<2x10000x128xf32, #tpu.memory_space<hbm>>, %arg5: memref<2x10000x128xf32, #tpu.memory_space<hbm>>, %arg6: memref<5x128xi32, #tpu.memory_space<vmem>>, %arg7: memref<128x128xf32, #tpu.memory_space<vmem>>, %arg8: memref<10000x128xf32, #tpu.memory_space<vmem_shared>>, %arg9: memref<!tpu.dma_semaphore, #tpu.memory_space<semaphore_mem>>) attributes {dimension_semantics = [#tpu.dimension_semantics<core_parallel>, #tpu.dimension_semantics<subcore_parallel>], iteration_bounds = array<i64: 2, 16>, scalar_prefetch = 0 : i64, scratch_operands = 4 : i64, tpu.core_type = #tpu.core_type<sc_vector_subcore>, window_params = [{transform_indices = #map}, {transform_indices = #map1}, {transform_indices = #map1}, {transform_indices = #map1}]} {
    %mul3A = arith.constant 2 : i32
    %mul3A_0 = arith.muli %arg1, %mul3A : i32
    %add3A = arith.addi %mul3A_0, %arg0 : i32
    %mul3A_1 = arith.constant 624 : i32
    %mul3A_2 = arith.muli %arg1, %mul3A_1 : i32
    %mul3A_3 = arith.constant 624 : i32
    %mul3A_4 = arith.muli %arg1, %mul3A_3 : i32
    "tpu.region"() ({
      %run_scoped3A = tpu.sem_alloc : memref<!tpu.dma_semaphore, #tpu.memory_space<semaphore_mem>>
      %dma_start3A = arith.constant 0 : i32
      %dma_start3A_22 = tpu.memref_slice %arg8[%mul3A_4, %dma_start3A] : memref<10000x128xf32, #tpu.memory_space<vmem_shared>> -> memref<624x128xf32, #tpu.memory_space<vmem_shared>>
      %dma_start3A_23 = arith.constant 0 : i32
      %dma_start3A_24 = tpu.memref_slice %arg4[%arg0, %mul3A_2, %dma_start3A_23] : memref<2x10000x128xf32, #tpu.memory_space<hbm>> -> memref<1x624x128xf32, #tpu.memory_space<hbm>>
      %dma_start3A_25 = tpu.memref_squeeze %dma_start3A_24 : memref<1x624x128xf32, #tpu.memory_space<hbm>> -> memref<624x128xf32, #tpu.memory_space<hbm>>
      tpu.enqueue_dma source(%dma_start3A_25 : memref<624x128xf32, #tpu.memory_space<hbm>>) target(%dma_start3A_22 : memref<624x128xf32, #tpu.memory_space<vmem_shared>>) target_semaphore(%run_scoped3A : memref<!tpu.dma_semaphore, #tpu.memory_space<semaphore_mem>>)
      %dma_wait3A = arith.constant 0 : i32
      %dma_wait3A_26 = tpu.memref_slice %arg8[%mul3A_4, %dma_wait3A] : memref<10000x128xf32, #tpu.memory_space<vmem_shared>> -> memref<624x128xf32, #tpu.memory_space<vmem_shared>>
      %dma_wait3A_27 = arith.constant 0 : i32
      %dma_wait3A_28 = tpu.memref_slice %arg4[%arg0, %mul3A_2, %dma_wait3A_27] : memref<2x10000x128xf32, #tpu.memory_space<hbm>> -> memref<1x624x128xf32, #tpu.memory_space<hbm>>
      %dma_wait3A_29 = tpu.memref_squeeze %dma_wait3A_28 : memref<1x624x128xf32, #tpu.memory_space<hbm>> -> memref<624x128xf32, #tpu.memory_space<hbm>>
      tpu.wait_dma2 semaphore(%run_scoped3A : memref<!tpu.dma_semaphore, #tpu.memory_space<semaphore_mem>>) src(%dma_wait3A_29 : memref<624x128xf32, #tpu.memory_space<hbm>>) dst(%dma_wait3A_26 : memref<624x128xf32, #tpu.memory_space<vmem_shared>>)
      tpu.yield
    }) : () -> ()
    %eq3A = arith.constant 15 : i32
    %eq3A_5 = arith.cmpi eq, %arg1, %eq3A : i32
    %convert_element_type3A = arith.extui %eq3A_5 : i1 to i32
    %cond3A = arith.constant 0 : i32
    %cond3A_6 = arith.cmpi ne, %convert_element_type3A, %cond3A : i32
    scf.if %cond3A_6 {
      "tpu.region"() ({
        %run_scoped3A = tpu.sem_alloc : memref<!tpu.dma_semaphore, #tpu.memory_space<semaphore_mem>>
        %dma_start3A = arith.constant 9984 : i32
        %dma_start3A_22 = arith.constant 0 : i32
        %dma_start3A_23 = tpu.memref_slice %arg8[%dma_start3A, %dma_start3A_22] : memref<10000x128xf32, #tpu.memory_space<vmem_shared>> -> memref<16x128xf32, #tpu.memory_space<vmem_shared>>
        %dma_start3A_24 = arith.constant 9984 : i32
        %dma_start3A_25 = arith.constant 0 : i32
        %dma_start3A_26 = tpu.memref_slice %arg4[%arg0, %dma_start3A_24, %dma_start3A_25] : memref<2x10000x128xf32, #tpu.memory_space<hbm>> -> memref<1x16x128xf32, #tpu.memory_space<hbm>>
        %dma_start3A_27 = tpu.memref_squeeze %dma_start3A_26 : memref<1x16x128xf32, #tpu.memory_space<hbm>> -> memref<16x128xf32, #tpu.memory_space<hbm>>
        tpu.enqueue_dma source(%dma_start3A_27 : memref<16x128xf32, #tpu.memory_space<hbm>>) target(%dma_start3A_23 : memref<16x128xf32, #tpu.memory_space<vmem_shared>>) target_semaphore(%run_scoped3A : memref<!tpu.dma_semaphore, #tpu.memory_space<semaphore_mem>>)
        %dma_wait3A = arith.constant 9984 : i32
        %dma_wait3A_28 = arith.constant 0 : i32
        %dma_wait3A_29 = tpu.memref_slice %arg8[%dma_wait3A, %dma_wait3A_28] : memref<10000x128xf32, #tpu.memory_space<vmem_shared>> -> memref<16x128xf32, #tpu.memory_space<vmem_shared>>
        %dma_wait3A_30 = arith.constant 9984 : i32
        %dma_wait3A_31 = arith.constant 0 : i32
        %dma_wait3A_32 = tpu.memref_slice %arg4[%arg0, %dma_wait3A_30, %dma_wait3A_31] : memref<2x10000x128xf32, #tpu.memory_space<hbm>> -> memref<1x16x128xf32, #tpu.memory_space<hbm>>
        %dma_wait3A_33 = tpu.memref_squeeze %dma_wait3A_32 : memref<1x16x128xf32, #tpu.memory_space<hbm>> -> memref<16x128xf32, #tpu.memory_space<hbm>>
        tpu.wait_dma2 semaphore(%run_scoped3A : memref<!tpu.dma_semaphore, #tpu.memory_space<semaphore_mem>>) src(%dma_wait3A_33 : memref<16x128xf32, #tpu.memory_space<hbm>>) dst(%dma_wait3A_29 : memref<16x128xf32, #tpu.memory_space<vmem_shared>>)
        tpu.yield
      }) : () -> ()
    } else {
    }
    "tpu.region"() ({
      %run_scoped3A = tpu.sem_alloc : memref<!tpu.dma_semaphore, #tpu.memory_space<semaphore_mem>>
      %dma_start3A = arith.constant 0 : i32
      %dma_start3A_22 = arith.constant 0 : i32
      %dma_start3A_23 = tpu.memref_slice %arg3[%add3A, %dma_start3A, %dma_start3A_22] : memref<32x5x128xi32, #tpu.memory_space<hbm>> -> memref<1x5x128xi32, #tpu.memory_space<hbm>>
      %dma_start3A_24 = tpu.memref_squeeze %dma_start3A_23 : memref<1x5x128xi32, #tpu.memory_space<hbm>> -> memref<5x128xi32, #tpu.memory_space<hbm>>
      %dma_start3A_25 = arith.constant 0 : i32
      %dma_start3A_26 = arith.constant 0 : i32
      %dma_start3A_27 = tpu.memref_slice %arg3[%add3A, %dma_start3A_25, %dma_start3A_26] : memref<32x5x128xi32, #tpu.memory_space<hbm>> -> memref<1x5x128xi32, #tpu.memory_space<hbm>>
      %dma_start3A_28 = tpu.memref_squeeze %dma_start3A_27 : memref<1x5x128xi32, #tpu.memory_space<hbm>> -> memref<5x128xi32, #tpu.memory_space<hbm>>
      tpu.enqueue_dma source(%dma_start3A_28 : memref<5x128xi32, #tpu.memory_space<hbm>>) target(%arg6 : memref<5x128xi32, #tpu.memory_space<vmem>>) target_semaphore(%run_scoped3A : memref<!tpu.dma_semaphore, #tpu.memory_space<semaphore_mem>>)
      %dma_wait3A = arith.constant 0 : i32
      %dma_wait3A_29 = arith.constant 0 : i32
      %dma_wait3A_30 = tpu.memref_slice %arg3[%add3A, %dma_wait3A, %dma_wait3A_29] : memref<32x5x128xi32, #tpu.memory_space<hbm>> -> memref<1x5x128xi32, #tpu.memory_space<hbm>>
      %dma_wait3A_31 = tpu.memref_squeeze %dma_wait3A_30 : memref<1x5x128xi32, #tpu.memory_space<hbm>> -> memref<5x128xi32, #tpu.memory_space<hbm>>
      %dma_wait3A_32 = arith.constant 0 : i32
      %dma_wait3A_33 = arith.constant 0 : i32
      %dma_wait3A_34 = tpu.memref_slice %arg3[%add3A, %dma_wait3A_32, %dma_wait3A_33] : memref<32x5x128xi32, #tpu.memory_space<hbm>> -> memref<1x5x128xi32, #tpu.memory_space<hbm>>
      %dma_wait3A_35 = tpu.memref_squeeze %dma_wait3A_34 : memref<1x5x128xi32, #tpu.memory_space<hbm>> -> memref<5x128xi32, #tpu.memory_space<hbm>>
      tpu.wait_dma2 semaphore(%run_scoped3A : memref<!tpu.dma_semaphore, #tpu.memory_space<semaphore_mem>>) src(%dma_wait3A_35 : memref<5x128xi32, #tpu.memory_space<hbm>>) dst(%arg6 : memref<5x128xi32, #tpu.memory_space<vmem>>)
      tpu.yield
    }) : () -> ()
    %barrier3A = arith.constant 0 : index
    tpu.barrier barrier_id(%barrier3A)
    %scan3A = arith.constant 0 : i32
    %scan3A_7 = arith.constant 0 : i32
    %scan3A_8 = arith.constant 5 : i32
    %scan3A_9 = arith.addi %scan3A_7, %scan3A_8 : i32
    %scan3A_10 = arith.constant 1 : i32
    scf.for %scan3A_22 = %scan3A_7 to %scan3A_9 step %scan3A_10  : i32 {
      %mul3A_23 = arith.constant 640 : i32
      %mul3A_24 = arith.muli %add3A, %mul3A_23 : i32
      %mul3A_25 = arith.constant 128 : i32
      %mul3A_26 = arith.muli %scan3A_22, %mul3A_25 : i32
      %add3A_27 = arith.addi %mul3A_24, %mul3A_26 : i32
      "tpu.region"() ({
        %run_scoped3A = tpu.sem_alloc : memref<!tpu.dma_semaphore, #tpu.memory_space<semaphore_mem>>
        %dma_start3A = arith.constant 0 : i32
        %dma_start3A_28 = tpu.memref_slice %arg2[%add3A_27, %dma_start3A] : memref<20480x128xf32, #tpu.memory_space<hbm>> -> memref<128x128xf32, #tpu.memory_space<hbm>>
        %dma_start3A_29 = arith.constant 0 : i32
        %dma_start3A_30 = tpu.memref_slice %arg2[%add3A_27, %dma_start3A_29] : memref<20480x128xf32, #tpu.memory_space<hbm>> -> memref<128x128xf32, #tpu.memory_space<hbm>>
        tpu.enqueue_dma source(%dma_start3A_30 : memref<128x128xf32, #tpu.memory_space<hbm>>) target(%arg7 : memref<128x128xf32, #tpu.memory_space<vmem>>) target_semaphore(%run_scoped3A : memref<!tpu.dma_semaphore, #tpu.memory_space<semaphore_mem>>)
        %dma_wait3A = arith.constant 0 : i32
        %dma_wait3A_31 = tpu.memref_slice %arg2[%add3A_27, %dma_wait3A] : memref<20480x128xf32, #tpu.memory_space<hbm>> -> memref<128x128xf32, #tpu.memory_space<hbm>>
        %dma_wait3A_32 = arith.constant 0 : i32
        %dma_wait3A_33 = tpu.memref_slice %arg2[%add3A_27, %dma_wait3A_32] : memref<20480x128xf32, #tpu.memory_space<hbm>> -> memref<128x128xf32, #tpu.memory_space<hbm>>
        tpu.wait_dma2 semaphore(%run_scoped3A : memref<!tpu.dma_semaphore, #tpu.memory_space<semaphore_mem>>) src(%dma_wait3A_33 : memref<128x128xf32, #tpu.memory_space<hbm>>) dst(%arg7 : memref<128x128xf32, #tpu.memory_space<vmem>>)
        tpu.yield
      }) : () -> ()
      "tpu.region"() ({
        %run_scoped3A = tpu.sem_alloc : memref<!tpu.dma_semaphore, #tpu.memory_space<semaphore_mem>>
        %dma_start3A = arith.constant 0 : i32
        %dma_start3A_28 = tpu.memref_slice %arg6[%scan3A_22, %dma_start3A] : memref<5x128xi32, #tpu.memory_space<vmem>> -> memref<1x128xi32, #tpu.memory_space<vmem>>
        %dma_start3A_29 = tpu.memref_squeeze %dma_start3A_28 : memref<1x128xi32, #tpu.memory_space<vmem>> -> memref<128xi32, #tpu.memory_space<vmem>>
        %dma_start3A_30 = arith.constant 0 : i32
        %dma_start3A_31 = arith.constant 0 : i32
        %dma_start3A_32 = tpu.memref_slice %arg8[%dma_start3A_30, %dma_start3A_31] : memref<10000x128xf32, #tpu.memory_space<vmem_shared>> -> memref<10000x128xf32, #tpu.memory_space<vmem_shared>>
        tpu.enqueue_indirect_dma source(%arg7 : memref<128x128xf32, #tpu.memory_space<vmem>>) target(%dma_start3A_32 : memref<10000x128xf32, #tpu.memory_space<vmem_shared>>) offsets(%dma_start3A_29 : memref<128xi32, #tpu.memory_space<vmem>>) semaphore(%run_scoped3A : memref<!tpu.dma_semaphore, #tpu.memory_space<semaphore_mem>>) {add = true}
        %dma_wait3A = arith.constant 0 : i32
        %dma_wait3A_33 = tpu.memref_slice %arg6[%scan3A_22, %dma_wait3A] : memref<5x128xi32, #tpu.memory_space<vmem>> -> memref<1x128xi32, #tpu.memory_space<vmem>>
        %dma_wait3A_34 = tpu.memref_squeeze %dma_wait3A_33 : memref<1x128xi32, #tpu.memory_space<vmem>> -> memref<128xi32, #tpu.memory_space<vmem>>
        %dma_wait3A_35 = arith.constant 0 : i32
        %dma_wait3A_36 = arith.constant 0 : i32
        %dma_wait3A_37 = tpu.memref_slice %arg8[%dma_wait3A_35, %dma_wait3A_36] : memref<10000x128xf32, #tpu.memory_space<vmem_shared>> -> memref<10000x128xf32, #tpu.memory_space<vmem_shared>>
        tpu.wait_indirect_dma semaphore(%run_scoped3A : memref<!tpu.dma_semaphore, #tpu.memory_space<semaphore_mem>>) src(%arg7 : memref<128x128xf32, #tpu.memory_space<vmem>>) dst(%dma_wait3A_37 : memref<10000x128xf32, #tpu.memory_space<vmem_shared>>)
        tpu.yield
      }) : () -> ()
    }
    %scan3A_11 = arith.constant 5 : i32
    %barrier3A_12 = arith.constant 0 : index
    tpu.barrier barrier_id(%barrier3A_12)
    %mul3A_13 = arith.constant 624 : i32
    %mul3A_14 = arith.muli %arg1, %mul3A_13 : i32
    %mul3A_15 = arith.constant 624 : i32
    %mul3A_16 = arith.muli %arg1, %mul3A_15 : i32
    "tpu.region"() ({
      %run_scoped3A = tpu.sem_alloc : memref<!tpu.dma_semaphore, #tpu.memory_space<semaphore_mem>>
      %dma_start3A = arith.constant 0 : i32
      %dma_start3A_22 = tpu.memref_slice %arg5[%arg0, %mul3A_16, %dma_start3A] : memref<2x10000x128xf32, #tpu.memory_space<hbm>> -> memref<1x624x128xf32, #tpu.memory_space<hbm>>
      %dma_start3A_23 = tpu.memref_squeeze %dma_start3A_22 : memref<1x624x128xf32, #tpu.memory_space<hbm>> -> memref<624x128xf32, #tpu.memory_space<hbm>>
      %dma_start3A_24 = arith.constant 0 : i32
      %dma_start3A_25 = tpu.memref_slice %arg8[%mul3A_14, %dma_start3A_24] : memref<10000x128xf32, #tpu.memory_space<vmem_shared>> -> memref<624x128xf32, #tpu.memory_space<vmem_shared>>
      tpu.enqueue_dma source(%dma_start3A_25 : memref<624x128xf32, #tpu.memory_space<vmem_shared>>) target(%dma_start3A_23 : memref<624x128xf32, #tpu.memory_space<hbm>>) target_semaphore(%run_scoped3A : memref<!tpu.dma_semaphore, #tpu.memory_space<semaphore_mem>>)
      %dma_wait3A = arith.constant 0 : i32
      %dma_wait3A_26 = tpu.memref_slice %arg5[%arg0, %mul3A_16, %dma_wait3A] : memref<2x10000x128xf32, #tpu.memory_space<hbm>> -> memref<1x624x128xf32, #tpu.memory_space<hbm>>
      %dma_wait3A_27 = tpu.memref_squeeze %dma_wait3A_26 : memref<1x624x128xf32, #tpu.memory_space<hbm>> -> memref<624x128xf32, #tpu.memory_space<hbm>>
      %dma_wait3A_28 = arith.constant 0 : i32
      %dma_wait3A_29 = tpu.memref_slice %arg8[%mul3A_14, %dma_wait3A_28] : memref<10000x128xf32, #tpu.memory_space<vmem_shared>> -> memref<624x128xf32, #tpu.memory_space<vmem_shared>>
      tpu.wait_dma2 semaphore(%run_scoped3A : memref<!tpu.dma_semaphore, #tpu.memory_space<semaphore_mem>>) src(%dma_wait3A_29 : memref<624x128xf32, #tpu.memory_space<vmem_shared>>) dst(%dma_wait3A_27 : memref<624x128xf32, #tpu.memory_space<hbm>>)
      tpu.yield
    }) : () -> ()
    %eq3A_17 = arith.constant 15 : i32
    %eq3A_18 = arith.cmpi eq, %arg1, %eq3A_17 : i32
    %convert_element_type3A_19 = arith.extui %eq3A_18 : i1 to i32
    %cond3A_20 = arith.constant 0 : i32
    %cond3A_21 = arith.cmpi ne, %convert_element_type3A_19, %cond3A_20 : i32
    scf.if %cond3A_21 {
      "tpu.region"() ({
        %run_scoped3A = tpu.sem_alloc : memref<!tpu.dma_semaphore, #tpu.memory_space<semaphore_mem>>
        %dma_start3A = arith.constant 9984 : i32
        %dma_start3A_22 = arith.constant 0 : i32
        %dma_start3A_23 = tpu.memref_slice %arg5[%arg0, %dma_start3A, %dma_start3A_22] : memref<2x10000x128xf32, #tpu.memory_space<hbm>> -> memref<1x16x128xf32, #tpu.memory_space<hbm>>
        %dma_start3A_24 = tpu.memref_squeeze %dma_start3A_23 : memref<1x16x128xf32, #tpu.memory_space<hbm>> -> memref<16x128xf32, #tpu.memory_space<hbm>>
        %dma_start3A_25 = arith.constant 9984 : i32
        %dma_start3A_26 = arith.constant 0 : i32
        %dma_start3A_27 = tpu.memref_slice %arg8[%dma_start3A_25, %dma_start3A_26] : memref<10000x128xf32, #tpu.memory_space<vmem_shared>> -> memref<16x128xf32, #tpu.memory_space<vmem_shared>>
        tpu.enqueue_dma source(%dma_start3A_27 : memref<16x128xf32, #tpu.memory_space<vmem_shared>>) target(%dma_start3A_24 : memref<16x128xf32, #tpu.memory_space<hbm>>) target_semaphore(%run_scoped3A : memref<!tpu.dma_semaphore, #tpu.memory_space<semaphore_mem>>)
        %dma_wait3A = arith.constant 9984 : i32
        %dma_wait3A_28 = arith.constant 0 : i32
        %dma_wait3A_29 = tpu.memref_slice %arg5[%arg0, %dma_wait3A, %dma_wait3A_28] : memref<2x10000x128xf32, #tpu.memory_space<hbm>> -> memref<1x16x128xf32, #tpu.memory_space<hbm>>
        %dma_wait3A_30 = tpu.memref_squeeze %dma_wait3A_29 : memref<1x16x128xf32, #tpu.memory_space<hbm>> -> memref<16x128xf32, #tpu.memory_space<hbm>>
        %dma_wait3A_31 = arith.constant 9984 : i32
        %dma_wait3A_32 = arith.constant 0 : i32
        %dma_wait3A_33 = tpu.memref_slice %arg8[%dma_wait3A_31, %dma_wait3A_32] : memref<10000x128xf32, #tpu.memory_space<vmem_shared>> -> memref<16x128xf32, #tpu.memory_space<vmem_shared>>
        tpu.wait_dma2 semaphore(%run_scoped3A : memref<!tpu.dma_semaphore, #tpu.memory_space<semaphore_mem>>) src(%dma_wait3A_33 : memref<16x128xf32, #tpu.memory_space<vmem_shared>>) dst(%dma_wait3A_30 : memref<16x128xf32, #tpu.memory_space<hbm>>)
        tpu.yield
      }) : () -> ()
    } else {
    }
    return
  }
}

#map = affine_map<(d0, d1) -> (0, 0)>
#map1 = affine_map<(d0, d1) -> (0, 0, 0)>
module attributes {stable_mosaic.version = 14 : i64} {
  func.func @k(%arg0: i32, %arg1: i32, %arg2: memref<10000x128xf32, #tpu.memory_space<hbm>>, %arg3: memref<32x5x128xi32, #tpu.memory_space<hbm>>, %arg4: memref<20480x128xf32, #tpu.memory_space<hbm>>, %arg5: memref<5x128xi32, #tpu.memory_space<vmem>>, %arg6: memref<128x128xf32, #tpu.memory_space<vmem>>, %arg7: memref<!tpu.dma_semaphore, #tpu.memory_space<semaphore_mem>>) attributes {dimension_semantics = [#tpu.dimension_semantics<core_parallel>, #tpu.dimension_semantics<subcore_parallel>], iteration_bounds = array<i64: 2, 16>, scalar_prefetch = 0 : i64, scratch_operands = 3 : i64, tpu.core_type = #tpu.core_type<sc_vector_subcore>, window_params = [{transform_indices = #map}, {transform_indices = #map1}, {transform_indices = #map}]} {
    %mul3A = arith.constant 2 : i32
    %mul3A_0 = arith.muli %arg1, %mul3A : i32
    %add3A = arith.addi %mul3A_0, %arg0 : i32
    "tpu.region"() ({
      %run_scoped3A = tpu.sem_alloc : memref<!tpu.dma_semaphore, #tpu.memory_space<semaphore_mem>>
      %dma_start3A = arith.constant 0 : i32
      %dma_start3A_6 = arith.constant 0 : i32
      %dma_start3A_7 = tpu.memref_slice %arg3[%add3A, %dma_start3A, %dma_start3A_6] : memref<32x5x128xi32, #tpu.memory_space<hbm>> -> memref<1x5x128xi32, #tpu.memory_space<hbm>>
      %dma_start3A_8 = tpu.memref_squeeze %dma_start3A_7 : memref<1x5x128xi32, #tpu.memory_space<hbm>> -> memref<5x128xi32, #tpu.memory_space<hbm>>
      %dma_start3A_9 = arith.constant 0 : i32
      %dma_start3A_10 = arith.constant 0 : i32
      %dma_start3A_11 = tpu.memref_slice %arg3[%add3A, %dma_start3A_9, %dma_start3A_10] : memref<32x5x128xi32, #tpu.memory_space<hbm>> -> memref<1x5x128xi32, #tpu.memory_space<hbm>>
      %dma_start3A_12 = tpu.memref_squeeze %dma_start3A_11 : memref<1x5x128xi32, #tpu.memory_space<hbm>> -> memref<5x128xi32, #tpu.memory_space<hbm>>
      tpu.enqueue_dma source(%dma_start3A_12 : memref<5x128xi32, #tpu.memory_space<hbm>>) target(%arg5 : memref<5x128xi32, #tpu.memory_space<vmem>>) target_semaphore(%run_scoped3A : memref<!tpu.dma_semaphore, #tpu.memory_space<semaphore_mem>>)
      %dma_wait3A = arith.constant 0 : i32
      %dma_wait3A_13 = arith.constant 0 : i32
      %dma_wait3A_14 = tpu.memref_slice %arg3[%add3A, %dma_wait3A, %dma_wait3A_13] : memref<32x5x128xi32, #tpu.memory_space<hbm>> -> memref<1x5x128xi32, #tpu.memory_space<hbm>>
      %dma_wait3A_15 = tpu.memref_squeeze %dma_wait3A_14 : memref<1x5x128xi32, #tpu.memory_space<hbm>> -> memref<5x128xi32, #tpu.memory_space<hbm>>
      %dma_wait3A_16 = arith.constant 0 : i32
      %dma_wait3A_17 = arith.constant 0 : i32
      %dma_wait3A_18 = tpu.memref_slice %arg3[%add3A, %dma_wait3A_16, %dma_wait3A_17] : memref<32x5x128xi32, #tpu.memory_space<hbm>> -> memref<1x5x128xi32, #tpu.memory_space<hbm>>
      %dma_wait3A_19 = tpu.memref_squeeze %dma_wait3A_18 : memref<1x5x128xi32, #tpu.memory_space<hbm>> -> memref<5x128xi32, #tpu.memory_space<hbm>>
      tpu.wait_dma2 semaphore(%run_scoped3A : memref<!tpu.dma_semaphore, #tpu.memory_space<semaphore_mem>>) src(%dma_wait3A_19 : memref<5x128xi32, #tpu.memory_space<hbm>>) dst(%arg5 : memref<5x128xi32, #tpu.memory_space<vmem>>)
      tpu.yield
    }) : () -> ()
    %scan3A = arith.constant 0 : i32
    %scan3A_1 = arith.constant 0 : i32
    %scan3A_2 = arith.constant 5 : i32
    %scan3A_3 = arith.addi %scan3A_1, %scan3A_2 : i32
    %scan3A_4 = arith.constant 1 : i32
    scf.for %scan3A_6 = %scan3A_1 to %scan3A_3 step %scan3A_4  : i32 {
      %mul3A_7 = arith.constant 640 : i32
      %mul3A_8 = arith.muli %add3A, %mul3A_7 : i32
      %mul3A_9 = arith.constant 128 : i32
      %mul3A_10 = arith.muli %scan3A_6, %mul3A_9 : i32
      %add3A_11 = arith.addi %mul3A_8, %mul3A_10 : i32
      %dma_start3A = arith.constant 0 : i32
      %dma_start3A_12 = tpu.memref_slice %arg5[%scan3A_6, %dma_start3A] : memref<5x128xi32, #tpu.memory_space<vmem>> -> memref<1x128xi32, #tpu.memory_space<vmem>>
      %dma_start3A_13 = tpu.memref_squeeze %dma_start3A_12 : memref<1x128xi32, #tpu.memory_space<vmem>> -> memref<128xi32, #tpu.memory_space<vmem>>
      %dma_start3A_14 = arith.constant 0 : i32
      %dma_start3A_15 = arith.constant 0 : i32
      %dma_start3A_16 = tpu.memref_slice %arg2[%dma_start3A_14, %dma_start3A_15] : memref<10000x128xf32, #tpu.memory_space<hbm>> -> memref<10000x128xf32, #tpu.memory_space<hbm>>
      tpu.enqueue_indirect_dma source(%dma_start3A_16 : memref<10000x128xf32, #tpu.memory_space<hbm>>) target(%arg6 : memref<128x128xf32, #tpu.memory_space<vmem>>) offsets(%dma_start3A_13 : memref<128xi32, #tpu.memory_space<vmem>>) semaphore(%arg7 : memref<!tpu.dma_semaphore, #tpu.memory_space<semaphore_mem>>)
      %dma_wait3A = arith.constant 0 : i32
      %dma_wait3A_17 = tpu.memref_slice %arg5[%scan3A_6, %dma_wait3A] : memref<5x128xi32, #tpu.memory_space<vmem>> -> memref<1x128xi32, #tpu.memory_space<vmem>>
      %dma_wait3A_18 = tpu.memref_squeeze %dma_wait3A_17 : memref<1x128xi32, #tpu.memory_space<vmem>> -> memref<128xi32, #tpu.memory_space<vmem>>
      %dma_wait3A_19 = arith.constant 0 : i32
      %dma_wait3A_20 = arith.constant 0 : i32
      %dma_wait3A_21 = tpu.memref_slice %arg2[%dma_wait3A_19, %dma_wait3A_20] : memref<10000x128xf32, #tpu.memory_space<hbm>> -> memref<10000x128xf32, #tpu.memory_space<hbm>>
      tpu.wait_indirect_dma semaphore(%arg7 : memref<!tpu.dma_semaphore, #tpu.memory_space<semaphore_mem>>) src(%dma_wait3A_21 : memref<10000x128xf32, #tpu.memory_space<hbm>>) dst(%arg6 : memref<128x128xf32, #tpu.memory_space<vmem>>)
      "tpu.region"() ({
        %run_scoped3A = tpu.sem_alloc : memref<!tpu.dma_semaphore, #tpu.memory_space<semaphore_mem>>
        %dma_start3A_22 = arith.constant 0 : i32
        %dma_start3A_23 = tpu.memref_slice %arg4[%add3A_11, %dma_start3A_22] : memref<20480x128xf32, #tpu.memory_space<hbm>> -> memref<128x128xf32, #tpu.memory_space<hbm>>
        %dma_start3A_24 = arith.constant 0 : i32
        %dma_start3A_25 = tpu.memref_slice %arg4[%add3A_11, %dma_start3A_24] : memref<20480x128xf32, #tpu.memory_space<hbm>> -> memref<128x128xf32, #tpu.memory_space<hbm>>
        tpu.enqueue_dma source(%arg6 : memref<128x128xf32, #tpu.memory_space<vmem>>) target(%dma_start3A_25 : memref<128x128xf32, #tpu.memory_space<hbm>>) target_semaphore(%run_scoped3A : memref<!tpu.dma_semaphore, #tpu.memory_space<semaphore_mem>>)
        %dma_wait3A_26 = arith.constant 0 : i32
        %dma_wait3A_27 = tpu.memref_slice %arg4[%add3A_11, %dma_wait3A_26] : memref<20480x128xf32, #tpu.memory_space<hbm>> -> memref<128x128xf32, #tpu.memory_space<hbm>>
        %dma_wait3A_28 = arith.constant 0 : i32
        %dma_wait3A_29 = tpu.memref_slice %arg4[%add3A_11, %dma_wait3A_28] : memref<20480x128xf32, #tpu.memory_space<hbm>> -> memref<128x128xf32, #tpu.memory_space<hbm>>
        tpu.wait_dma2 semaphore(%run_scoped3A : memref<!tpu.dma_semaphore, #tpu.memory_space<semaphore_mem>>) src(%arg6 : memref<128x128xf32, #tpu.memory_space<vmem>>) dst(%dma_wait3A_29 : memref<128x128xf32, #tpu.memory_space<hbm>>)
        tpu.yield
      }) : () -> ()
    }
    %scan3A_5 = arith.constant 5 : i32
    return
  }
}

#map = affine_map<(d0, d1) -> (0, 0)>
#map1 = affine_map<(d0, d1) -> (0, 0, 0)>
module attributes {stable_mosaic.version = 14 : i64} {
  func.func @k(%arg0: i32, %arg1: i32, %arg2: memref<40960x128xf32, #tpu.memory_space<hbm>>, %arg3: memref<32x10x128xi32, #tpu.memory_space<hbm>>, %arg4: memref<2x10000x128xf32, #tpu.memory_space<hbm>>, %arg5: memref<2x10000x128xf32, #tpu.memory_space<hbm>>, %arg6: memref<10x128xi32, #tpu.memory_space<vmem>>, %arg7: memref<128x128xf32, #tpu.memory_space<vmem>>, %arg8: memref<10000x128xf32, #tpu.memory_space<vmem_shared>>, %arg9: memref<!tpu.dma_semaphore, #tpu.memory_space<semaphore_mem>>) attributes {dimension_semantics = [#tpu.dimension_semantics<core_parallel>, #tpu.dimension_semantics<subcore_parallel>], iteration_bounds = array<i64: 2, 16>, scalar_prefetch = 0 : i64, scratch_operands = 4 : i64, tpu.core_type = #tpu.core_type<sc_vector_subcore>, window_params = [{transform_indices = #map}, {transform_indices = #map1}, {transform_indices = #map1}, {transform_indices = #map1}]} {
    %mul3A = arith.constant 2 : i32
    %mul3A_0 = arith.muli %arg1, %mul3A : i32
    %add3A = arith.addi %mul3A_0, %arg0 : i32
    %mul3A_1 = arith.constant 624 : i32
    %mul3A_2 = arith.muli %arg1, %mul3A_1 : i32
    %mul3A_3 = arith.constant 624 : i32
    %mul3A_4 = arith.muli %arg1, %mul3A_3 : i32
    "tpu.region"() ({
      %run_scoped3A = tpu.sem_alloc : memref<!tpu.dma_semaphore, #tpu.memory_space<semaphore_mem>>
      %dma_start3A = arith.constant 0 : i32
      %dma_start3A_22 = tpu.memref_slice %arg8[%mul3A_4, %dma_start3A] : memref<10000x128xf32, #tpu.memory_space<vmem_shared>> -> memref<624x128xf32, #tpu.memory_space<vmem_shared>>
      %dma_start3A_23 = arith.constant 0 : i32
      %dma_start3A_24 = tpu.memref_slice %arg4[%arg0, %mul3A_2, %dma_start3A_23] : memref<2x10000x128xf32, #tpu.memory_space<hbm>> -> memref<1x624x128xf32, #tpu.memory_space<hbm>>
      %dma_start3A_25 = tpu.memref_squeeze %dma_start3A_24 : memref<1x624x128xf32, #tpu.memory_space<hbm>> -> memref<624x128xf32, #tpu.memory_space<hbm>>
      tpu.enqueue_dma source(%dma_start3A_25 : memref<624x128xf32, #tpu.memory_space<hbm>>) target(%dma_start3A_22 : memref<624x128xf32, #tpu.memory_space<vmem_shared>>) target_semaphore(%run_scoped3A : memref<!tpu.dma_semaphore, #tpu.memory_space<semaphore_mem>>)
      %dma_wait3A = arith.constant 0 : i32
      %dma_wait3A_26 = tpu.memref_slice %arg8[%mul3A_4, %dma_wait3A] : memref<10000x128xf32, #tpu.memory_space<vmem_shared>> -> memref<624x128xf32, #tpu.memory_space<vmem_shared>>
      %dma_wait3A_27 = arith.constant 0 : i32
      %dma_wait3A_28 = tpu.memref_slice %arg4[%arg0, %mul3A_2, %dma_wait3A_27] : memref<2x10000x128xf32, #tpu.memory_space<hbm>> -> memref<1x624x128xf32, #tpu.memory_space<hbm>>
      %dma_wait3A_29 = tpu.memref_squeeze %dma_wait3A_28 : memref<1x624x128xf32, #tpu.memory_space<hbm>> -> memref<624x128xf32, #tpu.memory_space<hbm>>
      tpu.wait_dma2 semaphore(%run_scoped3A : memref<!tpu.dma_semaphore, #tpu.memory_space<semaphore_mem>>) src(%dma_wait3A_29 : memref<624x128xf32, #tpu.memory_space<hbm>>) dst(%dma_wait3A_26 : memref<624x128xf32, #tpu.memory_space<vmem_shared>>)
      tpu.yield
    }) : () -> ()
    %eq3A = arith.constant 15 : i32
    %eq3A_5 = arith.cmpi eq, %arg1, %eq3A : i32
    %convert_element_type3A = arith.extui %eq3A_5 : i1 to i32
    %cond3A = arith.constant 0 : i32
    %cond3A_6 = arith.cmpi ne, %convert_element_type3A, %cond3A : i32
    scf.if %cond3A_6 {
      "tpu.region"() ({
        %run_scoped3A = tpu.sem_alloc : memref<!tpu.dma_semaphore, #tpu.memory_space<semaphore_mem>>
        %dma_start3A = arith.constant 9984 : i32
        %dma_start3A_22 = arith.constant 0 : i32
        %dma_start3A_23 = tpu.memref_slice %arg8[%dma_start3A, %dma_start3A_22] : memref<10000x128xf32, #tpu.memory_space<vmem_shared>> -> memref<16x128xf32, #tpu.memory_space<vmem_shared>>
        %dma_start3A_24 = arith.constant 9984 : i32
        %dma_start3A_25 = arith.constant 0 : i32
        %dma_start3A_26 = tpu.memref_slice %arg4[%arg0, %dma_start3A_24, %dma_start3A_25] : memref<2x10000x128xf32, #tpu.memory_space<hbm>> -> memref<1x16x128xf32, #tpu.memory_space<hbm>>
        %dma_start3A_27 = tpu.memref_squeeze %dma_start3A_26 : memref<1x16x128xf32, #tpu.memory_space<hbm>> -> memref<16x128xf32, #tpu.memory_space<hbm>>
        tpu.enqueue_dma source(%dma_start3A_27 : memref<16x128xf32, #tpu.memory_space<hbm>>) target(%dma_start3A_23 : memref<16x128xf32, #tpu.memory_space<vmem_shared>>) target_semaphore(%run_scoped3A : memref<!tpu.dma_semaphore, #tpu.memory_space<semaphore_mem>>)
        %dma_wait3A = arith.constant 9984 : i32
        %dma_wait3A_28 = arith.constant 0 : i32
        %dma_wait3A_29 = tpu.memref_slice %arg8[%dma_wait3A, %dma_wait3A_28] : memref<10000x128xf32, #tpu.memory_space<vmem_shared>> -> memref<16x128xf32, #tpu.memory_space<vmem_shared>>
        %dma_wait3A_30 = arith.constant 9984 : i32
        %dma_wait3A_31 = arith.constant 0 : i32
        %dma_wait3A_32 = tpu.memref_slice %arg4[%arg0, %dma_wait3A_30, %dma_wait3A_31] : memref<2x10000x128xf32, #tpu.memory_space<hbm>> -> memref<1x16x128xf32, #tpu.memory_space<hbm>>
        %dma_wait3A_33 = tpu.memref_squeeze %dma_wait3A_32 : memref<1x16x128xf32, #tpu.memory_space<hbm>> -> memref<16x128xf32, #tpu.memory_space<hbm>>
        tpu.wait_dma2 semaphore(%run_scoped3A : memref<!tpu.dma_semaphore, #tpu.memory_space<semaphore_mem>>) src(%dma_wait3A_33 : memref<16x128xf32, #tpu.memory_space<hbm>>) dst(%dma_wait3A_29 : memref<16x128xf32, #tpu.memory_space<vmem_shared>>)
        tpu.yield
      }) : () -> ()
    } else {
    }
    "tpu.region"() ({
      %run_scoped3A = tpu.sem_alloc : memref<!tpu.dma_semaphore, #tpu.memory_space<semaphore_mem>>
      %dma_start3A = arith.constant 0 : i32
      %dma_start3A_22 = arith.constant 0 : i32
      %dma_start3A_23 = tpu.memref_slice %arg3[%add3A, %dma_start3A, %dma_start3A_22] : memref<32x10x128xi32, #tpu.memory_space<hbm>> -> memref<1x10x128xi32, #tpu.memory_space<hbm>>
      %dma_start3A_24 = tpu.memref_squeeze %dma_start3A_23 : memref<1x10x128xi32, #tpu.memory_space<hbm>> -> memref<10x128xi32, #tpu.memory_space<hbm>>
      %dma_start3A_25 = arith.constant 0 : i32
      %dma_start3A_26 = arith.constant 0 : i32
      %dma_start3A_27 = tpu.memref_slice %arg3[%add3A, %dma_start3A_25, %dma_start3A_26] : memref<32x10x128xi32, #tpu.memory_space<hbm>> -> memref<1x10x128xi32, #tpu.memory_space<hbm>>
      %dma_start3A_28 = tpu.memref_squeeze %dma_start3A_27 : memref<1x10x128xi32, #tpu.memory_space<hbm>> -> memref<10x128xi32, #tpu.memory_space<hbm>>
      tpu.enqueue_dma source(%dma_start3A_28 : memref<10x128xi32, #tpu.memory_space<hbm>>) target(%arg6 : memref<10x128xi32, #tpu.memory_space<vmem>>) target_semaphore(%run_scoped3A : memref<!tpu.dma_semaphore, #tpu.memory_space<semaphore_mem>>)
      %dma_wait3A = arith.constant 0 : i32
      %dma_wait3A_29 = arith.constant 0 : i32
      %dma_wait3A_30 = tpu.memref_slice %arg3[%add3A, %dma_wait3A, %dma_wait3A_29] : memref<32x10x128xi32, #tpu.memory_space<hbm>> -> memref<1x10x128xi32, #tpu.memory_space<hbm>>
      %dma_wait3A_31 = tpu.memref_squeeze %dma_wait3A_30 : memref<1x10x128xi32, #tpu.memory_space<hbm>> -> memref<10x128xi32, #tpu.memory_space<hbm>>
      %dma_wait3A_32 = arith.constant 0 : i32
      %dma_wait3A_33 = arith.constant 0 : i32
      %dma_wait3A_34 = tpu.memref_slice %arg3[%add3A, %dma_wait3A_32, %dma_wait3A_33] : memref<32x10x128xi32, #tpu.memory_space<hbm>> -> memref<1x10x128xi32, #tpu.memory_space<hbm>>
      %dma_wait3A_35 = tpu.memref_squeeze %dma_wait3A_34 : memref<1x10x128xi32, #tpu.memory_space<hbm>> -> memref<10x128xi32, #tpu.memory_space<hbm>>
      tpu.wait_dma2 semaphore(%run_scoped3A : memref<!tpu.dma_semaphore, #tpu.memory_space<semaphore_mem>>) src(%dma_wait3A_35 : memref<10x128xi32, #tpu.memory_space<hbm>>) dst(%arg6 : memref<10x128xi32, #tpu.memory_space<vmem>>)
      tpu.yield
    }) : () -> ()
    %barrier3A = arith.constant 0 : index
    tpu.barrier barrier_id(%barrier3A)
    %scan3A = arith.constant 0 : i32
    %scan3A_7 = arith.constant 0 : i32
    %scan3A_8 = arith.constant 10 : i32
    %scan3A_9 = arith.addi %scan3A_7, %scan3A_8 : i32
    %scan3A_10 = arith.constant 1 : i32
    scf.for %scan3A_22 = %scan3A_7 to %scan3A_9 step %scan3A_10  : i32 {
      %mul3A_23 = arith.constant 1280 : i32
      %mul3A_24 = arith.muli %add3A, %mul3A_23 : i32
      %mul3A_25 = arith.constant 128 : i32
      %mul3A_26 = arith.muli %scan3A_22, %mul3A_25 : i32
      %add3A_27 = arith.addi %mul3A_24, %mul3A_26 : i32
      "tpu.region"() ({
        %run_scoped3A = tpu.sem_alloc : memref<!tpu.dma_semaphore, #tpu.memory_space<semaphore_mem>>
        %dma_start3A = arith.constant 0 : i32
        %dma_start3A_28 = tpu.memref_slice %arg2[%add3A_27, %dma_start3A] : memref<40960x128xf32, #tpu.memory_space<hbm>> -> memref<128x128xf32, #tpu.memory_space<hbm>>
        %dma_start3A_29 = arith.constant 0 : i32
        %dma_start3A_30 = tpu.memref_slice %arg2[%add3A_27, %dma_start3A_29] : memref<40960x128xf32, #tpu.memory_space<hbm>> -> memref<128x128xf32, #tpu.memory_space<hbm>>
        tpu.enqueue_dma source(%dma_start3A_30 : memref<128x128xf32, #tpu.memory_space<hbm>>) target(%arg7 : memref<128x128xf32, #tpu.memory_space<vmem>>) target_semaphore(%run_scoped3A : memref<!tpu.dma_semaphore, #tpu.memory_space<semaphore_mem>>)
        %dma_wait3A = arith.constant 0 : i32
        %dma_wait3A_31 = tpu.memref_slice %arg2[%add3A_27, %dma_wait3A] : memref<40960x128xf32, #tpu.memory_space<hbm>> -> memref<128x128xf32, #tpu.memory_space<hbm>>
        %dma_wait3A_32 = arith.constant 0 : i32
        %dma_wait3A_33 = tpu.memref_slice %arg2[%add3A_27, %dma_wait3A_32] : memref<40960x128xf32, #tpu.memory_space<hbm>> -> memref<128x128xf32, #tpu.memory_space<hbm>>
        tpu.wait_dma2 semaphore(%run_scoped3A : memref<!tpu.dma_semaphore, #tpu.memory_space<semaphore_mem>>) src(%dma_wait3A_33 : memref<128x128xf32, #tpu.memory_space<hbm>>) dst(%arg7 : memref<128x128xf32, #tpu.memory_space<vmem>>)
        tpu.yield
      }) : () -> ()
      "tpu.region"() ({
        %run_scoped3A = tpu.sem_alloc : memref<!tpu.dma_semaphore, #tpu.memory_space<semaphore_mem>>
        %dma_start3A = arith.constant 0 : i32
        %dma_start3A_28 = tpu.memref_slice %arg6[%scan3A_22, %dma_start3A] : memref<10x128xi32, #tpu.memory_space<vmem>> -> memref<1x128xi32, #tpu.memory_space<vmem>>
        %dma_start3A_29 = tpu.memref_squeeze %dma_start3A_28 : memref<1x128xi32, #tpu.memory_space<vmem>> -> memref<128xi32, #tpu.memory_space<vmem>>
        %dma_start3A_30 = arith.constant 0 : i32
        %dma_start3A_31 = arith.constant 0 : i32
        %dma_start3A_32 = tpu.memref_slice %arg8[%dma_start3A_30, %dma_start3A_31] : memref<10000x128xf32, #tpu.memory_space<vmem_shared>> -> memref<10000x128xf32, #tpu.memory_space<vmem_shared>>
        tpu.enqueue_indirect_dma source(%arg7 : memref<128x128xf32, #tpu.memory_space<vmem>>) target(%dma_start3A_32 : memref<10000x128xf32, #tpu.memory_space<vmem_shared>>) offsets(%dma_start3A_29 : memref<128xi32, #tpu.memory_space<vmem>>) semaphore(%run_scoped3A : memref<!tpu.dma_semaphore, #tpu.memory_space<semaphore_mem>>) {add = true}
        %dma_wait3A = arith.constant 0 : i32
        %dma_wait3A_33 = tpu.memref_slice %arg6[%scan3A_22, %dma_wait3A] : memref<10x128xi32, #tpu.memory_space<vmem>> -> memref<1x128xi32, #tpu.memory_space<vmem>>
        %dma_wait3A_34 = tpu.memref_squeeze %dma_wait3A_33 : memref<1x128xi32, #tpu.memory_space<vmem>> -> memref<128xi32, #tpu.memory_space<vmem>>
        %dma_wait3A_35 = arith.constant 0 : i32
        %dma_wait3A_36 = arith.constant 0 : i32
        %dma_wait3A_37 = tpu.memref_slice %arg8[%dma_wait3A_35, %dma_wait3A_36] : memref<10000x128xf32, #tpu.memory_space<vmem_shared>> -> memref<10000x128xf32, #tpu.memory_space<vmem_shared>>
        tpu.wait_indirect_dma semaphore(%run_scoped3A : memref<!tpu.dma_semaphore, #tpu.memory_space<semaphore_mem>>) src(%arg7 : memref<128x128xf32, #tpu.memory_space<vmem>>) dst(%dma_wait3A_37 : memref<10000x128xf32, #tpu.memory_space<vmem_shared>>)
        tpu.yield
      }) : () -> ()
    }
    %scan3A_11 = arith.constant 10 : i32
    %barrier3A_12 = arith.constant 0 : index
    tpu.barrier barrier_id(%barrier3A_12)
    %mul3A_13 = arith.constant 624 : i32
    %mul3A_14 = arith.muli %arg1, %mul3A_13 : i32
    %mul3A_15 = arith.constant 624 : i32
    %mul3A_16 = arith.muli %arg1, %mul3A_15 : i32
    "tpu.region"() ({
      %run_scoped3A = tpu.sem_alloc : memref<!tpu.dma_semaphore, #tpu.memory_space<semaphore_mem>>
      %dma_start3A = arith.constant 0 : i32
      %dma_start3A_22 = tpu.memref_slice %arg5[%arg0, %mul3A_16, %dma_start3A] : memref<2x10000x128xf32, #tpu.memory_space<hbm>> -> memref<1x624x128xf32, #tpu.memory_space<hbm>>
      %dma_start3A_23 = tpu.memref_squeeze %dma_start3A_22 : memref<1x624x128xf32, #tpu.memory_space<hbm>> -> memref<624x128xf32, #tpu.memory_space<hbm>>
      %dma_start3A_24 = arith.constant 0 : i32
      %dma_start3A_25 = tpu.memref_slice %arg8[%mul3A_14, %dma_start3A_24] : memref<10000x128xf32, #tpu.memory_space<vmem_shared>> -> memref<624x128xf32, #tpu.memory_space<vmem_shared>>
      tpu.enqueue_dma source(%dma_start3A_25 : memref<624x128xf32, #tpu.memory_space<vmem_shared>>) target(%dma_start3A_23 : memref<624x128xf32, #tpu.memory_space<hbm>>) target_semaphore(%run_scoped3A : memref<!tpu.dma_semaphore, #tpu.memory_space<semaphore_mem>>)
      %dma_wait3A = arith.constant 0 : i32
      %dma_wait3A_26 = tpu.memref_slice %arg5[%arg0, %mul3A_16, %dma_wait3A] : memref<2x10000x128xf32, #tpu.memory_space<hbm>> -> memref<1x624x128xf32, #tpu.memory_space<hbm>>
      %dma_wait3A_27 = tpu.memref_squeeze %dma_wait3A_26 : memref<1x624x128xf32, #tpu.memory_space<hbm>> -> memref<624x128xf32, #tpu.memory_space<hbm>>
      %dma_wait3A_28 = arith.constant 0 : i32
      %dma_wait3A_29 = tpu.memref_slice %arg8[%mul3A_14, %dma_wait3A_28] : memref<10000x128xf32, #tpu.memory_space<vmem_shared>> -> memref<624x128xf32, #tpu.memory_space<vmem_shared>>
      tpu.wait_dma2 semaphore(%run_scoped3A : memref<!tpu.dma_semaphore, #tpu.memory_space<semaphore_mem>>) src(%dma_wait3A_29 : memref<624x128xf32, #tpu.memory_space<vmem_shared>>) dst(%dma_wait3A_27 : memref<624x128xf32, #tpu.memory_space<hbm>>)
      tpu.yield
    }) : () -> ()
    %eq3A_17 = arith.constant 15 : i32
    %eq3A_18 = arith.cmpi eq, %arg1, %eq3A_17 : i32
    %convert_element_type3A_19 = arith.extui %eq3A_18 : i1 to i32
    %cond3A_20 = arith.constant 0 : i32
    %cond3A_21 = arith.cmpi ne, %convert_element_type3A_19, %cond3A_20 : i32
    scf.if %cond3A_21 {
      "tpu.region"() ({
        %run_scoped3A = tpu.sem_alloc : memref<!tpu.dma_semaphore, #tpu.memory_space<semaphore_mem>>
        %dma_start3A = arith.constant 9984 : i32
        %dma_start3A_22 = arith.constant 0 : i32
        %dma_start3A_23 = tpu.memref_slice %arg5[%arg0, %dma_start3A, %dma_start3A_22] : memref<2x10000x128xf32, #tpu.memory_space<hbm>> -> memref<1x16x128xf32, #tpu.memory_space<hbm>>
        %dma_start3A_24 = tpu.memref_squeeze %dma_start3A_23 : memref<1x16x128xf32, #tpu.memory_space<hbm>> -> memref<16x128xf32, #tpu.memory_space<hbm>>
        %dma_start3A_25 = arith.constant 9984 : i32
        %dma_start3A_26 = arith.constant 0 : i32
        %dma_start3A_27 = tpu.memref_slice %arg8[%dma_start3A_25, %dma_start3A_26] : memref<10000x128xf32, #tpu.memory_space<vmem_shared>> -> memref<16x128xf32, #tpu.memory_space<vmem_shared>>
        tpu.enqueue_dma source(%dma_start3A_27 : memref<16x128xf32, #tpu.memory_space<vmem_shared>>) target(%dma_start3A_24 : memref<16x128xf32, #tpu.memory_space<hbm>>) target_semaphore(%run_scoped3A : memref<!tpu.dma_semaphore, #tpu.memory_space<semaphore_mem>>)
        %dma_wait3A = arith.constant 9984 : i32
        %dma_wait3A_28 = arith.constant 0 : i32
        %dma_wait3A_29 = tpu.memref_slice %arg5[%arg0, %dma_wait3A, %dma_wait3A_28] : memref<2x10000x128xf32, #tpu.memory_space<hbm>> -> memref<1x16x128xf32, #tpu.memory_space<hbm>>
        %dma_wait3A_30 = tpu.memref_squeeze %dma_wait3A_29 : memref<1x16x128xf32, #tpu.memory_space<hbm>> -> memref<16x128xf32, #tpu.memory_space<hbm>>
        %dma_wait3A_31 = arith.constant 9984 : i32
        %dma_wait3A_32 = arith.constant 0 : i32
        %dma_wait3A_33 = tpu.memref_slice %arg8[%dma_wait3A_31, %dma_wait3A_32] : memref<10000x128xf32, #tpu.memory_space<vmem_shared>> -> memref<16x128xf32, #tpu.memory_space<vmem_shared>>
        tpu.wait_dma2 semaphore(%run_scoped3A : memref<!tpu.dma_semaphore, #tpu.memory_space<semaphore_mem>>) src(%dma_wait3A_33 : memref<16x128xf32, #tpu.memory_space<vmem_shared>>) dst(%dma_wait3A_30 : memref<16x128xf32, #tpu.memory_space<hbm>>)
        tpu.yield
      }) : () -> ()
    } else {
    }
    return
  }
}

#map = affine_map<(d0, d1) -> (0, 0)>
#map1 = affine_map<(d0, d1) -> (0, 0, 0)>
module attributes {stable_mosaic.version = 14 : i64} {
  func.func @k(%arg0: i32, %arg1: i32, %arg2: memref<10000x128xf32, #tpu.memory_space<hbm>>, %arg3: memref<32x10x128xi32, #tpu.memory_space<hbm>>, %arg4: memref<40960x128xf32, #tpu.memory_space<hbm>>, %arg5: memref<10x128xi32, #tpu.memory_space<vmem>>, %arg6: memref<128x128xf32, #tpu.memory_space<vmem>>, %arg7: memref<!tpu.dma_semaphore, #tpu.memory_space<semaphore_mem>>) attributes {dimension_semantics = [#tpu.dimension_semantics<core_parallel>, #tpu.dimension_semantics<subcore_parallel>], iteration_bounds = array<i64: 2, 16>, scalar_prefetch = 0 : i64, scratch_operands = 3 : i64, tpu.core_type = #tpu.core_type<sc_vector_subcore>, window_params = [{transform_indices = #map}, {transform_indices = #map1}, {transform_indices = #map}]} {
    %mul3A = arith.constant 2 : i32
    %mul3A_0 = arith.muli %arg1, %mul3A : i32
    %add3A = arith.addi %mul3A_0, %arg0 : i32
    "tpu.region"() ({
      %run_scoped3A = tpu.sem_alloc : memref<!tpu.dma_semaphore, #tpu.memory_space<semaphore_mem>>
      %dma_start3A = arith.constant 0 : i32
      %dma_start3A_6 = arith.constant 0 : i32
      %dma_start3A_7 = tpu.memref_slice %arg3[%add3A, %dma_start3A, %dma_start3A_6] : memref<32x10x128xi32, #tpu.memory_space<hbm>> -> memref<1x10x128xi32, #tpu.memory_space<hbm>>
      %dma_start3A_8 = tpu.memref_squeeze %dma_start3A_7 : memref<1x10x128xi32, #tpu.memory_space<hbm>> -> memref<10x128xi32, #tpu.memory_space<hbm>>
      %dma_start3A_9 = arith.constant 0 : i32
      %dma_start3A_10 = arith.constant 0 : i32
      %dma_start3A_11 = tpu.memref_slice %arg3[%add3A, %dma_start3A_9, %dma_start3A_10] : memref<32x10x128xi32, #tpu.memory_space<hbm>> -> memref<1x10x128xi32, #tpu.memory_space<hbm>>
      %dma_start3A_12 = tpu.memref_squeeze %dma_start3A_11 : memref<1x10x128xi32, #tpu.memory_space<hbm>> -> memref<10x128xi32, #tpu.memory_space<hbm>>
      tpu.enqueue_dma source(%dma_start3A_12 : memref<10x128xi32, #tpu.memory_space<hbm>>) target(%arg5 : memref<10x128xi32, #tpu.memory_space<vmem>>) target_semaphore(%run_scoped3A : memref<!tpu.dma_semaphore, #tpu.memory_space<semaphore_mem>>)
      %dma_wait3A = arith.constant 0 : i32
      %dma_wait3A_13 = arith.constant 0 : i32
      %dma_wait3A_14 = tpu.memref_slice %arg3[%add3A, %dma_wait3A, %dma_wait3A_13] : memref<32x10x128xi32, #tpu.memory_space<hbm>> -> memref<1x10x128xi32, #tpu.memory_space<hbm>>
      %dma_wait3A_15 = tpu.memref_squeeze %dma_wait3A_14 : memref<1x10x128xi32, #tpu.memory_space<hbm>> -> memref<10x128xi32, #tpu.memory_space<hbm>>
      %dma_wait3A_16 = arith.constant 0 : i32
      %dma_wait3A_17 = arith.constant 0 : i32
      %dma_wait3A_18 = tpu.memref_slice %arg3[%add3A, %dma_wait3A_16, %dma_wait3A_17] : memref<32x10x128xi32, #tpu.memory_space<hbm>> -> memref<1x10x128xi32, #tpu.memory_space<hbm>>
      %dma_wait3A_19 = tpu.memref_squeeze %dma_wait3A_18 : memref<1x10x128xi32, #tpu.memory_space<hbm>> -> memref<10x128xi32, #tpu.memory_space<hbm>>
      tpu.wait_dma2 semaphore(%run_scoped3A : memref<!tpu.dma_semaphore, #tpu.memory_space<semaphore_mem>>) src(%dma_wait3A_19 : memref<10x128xi32, #tpu.memory_space<hbm>>) dst(%arg5 : memref<10x128xi32, #tpu.memory_space<vmem>>)
      tpu.yield
    }) : () -> ()
    %scan3A = arith.constant 0 : i32
    %scan3A_1 = arith.constant 0 : i32
    %scan3A_2 = arith.constant 10 : i32
    %scan3A_3 = arith.addi %scan3A_1, %scan3A_2 : i32
    %scan3A_4 = arith.constant 1 : i32
    scf.for %scan3A_6 = %scan3A_1 to %scan3A_3 step %scan3A_4  : i32 {
      %mul3A_7 = arith.constant 1280 : i32
      %mul3A_8 = arith.muli %add3A, %mul3A_7 : i32
      %mul3A_9 = arith.constant 128 : i32
      %mul3A_10 = arith.muli %scan3A_6, %mul3A_9 : i32
      %add3A_11 = arith.addi %mul3A_8, %mul3A_10 : i32
      %dma_start3A = arith.constant 0 : i32
      %dma_start3A_12 = tpu.memref_slice %arg5[%scan3A_6, %dma_start3A] : memref<10x128xi32, #tpu.memory_space<vmem>> -> memref<1x128xi32, #tpu.memory_space<vmem>>
      %dma_start3A_13 = tpu.memref_squeeze %dma_start3A_12 : memref<1x128xi32, #tpu.memory_space<vmem>> -> memref<128xi32, #tpu.memory_space<vmem>>
      %dma_start3A_14 = arith.constant 0 : i32
      %dma_start3A_15 = arith.constant 0 : i32
      %dma_start3A_16 = tpu.memref_slice %arg2[%dma_start3A_14, %dma_start3A_15] : memref<10000x128xf32, #tpu.memory_space<hbm>> -> memref<10000x128xf32, #tpu.memory_space<hbm>>
      tpu.enqueue_indirect_dma source(%dma_start3A_16 : memref<10000x128xf32, #tpu.memory_space<hbm>>) target(%arg6 : memref<128x128xf32, #tpu.memory_space<vmem>>) offsets(%dma_start3A_13 : memref<128xi32, #tpu.memory_space<vmem>>) semaphore(%arg7 : memref<!tpu.dma_semaphore, #tpu.memory_space<semaphore_mem>>)
      %dma_wait3A = arith.constant 0 : i32
      %dma_wait3A_17 = tpu.memref_slice %arg5[%scan3A_6, %dma_wait3A] : memref<10x128xi32, #tpu.memory_space<vmem>> -> memref<1x128xi32, #tpu.memory_space<vmem>>
      %dma_wait3A_18 = tpu.memref_squeeze %dma_wait3A_17 : memref<1x128xi32, #tpu.memory_space<vmem>> -> memref<128xi32, #tpu.memory_space<vmem>>
      %dma_wait3A_19 = arith.constant 0 : i32
      %dma_wait3A_20 = arith.constant 0 : i32
      %dma_wait3A_21 = tpu.memref_slice %arg2[%dma_wait3A_19, %dma_wait3A_20] : memref<10000x128xf32, #tpu.memory_space<hbm>> -> memref<10000x128xf32, #tpu.memory_space<hbm>>
      tpu.wait_indirect_dma semaphore(%arg7 : memref<!tpu.dma_semaphore, #tpu.memory_space<semaphore_mem>>) src(%dma_wait3A_21 : memref<10000x128xf32, #tpu.memory_space<hbm>>) dst(%arg6 : memref<128x128xf32, #tpu.memory_space<vmem>>)
      "tpu.region"() ({
        %run_scoped3A = tpu.sem_alloc : memref<!tpu.dma_semaphore, #tpu.memory_space<semaphore_mem>>
        %dma_start3A_22 = arith.constant 0 : i32
        %dma_start3A_23 = tpu.memref_slice %arg4[%add3A_11, %dma_start3A_22] : memref<40960x128xf32, #tpu.memory_space<hbm>> -> memref<128x128xf32, #tpu.memory_space<hbm>>
        %dma_start3A_24 = arith.constant 0 : i32
        %dma_start3A_25 = tpu.memref_slice %arg4[%add3A_11, %dma_start3A_24] : memref<40960x128xf32, #tpu.memory_space<hbm>> -> memref<128x128xf32, #tpu.memory_space<hbm>>
        tpu.enqueue_dma source(%arg6 : memref<128x128xf32, #tpu.memory_space<vmem>>) target(%dma_start3A_25 : memref<128x128xf32, #tpu.memory_space<hbm>>) target_semaphore(%run_scoped3A : memref<!tpu.dma_semaphore, #tpu.memory_space<semaphore_mem>>)
        %dma_wait3A_26 = arith.constant 0 : i32
        %dma_wait3A_27 = tpu.memref_slice %arg4[%add3A_11, %dma_wait3A_26] : memref<40960x128xf32, #tpu.memory_space<hbm>> -> memref<128x128xf32, #tpu.memory_space<hbm>>
        %dma_wait3A_28 = arith.constant 0 : i32
        %dma_wait3A_29 = tpu.memref_slice %arg4[%add3A_11, %dma_wait3A_28] : memref<40960x128xf32, #tpu.memory_space<hbm>> -> memref<128x128xf32, #tpu.memory_space<hbm>>
        tpu.wait_dma2 semaphore(%run_scoped3A : memref<!tpu.dma_semaphore, #tpu.memory_space<semaphore_mem>>) src(%arg6 : memref<128x128xf32, #tpu.memory_space<vmem>>) dst(%dma_wait3A_29 : memref<128x128xf32, #tpu.memory_space<hbm>>)
        tpu.yield
      }) : () -> ()
    }
    %scan3A_5 = arith.constant 10 : i32
    return
  }
}

#map = affine_map<(d0, d1) -> (0, 0)>
#map1 = affine_map<(d0, d1) -> (0, 0, 0)>
module attributes {stable_mosaic.version = 14 : i64} {
  func.func @k(%arg0: i32, %arg1: i32, %arg2: memref<40960x128xf32, #tpu.memory_space<hbm>>, %arg3: memref<32x10x128xi32, #tpu.memory_space<hbm>>, %arg4: memref<2x10000x128xf32, #tpu.memory_space<hbm>>, %arg5: memref<2x10000x128xf32, #tpu.memory_space<hbm>>, %arg6: memref<10x128xi32, #tpu.memory_space<vmem>>, %arg7: memref<128x128xf32, #tpu.memory_space<vmem>>, %arg8: memref<10000x128xf32, #tpu.memory_space<vmem_shared>>, %arg9: memref<!tpu.dma_semaphore, #tpu.memory_space<semaphore_mem>>) attributes {dimension_semantics = [#tpu.dimension_semantics<core_parallel>, #tpu.dimension_semantics<subcore_parallel>], iteration_bounds = array<i64: 2, 16>, scalar_prefetch = 0 : i64, scratch_operands = 4 : i64, tpu.core_type = #tpu.core_type<sc_vector_subcore>, window_params = [{transform_indices = #map}, {transform_indices = #map1}, {transform_indices = #map1}, {transform_indices = #map1}]} {
    %mul3A = arith.constant 2 : i32
    %mul3A_0 = arith.muli %arg1, %mul3A : i32
    %add3A = arith.addi %mul3A_0, %arg0 : i32
    %mul3A_1 = arith.constant 624 : i32
    %mul3A_2 = arith.muli %arg1, %mul3A_1 : i32
    %mul3A_3 = arith.constant 624 : i32
    %mul3A_4 = arith.muli %arg1, %mul3A_3 : i32
    "tpu.region"() ({
      %run_scoped3A = tpu.sem_alloc : memref<!tpu.dma_semaphore, #tpu.memory_space<semaphore_mem>>
      %dma_start3A = arith.constant 0 : i32
      %dma_start3A_22 = tpu.memref_slice %arg8[%mul3A_4, %dma_start3A] : memref<10000x128xf32, #tpu.memory_space<vmem_shared>> -> memref<624x128xf32, #tpu.memory_space<vmem_shared>>
      %dma_start3A_23 = arith.constant 0 : i32
      %dma_start3A_24 = tpu.memref_slice %arg4[%arg0, %mul3A_2, %dma_start3A_23] : memref<2x10000x128xf32, #tpu.memory_space<hbm>> -> memref<1x624x128xf32, #tpu.memory_space<hbm>>
      %dma_start3A_25 = tpu.memref_squeeze %dma_start3A_24 : memref<1x624x128xf32, #tpu.memory_space<hbm>> -> memref<624x128xf32, #tpu.memory_space<hbm>>
      tpu.enqueue_dma source(%dma_start3A_25 : memref<624x128xf32, #tpu.memory_space<hbm>>) target(%dma_start3A_22 : memref<624x128xf32, #tpu.memory_space<vmem_shared>>) target_semaphore(%run_scoped3A : memref<!tpu.dma_semaphore, #tpu.memory_space<semaphore_mem>>)
      %dma_wait3A = arith.constant 0 : i32
      %dma_wait3A_26 = tpu.memref_slice %arg8[%mul3A_4, %dma_wait3A] : memref<10000x128xf32, #tpu.memory_space<vmem_shared>> -> memref<624x128xf32, #tpu.memory_space<vmem_shared>>
      %dma_wait3A_27 = arith.constant 0 : i32
      %dma_wait3A_28 = tpu.memref_slice %arg4[%arg0, %mul3A_2, %dma_wait3A_27] : memref<2x10000x128xf32, #tpu.memory_space<hbm>> -> memref<1x624x128xf32, #tpu.memory_space<hbm>>
      %dma_wait3A_29 = tpu.memref_squeeze %dma_wait3A_28 : memref<1x624x128xf32, #tpu.memory_space<hbm>> -> memref<624x128xf32, #tpu.memory_space<hbm>>
      tpu.wait_dma2 semaphore(%run_scoped3A : memref<!tpu.dma_semaphore, #tpu.memory_space<semaphore_mem>>) src(%dma_wait3A_29 : memref<624x128xf32, #tpu.memory_space<hbm>>) dst(%dma_wait3A_26 : memref<624x128xf32, #tpu.memory_space<vmem_shared>>)
      tpu.yield
    }) : () -> ()
    %eq3A = arith.constant 15 : i32
    %eq3A_5 = arith.cmpi eq, %arg1, %eq3A : i32
    %convert_element_type3A = arith.extui %eq3A_5 : i1 to i32
    %cond3A = arith.constant 0 : i32
    %cond3A_6 = arith.cmpi ne, %convert_element_type3A, %cond3A : i32
    scf.if %cond3A_6 {
      "tpu.region"() ({
        %run_scoped3A = tpu.sem_alloc : memref<!tpu.dma_semaphore, #tpu.memory_space<semaphore_mem>>
        %dma_start3A = arith.constant 9984 : i32
        %dma_start3A_22 = arith.constant 0 : i32
        %dma_start3A_23 = tpu.memref_slice %arg8[%dma_start3A, %dma_start3A_22] : memref<10000x128xf32, #tpu.memory_space<vmem_shared>> -> memref<16x128xf32, #tpu.memory_space<vmem_shared>>
        %dma_start3A_24 = arith.constant 9984 : i32
        %dma_start3A_25 = arith.constant 0 : i32
        %dma_start3A_26 = tpu.memref_slice %arg4[%arg0, %dma_start3A_24, %dma_start3A_25] : memref<2x10000x128xf32, #tpu.memory_space<hbm>> -> memref<1x16x128xf32, #tpu.memory_space<hbm>>
        %dma_start3A_27 = tpu.memref_squeeze %dma_start3A_26 : memref<1x16x128xf32, #tpu.memory_space<hbm>> -> memref<16x128xf32, #tpu.memory_space<hbm>>
        tpu.enqueue_dma source(%dma_start3A_27 : memref<16x128xf32, #tpu.memory_space<hbm>>) target(%dma_start3A_23 : memref<16x128xf32, #tpu.memory_space<vmem_shared>>) target_semaphore(%run_scoped3A : memref<!tpu.dma_semaphore, #tpu.memory_space<semaphore_mem>>)
        %dma_wait3A = arith.constant 9984 : i32
        %dma_wait3A_28 = arith.constant 0 : i32
        %dma_wait3A_29 = tpu.memref_slice %arg8[%dma_wait3A, %dma_wait3A_28] : memref<10000x128xf32, #tpu.memory_space<vmem_shared>> -> memref<16x128xf32, #tpu.memory_space<vmem_shared>>
        %dma_wait3A_30 = arith.constant 9984 : i32
        %dma_wait3A_31 = arith.constant 0 : i32
        %dma_wait3A_32 = tpu.memref_slice %arg4[%arg0, %dma_wait3A_30, %dma_wait3A_31] : memref<2x10000x128xf32, #tpu.memory_space<hbm>> -> memref<1x16x128xf32, #tpu.memory_space<hbm>>
        %dma_wait3A_33 = tpu.memref_squeeze %dma_wait3A_32 : memref<1x16x128xf32, #tpu.memory_space<hbm>> -> memref<16x128xf32, #tpu.memory_space<hbm>>
        tpu.wait_dma2 semaphore(%run_scoped3A : memref<!tpu.dma_semaphore, #tpu.memory_space<semaphore_mem>>) src(%dma_wait3A_33 : memref<16x128xf32, #tpu.memory_space<hbm>>) dst(%dma_wait3A_29 : memref<16x128xf32, #tpu.memory_space<vmem_shared>>)
        tpu.yield
      }) : () -> ()
    } else {
    }
    "tpu.region"() ({
      %run_scoped3A = tpu.sem_alloc : memref<!tpu.dma_semaphore, #tpu.memory_space<semaphore_mem>>
      %dma_start3A = arith.constant 0 : i32
      %dma_start3A_22 = arith.constant 0 : i32
      %dma_start3A_23 = tpu.memref_slice %arg3[%add3A, %dma_start3A, %dma_start3A_22] : memref<32x10x128xi32, #tpu.memory_space<hbm>> -> memref<1x10x128xi32, #tpu.memory_space<hbm>>
      %dma_start3A_24 = tpu.memref_squeeze %dma_start3A_23 : memref<1x10x128xi32, #tpu.memory_space<hbm>> -> memref<10x128xi32, #tpu.memory_space<hbm>>
      %dma_start3A_25 = arith.constant 0 : i32
      %dma_start3A_26 = arith.constant 0 : i32
      %dma_start3A_27 = tpu.memref_slice %arg3[%add3A, %dma_start3A_25, %dma_start3A_26] : memref<32x10x128xi32, #tpu.memory_space<hbm>> -> memref<1x10x128xi32, #tpu.memory_space<hbm>>
      %dma_start3A_28 = tpu.memref_squeeze %dma_start3A_27 : memref<1x10x128xi32, #tpu.memory_space<hbm>> -> memref<10x128xi32, #tpu.memory_space<hbm>>
      tpu.enqueue_dma source(%dma_start3A_28 : memref<10x128xi32, #tpu.memory_space<hbm>>) target(%arg6 : memref<10x128xi32, #tpu.memory_space<vmem>>) target_semaphore(%run_scoped3A : memref<!tpu.dma_semaphore, #tpu.memory_space<semaphore_mem>>)
      %dma_wait3A = arith.constant 0 : i32
      %dma_wait3A_29 = arith.constant 0 : i32
      %dma_wait3A_30 = tpu.memref_slice %arg3[%add3A, %dma_wait3A, %dma_wait3A_29] : memref<32x10x128xi32, #tpu.memory_space<hbm>> -> memref<1x10x128xi32, #tpu.memory_space<hbm>>
      %dma_wait3A_31 = tpu.memref_squeeze %dma_wait3A_30 : memref<1x10x128xi32, #tpu.memory_space<hbm>> -> memref<10x128xi32, #tpu.memory_space<hbm>>
      %dma_wait3A_32 = arith.constant 0 : i32
      %dma_wait3A_33 = arith.constant 0 : i32
      %dma_wait3A_34 = tpu.memref_slice %arg3[%add3A, %dma_wait3A_32, %dma_wait3A_33] : memref<32x10x128xi32, #tpu.memory_space<hbm>> -> memref<1x10x128xi32, #tpu.memory_space<hbm>>
      %dma_wait3A_35 = tpu.memref_squeeze %dma_wait3A_34 : memref<1x10x128xi32, #tpu.memory_space<hbm>> -> memref<10x128xi32, #tpu.memory_space<hbm>>
      tpu.wait_dma2 semaphore(%run_scoped3A : memref<!tpu.dma_semaphore, #tpu.memory_space<semaphore_mem>>) src(%dma_wait3A_35 : memref<10x128xi32, #tpu.memory_space<hbm>>) dst(%arg6 : memref<10x128xi32, #tpu.memory_space<vmem>>)
      tpu.yield
    }) : () -> ()
    %barrier3A = arith.constant 0 : index
    tpu.barrier barrier_id(%barrier3A)
    %scan3A = arith.constant 0 : i32
    %scan3A_7 = arith.constant 0 : i32
    %scan3A_8 = arith.constant 10 : i32
    %scan3A_9 = arith.addi %scan3A_7, %scan3A_8 : i32
    %scan3A_10 = arith.constant 1 : i32
    scf.for %scan3A_22 = %scan3A_7 to %scan3A_9 step %scan3A_10  : i32 {
      %mul3A_23 = arith.constant 1280 : i32
      %mul3A_24 = arith.muli %add3A, %mul3A_23 : i32
      %mul3A_25 = arith.constant 128 : i32
      %mul3A_26 = arith.muli %scan3A_22, %mul3A_25 : i32
      %add3A_27 = arith.addi %mul3A_24, %mul3A_26 : i32
      "tpu.region"() ({
        %run_scoped3A = tpu.sem_alloc : memref<!tpu.dma_semaphore, #tpu.memory_space<semaphore_mem>>
        %dma_start3A = arith.constant 0 : i32
        %dma_start3A_28 = tpu.memref_slice %arg2[%add3A_27, %dma_start3A] : memref<40960x128xf32, #tpu.memory_space<hbm>> -> memref<128x128xf32, #tpu.memory_space<hbm>>
        %dma_start3A_29 = arith.constant 0 : i32
        %dma_start3A_30 = tpu.memref_slice %arg2[%add3A_27, %dma_start3A_29] : memref<40960x128xf32, #tpu.memory_space<hbm>> -> memref<128x128xf32, #tpu.memory_space<hbm>>
        tpu.enqueue_dma source(%dma_start3A_30 : memref<128x128xf32, #tpu.memory_space<hbm>>) target(%arg7 : memref<128x128xf32, #tpu.memory_space<vmem>>) target_semaphore(%run_scoped3A : memref<!tpu.dma_semaphore, #tpu.memory_space<semaphore_mem>>)
        %dma_wait3A = arith.constant 0 : i32
        %dma_wait3A_31 = tpu.memref_slice %arg2[%add3A_27, %dma_wait3A] : memref<40960x128xf32, #tpu.memory_space<hbm>> -> memref<128x128xf32, #tpu.memory_space<hbm>>
        %dma_wait3A_32 = arith.constant 0 : i32
        %dma_wait3A_33 = tpu.memref_slice %arg2[%add3A_27, %dma_wait3A_32] : memref<40960x128xf32, #tpu.memory_space<hbm>> -> memref<128x128xf32, #tpu.memory_space<hbm>>
        tpu.wait_dma2 semaphore(%run_scoped3A : memref<!tpu.dma_semaphore, #tpu.memory_space<semaphore_mem>>) src(%dma_wait3A_33 : memref<128x128xf32, #tpu.memory_space<hbm>>) dst(%arg7 : memref<128x128xf32, #tpu.memory_space<vmem>>)
        tpu.yield
      }) : () -> ()
      "tpu.region"() ({
        %run_scoped3A = tpu.sem_alloc : memref<!tpu.dma_semaphore, #tpu.memory_space<semaphore_mem>>
        %dma_start3A = arith.constant 0 : i32
        %dma_start3A_28 = tpu.memref_slice %arg6[%scan3A_22, %dma_start3A] : memref<10x128xi32, #tpu.memory_space<vmem>> -> memref<1x128xi32, #tpu.memory_space<vmem>>
        %dma_start3A_29 = tpu.memref_squeeze %dma_start3A_28 : memref<1x128xi32, #tpu.memory_space<vmem>> -> memref<128xi32, #tpu.memory_space<vmem>>
        %dma_start3A_30 = arith.constant 0 : i32
        %dma_start3A_31 = arith.constant 0 : i32
        %dma_start3A_32 = tpu.memref_slice %arg8[%dma_start3A_30, %dma_start3A_31] : memref<10000x128xf32, #tpu.memory_space<vmem_shared>> -> memref<10000x128xf32, #tpu.memory_space<vmem_shared>>
        tpu.enqueue_indirect_dma source(%arg7 : memref<128x128xf32, #tpu.memory_space<vmem>>) target(%dma_start3A_32 : memref<10000x128xf32, #tpu.memory_space<vmem_shared>>) offsets(%dma_start3A_29 : memref<128xi32, #tpu.memory_space<vmem>>) semaphore(%run_scoped3A : memref<!tpu.dma_semaphore, #tpu.memory_space<semaphore_mem>>) {add = true}
        %dma_wait3A = arith.constant 0 : i32
        %dma_wait3A_33 = tpu.memref_slice %arg6[%scan3A_22, %dma_wait3A] : memref<10x128xi32, #tpu.memory_space<vmem>> -> memref<1x128xi32, #tpu.memory_space<vmem>>
        %dma_wait3A_34 = tpu.memref_squeeze %dma_wait3A_33 : memref<1x128xi32, #tpu.memory_space<vmem>> -> memref<128xi32, #tpu.memory_space<vmem>>
        %dma_wait3A_35 = arith.constant 0 : i32
        %dma_wait3A_36 = arith.constant 0 : i32
        %dma_wait3A_37 = tpu.memref_slice %arg8[%dma_wait3A_35, %dma_wait3A_36] : memref<10000x128xf32, #tpu.memory_space<vmem_shared>> -> memref<10000x128xf32, #tpu.memory_space<vmem_shared>>
        tpu.wait_indirect_dma semaphore(%run_scoped3A : memref<!tpu.dma_semaphore, #tpu.memory_space<semaphore_mem>>) src(%arg7 : memref<128x128xf32, #tpu.memory_space<vmem>>) dst(%dma_wait3A_37 : memref<10000x128xf32, #tpu.memory_space<vmem_shared>>)
        tpu.yield
      }) : () -> ()
    }
    %scan3A_11 = arith.constant 10 : i32
    %barrier3A_12 = arith.constant 0 : index
    tpu.barrier barrier_id(%barrier3A_12)
    %mul3A_13 = arith.constant 624 : i32
    %mul3A_14 = arith.muli %arg1, %mul3A_13 : i32
    %mul3A_15 = arith.constant 624 : i32
    %mul3A_16 = arith.muli %arg1, %mul3A_15 : i32
    "tpu.region"() ({
      %run_scoped3A = tpu.sem_alloc : memref<!tpu.dma_semaphore, #tpu.memory_space<semaphore_mem>>
      %dma_start3A = arith.constant 0 : i32
      %dma_start3A_22 = tpu.memref_slice %arg5[%arg0, %mul3A_16, %dma_start3A] : memref<2x10000x128xf32, #tpu.memory_space<hbm>> -> memref<1x624x128xf32, #tpu.memory_space<hbm>>
      %dma_start3A_23 = tpu.memref_squeeze %dma_start3A_22 : memref<1x624x128xf32, #tpu.memory_space<hbm>> -> memref<624x128xf32, #tpu.memory_space<hbm>>
      %dma_start3A_24 = arith.constant 0 : i32
      %dma_start3A_25 = tpu.memref_slice %arg8[%mul3A_14, %dma_start3A_24] : memref<10000x128xf32, #tpu.memory_space<vmem_shared>> -> memref<624x128xf32, #tpu.memory_space<vmem_shared>>
      tpu.enqueue_dma source(%dma_start3A_25 : memref<624x128xf32, #tpu.memory_space<vmem_shared>>) target(%dma_start3A_23 : memref<624x128xf32, #tpu.memory_space<hbm>>) target_semaphore(%run_scoped3A : memref<!tpu.dma_semaphore, #tpu.memory_space<semaphore_mem>>)
      %dma_wait3A = arith.constant 0 : i32
      %dma_wait3A_26 = tpu.memref_slice %arg5[%arg0, %mul3A_16, %dma_wait3A] : memref<2x10000x128xf32, #tpu.memory_space<hbm>> -> memref<1x624x128xf32, #tpu.memory_space<hbm>>
      %dma_wait3A_27 = tpu.memref_squeeze %dma_wait3A_26 : memref<1x624x128xf32, #tpu.memory_space<hbm>> -> memref<624x128xf32, #tpu.memory_space<hbm>>
      %dma_wait3A_28 = arith.constant 0 : i32
      %dma_wait3A_29 = tpu.memref_slice %arg8[%mul3A_14, %dma_wait3A_28] : memref<10000x128xf32, #tpu.memory_space<vmem_shared>> -> memref<624x128xf32, #tpu.memory_space<vmem_shared>>
      tpu.wait_dma2 semaphore(%run_scoped3A : memref<!tpu.dma_semaphore, #tpu.memory_space<semaphore_mem>>) src(%dma_wait3A_29 : memref<624x128xf32, #tpu.memory_space<vmem_shared>>) dst(%dma_wait3A_27 : memref<624x128xf32, #tpu.memory_space<hbm>>)
      tpu.yield
    }) : () -> ()
    %eq3A_17 = arith.constant 15 : i32
    %eq3A_18 = arith.cmpi eq, %arg1, %eq3A_17 : i32
    %convert_element_type3A_19 = arith.extui %eq3A_18 : i1 to i32
    %cond3A_20 = arith.constant 0 : i32
    %cond3A_21 = arith.cmpi ne, %convert_element_type3A_19, %cond3A_20 : i32
    scf.if %cond3A_21 {
      "tpu.region"() ({
        %run_scoped3A = tpu.sem_alloc : memref<!tpu.dma_semaphore, #tpu.memory_space<semaphore_mem>>
        %dma_start3A = arith.constant 9984 : i32
        %dma_start3A_22 = arith.constant 0 : i32
        %dma_start3A_23 = tpu.memref_slice %arg5[%arg0, %dma_start3A, %dma_start3A_22] : memref<2x10000x128xf32, #tpu.memory_space<hbm>> -> memref<1x16x128xf32, #tpu.memory_space<hbm>>
        %dma_start3A_24 = tpu.memref_squeeze %dma_start3A_23 : memref<1x16x128xf32, #tpu.memory_space<hbm>> -> memref<16x128xf32, #tpu.memory_space<hbm>>
        %dma_start3A_25 = arith.constant 9984 : i32
        %dma_start3A_26 = arith.constant 0 : i32
        %dma_start3A_27 = tpu.memref_slice %arg8[%dma_start3A_25, %dma_start3A_26] : memref<10000x128xf32, #tpu.memory_space<vmem_shared>> -> memref<16x128xf32, #tpu.memory_space<vmem_shared>>
        tpu.enqueue_dma source(%dma_start3A_27 : memref<16x128xf32, #tpu.memory_space<vmem_shared>>) target(%dma_start3A_24 : memref<16x128xf32, #tpu.memory_space<hbm>>) target_semaphore(%run_scoped3A : memref<!tpu.dma_semaphore, #tpu.memory_space<semaphore_mem>>)
        %dma_wait3A = arith.constant 9984 : i32
        %dma_wait3A_28 = arith.constant 0 : i32
        %dma_wait3A_29 = tpu.memref_slice %arg5[%arg0, %dma_wait3A, %dma_wait3A_28] : memref<2x10000x128xf32, #tpu.memory_space<hbm>> -> memref<1x16x128xf32, #tpu.memory_space<hbm>>
        %dma_wait3A_30 = tpu.memref_squeeze %dma_wait3A_29 : memref<1x16x128xf32, #tpu.memory_space<hbm>> -> memref<16x128xf32, #tpu.memory_space<hbm>>
        %dma_wait3A_31 = arith.constant 9984 : i32
        %dma_wait3A_32 = arith.constant 0 : i32
        %dma_wait3A_33 = tpu.memref_slice %arg8[%dma_wait3A_31, %dma_wait3A_32] : memref<10000x128xf32, #tpu.memory_space<vmem_shared>> -> memref<16x128xf32, #tpu.memory_space<vmem_shared>>
        tpu.wait_dma2 semaphore(%run_scoped3A : memref<!tpu.dma_semaphore, #tpu.memory_space<semaphore_mem>>) src(%dma_wait3A_33 : memref<16x128xf32, #tpu.memory_space<vmem_shared>>) dst(%dma_wait3A_30 : memref<16x128xf32, #tpu.memory_space<hbm>>)
        tpu.yield
      }) : () -> ()
    } else {
    }
    return
  }
}

#map = affine_map<(d0, d1) -> (0, 0)>
#map1 = affine_map<(d0, d1) -> (0, 0, 0)>
module attributes {stable_mosaic.version = 14 : i64} {
  func.func @k(%arg0: i32, %arg1: i32, %arg2: memref<10000x128xf32, #tpu.memory_space<hbm>>, %arg3: memref<32x13x40xi32, #tpu.memory_space<hbm>>, %arg4: memref<16640x128xf32, #tpu.memory_space<hbm>>, %arg5: memref<13x40xi32, #tpu.memory_space<vmem>>, %arg6: memref<40x128xf32, #tpu.memory_space<vmem>>, %arg7: memref<!tpu.dma_semaphore, #tpu.memory_space<semaphore_mem>>) attributes {dimension_semantics = [#tpu.dimension_semantics<core_parallel>, #tpu.dimension_semantics<subcore_parallel>], iteration_bounds = array<i64: 2, 16>, scalar_prefetch = 0 : i64, scratch_operands = 3 : i64, tpu.core_type = #tpu.core_type<sc_vector_subcore>, window_params = [{transform_indices = #map}, {transform_indices = #map1}, {transform_indices = #map}]} {
    %mul3A = arith.constant 2 : i32
    %mul3A_0 = arith.muli %arg1, %mul3A : i32
    %add3A = arith.addi %mul3A_0, %arg0 : i32
    "tpu.region"() ({
      %run_scoped3A = tpu.sem_alloc : memref<!tpu.dma_semaphore, #tpu.memory_space<semaphore_mem>>
      %dma_start3A = arith.constant 0 : i32
      %dma_start3A_6 = arith.constant 0 : i32
      %dma_start3A_7 = tpu.memref_slice %arg3[%add3A, %dma_start3A, %dma_start3A_6] : memref<32x13x40xi32, #tpu.memory_space<hbm>> -> memref<1x13x40xi32, #tpu.memory_space<hbm>>
      %dma_start3A_8 = tpu.memref_squeeze %dma_start3A_7 : memref<1x13x40xi32, #tpu.memory_space<hbm>> -> memref<13x40xi32, #tpu.memory_space<hbm>>
      %dma_start3A_9 = arith.constant 0 : i32
      %dma_start3A_10 = arith.constant 0 : i32
      %dma_start3A_11 = tpu.memref_slice %arg3[%add3A, %dma_start3A_9, %dma_start3A_10] : memref<32x13x40xi32, #tpu.memory_space<hbm>> -> memref<1x13x40xi32, #tpu.memory_space<hbm>>
      %dma_start3A_12 = tpu.memref_squeeze %dma_start3A_11 : memref<1x13x40xi32, #tpu.memory_space<hbm>> -> memref<13x40xi32, #tpu.memory_space<hbm>>
      tpu.enqueue_dma source(%dma_start3A_12 : memref<13x40xi32, #tpu.memory_space<hbm>>) target(%arg5 : memref<13x40xi32, #tpu.memory_space<vmem>>) target_semaphore(%run_scoped3A : memref<!tpu.dma_semaphore, #tpu.memory_space<semaphore_mem>>)
      %dma_wait3A = arith.constant 0 : i32
      %dma_wait3A_13 = arith.constant 0 : i32
      %dma_wait3A_14 = tpu.memref_slice %arg3[%add3A, %dma_wait3A, %dma_wait3A_13] : memref<32x13x40xi32, #tpu.memory_space<hbm>> -> memref<1x13x40xi32, #tpu.memory_space<hbm>>
      %dma_wait3A_15 = tpu.memref_squeeze %dma_wait3A_14 : memref<1x13x40xi32, #tpu.memory_space<hbm>> -> memref<13x40xi32, #tpu.memory_space<hbm>>
      %dma_wait3A_16 = arith.constant 0 : i32
      %dma_wait3A_17 = arith.constant 0 : i32
      %dma_wait3A_18 = tpu.memref_slice %arg3[%add3A, %dma_wait3A_16, %dma_wait3A_17] : memref<32x13x40xi32, #tpu.memory_space<hbm>> -> memref<1x13x40xi32, #tpu.memory_space<hbm>>
      %dma_wait3A_19 = tpu.memref_squeeze %dma_wait3A_18 : memref<1x13x40xi32, #tpu.memory_space<hbm>> -> memref<13x40xi32, #tpu.memory_space<hbm>>
      tpu.wait_dma2 semaphore(%run_scoped3A : memref<!tpu.dma_semaphore, #tpu.memory_space<semaphore_mem>>) src(%dma_wait3A_19 : memref<13x40xi32, #tpu.memory_space<hbm>>) dst(%arg5 : memref<13x40xi32, #tpu.memory_space<vmem>>)
      tpu.yield
    }) : () -> ()
    %scan3A = arith.constant 0 : i32
    %scan3A_1 = arith.constant 0 : i32
    %scan3A_2 = arith.constant 13 : i32
    %scan3A_3 = arith.addi %scan3A_1, %scan3A_2 : i32
    %scan3A_4 = arith.constant 1 : i32
    scf.for %scan3A_6 = %scan3A_1 to %scan3A_3 step %scan3A_4  : i32 {
      %mul3A_7 = arith.constant 520 : i32
      %mul3A_8 = arith.muli %add3A, %mul3A_7 : i32
      %mul3A_9 = arith.constant 40 : i32
      %mul3A_10 = arith.muli %scan3A_6, %mul3A_9 : i32
      %add3A_11 = arith.addi %mul3A_8, %mul3A_10 : i32
      %dma_start3A = arith.constant 0 : i32
      %dma_start3A_12 = tpu.memref_slice %arg5[%scan3A_6, %dma_start3A] : memref<13x40xi32, #tpu.memory_space<vmem>> -> memref<1x40xi32, #tpu.memory_space<vmem>>
      %dma_start3A_13 = tpu.memref_squeeze %dma_start3A_12 : memref<1x40xi32, #tpu.memory_space<vmem>> -> memref<40xi32, #tpu.memory_space<vmem>>
      %dma_start3A_14 = arith.constant 0 : i32
      %dma_start3A_15 = arith.constant 0 : i32
      %dma_start3A_16 = tpu.memref_slice %arg2[%dma_start3A_14, %dma_start3A_15] : memref<10000x128xf32, #tpu.memory_space<hbm>> -> memref<10000x128xf32, #tpu.memory_space<hbm>>
      tpu.enqueue_indirect_dma source(%dma_start3A_16 : memref<10000x128xf32, #tpu.memory_space<hbm>>) target(%arg6 : memref<40x128xf32, #tpu.memory_space<vmem>>) offsets(%dma_start3A_13 : memref<40xi32, #tpu.memory_space<vmem>>) semaphore(%arg7 : memref<!tpu.dma_semaphore, #tpu.memory_space<semaphore_mem>>)
      %dma_wait3A = arith.constant 0 : i32
      %dma_wait3A_17 = tpu.memref_slice %arg5[%scan3A_6, %dma_wait3A] : memref<13x40xi32, #tpu.memory_space<vmem>> -> memref<1x40xi32, #tpu.memory_space<vmem>>
      %dma_wait3A_18 = tpu.memref_squeeze %dma_wait3A_17 : memref<1x40xi32, #tpu.memory_space<vmem>> -> memref<40xi32, #tpu.memory_space<vmem>>
      %dma_wait3A_19 = arith.constant 0 : i32
      %dma_wait3A_20 = arith.constant 0 : i32
      %dma_wait3A_21 = tpu.memref_slice %arg2[%dma_wait3A_19, %dma_wait3A_20] : memref<10000x128xf32, #tpu.memory_space<hbm>> -> memref<10000x128xf32, #tpu.memory_space<hbm>>
      tpu.wait_indirect_dma semaphore(%arg7 : memref<!tpu.dma_semaphore, #tpu.memory_space<semaphore_mem>>) src(%dma_wait3A_21 : memref<10000x128xf32, #tpu.memory_space<hbm>>) dst(%arg6 : memref<40x128xf32, #tpu.memory_space<vmem>>)
      "tpu.region"() ({
        %run_scoped3A = tpu.sem_alloc : memref<!tpu.dma_semaphore, #tpu.memory_space<semaphore_mem>>
        %dma_start3A_22 = arith.constant 0 : i32
        %dma_start3A_23 = tpu.memref_slice %arg4[%add3A_11, %dma_start3A_22] : memref<16640x128xf32, #tpu.memory_space<hbm>> -> memref<40x128xf32, #tpu.memory_space<hbm>>
        %dma_start3A_24 = arith.constant 0 : i32
        %dma_start3A_25 = tpu.memref_slice %arg4[%add3A_11, %dma_start3A_24] : memref<16640x128xf32, #tpu.memory_space<hbm>> -> memref<40x128xf32, #tpu.memory_space<hbm>>
        tpu.enqueue_dma source(%arg6 : memref<40x128xf32, #tpu.memory_space<vmem>>) target(%dma_start3A_25 : memref<40x128xf32, #tpu.memory_space<hbm>>) target_semaphore(%run_scoped3A : memref<!tpu.dma_semaphore, #tpu.memory_space<semaphore_mem>>)
        %dma_wait3A_26 = arith.constant 0 : i32
        %dma_wait3A_27 = tpu.memref_slice %arg4[%add3A_11, %dma_wait3A_26] : memref<16640x128xf32, #tpu.memory_space<hbm>> -> memref<40x128xf32, #tpu.memory_space<hbm>>
        %dma_wait3A_28 = arith.constant 0 : i32
        %dma_wait3A_29 = tpu.memref_slice %arg4[%add3A_11, %dma_wait3A_28] : memref<16640x128xf32, #tpu.memory_space<hbm>> -> memref<40x128xf32, #tpu.memory_space<hbm>>
        tpu.wait_dma2 semaphore(%run_scoped3A : memref<!tpu.dma_semaphore, #tpu.memory_space<semaphore_mem>>) src(%arg6 : memref<40x128xf32, #tpu.memory_space<vmem>>) dst(%dma_wait3A_29 : memref<40x128xf32, #tpu.memory_space<hbm>>)
        tpu.yield
      }) : () -> ()
    }
    %scan3A_5 = arith.constant 13 : i32
    return
  }
}

#map = affine_map<(d0, d1) -> (0, 0)>
#map1 = affine_map<(d0, d1) -> (0, 0, 0)>
module attributes {stable_mosaic.version = 14 : i64} {
  func.func @k(%arg0: i32, %arg1: i32, %arg2: memref<40960x128xf32, #tpu.memory_space<hbm>>, %arg3: memref<32x10x128xi32, #tpu.memory_space<hbm>>, %arg4: memref<2x10000x128xf32, #tpu.memory_space<hbm>>, %arg5: memref<2x10000x128xf32, #tpu.memory_space<hbm>>, %arg6: memref<10x128xi32, #tpu.memory_space<vmem>>, %arg7: memref<128x128xf32, #tpu.memory_space<vmem>>, %arg8: memref<10000x128xf32, #tpu.memory_space<vmem_shared>>, %arg9: memref<!tpu.dma_semaphore, #tpu.memory_space<semaphore_mem>>) attributes {dimension_semantics = [#tpu.dimension_semantics<core_parallel>, #tpu.dimension_semantics<subcore_parallel>], iteration_bounds = array<i64: 2, 16>, scalar_prefetch = 0 : i64, scratch_operands = 4 : i64, tpu.core_type = #tpu.core_type<sc_vector_subcore>, window_params = [{transform_indices = #map}, {transform_indices = #map1}, {transform_indices = #map1}, {transform_indices = #map1}]} {
    %mul3A = arith.constant 2 : i32
    %mul3A_0 = arith.muli %arg1, %mul3A : i32
    %add3A = arith.addi %mul3A_0, %arg0 : i32
    %mul3A_1 = arith.constant 624 : i32
    %mul3A_2 = arith.muli %arg1, %mul3A_1 : i32
    %mul3A_3 = arith.constant 624 : i32
    %mul3A_4 = arith.muli %arg1, %mul3A_3 : i32
    "tpu.region"() ({
      %run_scoped3A = tpu.sem_alloc : memref<!tpu.dma_semaphore, #tpu.memory_space<semaphore_mem>>
      %dma_start3A = arith.constant 0 : i32
      %dma_start3A_22 = tpu.memref_slice %arg8[%mul3A_4, %dma_start3A] : memref<10000x128xf32, #tpu.memory_space<vmem_shared>> -> memref<624x128xf32, #tpu.memory_space<vmem_shared>>
      %dma_start3A_23 = arith.constant 0 : i32
      %dma_start3A_24 = tpu.memref_slice %arg4[%arg0, %mul3A_2, %dma_start3A_23] : memref<2x10000x128xf32, #tpu.memory_space<hbm>> -> memref<1x624x128xf32, #tpu.memory_space<hbm>>
      %dma_start3A_25 = tpu.memref_squeeze %dma_start3A_24 : memref<1x624x128xf32, #tpu.memory_space<hbm>> -> memref<624x128xf32, #tpu.memory_space<hbm>>
      tpu.enqueue_dma source(%dma_start3A_25 : memref<624x128xf32, #tpu.memory_space<hbm>>) target(%dma_start3A_22 : memref<624x128xf32, #tpu.memory_space<vmem_shared>>) target_semaphore(%run_scoped3A : memref<!tpu.dma_semaphore, #tpu.memory_space<semaphore_mem>>)
      %dma_wait3A = arith.constant 0 : i32
      %dma_wait3A_26 = tpu.memref_slice %arg8[%mul3A_4, %dma_wait3A] : memref<10000x128xf32, #tpu.memory_space<vmem_shared>> -> memref<624x128xf32, #tpu.memory_space<vmem_shared>>
      %dma_wait3A_27 = arith.constant 0 : i32
      %dma_wait3A_28 = tpu.memref_slice %arg4[%arg0, %mul3A_2, %dma_wait3A_27] : memref<2x10000x128xf32, #tpu.memory_space<hbm>> -> memref<1x624x128xf32, #tpu.memory_space<hbm>>
      %dma_wait3A_29 = tpu.memref_squeeze %dma_wait3A_28 : memref<1x624x128xf32, #tpu.memory_space<hbm>> -> memref<624x128xf32, #tpu.memory_space<hbm>>
      tpu.wait_dma2 semaphore(%run_scoped3A : memref<!tpu.dma_semaphore, #tpu.memory_space<semaphore_mem>>) src(%dma_wait3A_29 : memref<624x128xf32, #tpu.memory_space<hbm>>) dst(%dma_wait3A_26 : memref<624x128xf32, #tpu.memory_space<vmem_shared>>)
      tpu.yield
    }) : () -> ()
    %eq3A = arith.constant 15 : i32
    %eq3A_5 = arith.cmpi eq, %arg1, %eq3A : i32
    %convert_element_type3A = arith.extui %eq3A_5 : i1 to i32
    %cond3A = arith.constant 0 : i32
    %cond3A_6 = arith.cmpi ne, %convert_element_type3A, %cond3A : i32
    scf.if %cond3A_6 {
      "tpu.region"() ({
        %run_scoped3A = tpu.sem_alloc : memref<!tpu.dma_semaphore, #tpu.memory_space<semaphore_mem>>
        %dma_start3A = arith.constant 9984 : i32
        %dma_start3A_22 = arith.constant 0 : i32
        %dma_start3A_23 = tpu.memref_slice %arg8[%dma_start3A, %dma_start3A_22] : memref<10000x128xf32, #tpu.memory_space<vmem_shared>> -> memref<16x128xf32, #tpu.memory_space<vmem_shared>>
        %dma_start3A_24 = arith.constant 9984 : i32
        %dma_start3A_25 = arith.constant 0 : i32
        %dma_start3A_26 = tpu.memref_slice %arg4[%arg0, %dma_start3A_24, %dma_start3A_25] : memref<2x10000x128xf32, #tpu.memory_space<hbm>> -> memref<1x16x128xf32, #tpu.memory_space<hbm>>
        %dma_start3A_27 = tpu.memref_squeeze %dma_start3A_26 : memref<1x16x128xf32, #tpu.memory_space<hbm>> -> memref<16x128xf32, #tpu.memory_space<hbm>>
        tpu.enqueue_dma source(%dma_start3A_27 : memref<16x128xf32, #tpu.memory_space<hbm>>) target(%dma_start3A_23 : memref<16x128xf32, #tpu.memory_space<vmem_shared>>) target_semaphore(%run_scoped3A : memref<!tpu.dma_semaphore, #tpu.memory_space<semaphore_mem>>)
        %dma_wait3A = arith.constant 9984 : i32
        %dma_wait3A_28 = arith.constant 0 : i32
        %dma_wait3A_29 = tpu.memref_slice %arg8[%dma_wait3A, %dma_wait3A_28] : memref<10000x128xf32, #tpu.memory_space<vmem_shared>> -> memref<16x128xf32, #tpu.memory_space<vmem_shared>>
        %dma_wait3A_30 = arith.constant 9984 : i32
        %dma_wait3A_31 = arith.constant 0 : i32
        %dma_wait3A_32 = tpu.memref_slice %arg4[%arg0, %dma_wait3A_30, %dma_wait3A_31] : memref<2x10000x128xf32, #tpu.memory_space<hbm>> -> memref<1x16x128xf32, #tpu.memory_space<hbm>>
        %dma_wait3A_33 = tpu.memref_squeeze %dma_wait3A_32 : memref<1x16x128xf32, #tpu.memory_space<hbm>> -> memref<16x128xf32, #tpu.memory_space<hbm>>
        tpu.wait_dma2 semaphore(%run_scoped3A : memref<!tpu.dma_semaphore, #tpu.memory_space<semaphore_mem>>) src(%dma_wait3A_33 : memref<16x128xf32, #tpu.memory_space<hbm>>) dst(%dma_wait3A_29 : memref<16x128xf32, #tpu.memory_space<vmem_shared>>)
        tpu.yield
      }) : () -> ()
    } else {
    }
    "tpu.region"() ({
      %run_scoped3A = tpu.sem_alloc : memref<!tpu.dma_semaphore, #tpu.memory_space<semaphore_mem>>
      %dma_start3A = arith.constant 0 : i32
      %dma_start3A_22 = arith.constant 0 : i32
      %dma_start3A_23 = tpu.memref_slice %arg3[%add3A, %dma_start3A, %dma_start3A_22] : memref<32x10x128xi32, #tpu.memory_space<hbm>> -> memref<1x10x128xi32, #tpu.memory_space<hbm>>
      %dma_start3A_24 = tpu.memref_squeeze %dma_start3A_23 : memref<1x10x128xi32, #tpu.memory_space<hbm>> -> memref<10x128xi32, #tpu.memory_space<hbm>>
      %dma_start3A_25 = arith.constant 0 : i32
      %dma_start3A_26 = arith.constant 0 : i32
      %dma_start3A_27 = tpu.memref_slice %arg3[%add3A, %dma_start3A_25, %dma_start3A_26] : memref<32x10x128xi32, #tpu.memory_space<hbm>> -> memref<1x10x128xi32, #tpu.memory_space<hbm>>
      %dma_start3A_28 = tpu.memref_squeeze %dma_start3A_27 : memref<1x10x128xi32, #tpu.memory_space<hbm>> -> memref<10x128xi32, #tpu.memory_space<hbm>>
      tpu.enqueue_dma source(%dma_start3A_28 : memref<10x128xi32, #tpu.memory_space<hbm>>) target(%arg6 : memref<10x128xi32, #tpu.memory_space<vmem>>) target_semaphore(%run_scoped3A : memref<!tpu.dma_semaphore, #tpu.memory_space<semaphore_mem>>)
      %dma_wait3A = arith.constant 0 : i32
      %dma_wait3A_29 = arith.constant 0 : i32
      %dma_wait3A_30 = tpu.memref_slice %arg3[%add3A, %dma_wait3A, %dma_wait3A_29] : memref<32x10x128xi32, #tpu.memory_space<hbm>> -> memref<1x10x128xi32, #tpu.memory_space<hbm>>
      %dma_wait3A_31 = tpu.memref_squeeze %dma_wait3A_30 : memref<1x10x128xi32, #tpu.memory_space<hbm>> -> memref<10x128xi32, #tpu.memory_space<hbm>>
      %dma_wait3A_32 = arith.constant 0 : i32
      %dma_wait3A_33 = arith.constant 0 : i32
      %dma_wait3A_34 = tpu.memref_slice %arg3[%add3A, %dma_wait3A_32, %dma_wait3A_33] : memref<32x10x128xi32, #tpu.memory_space<hbm>> -> memref<1x10x128xi32, #tpu.memory_space<hbm>>
      %dma_wait3A_35 = tpu.memref_squeeze %dma_wait3A_34 : memref<1x10x128xi32, #tpu.memory_space<hbm>> -> memref<10x128xi32, #tpu.memory_space<hbm>>
      tpu.wait_dma2 semaphore(%run_scoped3A : memref<!tpu.dma_semaphore, #tpu.memory_space<semaphore_mem>>) src(%dma_wait3A_35 : memref<10x128xi32, #tpu.memory_space<hbm>>) dst(%arg6 : memref<10x128xi32, #tpu.memory_space<vmem>>)
      tpu.yield
    }) : () -> ()
    %barrier3A = arith.constant 0 : index
    tpu.barrier barrier_id(%barrier3A)
    %scan3A = arith.constant 0 : i32
    %scan3A_7 = arith.constant 0 : i32
    %scan3A_8 = arith.constant 10 : i32
    %scan3A_9 = arith.addi %scan3A_7, %scan3A_8 : i32
    %scan3A_10 = arith.constant 1 : i32
    scf.for %scan3A_22 = %scan3A_7 to %scan3A_9 step %scan3A_10  : i32 {
      %mul3A_23 = arith.constant 1280 : i32
      %mul3A_24 = arith.muli %add3A, %mul3A_23 : i32
      %mul3A_25 = arith.constant 128 : i32
      %mul3A_26 = arith.muli %scan3A_22, %mul3A_25 : i32
      %add3A_27 = arith.addi %mul3A_24, %mul3A_26 : i32
      "tpu.region"() ({
        %run_scoped3A = tpu.sem_alloc : memref<!tpu.dma_semaphore, #tpu.memory_space<semaphore_mem>>
        %dma_start3A = arith.constant 0 : i32
        %dma_start3A_28 = tpu.memref_slice %arg2[%add3A_27, %dma_start3A] : memref<40960x128xf32, #tpu.memory_space<hbm>> -> memref<128x128xf32, #tpu.memory_space<hbm>>
        %dma_start3A_29 = arith.constant 0 : i32
        %dma_start3A_30 = tpu.memref_slice %arg2[%add3A_27, %dma_start3A_29] : memref<40960x128xf32, #tpu.memory_space<hbm>> -> memref<128x128xf32, #tpu.memory_space<hbm>>
        tpu.enqueue_dma source(%dma_start3A_30 : memref<128x128xf32, #tpu.memory_space<hbm>>) target(%arg7 : memref<128x128xf32, #tpu.memory_space<vmem>>) target_semaphore(%run_scoped3A : memref<!tpu.dma_semaphore, #tpu.memory_space<semaphore_mem>>)
        %dma_wait3A = arith.constant 0 : i32
        %dma_wait3A_31 = tpu.memref_slice %arg2[%add3A_27, %dma_wait3A] : memref<40960x128xf32, #tpu.memory_space<hbm>> -> memref<128x128xf32, #tpu.memory_space<hbm>>
        %dma_wait3A_32 = arith.constant 0 : i32
        %dma_wait3A_33 = tpu.memref_slice %arg2[%add3A_27, %dma_wait3A_32] : memref<40960x128xf32, #tpu.memory_space<hbm>> -> memref<128x128xf32, #tpu.memory_space<hbm>>
        tpu.wait_dma2 semaphore(%run_scoped3A : memref<!tpu.dma_semaphore, #tpu.memory_space<semaphore_mem>>) src(%dma_wait3A_33 : memref<128x128xf32, #tpu.memory_space<hbm>>) dst(%arg7 : memref<128x128xf32, #tpu.memory_space<vmem>>)
        tpu.yield
      }) : () -> ()
      "tpu.region"() ({
        %run_scoped3A = tpu.sem_alloc : memref<!tpu.dma_semaphore, #tpu.memory_space<semaphore_mem>>
        %dma_start3A = arith.constant 0 : i32
        %dma_start3A_28 = tpu.memref_slice %arg6[%scan3A_22, %dma_start3A] : memref<10x128xi32, #tpu.memory_space<vmem>> -> memref<1x128xi32, #tpu.memory_space<vmem>>
        %dma_start3A_29 = tpu.memref_squeeze %dma_start3A_28 : memref<1x128xi32, #tpu.memory_space<vmem>> -> memref<128xi32, #tpu.memory_space<vmem>>
        %dma_start3A_30 = arith.constant 0 : i32
        %dma_start3A_31 = arith.constant 0 : i32
        %dma_start3A_32 = tpu.memref_slice %arg8[%dma_start3A_30, %dma_start3A_31] : memref<10000x128xf32, #tpu.memory_space<vmem_shared>> -> memref<10000x128xf32, #tpu.memory_space<vmem_shared>>
        tpu.enqueue_indirect_dma source(%arg7 : memref<128x128xf32, #tpu.memory_space<vmem>>) target(%dma_start3A_32 : memref<10000x128xf32, #tpu.memory_space<vmem_shared>>) offsets(%dma_start3A_29 : memref<128xi32, #tpu.memory_space<vmem>>) semaphore(%run_scoped3A : memref<!tpu.dma_semaphore, #tpu.memory_space<semaphore_mem>>) {add = true}
        %dma_wait3A = arith.constant 0 : i32
        %dma_wait3A_33 = tpu.memref_slice %arg6[%scan3A_22, %dma_wait3A] : memref<10x128xi32, #tpu.memory_space<vmem>> -> memref<1x128xi32, #tpu.memory_space<vmem>>
        %dma_wait3A_34 = tpu.memref_squeeze %dma_wait3A_33 : memref<1x128xi32, #tpu.memory_space<vmem>> -> memref<128xi32, #tpu.memory_space<vmem>>
        %dma_wait3A_35 = arith.constant 0 : i32
        %dma_wait3A_36 = arith.constant 0 : i32
        %dma_wait3A_37 = tpu.memref_slice %arg8[%dma_wait3A_35, %dma_wait3A_36] : memref<10000x128xf32, #tpu.memory_space<vmem_shared>> -> memref<10000x128xf32, #tpu.memory_space<vmem_shared>>
        tpu.wait_indirect_dma semaphore(%run_scoped3A : memref<!tpu.dma_semaphore, #tpu.memory_space<semaphore_mem>>) src(%arg7 : memref<128x128xf32, #tpu.memory_space<vmem>>) dst(%dma_wait3A_37 : memref<10000x128xf32, #tpu.memory_space<vmem_shared>>)
        tpu.yield
      }) : () -> ()
    }
    %scan3A_11 = arith.constant 10 : i32
    %barrier3A_12 = arith.constant 0 : index
    tpu.barrier barrier_id(%barrier3A_12)
    %mul3A_13 = arith.constant 624 : i32
    %mul3A_14 = arith.muli %arg1, %mul3A_13 : i32
    %mul3A_15 = arith.constant 624 : i32
    %mul3A_16 = arith.muli %arg1, %mul3A_15 : i32
    "tpu.region"() ({
      %run_scoped3A = tpu.sem_alloc : memref<!tpu.dma_semaphore, #tpu.memory_space<semaphore_mem>>
      %dma_start3A = arith.constant 0 : i32
      %dma_start3A_22 = tpu.memref_slice %arg5[%arg0, %mul3A_16, %dma_start3A] : memref<2x10000x128xf32, #tpu.memory_space<hbm>> -> memref<1x624x128xf32, #tpu.memory_space<hbm>>
      %dma_start3A_23 = tpu.memref_squeeze %dma_start3A_22 : memref<1x624x128xf32, #tpu.memory_space<hbm>> -> memref<624x128xf32, #tpu.memory_space<hbm>>
      %dma_start3A_24 = arith.constant 0 : i32
      %dma_start3A_25 = tpu.memref_slice %arg8[%mul3A_14, %dma_start3A_24] : memref<10000x128xf32, #tpu.memory_space<vmem_shared>> -> memref<624x128xf32, #tpu.memory_space<vmem_shared>>
      tpu.enqueue_dma source(%dma_start3A_25 : memref<624x128xf32, #tpu.memory_space<vmem_shared>>) target(%dma_start3A_23 : memref<624x128xf32, #tpu.memory_space<hbm>>) target_semaphore(%run_scoped3A : memref<!tpu.dma_semaphore, #tpu.memory_space<semaphore_mem>>)
      %dma_wait3A = arith.constant 0 : i32
      %dma_wait3A_26 = tpu.memref_slice %arg5[%arg0, %mul3A_16, %dma_wait3A] : memref<2x10000x128xf32, #tpu.memory_space<hbm>> -> memref<1x624x128xf32, #tpu.memory_space<hbm>>
      %dma_wait3A_27 = tpu.memref_squeeze %dma_wait3A_26 : memref<1x624x128xf32, #tpu.memory_space<hbm>> -> memref<624x128xf32, #tpu.memory_space<hbm>>
      %dma_wait3A_28 = arith.constant 0 : i32
      %dma_wait3A_29 = tpu.memref_slice %arg8[%mul3A_14, %dma_wait3A_28] : memref<10000x128xf32, #tpu.memory_space<vmem_shared>> -> memref<624x128xf32, #tpu.memory_space<vmem_shared>>
      tpu.wait_dma2 semaphore(%run_scoped3A : memref<!tpu.dma_semaphore, #tpu.memory_space<semaphore_mem>>) src(%dma_wait3A_29 : memref<624x128xf32, #tpu.memory_space<vmem_shared>>) dst(%dma_wait3A_27 : memref<624x128xf32, #tpu.memory_space<hbm>>)
      tpu.yield
    }) : () -> ()
    %eq3A_17 = arith.constant 15 : i32
    %eq3A_18 = arith.cmpi eq, %arg1, %eq3A_17 : i32
    %convert_element_type3A_19 = arith.extui %eq3A_18 : i1 to i32
    %cond3A_20 = arith.constant 0 : i32
    %cond3A_21 = arith.cmpi ne, %convert_element_type3A_19, %cond3A_20 : i32
    scf.if %cond3A_21 {
      "tpu.region"() ({
        %run_scoped3A = tpu.sem_alloc : memref<!tpu.dma_semaphore, #tpu.memory_space<semaphore_mem>>
        %dma_start3A = arith.constant 9984 : i32
        %dma_start3A_22 = arith.constant 0 : i32
        %dma_start3A_23 = tpu.memref_slice %arg5[%arg0, %dma_start3A, %dma_start3A_22] : memref<2x10000x128xf32, #tpu.memory_space<hbm>> -> memref<1x16x128xf32, #tpu.memory_space<hbm>>
        %dma_start3A_24 = tpu.memref_squeeze %dma_start3A_23 : memref<1x16x128xf32, #tpu.memory_space<hbm>> -> memref<16x128xf32, #tpu.memory_space<hbm>>
        %dma_start3A_25 = arith.constant 9984 : i32
        %dma_start3A_26 = arith.constant 0 : i32
        %dma_start3A_27 = tpu.memref_slice %arg8[%dma_start3A_25, %dma_start3A_26] : memref<10000x128xf32, #tpu.memory_space<vmem_shared>> -> memref<16x128xf32, #tpu.memory_space<vmem_shared>>
        tpu.enqueue_dma source(%dma_start3A_27 : memref<16x128xf32, #tpu.memory_space<vmem_shared>>) target(%dma_start3A_24 : memref<16x128xf32, #tpu.memory_space<hbm>>) target_semaphore(%run_scoped3A : memref<!tpu.dma_semaphore, #tpu.memory_space<semaphore_mem>>)
        %dma_wait3A = arith.constant 9984 : i32
        %dma_wait3A_28 = arith.constant 0 : i32
        %dma_wait3A_29 = tpu.memref_slice %arg5[%arg0, %dma_wait3A, %dma_wait3A_28] : memref<2x10000x128xf32, #tpu.memory_space<hbm>> -> memref<1x16x128xf32, #tpu.memory_space<hbm>>
        %dma_wait3A_30 = tpu.memref_squeeze %dma_wait3A_29 : memref<1x16x128xf32, #tpu.memory_space<hbm>> -> memref<16x128xf32, #tpu.memory_space<hbm>>
        %dma_wait3A_31 = arith.constant 9984 : i32
        %dma_wait3A_32 = arith.constant 0 : i32
        %dma_wait3A_33 = tpu.memref_slice %arg8[%dma_wait3A_31, %dma_wait3A_32] : memref<10000x128xf32, #tpu.memory_space<vmem_shared>> -> memref<16x128xf32, #tpu.memory_space<vmem_shared>>
        tpu.wait_dma2 semaphore(%run_scoped3A : memref<!tpu.dma_semaphore, #tpu.memory_space<semaphore_mem>>) src(%dma_wait3A_33 : memref<16x128xf32, #tpu.memory_space<vmem_shared>>) dst(%dma_wait3A_30 : memref<16x128xf32, #tpu.memory_space<hbm>>)
        tpu.yield
      }) : () -> ()
    } else {
    }
    return
  }
}

#map = affine_map<(d0, d1) -> (0, 0)>
#map1 = affine_map<(d0, d1) -> (0, 0, 0)>
module attributes {stable_mosaic.version = 14 : i64} {
  func.func @k(%arg0: i32, %arg1: i32, %arg2: memref<16640x128xf32, #tpu.memory_space<hbm>>, %arg3: memref<32x13x40xi32, #tpu.memory_space<hbm>>, %arg4: memref<2x10000x128xf32, #tpu.memory_space<hbm>>, %arg5: memref<2x10000x128xf32, #tpu.memory_space<hbm>>, %arg6: memref<13x40xi32, #tpu.memory_space<vmem>>, %arg7: memref<40x128xf32, #tpu.memory_space<vmem>>, %arg8: memref<10000x128xf32, #tpu.memory_space<vmem_shared>>, %arg9: memref<!tpu.dma_semaphore, #tpu.memory_space<semaphore_mem>>) attributes {dimension_semantics = [#tpu.dimension_semantics<core_parallel>, #tpu.dimension_semantics<subcore_parallel>], iteration_bounds = array<i64: 2, 16>, scalar_prefetch = 0 : i64, scratch_operands = 4 : i64, tpu.core_type = #tpu.core_type<sc_vector_subcore>, window_params = [{transform_indices = #map}, {transform_indices = #map1}, {transform_indices = #map1}, {transform_indices = #map1}]} {
    %mul3A = arith.constant 2 : i32
    %mul3A_0 = arith.muli %arg1, %mul3A : i32
    %add3A = arith.addi %mul3A_0, %arg0 : i32
    %mul3A_1 = arith.constant 624 : i32
    %mul3A_2 = arith.muli %arg1, %mul3A_1 : i32
    %mul3A_3 = arith.constant 624 : i32
    %mul3A_4 = arith.muli %arg1, %mul3A_3 : i32
    "tpu.region"() ({
      %run_scoped3A = tpu.sem_alloc : memref<!tpu.dma_semaphore, #tpu.memory_space<semaphore_mem>>
      %dma_start3A = arith.constant 0 : i32
      %dma_start3A_22 = tpu.memref_slice %arg8[%mul3A_4, %dma_start3A] : memref<10000x128xf32, #tpu.memory_space<vmem_shared>> -> memref<624x128xf32, #tpu.memory_space<vmem_shared>>
      %dma_start3A_23 = arith.constant 0 : i32
      %dma_start3A_24 = tpu.memref_slice %arg4[%arg0, %mul3A_2, %dma_start3A_23] : memref<2x10000x128xf32, #tpu.memory_space<hbm>> -> memref<1x624x128xf32, #tpu.memory_space<hbm>>
      %dma_start3A_25 = tpu.memref_squeeze %dma_start3A_24 : memref<1x624x128xf32, #tpu.memory_space<hbm>> -> memref<624x128xf32, #tpu.memory_space<hbm>>
      tpu.enqueue_dma source(%dma_start3A_25 : memref<624x128xf32, #tpu.memory_space<hbm>>) target(%dma_start3A_22 : memref<624x128xf32, #tpu.memory_space<vmem_shared>>) target_semaphore(%run_scoped3A : memref<!tpu.dma_semaphore, #tpu.memory_space<semaphore_mem>>)
      %dma_wait3A = arith.constant 0 : i32
      %dma_wait3A_26 = tpu.memref_slice %arg8[%mul3A_4, %dma_wait3A] : memref<10000x128xf32, #tpu.memory_space<vmem_shared>> -> memref<624x128xf32, #tpu.memory_space<vmem_shared>>
      %dma_wait3A_27 = arith.constant 0 : i32
      %dma_wait3A_28 = tpu.memref_slice %arg4[%arg0, %mul3A_2, %dma_wait3A_27] : memref<2x10000x128xf32, #tpu.memory_space<hbm>> -> memref<1x624x128xf32, #tpu.memory_space<hbm>>
      %dma_wait3A_29 = tpu.memref_squeeze %dma_wait3A_28 : memref<1x624x128xf32, #tpu.memory_space<hbm>> -> memref<624x128xf32, #tpu.memory_space<hbm>>
      tpu.wait_dma2 semaphore(%run_scoped3A : memref<!tpu.dma_semaphore, #tpu.memory_space<semaphore_mem>>) src(%dma_wait3A_29 : memref<624x128xf32, #tpu.memory_space<hbm>>) dst(%dma_wait3A_26 : memref<624x128xf32, #tpu.memory_space<vmem_shared>>)
      tpu.yield
    }) : () -> ()
    %eq3A = arith.constant 15 : i32
    %eq3A_5 = arith.cmpi eq, %arg1, %eq3A : i32
    %convert_element_type3A = arith.extui %eq3A_5 : i1 to i32
    %cond3A = arith.constant 0 : i32
    %cond3A_6 = arith.cmpi ne, %convert_element_type3A, %cond3A : i32
    scf.if %cond3A_6 {
      "tpu.region"() ({
        %run_scoped3A = tpu.sem_alloc : memref<!tpu.dma_semaphore, #tpu.memory_space<semaphore_mem>>
        %dma_start3A = arith.constant 9984 : i32
        %dma_start3A_22 = arith.constant 0 : i32
        %dma_start3A_23 = tpu.memref_slice %arg8[%dma_start3A, %dma_start3A_22] : memref<10000x128xf32, #tpu.memory_space<vmem_shared>> -> memref<16x128xf32, #tpu.memory_space<vmem_shared>>
        %dma_start3A_24 = arith.constant 9984 : i32
        %dma_start3A_25 = arith.constant 0 : i32
        %dma_start3A_26 = tpu.memref_slice %arg4[%arg0, %dma_start3A_24, %dma_start3A_25] : memref<2x10000x128xf32, #tpu.memory_space<hbm>> -> memref<1x16x128xf32, #tpu.memory_space<hbm>>
        %dma_start3A_27 = tpu.memref_squeeze %dma_start3A_26 : memref<1x16x128xf32, #tpu.memory_space<hbm>> -> memref<16x128xf32, #tpu.memory_space<hbm>>
        tpu.enqueue_dma source(%dma_start3A_27 : memref<16x128xf32, #tpu.memory_space<hbm>>) target(%dma_start3A_23 : memref<16x128xf32, #tpu.memory_space<vmem_shared>>) target_semaphore(%run_scoped3A : memref<!tpu.dma_semaphore, #tpu.memory_space<semaphore_mem>>)
        %dma_wait3A = arith.constant 9984 : i32
        %dma_wait3A_28 = arith.constant 0 : i32
        %dma_wait3A_29 = tpu.memref_slice %arg8[%dma_wait3A, %dma_wait3A_28] : memref<10000x128xf32, #tpu.memory_space<vmem_shared>> -> memref<16x128xf32, #tpu.memory_space<vmem_shared>>
        %dma_wait3A_30 = arith.constant 9984 : i32
        %dma_wait3A_31 = arith.constant 0 : i32
        %dma_wait3A_32 = tpu.memref_slice %arg4[%arg0, %dma_wait3A_30, %dma_wait3A_31] : memref<2x10000x128xf32, #tpu.memory_space<hbm>> -> memref<1x16x128xf32, #tpu.memory_space<hbm>>
        %dma_wait3A_33 = tpu.memref_squeeze %dma_wait3A_32 : memref<1x16x128xf32, #tpu.memory_space<hbm>> -> memref<16x128xf32, #tpu.memory_space<hbm>>
        tpu.wait_dma2 semaphore(%run_scoped3A : memref<!tpu.dma_semaphore, #tpu.memory_space<semaphore_mem>>) src(%dma_wait3A_33 : memref<16x128xf32, #tpu.memory_space<hbm>>) dst(%dma_wait3A_29 : memref<16x128xf32, #tpu.memory_space<vmem_shared>>)
        tpu.yield
      }) : () -> ()
    } else {
    }
    "tpu.region"() ({
      %run_scoped3A = tpu.sem_alloc : memref<!tpu.dma_semaphore, #tpu.memory_space<semaphore_mem>>
      %dma_start3A = arith.constant 0 : i32
      %dma_start3A_22 = arith.constant 0 : i32
      %dma_start3A_23 = tpu.memref_slice %arg3[%add3A, %dma_start3A, %dma_start3A_22] : memref<32x13x40xi32, #tpu.memory_space<hbm>> -> memref<1x13x40xi32, #tpu.memory_space<hbm>>
      %dma_start3A_24 = tpu.memref_squeeze %dma_start3A_23 : memref<1x13x40xi32, #tpu.memory_space<hbm>> -> memref<13x40xi32, #tpu.memory_space<hbm>>
      %dma_start3A_25 = arith.constant 0 : i32
      %dma_start3A_26 = arith.constant 0 : i32
      %dma_start3A_27 = tpu.memref_slice %arg3[%add3A, %dma_start3A_25, %dma_start3A_26] : memref<32x13x40xi32, #tpu.memory_space<hbm>> -> memref<1x13x40xi32, #tpu.memory_space<hbm>>
      %dma_start3A_28 = tpu.memref_squeeze %dma_start3A_27 : memref<1x13x40xi32, #tpu.memory_space<hbm>> -> memref<13x40xi32, #tpu.memory_space<hbm>>
      tpu.enqueue_dma source(%dma_start3A_28 : memref<13x40xi32, #tpu.memory_space<hbm>>) target(%arg6 : memref<13x40xi32, #tpu.memory_space<vmem>>) target_semaphore(%run_scoped3A : memref<!tpu.dma_semaphore, #tpu.memory_space<semaphore_mem>>)
      %dma_wait3A = arith.constant 0 : i32
      %dma_wait3A_29 = arith.constant 0 : i32
      %dma_wait3A_30 = tpu.memref_slice %arg3[%add3A, %dma_wait3A, %dma_wait3A_29] : memref<32x13x40xi32, #tpu.memory_space<hbm>> -> memref<1x13x40xi32, #tpu.memory_space<hbm>>
      %dma_wait3A_31 = tpu.memref_squeeze %dma_wait3A_30 : memref<1x13x40xi32, #tpu.memory_space<hbm>> -> memref<13x40xi32, #tpu.memory_space<hbm>>
      %dma_wait3A_32 = arith.constant 0 : i32
      %dma_wait3A_33 = arith.constant 0 : i32
      %dma_wait3A_34 = tpu.memref_slice %arg3[%add3A, %dma_wait3A_32, %dma_wait3A_33] : memref<32x13x40xi32, #tpu.memory_space<hbm>> -> memref<1x13x40xi32, #tpu.memory_space<hbm>>
      %dma_wait3A_35 = tpu.memref_squeeze %dma_wait3A_34 : memref<1x13x40xi32, #tpu.memory_space<hbm>> -> memref<13x40xi32, #tpu.memory_space<hbm>>
      tpu.wait_dma2 semaphore(%run_scoped3A : memref<!tpu.dma_semaphore, #tpu.memory_space<semaphore_mem>>) src(%dma_wait3A_35 : memref<13x40xi32, #tpu.memory_space<hbm>>) dst(%arg6 : memref<13x40xi32, #tpu.memory_space<vmem>>)
      tpu.yield
    }) : () -> ()
    %barrier3A = arith.constant 0 : index
    tpu.barrier barrier_id(%barrier3A)
    %scan3A = arith.constant 0 : i32
    %scan3A_7 = arith.constant 0 : i32
    %scan3A_8 = arith.constant 13 : i32
    %scan3A_9 = arith.addi %scan3A_7, %scan3A_8 : i32
    %scan3A_10 = arith.constant 1 : i32
    scf.for %scan3A_22 = %scan3A_7 to %scan3A_9 step %scan3A_10  : i32 {
      %mul3A_23 = arith.constant 520 : i32
      %mul3A_24 = arith.muli %add3A, %mul3A_23 : i32
      %mul3A_25 = arith.constant 40 : i32
      %mul3A_26 = arith.muli %scan3A_22, %mul3A_25 : i32
      %add3A_27 = arith.addi %mul3A_24, %mul3A_26 : i32
      "tpu.region"() ({
        %run_scoped3A = tpu.sem_alloc : memref<!tpu.dma_semaphore, #tpu.memory_space<semaphore_mem>>
        %dma_start3A = arith.constant 0 : i32
        %dma_start3A_28 = tpu.memref_slice %arg2[%add3A_27, %dma_start3A] : memref<16640x128xf32, #tpu.memory_space<hbm>> -> memref<40x128xf32, #tpu.memory_space<hbm>>
        %dma_start3A_29 = arith.constant 0 : i32
        %dma_start3A_30 = tpu.memref_slice %arg2[%add3A_27, %dma_start3A_29] : memref<16640x128xf32, #tpu.memory_space<hbm>> -> memref<40x128xf32, #tpu.memory_space<hbm>>
        tpu.enqueue_dma source(%dma_start3A_30 : memref<40x128xf32, #tpu.memory_space<hbm>>) target(%arg7 : memref<40x128xf32, #tpu.memory_space<vmem>>) target_semaphore(%run_scoped3A : memref<!tpu.dma_semaphore, #tpu.memory_space<semaphore_mem>>)
        %dma_wait3A = arith.constant 0 : i32
        %dma_wait3A_31 = tpu.memref_slice %arg2[%add3A_27, %dma_wait3A] : memref<16640x128xf32, #tpu.memory_space<hbm>> -> memref<40x128xf32, #tpu.memory_space<hbm>>
        %dma_wait3A_32 = arith.constant 0 : i32
        %dma_wait3A_33 = tpu.memref_slice %arg2[%add3A_27, %dma_wait3A_32] : memref<16640x128xf32, #tpu.memory_space<hbm>> -> memref<40x128xf32, #tpu.memory_space<hbm>>
        tpu.wait_dma2 semaphore(%run_scoped3A : memref<!tpu.dma_semaphore, #tpu.memory_space<semaphore_mem>>) src(%dma_wait3A_33 : memref<40x128xf32, #tpu.memory_space<hbm>>) dst(%arg7 : memref<40x128xf32, #tpu.memory_space<vmem>>)
        tpu.yield
      }) : () -> ()
      "tpu.region"() ({
        %run_scoped3A = tpu.sem_alloc : memref<!tpu.dma_semaphore, #tpu.memory_space<semaphore_mem>>
        %dma_start3A = arith.constant 0 : i32
        %dma_start3A_28 = tpu.memref_slice %arg6[%scan3A_22, %dma_start3A] : memref<13x40xi32, #tpu.memory_space<vmem>> -> memref<1x40xi32, #tpu.memory_space<vmem>>
        %dma_start3A_29 = tpu.memref_squeeze %dma_start3A_28 : memref<1x40xi32, #tpu.memory_space<vmem>> -> memref<40xi32, #tpu.memory_space<vmem>>
        %dma_start3A_30 = arith.constant 0 : i32
        %dma_start3A_31 = arith.constant 0 : i32
        %dma_start3A_32 = tpu.memref_slice %arg8[%dma_start3A_30, %dma_start3A_31] : memref<10000x128xf32, #tpu.memory_space<vmem_shared>> -> memref<10000x128xf32, #tpu.memory_space<vmem_shared>>
        tpu.enqueue_indirect_dma source(%arg7 : memref<40x128xf32, #tpu.memory_space<vmem>>) target(%dma_start3A_32 : memref<10000x128xf32, #tpu.memory_space<vmem_shared>>) offsets(%dma_start3A_29 : memref<40xi32, #tpu.memory_space<vmem>>) semaphore(%run_scoped3A : memref<!tpu.dma_semaphore, #tpu.memory_space<semaphore_mem>>) {add = true}
        %dma_wait3A = arith.constant 0 : i32
        %dma_wait3A_33 = tpu.memref_slice %arg6[%scan3A_22, %dma_wait3A] : memref<13x40xi32, #tpu.memory_space<vmem>> -> memref<1x40xi32, #tpu.memory_space<vmem>>
        %dma_wait3A_34 = tpu.memref_squeeze %dma_wait3A_33 : memref<1x40xi32, #tpu.memory_space<vmem>> -> memref<40xi32, #tpu.memory_space<vmem>>
        %dma_wait3A_35 = arith.constant 0 : i32
        %dma_wait3A_36 = arith.constant 0 : i32
        %dma_wait3A_37 = tpu.memref_slice %arg8[%dma_wait3A_35, %dma_wait3A_36] : memref<10000x128xf32, #tpu.memory_space<vmem_shared>> -> memref<10000x128xf32, #tpu.memory_space<vmem_shared>>
        tpu.wait_indirect_dma semaphore(%run_scoped3A : memref<!tpu.dma_semaphore, #tpu.memory_space<semaphore_mem>>) src(%arg7 : memref<40x128xf32, #tpu.memory_space<vmem>>) dst(%dma_wait3A_37 : memref<10000x128xf32, #tpu.memory_space<vmem_shared>>)
        tpu.yield
      }) : () -> ()
    }
    %scan3A_11 = arith.constant 13 : i32
    %barrier3A_12 = arith.constant 0 : index
    tpu.barrier barrier_id(%barrier3A_12)
    %mul3A_13 = arith.constant 624 : i32
    %mul3A_14 = arith.muli %arg1, %mul3A_13 : i32
    %mul3A_15 = arith.constant 624 : i32
    %mul3A_16 = arith.muli %arg1, %mul3A_15 : i32
    "tpu.region"() ({
      %run_scoped3A = tpu.sem_alloc : memref<!tpu.dma_semaphore, #tpu.memory_space<semaphore_mem>>
      %dma_start3A = arith.constant 0 : i32
      %dma_start3A_22 = tpu.memref_slice %arg5[%arg0, %mul3A_16, %dma_start3A] : memref<2x10000x128xf32, #tpu.memory_space<hbm>> -> memref<1x624x128xf32, #tpu.memory_space<hbm>>
      %dma_start3A_23 = tpu.memref_squeeze %dma_start3A_22 : memref<1x624x128xf32, #tpu.memory_space<hbm>> -> memref<624x128xf32, #tpu.memory_space<hbm>>
      %dma_start3A_24 = arith.constant 0 : i32
      %dma_start3A_25 = tpu.memref_slice %arg8[%mul3A_14, %dma_start3A_24] : memref<10000x128xf32, #tpu.memory_space<vmem_shared>> -> memref<624x128xf32, #tpu.memory_space<vmem_shared>>
      tpu.enqueue_dma source(%dma_start3A_25 : memref<624x128xf32, #tpu.memory_space<vmem_shared>>) target(%dma_start3A_23 : memref<624x128xf32, #tpu.memory_space<hbm>>) target_semaphore(%run_scoped3A : memref<!tpu.dma_semaphore, #tpu.memory_space<semaphore_mem>>)
      %dma_wait3A = arith.constant 0 : i32
      %dma_wait3A_26 = tpu.memref_slice %arg5[%arg0, %mul3A_16, %dma_wait3A] : memref<2x10000x128xf32, #tpu.memory_space<hbm>> -> memref<1x624x128xf32, #tpu.memory_space<hbm>>
      %dma_wait3A_27 = tpu.memref_squeeze %dma_wait3A_26 : memref<1x624x128xf32, #tpu.memory_space<hbm>> -> memref<624x128xf32, #tpu.memory_space<hbm>>
      %dma_wait3A_28 = arith.constant 0 : i32
      %dma_wait3A_29 = tpu.memref_slice %arg8[%mul3A_14, %dma_wait3A_28] : memref<10000x128xf32, #tpu.memory_space<vmem_shared>> -> memref<624x128xf32, #tpu.memory_space<vmem_shared>>
      tpu.wait_dma2 semaphore(%run_scoped3A : memref<!tpu.dma_semaphore, #tpu.memory_space<semaphore_mem>>) src(%dma_wait3A_29 : memref<624x128xf32, #tpu.memory_space<vmem_shared>>) dst(%dma_wait3A_27 : memref<624x128xf32, #tpu.memory_space<hbm>>)
      tpu.yield
    }) : () -> ()
    %eq3A_17 = arith.constant 15 : i32
    %eq3A_18 = arith.cmpi eq, %arg1, %eq3A_17 : i32
    %convert_element_type3A_19 = arith.extui %eq3A_18 : i1 to i32
    %cond3A_20 = arith.constant 0 : i32
    %cond3A_21 = arith.cmpi ne, %convert_element_type3A_19, %cond3A_20 : i32
    scf.if %cond3A_21 {
      "tpu.region"() ({
        %run_scoped3A = tpu.sem_alloc : memref<!tpu.dma_semaphore, #tpu.memory_space<semaphore_mem>>
        %dma_start3A = arith.constant 9984 : i32
        %dma_start3A_22 = arith.constant 0 : i32
        %dma_start3A_23 = tpu.memref_slice %arg5[%arg0, %dma_start3A, %dma_start3A_22] : memref<2x10000x128xf32, #tpu.memory_space<hbm>> -> memref<1x16x128xf32, #tpu.memory_space<hbm>>
        %dma_start3A_24 = tpu.memref_squeeze %dma_start3A_23 : memref<1x16x128xf32, #tpu.memory_space<hbm>> -> memref<16x128xf32, #tpu.memory_space<hbm>>
        %dma_start3A_25 = arith.constant 9984 : i32
        %dma_start3A_26 = arith.constant 0 : i32
        %dma_start3A_27 = tpu.memref_slice %arg8[%dma_start3A_25, %dma_start3A_26] : memref<10000x128xf32, #tpu.memory_space<vmem_shared>> -> memref<16x128xf32, #tpu.memory_space<vmem_shared>>
        tpu.enqueue_dma source(%dma_start3A_27 : memref<16x128xf32, #tpu.memory_space<vmem_shared>>) target(%dma_start3A_24 : memref<16x128xf32, #tpu.memory_space<hbm>>) target_semaphore(%run_scoped3A : memref<!tpu.dma_semaphore, #tpu.memory_space<semaphore_mem>>)
        %dma_wait3A = arith.constant 9984 : i32
        %dma_wait3A_28 = arith.constant 0 : i32
        %dma_wait3A_29 = tpu.memref_slice %arg5[%arg0, %dma_wait3A, %dma_wait3A_28] : memref<2x10000x128xf32, #tpu.memory_space<hbm>> -> memref<1x16x128xf32, #tpu.memory_space<hbm>>
        %dma_wait3A_30 = tpu.memref_squeeze %dma_wait3A_29 : memref<1x16x128xf32, #tpu.memory_space<hbm>> -> memref<16x128xf32, #tpu.memory_space<hbm>>
        %dma_wait3A_31 = arith.constant 9984 : i32
        %dma_wait3A_32 = arith.constant 0 : i32
        %dma_wait3A_33 = tpu.memref_slice %arg8[%dma_wait3A_31, %dma_wait3A_32] : memref<10000x128xf32, #tpu.memory_space<vmem_shared>> -> memref<16x128xf32, #tpu.memory_space<vmem_shared>>
        tpu.wait_dma2 semaphore(%run_scoped3A : memref<!tpu.dma_semaphore, #tpu.memory_space<semaphore_mem>>) src(%dma_wait3A_33 : memref<16x128xf32, #tpu.memory_space<vmem_shared>>) dst(%dma_wait3A_30 : memref<16x128xf32, #tpu.memory_space<hbm>>)
        tpu.yield
      }) : () -> ()
    } else {
    }
    return
  }
}

module attributes {stable_mosaic.version = 14 : i64} {
  func.func @_dense_body(%arg0: i32, %arg1: memref<64x1280xf32, #tpu.memory_space<vmem>>, %arg2: memref<1280x128xf32, #tpu.memory_space<vmem>>, %arg3: memref<16x512xf32, #tpu.memory_space<vmem>>, %arg4: memref<4x128x512xf32, #tpu.memory_space<vmem>>, %arg5: memref<4x512x128xf32, #tpu.memory_space<vmem>>, %arg6: memref<128x128xf32, #tpu.memory_space<vmem>>, %arg7: memref<1280x128xf32, #tpu.memory_space<vmem>>) attributes {dimension_semantics = [#tpu.dimension_semantics<arbitrary>], iteration_bounds = array<i64: 16>, scalar_prefetch = 0 : i64, scratch_operands = 0 : i64, tpu.core_type = #tpu.core_type<tc>, window_params = [{transform_indices = @transform_0, window_bounds = array<i64: 64, 1280>}, {transform_indices = @transform_1, window_bounds = array<i64: 1280, 128>}, {pipeline_mode = #tpu.pipeline_mode<synchronous>, transform_indices = @transform_2, window_bounds = array<i64: 16, 512>}, {pipeline_mode = #tpu.pipeline_mode<synchronous>, transform_indices = @transform_3, window_bounds = array<i64: 4, 128, 512>}, {pipeline_mode = #tpu.pipeline_mode<synchronous>, transform_indices = @transform_4, window_bounds = array<i64: 4, 512, 128>}, {pipeline_mode = #tpu.pipeline_mode<synchronous>, transform_indices = @transform_5, window_bounds = array<i64: 128, 128>}, {transform_indices = @transform_6, window_bounds = array<i64: 1280, 128>}]} {
    %get3A = arith.constant 0 : index
    %get3A_0 = arith.constant 0 : index
    %get3A_1 = vector.load %arg2[%get3A, %get3A_0] : memref<1280x128xf32, #tpu.memory_space<vmem>>, vector<1280x128xf32>
    %get3A_2 = arith.constant 0 : index
    %get3A_3 = arith.constant 0 : index
    %get3A_4 = vector.load %arg1[%get3A_2, %get3A_3] : memref<64x1280xf32, #tpu.memory_space<vmem>>, vector<64x1280xf32>
    %get3A_5 = arith.constant 0 : index
    %get3A_6 = arith.constant 0 : index
    %get3A_7 = vector.load %arg3[%get3A_5, %get3A_6] : memref<16x512xf32, #tpu.memory_space<vmem>>, vector<16x512xf32>
    %get3A_8 = arith.constant 0 : index
    %get3A_9 = arith.constant 0 : index
    %get3A_10 = vector.load %arg6[%get3A_8, %get3A_9] : memref<128x128xf32, #tpu.memory_space<vmem>>, vector<128x128xf32>
    %dot_general3A = arith.constant dense<0.000000e+00> : vector<1280x128xf32>
    %dot_general3A_11 = tpu.matmul %get3A_1, %get3A_10, %dot_general3A {dimension_numbers = #tpu.dot_dimension_numbers<[1], [0], [0], [1], [0, 0, 1, 1], [], []>, transpose_lhs_hint = false} : vector<1280x128xf32>, vector<128x128xf32>, vector<1280x128xf32> -> vector<1280x128xf32>
    %slice3A = vector.extract_strided_slice %get3A_4 {offsets = [0, 0], sizes = [16, 1280], strides = [1, 1]} : vector<64x1280xf32> to vector<16x1280xf32>
    %dot_general3A_12 = arith.constant dense<0.000000e+00> : vector<1280x512xf32>
    %dot_general3A_13 = tpu.matmul %slice3A, %get3A_7, %dot_general3A_12 {dimension_numbers = #tpu.dot_dimension_numbers<[0], [0], [1], [1], [0, 1, 1, 1], [], []>, transpose_lhs_hint = false} : vector<16x1280xf32>, vector<16x512xf32>, vector<1280x512xf32> -> vector<1280x512xf32>
    %get3A_14 = arith.constant 0 : index
    %get3A_15 = arith.constant 0 : index
    %get3A_16 = arith.constant 0 : index
    %get3A_17 = vector.load %arg4[%get3A_14, %get3A_15, %get3A_16] : memref<4x128x512xf32, #tpu.memory_space<vmem>>, vector<1x128x512xf32>
    %get3A_18 = vector.shape_cast %get3A_17 : vector<1x128x512xf32> to vector<128x512xf32>
    %dot_general3A_19 = arith.constant dense<0.000000e+00> : vector<1280x512xf32>
    %dot_general3A_20 = tpu.matmul %get3A_1, %get3A_18, %dot_general3A_19 {dimension_numbers = #tpu.dot_dimension_numbers<[1], [0], [0], [1], [0, 0, 1, 1], [], []>, transpose_lhs_hint = false} : vector<1280x128xf32>, vector<128x512xf32>, vector<1280x512xf32> -> vector<1280x512xf32>
    %mul3A = arith.mulf %dot_general3A_13, %dot_general3A_20 : vector<1280x512xf32>
    %get3A_21 = arith.constant 0 : index
    %get3A_22 = arith.constant 0 : index
    %get3A_23 = arith.constant 0 : index
    %get3A_24 = vector.load %arg5[%get3A_21, %get3A_22, %get3A_23] : memref<4x512x128xf32, #tpu.memory_space<vmem>>, vector<1x512x128xf32>
    %get3A_25 = vector.shape_cast %get3A_24 : vector<1x512x128xf32> to vector<512x128xf32>
    %dot_general3A_26 = arith.constant dense<0.000000e+00> : vector<1280x128xf32>
    %dot_general3A_27 = tpu.matmul %mul3A, %get3A_25, %dot_general3A_26 {dimension_numbers = #tpu.dot_dimension_numbers<[1], [0], [0], [1], [0, 0, 1, 1], [], []>, transpose_lhs_hint = false} : vector<1280x512xf32>, vector<512x128xf32>, vector<1280x128xf32> -> vector<1280x128xf32>
    %add3A = arith.addf %dot_general3A_11, %dot_general3A_27 : vector<1280x128xf32>
    %slice3A_28 = vector.extract_strided_slice %get3A_4 {offsets = [16, 0], sizes = [16, 1280], strides = [1, 1]} : vector<64x1280xf32> to vector<16x1280xf32>
    %dot_general3A_29 = arith.constant dense<0.000000e+00> : vector<1280x512xf32>
    %dot_general3A_30 = tpu.matmul %slice3A_28, %get3A_7, %dot_general3A_29 {dimension_numbers = #tpu.dot_dimension_numbers<[0], [0], [1], [1], [0, 1, 1, 1], [], []>, transpose_lhs_hint = false} : vector<16x1280xf32>, vector<16x512xf32>, vector<1280x512xf32> -> vector<1280x512xf32>
    %get3A_31 = arith.constant 1 : index
    %get3A_32 = arith.constant 0 : index
    %get3A_33 = arith.constant 0 : index
    %get3A_34 = vector.load %arg4[%get3A_31, %get3A_32, %get3A_33] : memref<4x128x512xf32, #tpu.memory_space<vmem>>, vector<1x128x512xf32>
    %get3A_35 = vector.shape_cast %get3A_34 : vector<1x128x512xf32> to vector<128x512xf32>
    %dot_general3A_36 = arith.constant dense<0.000000e+00> : vector<1280x512xf32>
    %dot_general3A_37 = tpu.matmul %get3A_1, %get3A_35, %dot_general3A_36 {dimension_numbers = #tpu.dot_dimension_numbers<[1], [0], [0], [1], [0, 0, 1, 1], [], []>, transpose_lhs_hint = false} : vector<1280x128xf32>, vector<128x512xf32>, vector<1280x512xf32> -> vector<1280x512xf32>
    %mul3A_38 = arith.mulf %dot_general3A_30, %dot_general3A_37 : vector<1280x512xf32>
    %get3A_39 = arith.constant 1 : index
    %get3A_40 = arith.constant 0 : index
    %get3A_41 = arith.constant 0 : index
    %get3A_42 = vector.load %arg5[%get3A_39, %get3A_40, %get3A_41] : memref<4x512x128xf32, #tpu.memory_space<vmem>>, vector<1x512x128xf32>
    %get3A_43 = vector.shape_cast %get3A_42 : vector<1x512x128xf32> to vector<512x128xf32>
    %dot_general3A_44 = arith.constant dense<0.000000e+00> : vector<1280x128xf32>
    %dot_general3A_45 = tpu.matmul %mul3A_38, %get3A_43, %dot_general3A_44 {dimension_numbers = #tpu.dot_dimension_numbers<[1], [0], [0], [1], [0, 0, 1, 1], [], []>, transpose_lhs_hint = false} : vector<1280x512xf32>, vector<512x128xf32>, vector<1280x128xf32> -> vector<1280x128xf32>
    %add3A_46 = arith.addf %add3A, %dot_general3A_45 : vector<1280x128xf32>
    %slice3A_47 = vector.extract_strided_slice %get3A_4 {offsets = [32, 0], sizes = [16, 1280], strides = [1, 1]} : vector<64x1280xf32> to vector<16x1280xf32>
    %dot_general3A_48 = arith.constant dense<0.000000e+00> : vector<1280x512xf32>
    %dot_general3A_49 = tpu.matmul %slice3A_47, %get3A_7, %dot_general3A_48 {dimension_numbers = #tpu.dot_dimension_numbers<[0], [0], [1], [1], [0, 1, 1, 1], [], []>, transpose_lhs_hint = false} : vector<16x1280xf32>, vector<16x512xf32>, vector<1280x512xf32> -> vector<1280x512xf32>
    %get3A_50 = arith.constant 2 : index
    %get3A_51 = arith.constant 0 : index
    %get3A_52 = arith.constant 0 : index
    %get3A_53 = vector.load %arg4[%get3A_50, %get3A_51, %get3A_52] : memref<4x128x512xf32, #tpu.memory_space<vmem>>, vector<1x128x512xf32>
    %get3A_54 = vector.shape_cast %get3A_53 : vector<1x128x512xf32> to vector<128x512xf32>
    %dot_general3A_55 = arith.constant dense<0.000000e+00> : vector<1280x512xf32>
    %dot_general3A_56 = tpu.matmul %get3A_1, %get3A_54, %dot_general3A_55 {dimension_numbers = #tpu.dot_dimension_numbers<[1], [0], [0], [1], [0, 0, 1, 1], [], []>, transpose_lhs_hint = false} : vector<1280x128xf32>, vector<128x512xf32>, vector<1280x512xf32> -> vector<1280x512xf32>
    %mul3A_57 = arith.mulf %dot_general3A_49, %dot_general3A_56 : vector<1280x512xf32>
    %get3A_58 = arith.constant 2 : index
    %get3A_59 = arith.constant 0 : index
    %get3A_60 = arith.constant 0 : index
    %get3A_61 = vector.load %arg5[%get3A_58, %get3A_59, %get3A_60] : memref<4x512x128xf32, #tpu.memory_space<vmem>>, vector<1x512x128xf32>
    %get3A_62 = vector.shape_cast %get3A_61 : vector<1x512x128xf32> to vector<512x128xf32>
    %dot_general3A_63 = arith.constant dense<0.000000e+00> : vector<1280x128xf32>
    %dot_general3A_64 = tpu.matmul %mul3A_57, %get3A_62, %dot_general3A_63 {dimension_numbers = #tpu.dot_dimension_numbers<[1], [0], [0], [1], [0, 0, 1, 1], [], []>, transpose_lhs_hint = false} : vector<1280x512xf32>, vector<512x128xf32>, vector<1280x128xf32> -> vector<1280x128xf32>
    %add3A_65 = arith.addf %add3A_46, %dot_general3A_64 : vector<1280x128xf32>
    %slice3A_66 = vector.extract_strided_slice %get3A_4 {offsets = [48, 0], sizes = [16, 1280], strides = [1, 1]} : vector<64x1280xf32> to vector<16x1280xf32>
    %dot_general3A_67 = arith.constant dense<0.000000e+00> : vector<1280x512xf32>
    %dot_general3A_68 = tpu.matmul %slice3A_66, %get3A_7, %dot_general3A_67 {dimension_numbers = #tpu.dot_dimension_numbers<[0], [0], [1], [1], [0, 1, 1, 1], [], []>, transpose_lhs_hint = false} : vector<16x1280xf32>, vector<16x512xf32>, vector<1280x512xf32> -> vector<1280x512xf32>
    %get3A_69 = arith.constant 3 : index
    %get3A_70 = arith.constant 0 : index
    %get3A_71 = arith.constant 0 : index
    %get3A_72 = vector.load %arg4[%get3A_69, %get3A_70, %get3A_71] : memref<4x128x512xf32, #tpu.memory_space<vmem>>, vector<1x128x512xf32>
    %get3A_73 = vector.shape_cast %get3A_72 : vector<1x128x512xf32> to vector<128x512xf32>
    %dot_general3A_74 = arith.constant dense<0.000000e+00> : vector<1280x512xf32>
    %dot_general3A_75 = tpu.matmul %get3A_1, %get3A_73, %dot_general3A_74 {dimension_numbers = #tpu.dot_dimension_numbers<[1], [0], [0], [1], [0, 0, 1, 1], [], []>, transpose_lhs_hint = false} : vector<1280x128xf32>, vector<128x512xf32>, vector<1280x512xf32> -> vector<1280x512xf32>
    %mul3A_76 = arith.mulf %dot_general3A_68, %dot_general3A_75 : vector<1280x512xf32>
    %get3A_77 = arith.constant 3 : index
    %get3A_78 = arith.constant 0 : index
    %get3A_79 = arith.constant 0 : index
    %get3A_80 = vector.load %arg5[%get3A_77, %get3A_78, %get3A_79] : memref<4x512x128xf32, #tpu.memory_space<vmem>>, vector<1x512x128xf32>
    %get3A_81 = vector.shape_cast %get3A_80 : vector<1x512x128xf32> to vector<512x128xf32>
    %dot_general3A_82 = arith.constant dense<0.000000e+00> : vector<1280x128xf32>
    %dot_general3A_83 = tpu.matmul %mul3A_76, %get3A_81, %dot_general3A_82 {dimension_numbers = #tpu.dot_dimension_numbers<[1], [0], [0], [1], [0, 0, 1, 1], [], []>, transpose_lhs_hint = false} : vector<1280x512xf32>, vector<512x128xf32>, vector<1280x128xf32> -> vector<1280x128xf32>
    %add3A_84 = arith.addf %add3A_65, %dot_general3A_83 : vector<1280x128xf32>
    %swap3A = arith.constant 0 : index
    %swap3A_85 = arith.constant 0 : index
    %swap3A_86 = vector.load %arg7[%swap3A, %swap3A_85] : memref<1280x128xf32, #tpu.memory_space<vmem>>, vector<1280x128xf32>
    tpu.vector_store %arg7[%swap3A, %swap3A_85], %add3A_84 {strides = array<i32>} : memref<1280x128xf32, #tpu.memory_space<vmem>>, vector<1280x128xf32>,
    return
  }
  func.func @transform_0(%arg0: i32) -> (i32, i32) {
    %add3A = arith.constant 0 : i32
    %add3A_0 = arith.addi %arg0, %add3A : i32
    %c0_i32 = arith.constant 0 : i32
    %c0_i32_1 = arith.constant 0 : i32
    return %c0_i32, %add3A_0 : i32, i32
  }
  func.func @transform_1(%arg0: i32) -> (i32, i32) {
    %c0_i32 = arith.constant 0 : i32
    %c0_i32_0 = arith.constant 0 : i32
    return %arg0, %c0_i32 : i32, i32
  }
  func.func @transform_2(%arg0: i32) -> (i32, i32) {
    %c0_i32 = arith.constant 0 : i32
    %c0_i32_0 = arith.constant 0 : i32
    %c0_i32_1 = arith.constant 0 : i32
    return %c0_i32, %c0_i32_0 : i32, i32
  }
  func.func @transform_3(%arg0: i32) -> (i32, i32, i32) {
    %c0_i32 = arith.constant 0 : i32
    %c0_i32_0 = arith.constant 0 : i32
    %c0_i32_1 = arith.constant 0 : i32
    %c0_i32_2 = arith.constant 0 : i32
    return %c0_i32, %c0_i32_0, %c0_i32_1 : i32, i32, i32
  }
  func.func @transform_4(%arg0: i32) -> (i32, i32, i32) {
    %c0_i32 = arith.constant 0 : i32
    %c0_i32_0 = arith.constant 0 : i32
    %c0_i32_1 = arith.constant 0 : i32
    %c0_i32_2 = arith.constant 0 : i32
    return %c0_i32, %c0_i32_0, %c0_i32_1 : i32, i32, i32
  }
  func.func @transform_5(%arg0: i32) -> (i32, i32) {
    %c0_i32 = arith.constant 0 : i32
    %c0_i32_0 = arith.constant 0 : i32
    %c0_i32_1 = arith.constant 0 : i32
    return %c0_i32, %c0_i32_0 : i32, i32
  }
  func.func @transform_6(%arg0: i32) -> (i32, i32) {
    %c0_i32 = arith.constant 0 : i32
    %c0_i32_0 = arith.constant 0 : i32
    return %arg0, %c0_i32 : i32, i32
  }
}

module attributes {stable_mosaic.version = 14 : i64} {
  func.func @_dense_body(%arg0: i32, %arg1: memref<64x1280xf32, #tpu.memory_space<vmem>>, %arg2: memref<1280x128xf32, #tpu.memory_space<vmem>>, %arg3: memref<16x512xf32, #tpu.memory_space<vmem>>, %arg4: memref<4x128x512xf32, #tpu.memory_space<vmem>>, %arg5: memref<4x512x128xf32, #tpu.memory_space<vmem>>, %arg6: memref<128x128xf32, #tpu.memory_space<vmem>>, %arg7: memref<1280x128xf32, #tpu.memory_space<vmem>>) attributes {dimension_semantics = [#tpu.dimension_semantics<arbitrary>], iteration_bounds = array<i64: 32>, scalar_prefetch = 0 : i64, scratch_operands = 0 : i64, tpu.core_type = #tpu.core_type<tc>, window_params = [{transform_indices = @transform_0, window_bounds = array<i64: 64, 1280>}, {transform_indices = @transform_1, window_bounds = array<i64: 1280, 128>}, {pipeline_mode = #tpu.pipeline_mode<synchronous>, transform_indices = @transform_2, window_bounds = array<i64: 16, 512>}, {pipeline_mode = #tpu.pipeline_mode<synchronous>, transform_indices = @transform_3, window_bounds = array<i64: 4, 128, 512>}, {pipeline_mode = #tpu.pipeline_mode<synchronous>, transform_indices = @transform_4, window_bounds = array<i64: 4, 512, 128>}, {pipeline_mode = #tpu.pipeline_mode<synchronous>, transform_indices = @transform_5, window_bounds = array<i64: 128, 128>}, {transform_indices = @transform_6, window_bounds = array<i64: 1280, 128>}]} {
    %get3A = arith.constant 0 : index
    %get3A_0 = arith.constant 0 : index
    %get3A_1 = vector.load %arg2[%get3A, %get3A_0] : memref<1280x128xf32, #tpu.memory_space<vmem>>, vector<1280x128xf32>
    %get3A_2 = arith.constant 0 : index
    %get3A_3 = arith.constant 0 : index
    %get3A_4 = vector.load %arg1[%get3A_2, %get3A_3] : memref<64x1280xf32, #tpu.memory_space<vmem>>, vector<64x1280xf32>
    %get3A_5 = arith.constant 0 : index
    %get3A_6 = arith.constant 0 : index
    %get3A_7 = vector.load %arg3[%get3A_5, %get3A_6] : memref<16x512xf32, #tpu.memory_space<vmem>>, vector<16x512xf32>
    %get3A_8 = arith.constant 0 : index
    %get3A_9 = arith.constant 0 : index
    %get3A_10 = vector.load %arg6[%get3A_8, %get3A_9] : memref<128x128xf32, #tpu.memory_space<vmem>>, vector<128x128xf32>
    %dot_general3A = arith.constant dense<0.000000e+00> : vector<1280x128xf32>
    %dot_general3A_11 = tpu.matmul %get3A_1, %get3A_10, %dot_general3A {dimension_numbers = #tpu.dot_dimension_numbers<[1], [0], [0], [1], [0, 0, 1, 1], [], []>, transpose_lhs_hint = false} : vector<1280x128xf32>, vector<128x128xf32>, vector<1280x128xf32> -> vector<1280x128xf32>
    %slice3A = vector.extract_strided_slice %get3A_4 {offsets = [0, 0], sizes = [16, 1280], strides = [1, 1]} : vector<64x1280xf32> to vector<16x1280xf32>
    %dot_general3A_12 = arith.constant dense<0.000000e+00> : vector<1280x512xf32>
    %dot_general3A_13 = tpu.matmul %slice3A, %get3A_7, %dot_general3A_12 {dimension_numbers = #tpu.dot_dimension_numbers<[0], [0], [1], [1], [0, 1, 1, 1], [], []>, transpose_lhs_hint = false} : vector<16x1280xf32>, vector<16x512xf32>, vector<1280x512xf32> -> vector<1280x512xf32>
    %get3A_14 = arith.constant 0 : index
    %get3A_15 = arith.constant 0 : index
    %get3A_16 = arith.constant 0 : index
    %get3A_17 = vector.load %arg4[%get3A_14, %get3A_15, %get3A_16] : memref<4x128x512xf32, #tpu.memory_space<vmem>>, vector<1x128x512xf32>
    %get3A_18 = vector.shape_cast %get3A_17 : vector<1x128x512xf32> to vector<128x512xf32>
    %dot_general3A_19 = arith.constant dense<0.000000e+00> : vector<1280x512xf32>
    %dot_general3A_20 = tpu.matmul %get3A_1, %get3A_18, %dot_general3A_19 {dimension_numbers = #tpu.dot_dimension_numbers<[1], [0], [0], [1], [0, 0, 1, 1], [], []>, transpose_lhs_hint = false} : vector<1280x128xf32>, vector<128x512xf32>, vector<1280x512xf32> -> vector<1280x512xf32>
    %mul3A = arith.mulf %dot_general3A_13, %dot_general3A_20 : vector<1280x512xf32>
    %get3A_21 = arith.constant 0 : index
    %get3A_22 = arith.constant 0 : index
    %get3A_23 = arith.constant 0 : index
    %get3A_24 = vector.load %arg5[%get3A_21, %get3A_22, %get3A_23] : memref<4x512x128xf32, #tpu.memory_space<vmem>>, vector<1x512x128xf32>
    %get3A_25 = vector.shape_cast %get3A_24 : vector<1x512x128xf32> to vector<512x128xf32>
    %dot_general3A_26 = arith.constant dense<0.000000e+00> : vector<1280x128xf32>
    %dot_general3A_27 = tpu.matmul %mul3A, %get3A_25, %dot_general3A_26 {dimension_numbers = #tpu.dot_dimension_numbers<[1], [0], [0], [1], [0, 0, 1, 1], [], []>, transpose_lhs_hint = false} : vector<1280x512xf32>, vector<512x128xf32>, vector<1280x128xf32> -> vector<1280x128xf32>
    %add3A = arith.addf %dot_general3A_11, %dot_general3A_27 : vector<1280x128xf32>
    %slice3A_28 = vector.extract_strided_slice %get3A_4 {offsets = [16, 0], sizes = [16, 1280], strides = [1, 1]} : vector<64x1280xf32> to vector<16x1280xf32>
    %dot_general3A_29 = arith.constant dense<0.000000e+00> : vector<1280x512xf32>
    %dot_general3A_30 = tpu.matmul %slice3A_28, %get3A_7, %dot_general3A_29 {dimension_numbers = #tpu.dot_dimension_numbers<[0], [0], [1], [1], [0, 1, 1, 1], [], []>, transpose_lhs_hint = false} : vector<16x1280xf32>, vector<16x512xf32>, vector<1280x512xf32> -> vector<1280x512xf32>
    %get3A_31 = arith.constant 1 : index
    %get3A_32 = arith.constant 0 : index
    %get3A_33 = arith.constant 0 : index
    %get3A_34 = vector.load %arg4[%get3A_31, %get3A_32, %get3A_33] : memref<4x128x512xf32, #tpu.memory_space<vmem>>, vector<1x128x512xf32>
    %get3A_35 = vector.shape_cast %get3A_34 : vector<1x128x512xf32> to vector<128x512xf32>
    %dot_general3A_36 = arith.constant dense<0.000000e+00> : vector<1280x512xf32>
    %dot_general3A_37 = tpu.matmul %get3A_1, %get3A_35, %dot_general3A_36 {dimension_numbers = #tpu.dot_dimension_numbers<[1], [0], [0], [1], [0, 0, 1, 1], [], []>, transpose_lhs_hint = false} : vector<1280x128xf32>, vector<128x512xf32>, vector<1280x512xf32> -> vector<1280x512xf32>
    %mul3A_38 = arith.mulf %dot_general3A_30, %dot_general3A_37 : vector<1280x512xf32>
    %get3A_39 = arith.constant 1 : index
    %get3A_40 = arith.constant 0 : index
    %get3A_41 = arith.constant 0 : index
    %get3A_42 = vector.load %arg5[%get3A_39, %get3A_40, %get3A_41] : memref<4x512x128xf32, #tpu.memory_space<vmem>>, vector<1x512x128xf32>
    %get3A_43 = vector.shape_cast %get3A_42 : vector<1x512x128xf32> to vector<512x128xf32>
    %dot_general3A_44 = arith.constant dense<0.000000e+00> : vector<1280x128xf32>
    %dot_general3A_45 = tpu.matmul %mul3A_38, %get3A_43, %dot_general3A_44 {dimension_numbers = #tpu.dot_dimension_numbers<[1], [0], [0], [1], [0, 0, 1, 1], [], []>, transpose_lhs_hint = false} : vector<1280x512xf32>, vector<512x128xf32>, vector<1280x128xf32> -> vector<1280x128xf32>
    %add3A_46 = arith.addf %add3A, %dot_general3A_45 : vector<1280x128xf32>
    %slice3A_47 = vector.extract_strided_slice %get3A_4 {offsets = [32, 0], sizes = [16, 1280], strides = [1, 1]} : vector<64x1280xf32> to vector<16x1280xf32>
    %dot_general3A_48 = arith.constant dense<0.000000e+00> : vector<1280x512xf32>
    %dot_general3A_49 = tpu.matmul %slice3A_47, %get3A_7, %dot_general3A_48 {dimension_numbers = #tpu.dot_dimension_numbers<[0], [0], [1], [1], [0, 1, 1, 1], [], []>, transpose_lhs_hint = false} : vector<16x1280xf32>, vector<16x512xf32>, vector<1280x512xf32> -> vector<1280x512xf32>
    %get3A_50 = arith.constant 2 : index
    %get3A_51 = arith.constant 0 : index
    %get3A_52 = arith.constant 0 : index
    %get3A_53 = vector.load %arg4[%get3A_50, %get3A_51, %get3A_52] : memref<4x128x512xf32, #tpu.memory_space<vmem>>, vector<1x128x512xf32>
    %get3A_54 = vector.shape_cast %get3A_53 : vector<1x128x512xf32> to vector<128x512xf32>
    %dot_general3A_55 = arith.constant dense<0.000000e+00> : vector<1280x512xf32>
    %dot_general3A_56 = tpu.matmul %get3A_1, %get3A_54, %dot_general3A_55 {dimension_numbers = #tpu.dot_dimension_numbers<[1], [0], [0], [1], [0, 0, 1, 1], [], []>, transpose_lhs_hint = false} : vector<1280x128xf32>, vector<128x512xf32>, vector<1280x512xf32> -> vector<1280x512xf32>
    %mul3A_57 = arith.mulf %dot_general3A_49, %dot_general3A_56 : vector<1280x512xf32>
    %get3A_58 = arith.constant 2 : index
    %get3A_59 = arith.constant 0 : index
    %get3A_60 = arith.constant 0 : index
    %get3A_61 = vector.load %arg5[%get3A_58, %get3A_59, %get3A_60] : memref<4x512x128xf32, #tpu.memory_space<vmem>>, vector<1x512x128xf32>
    %get3A_62 = vector.shape_cast %get3A_61 : vector<1x512x128xf32> to vector<512x128xf32>
    %dot_general3A_63 = arith.constant dense<0.000000e+00> : vector<1280x128xf32>
    %dot_general3A_64 = tpu.matmul %mul3A_57, %get3A_62, %dot_general3A_63 {dimension_numbers = #tpu.dot_dimension_numbers<[1], [0], [0], [1], [0, 0, 1, 1], [], []>, transpose_lhs_hint = false} : vector<1280x512xf32>, vector<512x128xf32>, vector<1280x128xf32> -> vector<1280x128xf32>
    %add3A_65 = arith.addf %add3A_46, %dot_general3A_64 : vector<1280x128xf32>
    %slice3A_66 = vector.extract_strided_slice %get3A_4 {offsets = [48, 0], sizes = [16, 1280], strides = [1, 1]} : vector<64x1280xf32> to vector<16x1280xf32>
    %dot_general3A_67 = arith.constant dense<0.000000e+00> : vector<1280x512xf32>
    %dot_general3A_68 = tpu.matmul %slice3A_66, %get3A_7, %dot_general3A_67 {dimension_numbers = #tpu.dot_dimension_numbers<[0], [0], [1], [1], [0, 1, 1, 1], [], []>, transpose_lhs_hint = false} : vector<16x1280xf32>, vector<16x512xf32>, vector<1280x512xf32> -> vector<1280x512xf32>
    %get3A_69 = arith.constant 3 : index
    %get3A_70 = arith.constant 0 : index
    %get3A_71 = arith.constant 0 : index
    %get3A_72 = vector.load %arg4[%get3A_69, %get3A_70, %get3A_71] : memref<4x128x512xf32, #tpu.memory_space<vmem>>, vector<1x128x512xf32>
    %get3A_73 = vector.shape_cast %get3A_72 : vector<1x128x512xf32> to vector<128x512xf32>
    %dot_general3A_74 = arith.constant dense<0.000000e+00> : vector<1280x512xf32>
    %dot_general3A_75 = tpu.matmul %get3A_1, %get3A_73, %dot_general3A_74 {dimension_numbers = #tpu.dot_dimension_numbers<[1], [0], [0], [1], [0, 0, 1, 1], [], []>, transpose_lhs_hint = false} : vector<1280x128xf32>, vector<128x512xf32>, vector<1280x512xf32> -> vector<1280x512xf32>
    %mul3A_76 = arith.mulf %dot_general3A_68, %dot_general3A_75 : vector<1280x512xf32>
    %get3A_77 = arith.constant 3 : index
    %get3A_78 = arith.constant 0 : index
    %get3A_79 = arith.constant 0 : index
    %get3A_80 = vector.load %arg5[%get3A_77, %get3A_78, %get3A_79] : memref<4x512x128xf32, #tpu.memory_space<vmem>>, vector<1x512x128xf32>
    %get3A_81 = vector.shape_cast %get3A_80 : vector<1x512x128xf32> to vector<512x128xf32>
    %dot_general3A_82 = arith.constant dense<0.000000e+00> : vector<1280x128xf32>
    %dot_general3A_83 = tpu.matmul %mul3A_76, %get3A_81, %dot_general3A_82 {dimension_numbers = #tpu.dot_dimension_numbers<[1], [0], [0], [1], [0, 0, 1, 1], [], []>, transpose_lhs_hint = false} : vector<1280x512xf32>, vector<512x128xf32>, vector<1280x128xf32> -> vector<1280x128xf32>
    %add3A_84 = arith.addf %add3A_65, %dot_general3A_83 : vector<1280x128xf32>
    %swap3A = arith.constant 0 : index
    %swap3A_85 = arith.constant 0 : index
    %swap3A_86 = vector.load %arg7[%swap3A, %swap3A_85] : memref<1280x128xf32, #tpu.memory_space<vmem>>, vector<1280x128xf32>
    tpu.vector_store %arg7[%swap3A, %swap3A_85], %add3A_84 {strides = array<i32>} : memref<1280x128xf32, #tpu.memory_space<vmem>>, vector<1280x128xf32>,
    return
  }
  func.func @transform_0(%arg0: i32) -> (i32, i32) {
    %add3A = arith.constant 16 : i32
    %add3A_0 = arith.addi %arg0, %add3A : i32
    %c0_i32 = arith.constant 0 : i32
    %c0_i32_1 = arith.constant 0 : i32
    return %c0_i32, %add3A_0 : i32, i32
  }
  func.func @transform_1(%arg0: i32) -> (i32, i32) {
    %c0_i32 = arith.constant 0 : i32
    %c0_i32_0 = arith.constant 0 : i32
    return %arg0, %c0_i32 : i32, i32
  }
  func.func @transform_2(%arg0: i32) -> (i32, i32) {
    %c0_i32 = arith.constant 0 : i32
    %c0_i32_0 = arith.constant 0 : i32
    %c0_i32_1 = arith.constant 0 : i32
    return %c0_i32, %c0_i32_0 : i32, i32
  }
  func.func @transform_3(%arg0: i32) -> (i32, i32, i32) {
    %c0_i32 = arith.constant 0 : i32
    %c0_i32_0 = arith.constant 0 : i32
    %c0_i32_1 = arith.constant 0 : i32
    %c0_i32_2 = arith.constant 0 : i32
    return %c0_i32, %c0_i32_0, %c0_i32_1 : i32, i32, i32
  }
  func.func @transform_4(%arg0: i32) -> (i32, i32, i32) {
    %c0_i32 = arith.constant 0 : i32
    %c0_i32_0 = arith.constant 0 : i32
    %c0_i32_1 = arith.constant 0 : i32
    %c0_i32_2 = arith.constant 0 : i32
    return %c0_i32, %c0_i32_0, %c0_i32_1 : i32, i32, i32
  }
  func.func @transform_5(%arg0: i32) -> (i32, i32) {
    %c0_i32 = arith.constant 0 : i32
    %c0_i32_0 = arith.constant 0 : i32
    %c0_i32_1 = arith.constant 0 : i32
    return %c0_i32, %c0_i32_0 : i32, i32
  }
  func.func @transform_6(%arg0: i32) -> (i32, i32) {
    %c0_i32 = arith.constant 0 : i32
    %c0_i32_0 = arith.constant 0 : i32
    return %arg0, %c0_i32 : i32, i32
  }
}

module attributes {stable_mosaic.version = 14 : i64} {
  func.func @_dense_body(%arg0: i32, %arg1: memref<64x1280xf32, #tpu.memory_space<vmem>>, %arg2: memref<1280x128xf32, #tpu.memory_space<vmem>>, %arg3: memref<16x512xf32, #tpu.memory_space<vmem>>, %arg4: memref<4x128x512xf32, #tpu.memory_space<vmem>>, %arg5: memref<4x512x128xf32, #tpu.memory_space<vmem>>, %arg6: memref<128x128xf32, #tpu.memory_space<vmem>>, %arg7: memref<1280x128xf32, #tpu.memory_space<vmem>>) attributes {dimension_semantics = [#tpu.dimension_semantics<arbitrary>], iteration_bounds = array<i64: 32>, scalar_prefetch = 0 : i64, scratch_operands = 0 : i64, tpu.core_type = #tpu.core_type<tc>, window_params = [{transform_indices = @transform_0, window_bounds = array<i64: 64, 1280>}, {transform_indices = @transform_1, window_bounds = array<i64: 1280, 128>}, {pipeline_mode = #tpu.pipeline_mode<synchronous>, transform_indices = @transform_2, window_bounds = array<i64: 16, 512>}, {pipeline_mode = #tpu.pipeline_mode<synchronous>, transform_indices = @transform_3, window_bounds = array<i64: 4, 128, 512>}, {pipeline_mode = #tpu.pipeline_mode<synchronous>, transform_indices = @transform_4, window_bounds = array<i64: 4, 512, 128>}, {pipeline_mode = #tpu.pipeline_mode<synchronous>, transform_indices = @transform_5, window_bounds = array<i64: 128, 128>}, {transform_indices = @transform_6, window_bounds = array<i64: 1280, 128>}]} {
    %get3A = arith.constant 0 : index
    %get3A_0 = arith.constant 0 : index
    %get3A_1 = vector.load %arg2[%get3A, %get3A_0] : memref<1280x128xf32, #tpu.memory_space<vmem>>, vector<1280x128xf32>
    %get3A_2 = arith.constant 0 : index
    %get3A_3 = arith.constant 0 : index
    %get3A_4 = vector.load %arg1[%get3A_2, %get3A_3] : memref<64x1280xf32, #tpu.memory_space<vmem>>, vector<64x1280xf32>
    %get3A_5 = arith.constant 0 : index
    %get3A_6 = arith.constant 0 : index
    %get3A_7 = vector.load %arg3[%get3A_5, %get3A_6] : memref<16x512xf32, #tpu.memory_space<vmem>>, vector<16x512xf32>
    %get3A_8 = arith.constant 0 : index
    %get3A_9 = arith.constant 0 : index
    %get3A_10 = vector.load %arg6[%get3A_8, %get3A_9] : memref<128x128xf32, #tpu.memory_space<vmem>>, vector<128x128xf32>
    %dot_general3A = arith.constant dense<0.000000e+00> : vector<1280x128xf32>
    %dot_general3A_11 = tpu.matmul %get3A_1, %get3A_10, %dot_general3A {dimension_numbers = #tpu.dot_dimension_numbers<[1], [0], [0], [1], [0, 0, 1, 1], [], []>, transpose_lhs_hint = false} : vector<1280x128xf32>, vector<128x128xf32>, vector<1280x128xf32> -> vector<1280x128xf32>
    %slice3A = vector.extract_strided_slice %get3A_4 {offsets = [0, 0], sizes = [16, 1280], strides = [1, 1]} : vector<64x1280xf32> to vector<16x1280xf32>
    %dot_general3A_12 = arith.constant dense<0.000000e+00> : vector<1280x512xf32>
    %dot_general3A_13 = tpu.matmul %slice3A, %get3A_7, %dot_general3A_12 {dimension_numbers = #tpu.dot_dimension_numbers<[0], [0], [1], [1], [0, 1, 1, 1], [], []>, transpose_lhs_hint = false} : vector<16x1280xf32>, vector<16x512xf32>, vector<1280x512xf32> -> vector<1280x512xf32>
    %get3A_14 = arith.constant 0 : index
    %get3A_15 = arith.constant 0 : index
    %get3A_16 = arith.constant 0 : index
    %get3A_17 = vector.load %arg4[%get3A_14, %get3A_15, %get3A_16] : memref<4x128x512xf32, #tpu.memory_space<vmem>>, vector<1x128x512xf32>
    %get3A_18 = vector.shape_cast %get3A_17 : vector<1x128x512xf32> to vector<128x512xf32>
    %dot_general3A_19 = arith.constant dense<0.000000e+00> : vector<1280x512xf32>
    %dot_general3A_20 = tpu.matmul %get3A_1, %get3A_18, %dot_general3A_19 {dimension_numbers = #tpu.dot_dimension_numbers<[1], [0], [0], [1], [0, 0, 1, 1], [], []>, transpose_lhs_hint = false} : vector<1280x128xf32>, vector<128x512xf32>, vector<1280x512xf32> -> vector<1280x512xf32>
    %mul3A = arith.mulf %dot_general3A_13, %dot_general3A_20 : vector<1280x512xf32>
    %get3A_21 = arith.constant 0 : index
    %get3A_22 = arith.constant 0 : index
    %get3A_23 = arith.constant 0 : index
    %get3A_24 = vector.load %arg5[%get3A_21, %get3A_22, %get3A_23] : memref<4x512x128xf32, #tpu.memory_space<vmem>>, vector<1x512x128xf32>
    %get3A_25 = vector.shape_cast %get3A_24 : vector<1x512x128xf32> to vector<512x128xf32>
    %dot_general3A_26 = arith.constant dense<0.000000e+00> : vector<1280x128xf32>
    %dot_general3A_27 = tpu.matmul %mul3A, %get3A_25, %dot_general3A_26 {dimension_numbers = #tpu.dot_dimension_numbers<[1], [0], [0], [1], [0, 0, 1, 1], [], []>, transpose_lhs_hint = false} : vector<1280x512xf32>, vector<512x128xf32>, vector<1280x128xf32> -> vector<1280x128xf32>
    %add3A = arith.addf %dot_general3A_11, %dot_general3A_27 : vector<1280x128xf32>
    %slice3A_28 = vector.extract_strided_slice %get3A_4 {offsets = [16, 0], sizes = [16, 1280], strides = [1, 1]} : vector<64x1280xf32> to vector<16x1280xf32>
    %dot_general3A_29 = arith.constant dense<0.000000e+00> : vector<1280x512xf32>
    %dot_general3A_30 = tpu.matmul %slice3A_28, %get3A_7, %dot_general3A_29 {dimension_numbers = #tpu.dot_dimension_numbers<[0], [0], [1], [1], [0, 1, 1, 1], [], []>, transpose_lhs_hint = false} : vector<16x1280xf32>, vector<16x512xf32>, vector<1280x512xf32> -> vector<1280x512xf32>
    %get3A_31 = arith.constant 1 : index
    %get3A_32 = arith.constant 0 : index
    %get3A_33 = arith.constant 0 : index
    %get3A_34 = vector.load %arg4[%get3A_31, %get3A_32, %get3A_33] : memref<4x128x512xf32, #tpu.memory_space<vmem>>, vector<1x128x512xf32>
    %get3A_35 = vector.shape_cast %get3A_34 : vector<1x128x512xf32> to vector<128x512xf32>
    %dot_general3A_36 = arith.constant dense<0.000000e+00> : vector<1280x512xf32>
    %dot_general3A_37 = tpu.matmul %get3A_1, %get3A_35, %dot_general3A_36 {dimension_numbers = #tpu.dot_dimension_numbers<[1], [0], [0], [1], [0, 0, 1, 1], [], []>, transpose_lhs_hint = false} : vector<1280x128xf32>, vector<128x512xf32>, vector<1280x512xf32> -> vector<1280x512xf32>
    %mul3A_38 = arith.mulf %dot_general3A_30, %dot_general3A_37 : vector<1280x512xf32>
    %get3A_39 = arith.constant 1 : index
    %get3A_40 = arith.constant 0 : index
    %get3A_41 = arith.constant 0 : index
    %get3A_42 = vector.load %arg5[%get3A_39, %get3A_40, %get3A_41] : memref<4x512x128xf32, #tpu.memory_space<vmem>>, vector<1x512x128xf32>
    %get3A_43 = vector.shape_cast %get3A_42 : vector<1x512x128xf32> to vector<512x128xf32>
    %dot_general3A_44 = arith.constant dense<0.000000e+00> : vector<1280x128xf32>
    %dot_general3A_45 = tpu.matmul %mul3A_38, %get3A_43, %dot_general3A_44 {dimension_numbers = #tpu.dot_dimension_numbers<[1], [0], [0], [1], [0, 0, 1, 1], [], []>, transpose_lhs_hint = false} : vector<1280x512xf32>, vector<512x128xf32>, vector<1280x128xf32> -> vector<1280x128xf32>
    %add3A_46 = arith.addf %add3A, %dot_general3A_45 : vector<1280x128xf32>
    %slice3A_47 = vector.extract_strided_slice %get3A_4 {offsets = [32, 0], sizes = [16, 1280], strides = [1, 1]} : vector<64x1280xf32> to vector<16x1280xf32>
    %dot_general3A_48 = arith.constant dense<0.000000e+00> : vector<1280x512xf32>
    %dot_general3A_49 = tpu.matmul %slice3A_47, %get3A_7, %dot_general3A_48 {dimension_numbers = #tpu.dot_dimension_numbers<[0], [0], [1], [1], [0, 1, 1, 1], [], []>, transpose_lhs_hint = false} : vector<16x1280xf32>, vector<16x512xf32>, vector<1280x512xf32> -> vector<1280x512xf32>
    %get3A_50 = arith.constant 2 : index
    %get3A_51 = arith.constant 0 : index
    %get3A_52 = arith.constant 0 : index
    %get3A_53 = vector.load %arg4[%get3A_50, %get3A_51, %get3A_52] : memref<4x128x512xf32, #tpu.memory_space<vmem>>, vector<1x128x512xf32>
    %get3A_54 = vector.shape_cast %get3A_53 : vector<1x128x512xf32> to vector<128x512xf32>
    %dot_general3A_55 = arith.constant dense<0.000000e+00> : vector<1280x512xf32>
    %dot_general3A_56 = tpu.matmul %get3A_1, %get3A_54, %dot_general3A_55 {dimension_numbers = #tpu.dot_dimension_numbers<[1], [0], [0], [1], [0, 0, 1, 1], [], []>, transpose_lhs_hint = false} : vector<1280x128xf32>, vector<128x512xf32>, vector<1280x512xf32> -> vector<1280x512xf32>
    %mul3A_57 = arith.mulf %dot_general3A_49, %dot_general3A_56 : vector<1280x512xf32>
    %get3A_58 = arith.constant 2 : index
    %get3A_59 = arith.constant 0 : index
    %get3A_60 = arith.constant 0 : index
    %get3A_61 = vector.load %arg5[%get3A_58, %get3A_59, %get3A_60] : memref<4x512x128xf32, #tpu.memory_space<vmem>>, vector<1x512x128xf32>
    %get3A_62 = vector.shape_cast %get3A_61 : vector<1x512x128xf32> to vector<512x128xf32>
    %dot_general3A_63 = arith.constant dense<0.000000e+00> : vector<1280x128xf32>
    %dot_general3A_64 = tpu.matmul %mul3A_57, %get3A_62, %dot_general3A_63 {dimension_numbers = #tpu.dot_dimension_numbers<[1], [0], [0], [1], [0, 0, 1, 1], [], []>, transpose_lhs_hint = false} : vector<1280x512xf32>, vector<512x128xf32>, vector<1280x128xf32> -> vector<1280x128xf32>
    %add3A_65 = arith.addf %add3A_46, %dot_general3A_64 : vector<1280x128xf32>
    %slice3A_66 = vector.extract_strided_slice %get3A_4 {offsets = [48, 0], sizes = [16, 1280], strides = [1, 1]} : vector<64x1280xf32> to vector<16x1280xf32>
    %dot_general3A_67 = arith.constant dense<0.000000e+00> : vector<1280x512xf32>
    %dot_general3A_68 = tpu.matmul %slice3A_66, %get3A_7, %dot_general3A_67 {dimension_numbers = #tpu.dot_dimension_numbers<[0], [0], [1], [1], [0, 1, 1, 1], [], []>, transpose_lhs_hint = false} : vector<16x1280xf32>, vector<16x512xf32>, vector<1280x512xf32> -> vector<1280x512xf32>
    %get3A_69 = arith.constant 3 : index
    %get3A_70 = arith.constant 0 : index
    %get3A_71 = arith.constant 0 : index
    %get3A_72 = vector.load %arg4[%get3A_69, %get3A_70, %get3A_71] : memref<4x128x512xf32, #tpu.memory_space<vmem>>, vector<1x128x512xf32>
    %get3A_73 = vector.shape_cast %get3A_72 : vector<1x128x512xf32> to vector<128x512xf32>
    %dot_general3A_74 = arith.constant dense<0.000000e+00> : vector<1280x512xf32>
    %dot_general3A_75 = tpu.matmul %get3A_1, %get3A_73, %dot_general3A_74 {dimension_numbers = #tpu.dot_dimension_numbers<[1], [0], [0], [1], [0, 0, 1, 1], [], []>, transpose_lhs_hint = false} : vector<1280x128xf32>, vector<128x512xf32>, vector<1280x512xf32> -> vector<1280x512xf32>
    %mul3A_76 = arith.mulf %dot_general3A_68, %dot_general3A_75 : vector<1280x512xf32>
    %get3A_77 = arith.constant 3 : index
    %get3A_78 = arith.constant 0 : index
    %get3A_79 = arith.constant 0 : index
    %get3A_80 = vector.load %arg5[%get3A_77, %get3A_78, %get3A_79] : memref<4x512x128xf32, #tpu.memory_space<vmem>>, vector<1x512x128xf32>
    %get3A_81 = vector.shape_cast %get3A_80 : vector<1x512x128xf32> to vector<512x128xf32>
    %dot_general3A_82 = arith.constant dense<0.000000e+00> : vector<1280x128xf32>
    %dot_general3A_83 = tpu.matmul %mul3A_76, %get3A_81, %dot_general3A_82 {dimension_numbers = #tpu.dot_dimension_numbers<[1], [0], [0], [1], [0, 0, 1, 1], [], []>, transpose_lhs_hint = false} : vector<1280x512xf32>, vector<512x128xf32>, vector<1280x128xf32> -> vector<1280x128xf32>
    %add3A_84 = arith.addf %add3A_65, %dot_general3A_83 : vector<1280x128xf32>
    %swap3A = arith.constant 0 : index
    %swap3A_85 = arith.constant 0 : index
    %swap3A_86 = vector.load %arg7[%swap3A, %swap3A_85] : memref<1280x128xf32, #tpu.memory_space<vmem>>, vector<1280x128xf32>
    tpu.vector_store %arg7[%swap3A, %swap3A_85], %add3A_84 {strides = array<i32>} : memref<1280x128xf32, #tpu.memory_space<vmem>>, vector<1280x128xf32>,
    return
  }
  func.func @transform_0(%arg0: i32) -> (i32, i32) {
    %add3A = arith.constant 48 : i32
    %add3A_0 = arith.addi %arg0, %add3A : i32
    %c0_i32 = arith.constant 0 : i32
    %c0_i32_1 = arith.constant 0 : i32
    return %c0_i32, %add3A_0 : i32, i32
  }
  func.func @transform_1(%arg0: i32) -> (i32, i32) {
    %c0_i32 = arith.constant 0 : i32
    %c0_i32_0 = arith.constant 0 : i32
    return %arg0, %c0_i32 : i32, i32
  }
  func.func @transform_2(%arg0: i32) -> (i32, i32) {
    %c0_i32 = arith.constant 0 : i32
    %c0_i32_0 = arith.constant 0 : i32
    %c0_i32_1 = arith.constant 0 : i32
    return %c0_i32, %c0_i32_0 : i32, i32
  }
  func.func @transform_3(%arg0: i32) -> (i32, i32, i32) {
    %c0_i32 = arith.constant 0 : i32
    %c0_i32_0 = arith.constant 0 : i32
    %c0_i32_1 = arith.constant 0 : i32
    %c0_i32_2 = arith.constant 0 : i32
    return %c0_i32, %c0_i32_0, %c0_i32_1 : i32, i32, i32
  }
  func.func @transform_4(%arg0: i32) -> (i32, i32, i32) {
    %c0_i32 = arith.constant 0 : i32
    %c0_i32_0 = arith.constant 0 : i32
    %c0_i32_1 = arith.constant 0 : i32
    %c0_i32_2 = arith.constant 0 : i32
    return %c0_i32, %c0_i32_0, %c0_i32_1 : i32, i32, i32
  }
  func.func @transform_5(%arg0: i32) -> (i32, i32) {
    %c0_i32 = arith.constant 0 : i32
    %c0_i32_0 = arith.constant 0 : i32
    %c0_i32_1 = arith.constant 0 : i32
    return %c0_i32, %c0_i32_0 : i32, i32
  }
  func.func @transform_6(%arg0: i32) -> (i32, i32) {
    %c0_i32 = arith.constant 0 : i32
    %c0_i32_0 = arith.constant 0 : i32
    return %arg0, %c0_i32 : i32, i32
  }
}

module attributes {stable_mosaic.version = 14 : i64} {
  func.func @_dense_body(%arg0: i32, %arg1: memref<64x1280xf32, #tpu.memory_space<vmem>>, %arg2: memref<1280x128xf32, #tpu.memory_space<vmem>>, %arg3: memref<16x512xf32, #tpu.memory_space<vmem>>, %arg4: memref<4x128x512xf32, #tpu.memory_space<vmem>>, %arg5: memref<4x512x128xf32, #tpu.memory_space<vmem>>, %arg6: memref<128x128xf32, #tpu.memory_space<vmem>>, %arg7: memref<1280x128xf32, #tpu.memory_space<vmem>>) attributes {dimension_semantics = [#tpu.dimension_semantics<arbitrary>], iteration_bounds = array<i64: 32>, scalar_prefetch = 0 : i64, scratch_operands = 0 : i64, tpu.core_type = #tpu.core_type<tc>, window_params = [{transform_indices = @transform_0, window_bounds = array<i64: 64, 1280>}, {transform_indices = @transform_1, window_bounds = array<i64: 1280, 128>}, {pipeline_mode = #tpu.pipeline_mode<synchronous>, transform_indices = @transform_2, window_bounds = array<i64: 16, 512>}, {pipeline_mode = #tpu.pipeline_mode<synchronous>, transform_indices = @transform_3, window_bounds = array<i64: 4, 128, 512>}, {pipeline_mode = #tpu.pipeline_mode<synchronous>, transform_indices = @transform_4, window_bounds = array<i64: 4, 512, 128>}, {pipeline_mode = #tpu.pipeline_mode<synchronous>, transform_indices = @transform_5, window_bounds = array<i64: 128, 128>}, {transform_indices = @transform_6, window_bounds = array<i64: 1280, 128>}]} {
    %get3A = arith.constant 0 : index
    %get3A_0 = arith.constant 0 : index
    %get3A_1 = vector.load %arg2[%get3A, %get3A_0] : memref<1280x128xf32, #tpu.memory_space<vmem>>, vector<1280x128xf32>
    %get3A_2 = arith.constant 0 : index
    %get3A_3 = arith.constant 0 : index
    %get3A_4 = vector.load %arg1[%get3A_2, %get3A_3] : memref<64x1280xf32, #tpu.memory_space<vmem>>, vector<64x1280xf32>
    %get3A_5 = arith.constant 0 : index
    %get3A_6 = arith.constant 0 : index
    %get3A_7 = vector.load %arg3[%get3A_5, %get3A_6] : memref<16x512xf32, #tpu.memory_space<vmem>>, vector<16x512xf32>
    %get3A_8 = arith.constant 0 : index
    %get3A_9 = arith.constant 0 : index
    %get3A_10 = vector.load %arg6[%get3A_8, %get3A_9] : memref<128x128xf32, #tpu.memory_space<vmem>>, vector<128x128xf32>
    %dot_general3A = arith.constant dense<0.000000e+00> : vector<1280x128xf32>
    %dot_general3A_11 = tpu.matmul %get3A_1, %get3A_10, %dot_general3A {dimension_numbers = #tpu.dot_dimension_numbers<[1], [0], [0], [1], [0, 0, 1, 1], [], []>, transpose_lhs_hint = false} : vector<1280x128xf32>, vector<128x128xf32>, vector<1280x128xf32> -> vector<1280x128xf32>
    %slice3A = vector.extract_strided_slice %get3A_4 {offsets = [0, 0], sizes = [16, 1280], strides = [1, 1]} : vector<64x1280xf32> to vector<16x1280xf32>
    %dot_general3A_12 = arith.constant dense<0.000000e+00> : vector<1280x512xf32>
    %dot_general3A_13 = tpu.matmul %slice3A, %get3A_7, %dot_general3A_12 {dimension_numbers = #tpu.dot_dimension_numbers<[0], [0], [1], [1], [0, 1, 1, 1], [], []>, transpose_lhs_hint = false} : vector<16x1280xf32>, vector<16x512xf32>, vector<1280x512xf32> -> vector<1280x512xf32>
    %get3A_14 = arith.constant 0 : index
    %get3A_15 = arith.constant 0 : index
    %get3A_16 = arith.constant 0 : index
    %get3A_17 = vector.load %arg4[%get3A_14, %get3A_15, %get3A_16] : memref<4x128x512xf32, #tpu.memory_space<vmem>>, vector<1x128x512xf32>
    %get3A_18 = vector.shape_cast %get3A_17 : vector<1x128x512xf32> to vector<128x512xf32>
    %dot_general3A_19 = arith.constant dense<0.000000e+00> : vector<1280x512xf32>
    %dot_general3A_20 = tpu.matmul %get3A_1, %get3A_18, %dot_general3A_19 {dimension_numbers = #tpu.dot_dimension_numbers<[1], [0], [0], [1], [0, 0, 1, 1], [], []>, transpose_lhs_hint = false} : vector<1280x128xf32>, vector<128x512xf32>, vector<1280x512xf32> -> vector<1280x512xf32>
    %mul3A = arith.mulf %dot_general3A_13, %dot_general3A_20 : vector<1280x512xf32>
    %get3A_21 = arith.constant 0 : index
    %get3A_22 = arith.constant 0 : index
    %get3A_23 = arith.constant 0 : index
    %get3A_24 = vector.load %arg5[%get3A_21, %get3A_22, %get3A_23] : memref<4x512x128xf32, #tpu.memory_space<vmem>>, vector<1x512x128xf32>
    %get3A_25 = vector.shape_cast %get3A_24 : vector<1x512x128xf32> to vector<512x128xf32>
    %dot_general3A_26 = arith.constant dense<0.000000e+00> : vector<1280x128xf32>
    %dot_general3A_27 = tpu.matmul %mul3A, %get3A_25, %dot_general3A_26 {dimension_numbers = #tpu.dot_dimension_numbers<[1], [0], [0], [1], [0, 0, 1, 1], [], []>, transpose_lhs_hint = false} : vector<1280x512xf32>, vector<512x128xf32>, vector<1280x128xf32> -> vector<1280x128xf32>
    %add3A = arith.addf %dot_general3A_11, %dot_general3A_27 : vector<1280x128xf32>
    %slice3A_28 = vector.extract_strided_slice %get3A_4 {offsets = [16, 0], sizes = [16, 1280], strides = [1, 1]} : vector<64x1280xf32> to vector<16x1280xf32>
    %dot_general3A_29 = arith.constant dense<0.000000e+00> : vector<1280x512xf32>
    %dot_general3A_30 = tpu.matmul %slice3A_28, %get3A_7, %dot_general3A_29 {dimension_numbers = #tpu.dot_dimension_numbers<[0], [0], [1], [1], [0, 1, 1, 1], [], []>, transpose_lhs_hint = false} : vector<16x1280xf32>, vector<16x512xf32>, vector<1280x512xf32> -> vector<1280x512xf32>
    %get3A_31 = arith.constant 1 : index
    %get3A_32 = arith.constant 0 : index
    %get3A_33 = arith.constant 0 : index
    %get3A_34 = vector.load %arg4[%get3A_31, %get3A_32, %get3A_33] : memref<4x128x512xf32, #tpu.memory_space<vmem>>, vector<1x128x512xf32>
    %get3A_35 = vector.shape_cast %get3A_34 : vector<1x128x512xf32> to vector<128x512xf32>
    %dot_general3A_36 = arith.constant dense<0.000000e+00> : vector<1280x512xf32>
    %dot_general3A_37 = tpu.matmul %get3A_1, %get3A_35, %dot_general3A_36 {dimension_numbers = #tpu.dot_dimension_numbers<[1], [0], [0], [1], [0, 0, 1, 1], [], []>, transpose_lhs_hint = false} : vector<1280x128xf32>, vector<128x512xf32>, vector<1280x512xf32> -> vector<1280x512xf32>
    %mul3A_38 = arith.mulf %dot_general3A_30, %dot_general3A_37 : vector<1280x512xf32>
    %get3A_39 = arith.constant 1 : index
    %get3A_40 = arith.constant 0 : index
    %get3A_41 = arith.constant 0 : index
    %get3A_42 = vector.load %arg5[%get3A_39, %get3A_40, %get3A_41] : memref<4x512x128xf32, #tpu.memory_space<vmem>>, vector<1x512x128xf32>
    %get3A_43 = vector.shape_cast %get3A_42 : vector<1x512x128xf32> to vector<512x128xf32>
    %dot_general3A_44 = arith.constant dense<0.000000e+00> : vector<1280x128xf32>
    %dot_general3A_45 = tpu.matmul %mul3A_38, %get3A_43, %dot_general3A_44 {dimension_numbers = #tpu.dot_dimension_numbers<[1], [0], [0], [1], [0, 0, 1, 1], [], []>, transpose_lhs_hint = false} : vector<1280x512xf32>, vector<512x128xf32>, vector<1280x128xf32> -> vector<1280x128xf32>
    %add3A_46 = arith.addf %add3A, %dot_general3A_45 : vector<1280x128xf32>
    %slice3A_47 = vector.extract_strided_slice %get3A_4 {offsets = [32, 0], sizes = [16, 1280], strides = [1, 1]} : vector<64x1280xf32> to vector<16x1280xf32>
    %dot_general3A_48 = arith.constant dense<0.000000e+00> : vector<1280x512xf32>
    %dot_general3A_49 = tpu.matmul %slice3A_47, %get3A_7, %dot_general3A_48 {dimension_numbers = #tpu.dot_dimension_numbers<[0], [0], [1], [1], [0, 1, 1, 1], [], []>, transpose_lhs_hint = false} : vector<16x1280xf32>, vector<16x512xf32>, vector<1280x512xf32> -> vector<1280x512xf32>
    %get3A_50 = arith.constant 2 : index
    %get3A_51 = arith.constant 0 : index
    %get3A_52 = arith.constant 0 : index
    %get3A_53 = vector.load %arg4[%get3A_50, %get3A_51, %get3A_52] : memref<4x128x512xf32, #tpu.memory_space<vmem>>, vector<1x128x512xf32>
    %get3A_54 = vector.shape_cast %get3A_53 : vector<1x128x512xf32> to vector<128x512xf32>
    %dot_general3A_55 = arith.constant dense<0.000000e+00> : vector<1280x512xf32>
    %dot_general3A_56 = tpu.matmul %get3A_1, %get3A_54, %dot_general3A_55 {dimension_numbers = #tpu.dot_dimension_numbers<[1], [0], [0], [1], [0, 0, 1, 1], [], []>, transpose_lhs_hint = false} : vector<1280x128xf32>, vector<128x512xf32>, vector<1280x512xf32> -> vector<1280x512xf32>
    %mul3A_57 = arith.mulf %dot_general3A_49, %dot_general3A_56 : vector<1280x512xf32>
    %get3A_58 = arith.constant 2 : index
    %get3A_59 = arith.constant 0 : index
    %get3A_60 = arith.constant 0 : index
    %get3A_61 = vector.load %arg5[%get3A_58, %get3A_59, %get3A_60] : memref<4x512x128xf32, #tpu.memory_space<vmem>>, vector<1x512x128xf32>
    %get3A_62 = vector.shape_cast %get3A_61 : vector<1x512x128xf32> to vector<512x128xf32>
    %dot_general3A_63 = arith.constant dense<0.000000e+00> : vector<1280x128xf32>
    %dot_general3A_64 = tpu.matmul %mul3A_57, %get3A_62, %dot_general3A_63 {dimension_numbers = #tpu.dot_dimension_numbers<[1], [0], [0], [1], [0, 0, 1, 1], [], []>, transpose_lhs_hint = false} : vector<1280x512xf32>, vector<512x128xf32>, vector<1280x128xf32> -> vector<1280x128xf32>
    %add3A_65 = arith.addf %add3A_46, %dot_general3A_64 : vector<1280x128xf32>
    %slice3A_66 = vector.extract_strided_slice %get3A_4 {offsets = [48, 0], sizes = [16, 1280], strides = [1, 1]} : vector<64x1280xf32> to vector<16x1280xf32>
    %dot_general3A_67 = arith.constant dense<0.000000e+00> : vector<1280x512xf32>
    %dot_general3A_68 = tpu.matmul %slice3A_66, %get3A_7, %dot_general3A_67 {dimension_numbers = #tpu.dot_dimension_numbers<[0], [0], [1], [1], [0, 1, 1, 1], [], []>, transpose_lhs_hint = false} : vector<16x1280xf32>, vector<16x512xf32>, vector<1280x512xf32> -> vector<1280x512xf32>
    %get3A_69 = arith.constant 3 : index
    %get3A_70 = arith.constant 0 : index
    %get3A_71 = arith.constant 0 : index
    %get3A_72 = vector.load %arg4[%get3A_69, %get3A_70, %get3A_71] : memref<4x128x512xf32, #tpu.memory_space<vmem>>, vector<1x128x512xf32>
    %get3A_73 = vector.shape_cast %get3A_72 : vector<1x128x512xf32> to vector<128x512xf32>
    %dot_general3A_74 = arith.constant dense<0.000000e+00> : vector<1280x512xf32>
    %dot_general3A_75 = tpu.matmul %get3A_1, %get3A_73, %dot_general3A_74 {dimension_numbers = #tpu.dot_dimension_numbers<[1], [0], [0], [1], [0, 0, 1, 1], [], []>, transpose_lhs_hint = false} : vector<1280x128xf32>, vector<128x512xf32>, vector<1280x512xf32> -> vector<1280x512xf32>
    %mul3A_76 = arith.mulf %dot_general3A_68, %dot_general3A_75 : vector<1280x512xf32>
    %get3A_77 = arith.constant 3 : index
    %get3A_78 = arith.constant 0 : index
    %get3A_79 = arith.constant 0 : index
    %get3A_80 = vector.load %arg5[%get3A_77, %get3A_78, %get3A_79] : memref<4x512x128xf32, #tpu.memory_space<vmem>>, vector<1x512x128xf32>
    %get3A_81 = vector.shape_cast %get3A_80 : vector<1x512x128xf32> to vector<512x128xf32>
    %dot_general3A_82 = arith.constant dense<0.000000e+00> : vector<1280x128xf32>
    %dot_general3A_83 = tpu.matmul %mul3A_76, %get3A_81, %dot_general3A_82 {dimension_numbers = #tpu.dot_dimension_numbers<[1], [0], [0], [1], [0, 0, 1, 1], [], []>, transpose_lhs_hint = false} : vector<1280x512xf32>, vector<512x128xf32>, vector<1280x128xf32> -> vector<1280x128xf32>
    %add3A_84 = arith.addf %add3A_65, %dot_general3A_83 : vector<1280x128xf32>
    %swap3A = arith.constant 0 : index
    %swap3A_85 = arith.constant 0 : index
    %swap3A_86 = vector.load %arg7[%swap3A, %swap3A_85] : memref<1280x128xf32, #tpu.memory_space<vmem>>, vector<1280x128xf32>
    tpu.vector_store %arg7[%swap3A, %swap3A_85], %add3A_84 {strides = array<i32>} : memref<1280x128xf32, #tpu.memory_space<vmem>>, vector<1280x128xf32>,
    return
  }
  func.func @transform_0(%arg0: i32) -> (i32, i32) {
    %add3A = arith.constant 80 : i32
    %add3A_0 = arith.addi %arg0, %add3A : i32
    %c0_i32 = arith.constant 0 : i32
    %c0_i32_1 = arith.constant 0 : i32
    return %c0_i32, %add3A_0 : i32, i32
  }
  func.func @transform_1(%arg0: i32) -> (i32, i32) {
    %c0_i32 = arith.constant 0 : i32
    %c0_i32_0 = arith.constant 0 : i32
    return %arg0, %c0_i32 : i32, i32
  }
  func.func @transform_2(%arg0: i32) -> (i32, i32) {
    %c0_i32 = arith.constant 0 : i32
    %c0_i32_0 = arith.constant 0 : i32
    %c0_i32_1 = arith.constant 0 : i32
    return %c0_i32, %c0_i32_0 : i32, i32
  }
  func.func @transform_3(%arg0: i32) -> (i32, i32, i32) {
    %c0_i32 = arith.constant 0 : i32
    %c0_i32_0 = arith.constant 0 : i32
    %c0_i32_1 = arith.constant 0 : i32
    %c0_i32_2 = arith.constant 0 : i32
    return %c0_i32, %c0_i32_0, %c0_i32_1 : i32, i32, i32
  }
  func.func @transform_4(%arg0: i32) -> (i32, i32, i32) {
    %c0_i32 = arith.constant 0 : i32
    %c0_i32_0 = arith.constant 0 : i32
    %c0_i32_1 = arith.constant 0 : i32
    %c0_i32_2 = arith.constant 0 : i32
    return %c0_i32, %c0_i32_0, %c0_i32_1 : i32, i32, i32
  }
  func.func @transform_5(%arg0: i32) -> (i32, i32) {
    %c0_i32 = arith.constant 0 : i32
    %c0_i32_0 = arith.constant 0 : i32
    %c0_i32_1 = arith.constant 0 : i32
    return %c0_i32, %c0_i32_0 : i32, i32
  }
  func.func @transform_6(%arg0: i32) -> (i32, i32) {
    %c0_i32 = arith.constant 0 : i32
    %c0_i32_0 = arith.constant 0 : i32
    return %arg0, %c0_i32 : i32, i32
  }
}

module attributes {stable_mosaic.version = 14 : i64} {
  func.func @_dense_body(%arg0: i32, %arg1: memref<64x1280xf32, #tpu.memory_space<vmem>>, %arg2: memref<1280x128xf32, #tpu.memory_space<vmem>>, %arg3: memref<16x512xf32, #tpu.memory_space<vmem>>, %arg4: memref<4x128x512xf32, #tpu.memory_space<vmem>>, %arg5: memref<4x512x128xf32, #tpu.memory_space<vmem>>, %arg6: memref<128x128xf32, #tpu.memory_space<vmem>>, %arg7: memref<1280x128xf32, #tpu.memory_space<vmem>>) attributes {dimension_semantics = [#tpu.dimension_semantics<arbitrary>], iteration_bounds = array<i64: 13>, scalar_prefetch = 0 : i64, scratch_operands = 0 : i64, tpu.core_type = #tpu.core_type<tc>, window_params = [{transform_indices = @transform_0, window_bounds = array<i64: 64, 1280>}, {transform_indices = @transform_1, window_bounds = array<i64: 1280, 128>}, {pipeline_mode = #tpu.pipeline_mode<synchronous>, transform_indices = @transform_2, window_bounds = array<i64: 16, 512>}, {pipeline_mode = #tpu.pipeline_mode<synchronous>, transform_indices = @transform_3, window_bounds = array<i64: 4, 128, 512>}, {pipeline_mode = #tpu.pipeline_mode<synchronous>, transform_indices = @transform_4, window_bounds = array<i64: 4, 512, 128>}, {pipeline_mode = #tpu.pipeline_mode<synchronous>, transform_indices = @transform_5, window_bounds = array<i64: 128, 128>}, {transform_indices = @transform_6, window_bounds = array<i64: 1280, 128>}]} {
    %get3A = arith.constant 0 : index
    %get3A_0 = arith.constant 0 : index
    %get3A_1 = vector.load %arg2[%get3A, %get3A_0] : memref<1280x128xf32, #tpu.memory_space<vmem>>, vector<1280x128xf32>
    %get3A_2 = arith.constant 0 : index
    %get3A_3 = arith.constant 0 : index
    %get3A_4 = vector.load %arg1[%get3A_2, %get3A_3] : memref<64x1280xf32, #tpu.memory_space<vmem>>, vector<64x1280xf32>
    %get3A_5 = arith.constant 0 : index
    %get3A_6 = arith.constant 0 : index
    %get3A_7 = vector.load %arg3[%get3A_5, %get3A_6] : memref<16x512xf32, #tpu.memory_space<vmem>>, vector<16x512xf32>
    %get3A_8 = arith.constant 0 : index
    %get3A_9 = arith.constant 0 : index
    %get3A_10 = vector.load %arg6[%get3A_8, %get3A_9] : memref<128x128xf32, #tpu.memory_space<vmem>>, vector<128x128xf32>
    %dot_general3A = arith.constant dense<0.000000e+00> : vector<1280x128xf32>
    %dot_general3A_11 = tpu.matmul %get3A_1, %get3A_10, %dot_general3A {dimension_numbers = #tpu.dot_dimension_numbers<[1], [0], [0], [1], [0, 0, 1, 1], [], []>, transpose_lhs_hint = false} : vector<1280x128xf32>, vector<128x128xf32>, vector<1280x128xf32> -> vector<1280x128xf32>
    %slice3A = vector.extract_strided_slice %get3A_4 {offsets = [0, 0], sizes = [16, 1280], strides = [1, 1]} : vector<64x1280xf32> to vector<16x1280xf32>
    %dot_general3A_12 = arith.constant dense<0.000000e+00> : vector<1280x512xf32>
    %dot_general3A_13 = tpu.matmul %slice3A, %get3A_7, %dot_general3A_12 {dimension_numbers = #tpu.dot_dimension_numbers<[0], [0], [1], [1], [0, 1, 1, 1], [], []>, transpose_lhs_hint = false} : vector<16x1280xf32>, vector<16x512xf32>, vector<1280x512xf32> -> vector<1280x512xf32>
    %get3A_14 = arith.constant 0 : index
    %get3A_15 = arith.constant 0 : index
    %get3A_16 = arith.constant 0 : index
    %get3A_17 = vector.load %arg4[%get3A_14, %get3A_15, %get3A_16] : memref<4x128x512xf32, #tpu.memory_space<vmem>>, vector<1x128x512xf32>
    %get3A_18 = vector.shape_cast %get3A_17 : vector<1x128x512xf32> to vector<128x512xf32>
    %dot_general3A_19 = arith.constant dense<0.000000e+00> : vector<1280x512xf32>
    %dot_general3A_20 = tpu.matmul %get3A_1, %get3A_18, %dot_general3A_19 {dimension_numbers = #tpu.dot_dimension_numbers<[1], [0], [0], [1], [0, 0, 1, 1], [], []>, transpose_lhs_hint = false} : vector<1280x128xf32>, vector<128x512xf32>, vector<1280x512xf32> -> vector<1280x512xf32>
    %mul3A = arith.mulf %dot_general3A_13, %dot_general3A_20 : vector<1280x512xf32>
    %get3A_21 = arith.constant 0 : index
    %get3A_22 = arith.constant 0 : index
    %get3A_23 = arith.constant 0 : index
    %get3A_24 = vector.load %arg5[%get3A_21, %get3A_22, %get3A_23] : memref<4x512x128xf32, #tpu.memory_space<vmem>>, vector<1x512x128xf32>
    %get3A_25 = vector.shape_cast %get3A_24 : vector<1x512x128xf32> to vector<512x128xf32>
    %dot_general3A_26 = arith.constant dense<0.000000e+00> : vector<1280x128xf32>
    %dot_general3A_27 = tpu.matmul %mul3A, %get3A_25, %dot_general3A_26 {dimension_numbers = #tpu.dot_dimension_numbers<[1], [0], [0], [1], [0, 0, 1, 1], [], []>, transpose_lhs_hint = false} : vector<1280x512xf32>, vector<512x128xf32>, vector<1280x128xf32> -> vector<1280x128xf32>
    %add3A = arith.addf %dot_general3A_11, %dot_general3A_27 : vector<1280x128xf32>
    %slice3A_28 = vector.extract_strided_slice %get3A_4 {offsets = [16, 0], sizes = [16, 1280], strides = [1, 1]} : vector<64x1280xf32> to vector<16x1280xf32>
    %dot_general3A_29 = arith.constant dense<0.000000e+00> : vector<1280x512xf32>
    %dot_general3A_30 = tpu.matmul %slice3A_28, %get3A_7, %dot_general3A_29 {dimension_numbers = #tpu.dot_dimension_numbers<[0], [0], [1], [1], [0, 1, 1, 1], [], []>, transpose_lhs_hint = false} : vector<16x1280xf32>, vector<16x512xf32>, vector<1280x512xf32> -> vector<1280x512xf32>
    %get3A_31 = arith.constant 1 : index
    %get3A_32 = arith.constant 0 : index
    %get3A_33 = arith.constant 0 : index
    %get3A_34 = vector.load %arg4[%get3A_31, %get3A_32, %get3A_33] : memref<4x128x512xf32, #tpu.memory_space<vmem>>, vector<1x128x512xf32>
    %get3A_35 = vector.shape_cast %get3A_34 : vector<1x128x512xf32> to vector<128x512xf32>
    %dot_general3A_36 = arith.constant dense<0.000000e+00> : vector<1280x512xf32>
    %dot_general3A_37 = tpu.matmul %get3A_1, %get3A_35, %dot_general3A_36 {dimension_numbers = #tpu.dot_dimension_numbers<[1], [0], [0], [1], [0, 0, 1, 1], [], []>, transpose_lhs_hint = false} : vector<1280x128xf32>, vector<128x512xf32>, vector<1280x512xf32> -> vector<1280x512xf32>
    %mul3A_38 = arith.mulf %dot_general3A_30, %dot_general3A_37 : vector<1280x512xf32>
    %get3A_39 = arith.constant 1 : index
    %get3A_40 = arith.constant 0 : index
    %get3A_41 = arith.constant 0 : index
    %get3A_42 = vector.load %arg5[%get3A_39, %get3A_40, %get3A_41] : memref<4x512x128xf32, #tpu.memory_space<vmem>>, vector<1x512x128xf32>
    %get3A_43 = vector.shape_cast %get3A_42 : vector<1x512x128xf32> to vector<512x128xf32>
    %dot_general3A_44 = arith.constant dense<0.000000e+00> : vector<1280x128xf32>
    %dot_general3A_45 = tpu.matmul %mul3A_38, %get3A_43, %dot_general3A_44 {dimension_numbers = #tpu.dot_dimension_numbers<[1], [0], [0], [1], [0, 0, 1, 1], [], []>, transpose_lhs_hint = false} : vector<1280x512xf32>, vector<512x128xf32>, vector<1280x128xf32> -> vector<1280x128xf32>
    %add3A_46 = arith.addf %add3A, %dot_general3A_45 : vector<1280x128xf32>
    %slice3A_47 = vector.extract_strided_slice %get3A_4 {offsets = [32, 0], sizes = [16, 1280], strides = [1, 1]} : vector<64x1280xf32> to vector<16x1280xf32>
    %dot_general3A_48 = arith.constant dense<0.000000e+00> : vector<1280x512xf32>
    %dot_general3A_49 = tpu.matmul %slice3A_47, %get3A_7, %dot_general3A_48 {dimension_numbers = #tpu.dot_dimension_numbers<[0], [0], [1], [1], [0, 1, 1, 1], [], []>, transpose_lhs_hint = false} : vector<16x1280xf32>, vector<16x512xf32>, vector<1280x512xf32> -> vector<1280x512xf32>
    %get3A_50 = arith.constant 2 : index
    %get3A_51 = arith.constant 0 : index
    %get3A_52 = arith.constant 0 : index
    %get3A_53 = vector.load %arg4[%get3A_50, %get3A_51, %get3A_52] : memref<4x128x512xf32, #tpu.memory_space<vmem>>, vector<1x128x512xf32>
    %get3A_54 = vector.shape_cast %get3A_53 : vector<1x128x512xf32> to vector<128x512xf32>
    %dot_general3A_55 = arith.constant dense<0.000000e+00> : vector<1280x512xf32>
    %dot_general3A_56 = tpu.matmul %get3A_1, %get3A_54, %dot_general3A_55 {dimension_numbers = #tpu.dot_dimension_numbers<[1], [0], [0], [1], [0, 0, 1, 1], [], []>, transpose_lhs_hint = false} : vector<1280x128xf32>, vector<128x512xf32>, vector<1280x512xf32> -> vector<1280x512xf32>
    %mul3A_57 = arith.mulf %dot_general3A_49, %dot_general3A_56 : vector<1280x512xf32>
    %get3A_58 = arith.constant 2 : index
    %get3A_59 = arith.constant 0 : index
    %get3A_60 = arith.constant 0 : index
    %get3A_61 = vector.load %arg5[%get3A_58, %get3A_59, %get3A_60] : memref<4x512x128xf32, #tpu.memory_space<vmem>>, vector<1x512x128xf32>
    %get3A_62 = vector.shape_cast %get3A_61 : vector<1x512x128xf32> to vector<512x128xf32>
    %dot_general3A_63 = arith.constant dense<0.000000e+00> : vector<1280x128xf32>
    %dot_general3A_64 = tpu.matmul %mul3A_57, %get3A_62, %dot_general3A_63 {dimension_numbers = #tpu.dot_dimension_numbers<[1], [0], [0], [1], [0, 0, 1, 1], [], []>, transpose_lhs_hint = false} : vector<1280x512xf32>, vector<512x128xf32>, vector<1280x128xf32> -> vector<1280x128xf32>
    %add3A_65 = arith.addf %add3A_46, %dot_general3A_64 : vector<1280x128xf32>
    %slice3A_66 = vector.extract_strided_slice %get3A_4 {offsets = [48, 0], sizes = [16, 1280], strides = [1, 1]} : vector<64x1280xf32> to vector<16x1280xf32>
    %dot_general3A_67 = arith.constant dense<0.000000e+00> : vector<1280x512xf32>
    %dot_general3A_68 = tpu.matmul %slice3A_66, %get3A_7, %dot_general3A_67 {dimension_numbers = #tpu.dot_dimension_numbers<[0], [0], [1], [1], [0, 1, 1, 1], [], []>, transpose_lhs_hint = false} : vector<16x1280xf32>, vector<16x512xf32>, vector<1280x512xf32> -> vector<1280x512xf32>
    %get3A_69 = arith.constant 3 : index
    %get3A_70 = arith.constant 0 : index
    %get3A_71 = arith.constant 0 : index
    %get3A_72 = vector.load %arg4[%get3A_69, %get3A_70, %get3A_71] : memref<4x128x512xf32, #tpu.memory_space<vmem>>, vector<1x128x512xf32>
    %get3A_73 = vector.shape_cast %get3A_72 : vector<1x128x512xf32> to vector<128x512xf32>
    %dot_general3A_74 = arith.constant dense<0.000000e+00> : vector<1280x512xf32>
    %dot_general3A_75 = tpu.matmul %get3A_1, %get3A_73, %dot_general3A_74 {dimension_numbers = #tpu.dot_dimension_numbers<[1], [0], [0], [1], [0, 0, 1, 1], [], []>, transpose_lhs_hint = false} : vector<1280x128xf32>, vector<128x512xf32>, vector<1280x512xf32> -> vector<1280x512xf32>
    %mul3A_76 = arith.mulf %dot_general3A_68, %dot_general3A_75 : vector<1280x512xf32>
    %get3A_77 = arith.constant 3 : index
    %get3A_78 = arith.constant 0 : index
    %get3A_79 = arith.constant 0 : index
    %get3A_80 = vector.load %arg5[%get3A_77, %get3A_78, %get3A_79] : memref<4x512x128xf32, #tpu.memory_space<vmem>>, vector<1x512x128xf32>
    %get3A_81 = vector.shape_cast %get3A_80 : vector<1x512x128xf32> to vector<512x128xf32>
    %dot_general3A_82 = arith.constant dense<0.000000e+00> : vector<1280x128xf32>
    %dot_general3A_83 = tpu.matmul %mul3A_76, %get3A_81, %dot_general3A_82 {dimension_numbers = #tpu.dot_dimension_numbers<[1], [0], [0], [1], [0, 0, 1, 1], [], []>, transpose_lhs_hint = false} : vector<1280x512xf32>, vector<512x128xf32>, vector<1280x128xf32> -> vector<1280x128xf32>
    %add3A_84 = arith.addf %add3A_65, %dot_general3A_83 : vector<1280x128xf32>
    %swap3A = arith.constant 0 : index
    %swap3A_85 = arith.constant 0 : index
    %swap3A_86 = vector.load %arg7[%swap3A, %swap3A_85] : memref<1280x128xf32, #tpu.memory_space<vmem>>, vector<1280x128xf32>
    tpu.vector_store %arg7[%swap3A, %swap3A_85], %add3A_84 {strides = array<i32>} : memref<1280x128xf32, #tpu.memory_space<vmem>>, vector<1280x128xf32>,
    return
  }
  func.func @transform_0(%arg0: i32) -> (i32, i32) {
    %add3A = arith.constant 112 : i32
    %add3A_0 = arith.addi %arg0, %add3A : i32
    %c0_i32 = arith.constant 0 : i32
    %c0_i32_1 = arith.constant 0 : i32
    return %c0_i32, %add3A_0 : i32, i32
  }
  func.func @transform_1(%arg0: i32) -> (i32, i32) {
    %c0_i32 = arith.constant 0 : i32
    %c0_i32_0 = arith.constant 0 : i32
    return %arg0, %c0_i32 : i32, i32
  }
  func.func @transform_2(%arg0: i32) -> (i32, i32) {
    %c0_i32 = arith.constant 0 : i32
    %c0_i32_0 = arith.constant 0 : i32
    %c0_i32_1 = arith.constant 0 : i32
    return %c0_i32, %c0_i32_0 : i32, i32
  }
  func.func @transform_3(%arg0: i32) -> (i32, i32, i32) {
    %c0_i32 = arith.constant 0 : i32
    %c0_i32_0 = arith.constant 0 : i32
    %c0_i32_1 = arith.constant 0 : i32
    %c0_i32_2 = arith.constant 0 : i32
    return %c0_i32, %c0_i32_0, %c0_i32_1 : i32, i32, i32
  }
  func.func @transform_4(%arg0: i32) -> (i32, i32, i32) {
    %c0_i32 = arith.constant 0 : i32
    %c0_i32_0 = arith.constant 0 : i32
    %c0_i32_1 = arith.constant 0 : i32
    %c0_i32_2 = arith.constant 0 : i32
    return %c0_i32, %c0_i32_0, %c0_i32_1 : i32, i32, i32
  }
  func.func @transform_5(%arg0: i32) -> (i32, i32) {
    %c0_i32 = arith.constant 0 : i32
    %c0_i32_0 = arith.constant 0 : i32
    %c0_i32_1 = arith.constant 0 : i32
    return %c0_i32, %c0_i32_0 : i32, i32
  }
  func.func @transform_6(%arg0: i32) -> (i32, i32) {
    %c0_i32 = arith.constant 0 : i32
    %c0_i32_0 = arith.constant 0 : i32
    return %arg0, %c0_i32 : i32, i32
  }
}

module attributes {stable_mosaic.version = 14 : i64} {
  func.func @_head_body(%arg0: i32, %arg1: memref<2x2000x128xf32, #tpu.memory_space<vmem>>, %arg2: memref<2000x128xf32, #tpu.memory_space<vmem>>, %arg3: memref<32x32xf32, #tpu.memory_space<vmem>>, %arg4: memref<32x128xf32, #tpu.memory_space<vmem>>, %arg5: memref<32x128xf32, #tpu.memory_space<vmem>>, %arg6: memref<1x32xf32, #tpu.memory_space<vmem>>, %arg7: memref<1x128xf32, #tpu.memory_space<vmem>>, %arg8: memref<2000x32xf32, #tpu.memory_space<vmem>>, %arg9: memref<2000x32xf32, #tpu.memory_space<vmem>>) attributes {dimension_semantics = [#tpu.dimension_semantics<arbitrary>], iteration_bounds = array<i64: 5>, scalar_prefetch = 0 : i64, scratch_operands = 0 : i64, tpu.core_type = #tpu.core_type<tc>, window_params = [{transform_indices = @transform_0, window_bounds = array<i64: 2, 2000, 128>}, {transform_indices = @transform_1, window_bounds = array<i64: 2000, 128>}, {pipeline_mode = #tpu.pipeline_mode<synchronous>, transform_indices = @transform_2, window_bounds = array<i64: 32, 32>}, {pipeline_mode = #tpu.pipeline_mode<synchronous>, transform_indices = @transform_3, window_bounds = array<i64: 32, 128>}, {pipeline_mode = #tpu.pipeline_mode<synchronous>, transform_indices = @transform_4, window_bounds = array<i64: 32, 128>}, {pipeline_mode = #tpu.pipeline_mode<synchronous>, transform_indices = @transform_5, window_bounds = array<i64: 1, 32>}, {pipeline_mode = #tpu.pipeline_mode<synchronous>, transform_indices = @transform_6, window_bounds = array<i64: 1, 128>}, {transform_indices = @transform_7, window_bounds = array<i64: 2000, 32>}, {transform_indices = @transform_8, window_bounds = array<i64: 2000, 32>}]} {
    %get3A = arith.constant 0 : index
    %get3A_0 = arith.constant 0 : index
    %get3A_1 = vector.load %arg3[%get3A, %get3A_0] : memref<32x32xf32, #tpu.memory_space<vmem>>, vector<32x32xf32>
    %get3A_2 = arith.constant 0 : index
    %get3A_3 = arith.constant 0 : index
    %get3A_4 = vector.load %arg4[%get3A_2, %get3A_3] : memref<32x128xf32, #tpu.memory_space<vmem>>, vector<32x128xf32>
    %get3A_5 = arith.constant 0 : index
    %get3A_6 = arith.constant 0 : index
    %get3A_7 = vector.load %arg5[%get3A_5, %get3A_6] : memref<32x128xf32, #tpu.memory_space<vmem>>, vector<32x128xf32>
    %get3A_8 = arith.constant 0 : index
    %get3A_9 = arith.constant 0 : index
    %get3A_10 = vector.load %arg6[%get3A_8, %get3A_9] : memref<1x32xf32, #tpu.memory_space<vmem>>, vector<1x32xf32>
    %get3A_11 = arith.constant 0 : index
    %get3A_12 = arith.constant 0 : index
    %get3A_13 = vector.load %arg7[%get3A_11, %get3A_12] : memref<1x128xf32, #tpu.memory_space<vmem>>, vector<1x128xf32>
    %broadcast_in_dim3A = arith.constant 0.000000e+00 : f32
    %broadcast_in_dim3A_14 = vector.broadcast %broadcast_in_dim3A : f32 to vector<2000x32xf32>
    %broadcast_in_dim3A_15 = arith.constant 0.000000e+00 : f32
    %broadcast_in_dim3A_16 = vector.broadcast %broadcast_in_dim3A_15 : f32 to vector<2000x32xf32>
    %get3A_17 = arith.constant 0 : index
    %get3A_18 = arith.constant 0 : index
    %get3A_19 = vector.load %arg2[%get3A_17, %get3A_18] : memref<2000x128xf32, #tpu.memory_space<vmem>>, vector<2000x32xf32>
    %get3A_20 = arith.constant 0 : index
    %get3A_21 = arith.constant 0 : index
    %get3A_22 = arith.constant 0 : index
    %get3A_23 = vector.load %arg1[%get3A_20, %get3A_21, %get3A_22] : memref<2x2000x128xf32, #tpu.memory_space<vmem>>, vector<1x2000x128xf32>
    %get3A_24 = vector.shape_cast %get3A_23 : vector<1x2000x128xf32> to vector<2000x128xf32>
    %slice3A = vector.extract_strided_slice %get3A_24 {offsets = [0, 0], sizes = [2000, 32], strides = [1, 1]} : vector<2000x128xf32> to vector<2000x32xf32>
    %get3A_25 = arith.constant 1 : index
    %get3A_26 = arith.constant 0 : index
    %get3A_27 = arith.constant 0 : index
    %get3A_28 = vector.load %arg1[%get3A_25, %get3A_26, %get3A_27] : memref<2x2000x128xf32, #tpu.memory_space<vmem>>, vector<1x2000x128xf32>
    %get3A_29 = vector.shape_cast %get3A_28 : vector<1x2000x128xf32> to vector<2000x128xf32>
    %slice3A_30 = vector.extract_strided_slice %get3A_29 {offsets = [0, 0], sizes = [2000, 32], strides = [1, 1]} : vector<2000x128xf32> to vector<2000x32xf32>
    %add3A = arith.addf %slice3A, %slice3A_30 : vector<2000x32xf32>
    %dot_general3A = arith.constant dense<0.000000e+00> : vector<2000x32xf32>
    %dot_general3A_31 = tpu.matmul %get3A_19, %get3A_1, %dot_general3A {dimension_numbers = #tpu.dot_dimension_numbers<[1], [0], [0], [1], [0, 0, 1, 1], [], []>, transpose_lhs_hint = false} : vector<2000x32xf32>, vector<32x32xf32>, vector<2000x32xf32> -> vector<2000x32xf32>
    %add3A_32 = arith.addf %add3A, %dot_general3A_31 : vector<2000x32xf32>
    %add3A_33 = vector.broadcast %get3A_10 : vector<1x32xf32> to vector<2000x32xf32>
    %add3A_34 = arith.addf %add3A_32, %add3A_33 : vector<2000x32xf32>
    %max3A = arith.constant 0.000000e+00 : f32
    %max3A_35 = vector.broadcast %max3A : f32 to vector<2000x32xf32>
    %max3A_36 = arith.maximumf %add3A_34, %max3A_35 : vector<2000x32xf32>
    %dot_general3A_37 = arith.constant dense<0.000000e+00> : vector<2000x128xf32>
    %dot_general3A_38 = tpu.matmul %max3A_36, %get3A_4, %dot_general3A_37 {dimension_numbers = #tpu.dot_dimension_numbers<[1], [0], [0], [1], [0, 0, 1, 1], [], []>, transpose_lhs_hint = false} : vector<2000x32xf32>, vector<32x128xf32>, vector<2000x128xf32> -> vector<2000x128xf32>
    %dot_general3A_39 = arith.constant dense<0.000000e+00> : vector<2000x128xf32>
    %dot_general3A_40 = tpu.matmul %broadcast_in_dim3A_14, %get3A_7, %dot_general3A_39 {dimension_numbers = #tpu.dot_dimension_numbers<[1], [0], [0], [1], [0, 0, 1, 1], [], []>, transpose_lhs_hint = false} : vector<2000x32xf32>, vector<32x128xf32>, vector<2000x128xf32> -> vector<2000x128xf32>
    %add3A_41 = arith.addf %dot_general3A_38, %dot_general3A_40 : vector<2000x128xf32>
    %add3A_42 = vector.broadcast %get3A_13 : vector<1x128xf32> to vector<2000x128xf32>
    %add3A_43 = arith.addf %add3A_41, %add3A_42 : vector<2000x128xf32>
    %slice3A_44 = vector.extract_strided_slice %add3A_43 {offsets = [0, 0], sizes = [2000, 32], strides = [1, 1]} : vector<2000x128xf32> to vector<2000x32xf32>
    %logistic3A = arith.negf %slice3A_44 : vector<2000x32xf32>
    %logistic3A_45 = math.exp %logistic3A : vector<2000x32xf32>
    %logistic3A_46 = arith.constant 1.000000e+00 : f32
    %logistic3A_47 = vector.broadcast %logistic3A_46 : f32 to vector<2000x32xf32>
    %logistic3A_48 = arith.addf %logistic3A_47, %logistic3A_45 : vector<2000x32xf32>
    %logistic3A_49 = arith.divf %logistic3A_47, %logistic3A_48 : vector<2000x32xf32>
    %slice3A_50 = vector.extract_strided_slice %add3A_43 {offsets = [0, 32], sizes = [2000, 32], strides = [1, 1]} : vector<2000x128xf32> to vector<2000x32xf32>
    %logistic3A_51 = arith.negf %slice3A_50 : vector<2000x32xf32>
    %logistic3A_52 = math.exp %logistic3A_51 : vector<2000x32xf32>
    %logistic3A_53 = arith.constant 1.000000e+00 : f32
    %logistic3A_54 = vector.broadcast %logistic3A_53 : f32 to vector<2000x32xf32>
    %logistic3A_55 = arith.addf %logistic3A_54, %logistic3A_52 : vector<2000x32xf32>
    %logistic3A_56 = arith.divf %logistic3A_54, %logistic3A_55 : vector<2000x32xf32>
    %slice3A_57 = vector.extract_strided_slice %add3A_43 {offsets = [0, 64], sizes = [2000, 32], strides = [1, 1]} : vector<2000x128xf32> to vector<2000x32xf32>
    %tanh3A = math.tanh %slice3A_57 : vector<2000x32xf32>
    %slice3A_58 = vector.extract_strided_slice %add3A_43 {offsets = [0, 96], sizes = [2000, 32], strides = [1, 1]} : vector<2000x128xf32> to vector<2000x32xf32>
    %logistic3A_59 = arith.negf %slice3A_58 : vector<2000x32xf32>
    %logistic3A_60 = math.exp %logistic3A_59 : vector<2000x32xf32>
    %logistic3A_61 = arith.constant 1.000000e+00 : f32
    %logistic3A_62 = vector.broadcast %logistic3A_61 : f32 to vector<2000x32xf32>
    %logistic3A_63 = arith.addf %logistic3A_62, %logistic3A_60 : vector<2000x32xf32>
    %logistic3A_64 = arith.divf %logistic3A_62, %logistic3A_63 : vector<2000x32xf32>
    %mul3A = arith.mulf %logistic3A_56, %broadcast_in_dim3A_16 : vector<2000x32xf32>
    %mul3A_65 = arith.mulf %logistic3A_49, %tanh3A : vector<2000x32xf32>
    %add3A_66 = arith.addf %mul3A, %mul3A_65 : vector<2000x32xf32>
    %tanh3A_67 = math.tanh %add3A_66 : vector<2000x32xf32>
    %mul3A_68 = arith.mulf %logistic3A_64, %tanh3A_67 : vector<2000x32xf32>
    %get3A_69 = arith.constant 0 : index
    %get3A_70 = arith.constant 32 : index
    %get3A_71 = vector.load %arg2[%get3A_69, %get3A_70] : memref<2000x128xf32, #tpu.memory_space<vmem>>, vector<2000x32xf32>
    %get3A_72 = arith.constant 0 : index
    %get3A_73 = arith.constant 0 : index
    %get3A_74 = arith.constant 0 : index
    %get3A_75 = vector.load %arg1[%get3A_72, %get3A_73, %get3A_74] : memref<2x2000x128xf32, #tpu.memory_space<vmem>>, vector<1x2000x128xf32>
    %get3A_76 = vector.shape_cast %get3A_75 : vector<1x2000x128xf32> to vector<2000x128xf32>
    %slice3A_77 = vector.extract_strided_slice %get3A_76 {offsets = [0, 32], sizes = [2000, 32], strides = [1, 1]} : vector<2000x128xf32> to vector<2000x32xf32>
    %get3A_78 = arith.constant 1 : index
    %get3A_79 = arith.constant 0 : index
    %get3A_80 = arith.constant 0 : index
    %get3A_81 = vector.load %arg1[%get3A_78, %get3A_79, %get3A_80] : memref<2x2000x128xf32, #tpu.memory_space<vmem>>, vector<1x2000x128xf32>
    %get3A_82 = vector.shape_cast %get3A_81 : vector<1x2000x128xf32> to vector<2000x128xf32>
    %slice3A_83 = vector.extract_strided_slice %get3A_82 {offsets = [0, 32], sizes = [2000, 32], strides = [1, 1]} : vector<2000x128xf32> to vector<2000x32xf32>
    %add3A_84 = arith.addf %slice3A_77, %slice3A_83 : vector<2000x32xf32>
    %dot_general3A_85 = arith.constant dense<0.000000e+00> : vector<2000x32xf32>
    %dot_general3A_86 = tpu.matmul %get3A_71, %get3A_1, %dot_general3A_85 {dimension_numbers = #tpu.dot_dimension_numbers<[1], [0], [0], [1], [0, 0, 1, 1], [], []>, transpose_lhs_hint = false} : vector<2000x32xf32>, vector<32x32xf32>, vector<2000x32xf32> -> vector<2000x32xf32>
    %add3A_87 = arith.addf %add3A_84, %dot_general3A_86 : vector<2000x32xf32>
    %add3A_88 = vector.broadcast %get3A_10 : vector<1x32xf32> to vector<2000x32xf32>
    %add3A_89 = arith.addf %add3A_87, %add3A_88 : vector<2000x32xf32>
    %max3A_90 = arith.constant 0.000000e+00 : f32
    %max3A_91 = vector.broadcast %max3A_90 : f32 to vector<2000x32xf32>
    %max3A_92 = arith.maximumf %add3A_89, %max3A_91 : vector<2000x32xf32>
    %dot_general3A_93 = arith.constant dense<0.000000e+00> : vector<2000x128xf32>
    %dot_general3A_94 = tpu.matmul %max3A_92, %get3A_4, %dot_general3A_93 {dimension_numbers = #tpu.dot_dimension_numbers<[1], [0], [0], [1], [0, 0, 1, 1], [], []>, transpose_lhs_hint = false} : vector<2000x32xf32>, vector<32x128xf32>, vector<2000x128xf32> -> vector<2000x128xf32>
    %dot_general3A_95 = arith.constant dense<0.000000e+00> : vector<2000x128xf32>
    %dot_general3A_96 = tpu.matmul %mul3A_68, %get3A_7, %dot_general3A_95 {dimension_numbers = #tpu.dot_dimension_numbers<[1], [0], [0], [1], [0, 0, 1, 1], [], []>, transpose_lhs_hint = false} : vector<2000x32xf32>, vector<32x128xf32>, vector<2000x128xf32> -> vector<2000x128xf32>
    %add3A_97 = arith.addf %dot_general3A_94, %dot_general3A_96 : vector<2000x128xf32>
    %add3A_98 = vector.broadcast %get3A_13 : vector<1x128xf32> to vector<2000x128xf32>
    %add3A_99 = arith.addf %add3A_97, %add3A_98 : vector<2000x128xf32>
    %slice3A_100 = vector.extract_strided_slice %add3A_99 {offsets = [0, 0], sizes = [2000, 32], strides = [1, 1]} : vector<2000x128xf32> to vector<2000x32xf32>
    %logistic3A_101 = arith.negf %slice3A_100 : vector<2000x32xf32>
    %logistic3A_102 = math.exp %logistic3A_101 : vector<2000x32xf32>
    %logistic3A_103 = arith.constant 1.000000e+00 : f32
    %logistic3A_104 = vector.broadcast %logistic3A_103 : f32 to vector<2000x32xf32>
    %logistic3A_105 = arith.addf %logistic3A_104, %logistic3A_102 : vector<2000x32xf32>
    %logistic3A_106 = arith.divf %logistic3A_104, %logistic3A_105 : vector<2000x32xf32>
    %slice3A_107 = vector.extract_strided_slice %add3A_99 {offsets = [0, 32], sizes = [2000, 32], strides = [1, 1]} : vector<2000x128xf32> to vector<2000x32xf32>
    %logistic3A_108 = arith.negf %slice3A_107 : vector<2000x32xf32>
    %logistic3A_109 = math.exp %logistic3A_108 : vector<2000x32xf32>
    %logistic3A_110 = arith.constant 1.000000e+00 : f32
    %logistic3A_111 = vector.broadcast %logistic3A_110 : f32 to vector<2000x32xf32>
    %logistic3A_112 = arith.addf %logistic3A_111, %logistic3A_109 : vector<2000x32xf32>
    %logistic3A_113 = arith.divf %logistic3A_111, %logistic3A_112 : vector<2000x32xf32>
    %slice3A_114 = vector.extract_strided_slice %add3A_99 {offsets = [0, 64], sizes = [2000, 32], strides = [1, 1]} : vector<2000x128xf32> to vector<2000x32xf32>
    %tanh3A_115 = math.tanh %slice3A_114 : vector<2000x32xf32>
    %slice3A_116 = vector.extract_strided_slice %add3A_99 {offsets = [0, 96], sizes = [2000, 32], strides = [1, 1]} : vector<2000x128xf32> to vector<2000x32xf32>
    %logistic3A_117 = arith.negf %slice3A_116 : vector<2000x32xf32>
    %logistic3A_118 = math.exp %logistic3A_117 : vector<2000x32xf32>
    %logistic3A_119 = arith.constant 1.000000e+00 : f32
    %logistic3A_120 = vector.broadcast %logistic3A_119 : f32 to vector<2000x32xf32>
    %logistic3A_121 = arith.addf %logistic3A_120, %logistic3A_118 : vector<2000x32xf32>
    %logistic3A_122 = arith.divf %logistic3A_120, %logistic3A_121 : vector<2000x32xf32>
    %mul3A_123 = arith.mulf %logistic3A_113, %add3A_66 : vector<2000x32xf32>
    %mul3A_124 = arith.mulf %logistic3A_106, %tanh3A_115 : vector<2000x32xf32>
    %add3A_125 = arith.addf %mul3A_123, %mul3A_124 : vector<2000x32xf32>
    %tanh3A_126 = math.tanh %add3A_125 : vector<2000x32xf32>
    %mul3A_127 = arith.mulf %logistic3A_122, %tanh3A_126 : vector<2000x32xf32>
    %get3A_128 = arith.constant 0 : index
    %get3A_129 = arith.constant 64 : index
    %get3A_130 = vector.load %arg2[%get3A_128, %get3A_129] : memref<2000x128xf32, #tpu.memory_space<vmem>>, vector<2000x32xf32>
    %get3A_131 = arith.constant 0 : index
    %get3A_132 = arith.constant 0 : index
    %get3A_133 = arith.constant 0 : index
    %get3A_134 = vector.load %arg1[%get3A_131, %get3A_132, %get3A_133] : memref<2x2000x128xf32, #tpu.memory_space<vmem>>, vector<1x2000x128xf32>
    %get3A_135 = vector.shape_cast %get3A_134 : vector<1x2000x128xf32> to vector<2000x128xf32>
    %slice3A_136 = vector.extract_strided_slice %get3A_135 {offsets = [0, 64], sizes = [2000, 32], strides = [1, 1]} : vector<2000x128xf32> to vector<2000x32xf32>
    %get3A_137 = arith.constant 1 : index
    %get3A_138 = arith.constant 0 : index
    %get3A_139 = arith.constant 0 : index
    %get3A_140 = vector.load %arg1[%get3A_137, %get3A_138, %get3A_139] : memref<2x2000x128xf32, #tpu.memory_space<vmem>>, vector<1x2000x128xf32>
    %get3A_141 = vector.shape_cast %get3A_140 : vector<1x2000x128xf32> to vector<2000x128xf32>
    %slice3A_142 = vector.extract_strided_slice %get3A_141 {offsets = [0, 64], sizes = [2000, 32], strides = [1, 1]} : vector<2000x128xf32> to vector<2000x32xf32>
    %add3A_143 = arith.addf %slice3A_136, %slice3A_142 : vector<2000x32xf32>
    %dot_general3A_144 = arith.constant dense<0.000000e+00> : vector<2000x32xf32>
    %dot_general3A_145 = tpu.matmul %get3A_130, %get3A_1, %dot_general3A_144 {dimension_numbers = #tpu.dot_dimension_numbers<[1], [0], [0], [1], [0, 0, 1, 1], [], []>, transpose_lhs_hint = false} : vector<2000x32xf32>, vector<32x32xf32>, vector<2000x32xf32> -> vector<2000x32xf32>
    %add3A_146 = arith.addf %add3A_143, %dot_general3A_145 : vector<2000x32xf32>
    %add3A_147 = vector.broadcast %get3A_10 : vector<1x32xf32> to vector<2000x32xf32>
    %add3A_148 = arith.addf %add3A_146, %add3A_147 : vector<2000x32xf32>
    %max3A_149 = arith.constant 0.000000e+00 : f32
    %max3A_150 = vector.broadcast %max3A_149 : f32 to vector<2000x32xf32>
    %max3A_151 = arith.maximumf %add3A_148, %max3A_150 : vector<2000x32xf32>
    %dot_general3A_152 = arith.constant dense<0.000000e+00> : vector<2000x128xf32>
    %dot_general3A_153 = tpu.matmul %max3A_151, %get3A_4, %dot_general3A_152 {dimension_numbers = #tpu.dot_dimension_numbers<[1], [0], [0], [1], [0, 0, 1, 1], [], []>, transpose_lhs_hint = false} : vector<2000x32xf32>, vector<32x128xf32>, vector<2000x128xf32> -> vector<2000x128xf32>
    %dot_general3A_154 = arith.constant dense<0.000000e+00> : vector<2000x128xf32>
    %dot_general3A_155 = tpu.matmul %mul3A_127, %get3A_7, %dot_general3A_154 {dimension_numbers = #tpu.dot_dimension_numbers<[1], [0], [0], [1], [0, 0, 1, 1], [], []>, transpose_lhs_hint = false} : vector<2000x32xf32>, vector<32x128xf32>, vector<2000x128xf32> -> vector<2000x128xf32>
    %add3A_156 = arith.addf %dot_general3A_153, %dot_general3A_155 : vector<2000x128xf32>
    %add3A_157 = vector.broadcast %get3A_13 : vector<1x128xf32> to vector<2000x128xf32>
    %add3A_158 = arith.addf %add3A_156, %add3A_157 : vector<2000x128xf32>
    %slice3A_159 = vector.extract_strided_slice %add3A_158 {offsets = [0, 0], sizes = [2000, 32], strides = [1, 1]} : vector<2000x128xf32> to vector<2000x32xf32>
    %logistic3A_160 = arith.negf %slice3A_159 : vector<2000x32xf32>
    %logistic3A_161 = math.exp %logistic3A_160 : vector<2000x32xf32>
    %logistic3A_162 = arith.constant 1.000000e+00 : f32
    %logistic3A_163 = vector.broadcast %logistic3A_162 : f32 to vector<2000x32xf32>
    %logistic3A_164 = arith.addf %logistic3A_163, %logistic3A_161 : vector<2000x32xf32>
    %logistic3A_165 = arith.divf %logistic3A_163, %logistic3A_164 : vector<2000x32xf32>
    %slice3A_166 = vector.extract_strided_slice %add3A_158 {offsets = [0, 32], sizes = [2000, 32], strides = [1, 1]} : vector<2000x128xf32> to vector<2000x32xf32>
    %logistic3A_167 = arith.negf %slice3A_166 : vector<2000x32xf32>
    %logistic3A_168 = math.exp %logistic3A_167 : vector<2000x32xf32>
    %logistic3A_169 = arith.constant 1.000000e+00 : f32
    %logistic3A_170 = vector.broadcast %logistic3A_169 : f32 to vector<2000x32xf32>
    %logistic3A_171 = arith.addf %logistic3A_170, %logistic3A_168 : vector<2000x32xf32>
    %logistic3A_172 = arith.divf %logistic3A_170, %logistic3A_171 : vector<2000x32xf32>
    %slice3A_173 = vector.extract_strided_slice %add3A_158 {offsets = [0, 64], sizes = [2000, 32], strides = [1, 1]} : vector<2000x128xf32> to vector<2000x32xf32>
    %tanh3A_174 = math.tanh %slice3A_173 : vector<2000x32xf32>
    %slice3A_175 = vector.extract_strided_slice %add3A_158 {offsets = [0, 96], sizes = [2000, 32], strides = [1, 1]} : vector<2000x128xf32> to vector<2000x32xf32>
    %logistic3A_176 = arith.negf %slice3A_175 : vector<2000x32xf32>
    %logistic3A_177 = math.exp %logistic3A_176 : vector<2000x32xf32>
    %logistic3A_178 = arith.constant 1.000000e+00 : f32
    %logistic3A_179 = vector.broadcast %logistic3A_178 : f32 to vector<2000x32xf32>
    %logistic3A_180 = arith.addf %logistic3A_179, %logistic3A_177 : vector<2000x32xf32>
    %logistic3A_181 = arith.divf %logistic3A_179, %logistic3A_180 : vector<2000x32xf32>
    %mul3A_182 = arith.mulf %logistic3A_172, %add3A_125 : vector<2000x32xf32>
    %mul3A_183 = arith.mulf %logistic3A_165, %tanh3A_174 : vector<2000x32xf32>
    %add3A_184 = arith.addf %mul3A_182, %mul3A_183 : vector<2000x32xf32>
    %tanh3A_185 = math.tanh %add3A_184 : vector<2000x32xf32>
    %mul3A_186 = arith.mulf %logistic3A_181, %tanh3A_185 : vector<2000x32xf32>
    %get3A_187 = arith.constant 0 : index
    %get3A_188 = arith.constant 96 : index
    %get3A_189 = vector.load %arg2[%get3A_187, %get3A_188] : memref<2000x128xf32, #tpu.memory_space<vmem>>, vector<2000x32xf32>
    %get3A_190 = arith.constant 0 : index
    %get3A_191 = arith.constant 0 : index
    %get3A_192 = arith.constant 0 : index
    %get3A_193 = vector.load %arg1[%get3A_190, %get3A_191, %get3A_192] : memref<2x2000x128xf32, #tpu.memory_space<vmem>>, vector<1x2000x128xf32>
    %get3A_194 = vector.shape_cast %get3A_193 : vector<1x2000x128xf32> to vector<2000x128xf32>
    %slice3A_195 = vector.extract_strided_slice %get3A_194 {offsets = [0, 96], sizes = [2000, 32], strides = [1, 1]} : vector<2000x128xf32> to vector<2000x32xf32>
    %get3A_196 = arith.constant 1 : index
    %get3A_197 = arith.constant 0 : index
    %get3A_198 = arith.constant 0 : index
    %get3A_199 = vector.load %arg1[%get3A_196, %get3A_197, %get3A_198] : memref<2x2000x128xf32, #tpu.memory_space<vmem>>, vector<1x2000x128xf32>
    %get3A_200 = vector.shape_cast %get3A_199 : vector<1x2000x128xf32> to vector<2000x128xf32>
    %slice3A_201 = vector.extract_strided_slice %get3A_200 {offsets = [0, 96], sizes = [2000, 32], strides = [1, 1]} : vector<2000x128xf32> to vector<2000x32xf32>
    %add3A_202 = arith.addf %slice3A_195, %slice3A_201 : vector<2000x32xf32>
    %dot_general3A_203 = arith.constant dense<0.000000e+00> : vector<2000x32xf32>
    %dot_general3A_204 = tpu.matmul %get3A_189, %get3A_1, %dot_general3A_203 {dimension_numbers = #tpu.dot_dimension_numbers<[1], [0], [0], [1], [0, 0, 1, 1], [], []>, transpose_lhs_hint = false} : vector<2000x32xf32>, vector<32x32xf32>, vector<2000x32xf32> -> vector<2000x32xf32>
    %add3A_205 = arith.addf %add3A_202, %dot_general3A_204 : vector<2000x32xf32>
    %add3A_206 = vector.broadcast %get3A_10 : vector<1x32xf32> to vector<2000x32xf32>
    %add3A_207 = arith.addf %add3A_205, %add3A_206 : vector<2000x32xf32>
    %max3A_208 = arith.constant 0.000000e+00 : f32
    %max3A_209 = vector.broadcast %max3A_208 : f32 to vector<2000x32xf32>
    %max3A_210 = arith.maximumf %add3A_207, %max3A_209 : vector<2000x32xf32>
    %dot_general3A_211 = arith.constant dense<0.000000e+00> : vector<2000x128xf32>
    %dot_general3A_212 = tpu.matmul %max3A_210, %get3A_4, %dot_general3A_211 {dimension_numbers = #tpu.dot_dimension_numbers<[1], [0], [0], [1], [0, 0, 1, 1], [], []>, transpose_lhs_hint = false} : vector<2000x32xf32>, vector<32x128xf32>, vector<2000x128xf32> -> vector<2000x128xf32>
    %dot_general3A_213 = arith.constant dense<0.000000e+00> : vector<2000x128xf32>
    %dot_general3A_214 = tpu.matmul %mul3A_186, %get3A_7, %dot_general3A_213 {dimension_numbers = #tpu.dot_dimension_numbers<[1], [0], [0], [1], [0, 0, 1, 1], [], []>, transpose_lhs_hint = false} : vector<2000x32xf32>, vector<32x128xf32>, vector<2000x128xf32> -> vector<2000x128xf32>
    %add3A_215 = arith.addf %dot_general3A_212, %dot_general3A_214 : vector<2000x128xf32>
    %add3A_216 = vector.broadcast %get3A_13 : vector<1x128xf32> to vector<2000x128xf32>
    %add3A_217 = arith.addf %add3A_215, %add3A_216 : vector<2000x128xf32>
    %slice3A_218 = vector.extract_strided_slice %add3A_217 {offsets = [0, 0], sizes = [2000, 32], strides = [1, 1]} : vector<2000x128xf32> to vector<2000x32xf32>
    %logistic3A_219 = arith.negf %slice3A_218 : vector<2000x32xf32>
    %logistic3A_220 = math.exp %logistic3A_219 : vector<2000x32xf32>
    %logistic3A_221 = arith.constant 1.000000e+00 : f32
    %logistic3A_222 = vector.broadcast %logistic3A_221 : f32 to vector<2000x32xf32>
    %logistic3A_223 = arith.addf %logistic3A_222, %logistic3A_220 : vector<2000x32xf32>
    %logistic3A_224 = arith.divf %logistic3A_222, %logistic3A_223 : vector<2000x32xf32>
    %slice3A_225 = vector.extract_strided_slice %add3A_217 {offsets = [0, 32], sizes = [2000, 32], strides = [1, 1]} : vector<2000x128xf32> to vector<2000x32xf32>
    %logistic3A_226 = arith.negf %slice3A_225 : vector<2000x32xf32>
    %logistic3A_227 = math.exp %logistic3A_226 : vector<2000x32xf32>
    %logistic3A_228 = arith.constant 1.000000e+00 : f32
    %logistic3A_229 = vector.broadcast %logistic3A_228 : f32 to vector<2000x32xf32>
    %logistic3A_230 = arith.addf %logistic3A_229, %logistic3A_227 : vector<2000x32xf32>
    %logistic3A_231 = arith.divf %logistic3A_229, %logistic3A_230 : vector<2000x32xf32>
    %slice3A_232 = vector.extract_strided_slice %add3A_217 {offsets = [0, 64], sizes = [2000, 32], strides = [1, 1]} : vector<2000x128xf32> to vector<2000x32xf32>
    %tanh3A_233 = math.tanh %slice3A_232 : vector<2000x32xf32>
    %slice3A_234 = vector.extract_strided_slice %add3A_217 {offsets = [0, 96], sizes = [2000, 32], strides = [1, 1]} : vector<2000x128xf32> to vector<2000x32xf32>
    %logistic3A_235 = arith.negf %slice3A_234 : vector<2000x32xf32>
    %logistic3A_236 = math.exp %logistic3A_235 : vector<2000x32xf32>
    %logistic3A_237 = arith.constant 1.000000e+00 : f32
    %logistic3A_238 = vector.broadcast %logistic3A_237 : f32 to vector<2000x32xf32>
    %logistic3A_239 = arith.addf %logistic3A_238, %logistic3A_236 : vector<2000x32xf32>
    %logistic3A_240 = arith.divf %logistic3A_238, %logistic3A_239 : vector<2000x32xf32>
    %mul3A_241 = arith.mulf %logistic3A_231, %add3A_184 : vector<2000x32xf32>
    %mul3A_242 = arith.mulf %logistic3A_224, %tanh3A_233 : vector<2000x32xf32>
    %add3A_243 = arith.addf %mul3A_241, %mul3A_242 : vector<2000x32xf32>
    %tanh3A_244 = math.tanh %add3A_243 : vector<2000x32xf32>
    %mul3A_245 = arith.mulf %logistic3A_240, %tanh3A_244 : vector<2000x32xf32>
    %swap3A = arith.constant 0 : index
    %swap3A_246 = arith.constant 0 : index
    %swap3A_247 = vector.load %arg8[%swap3A, %swap3A_246] : memref<2000x32xf32, #tpu.memory_space<vmem>>, vector<2000x32xf32>
    tpu.vector_store %arg8[%swap3A, %swap3A_246], %mul3A_245 {strides = array<i32>} : memref<2000x32xf32, #tpu.memory_space<vmem>>, vector<2000x32xf32>,
    %swap3A_248 = arith.constant 0 : index
    %swap3A_249 = arith.constant 0 : index
    %swap3A_250 = vector.load %arg9[%swap3A_248, %swap3A_249] : memref<2000x32xf32, #tpu.memory_space<vmem>>, vector<2000x32xf32>
    tpu.vector_store %arg9[%swap3A_248, %swap3A_249], %add3A_243 {strides = array<i32>} : memref<2000x32xf32, #tpu.memory_space<vmem>>, vector<2000x32xf32>,
    return
  }
  func.func @transform_0(%arg0: i32) -> (i32, i32, i32) {
    %c0_i32 = arith.constant 0 : i32
    %c0_i32_0 = arith.constant 0 : i32
    %c0_i32_1 = arith.constant 0 : i32
    return %c0_i32, %arg0, %c0_i32_0 : i32, i32, i32
  }
  func.func @transform_1(%arg0: i32) -> (i32, i32) {
    %c0_i32 = arith.constant 0 : i32
    %c0_i32_0 = arith.constant 0 : i32
    return %arg0, %c0_i32 : i32, i32
  }
  func.func @transform_2(%arg0: i32) -> (i32, i32) {
    %c0_i32 = arith.constant 0 : i32
    %c0_i32_0 = arith.constant 0 : i32
    %c0_i32_1 = arith.constant 0 : i32
    return %c0_i32, %c0_i32_0 : i32, i32
  }
  func.func @transform_3(%arg0: i32) -> (i32, i32) {
    %c0_i32 = arith.constant 0 : i32
    %c0_i32_0 = arith.constant 0 : i32
    %c0_i32_1 = arith.constant 0 : i32
    return %c0_i32, %c0_i32_0 : i32, i32
  }
  func.func @transform_4(%arg0: i32) -> (i32, i32) {
    %c0_i32 = arith.constant 0 : i32
    %c0_i32_0 = arith.constant 0 : i32
    %c0_i32_1 = arith.constant 0 : i32
    return %c0_i32, %c0_i32_0 : i32, i32
  }
  func.func @transform_5(%arg0: i32) -> (i32, i32) {
    %c0_i32 = arith.constant 0 : i32
    %c0_i32_0 = arith.constant 0 : i32
    %c0_i32_1 = arith.constant 0 : i32
    return %c0_i32, %c0_i32_0 : i32, i32
  }
  func.func @transform_6(%arg0: i32) -> (i32, i32) {
    %c0_i32 = arith.constant 0 : i32
    %c0_i32_0 = arith.constant 0 : i32
    %c0_i32_1 = arith.constant 0 : i32
    return %c0_i32, %c0_i32_0 : i32, i32
  }
  func.func @transform_7(%arg0: i32) -> (i32, i32) {
    %c0_i32 = arith.constant 0 : i32
    %c0_i32_0 = arith.constant 0 : i32
    return %arg0, %c0_i32 : i32, i32
  }
  func.func @transform_8(%arg0: i32) -> (i32, i32) {
    %c0_i32 = arith.constant 0 : i32
    %c0_i32_0 = arith.constant 0 : i32
    return %arg0, %c0_i32 : i32, i32
  }
}

</mosaic_0001>

<sc_bundles>
// kernel: kernel.18.cloned.1.call-start
scs
__scs_entry_jumppad:
0x0: {  	(pc) =	sbr.rel $0x88, $3  }
0x1: {  	(tag) =	ssettag $0x0;
	lr =	simm.s32 $0x1  }
0x2: {  	[smem:$0x3F96] =	sst lr;
	_ =	strace $0xD0000000  }
0x3: {  	_ = 	snop  }
0x4: {  	_ = 	snop  }
0x5: {  	_ = 	snop  }
0x6: {  	_ = 	snop  }
0x7: {  	_ = 	snop  }
__scs_overlays_trampoline_lowered:
0x8: {  	[smem:$0x3FA5] =	sst s0  }
0x9: {  	[smem:$0x3FA6] =	sst s1  }
0xa: {  	[smem:$0x3FA7] =	sst s2  }
0xb: {  	[smem:$0x3FA8] =	sst s3  }
0xc: {  	[smem:$0x3FA9] =	sst s4  }
0xd: {  	[smem:$0x3FAA] =	sst s5  }
0xe: {  	[smem:$0x3FAB] =	sst s6  }
0xf: {  	[smem:$0x3FAC] =	sst s7  }
0x10: {  	[smem:$0x3FAD] =	sst s8  }
0x11: {  	[smem:$0x3FAE] =	sst s9;
	s0 =	simm.s32 @!p0 $0x0  }
0x12: {  	s1 =	sld [smem:$0x3F94];
	s0 =	simm.s32 @p0 $0x1  }
0x13: {  	[smem:$0x3FAF] =	sst s0;
	s0 =	simm.s32 @!p1 $0x0  }
0x14: {  	s2 =	sld [smem:$0x3F93];
	s0 =	simm.s32 @p1 $0x1  }
0x15: {  	[smem:$0x3FB0] =	sst s0;
	s0 =	simm.s32 @!p2 $0x0  }
0x16: {  	s3 =	sld [smem:$0x3FDB];
	s0 =	simm.s32 @p2 $0x1  }
0x17: {  	s4 =	simm.s32 $0x1BF5;
	[smem:$0x3FB2] =	sst s0  }
0x18: {  	s0 =	sld [smem:$0x3F95];
	_ =	swait.ge [sflag:s4], $0x0  }
0x19: {  	s7 =	sld [smem:$0x3F96]  }
0x1a: {  	s8 =	sadd.s32 $0xFFFFE003, lr  }
0x1b: {  	s9 =	sadd.s32 $0xFFFFFEF7, lr;
	s5 =	simm.s32 $0xFFFFFFFF;
	p2 =	slt.u32 s8, $0xFFFFF086  }
0x1c: {  	p1 =	slt.u32 s9, $0xF7A;
	s5 =	simm.s32 @!p2 $0x0  }
0x1d: {  	s5 =	simm.s32 @p1 $0x1;
	p0 =	seq.s32 s7, s2  }
0x1e: {  	s7 =	smul.u32 @!p0 $0xF7A, s2;
	p2 =	seq.s32 @!p0 s5, $0x0  }
0x1f: {  	s9 =	smul.u32 $0xF7A, s1;
	s8 =	simm.s32 @!p0 $0x1BF5;
	p2 =	por !p2, p0  }
0x20: {  	[sflag:s8] =	ssyncset.s32 @!p0 $0xFFFFF086;
	s6 =	sadd.s32 @!p0 s3, s7;
	s7 =	simm.s32 @!p0 $0x108  }
0x21: {  	s3 =	sadd.s32 s3, s9;
	s6 =	sadd.s32 @!p0 $0x88, s6;
	s7 =	simm.s32 @p2 $0x1082  }
0x22: {  	[simem:s7], [sflag:s8] =	dma.local @!p0 [hbm:s6], $0xF7A  }
0x23: {  	s9 =	sor.u32 $0xD0000000, s2;
	s6 =	simm.s32 $0x108;
	_ =	swait.ge @!p0 [sflag:s8], $0x0  }
0x24: {  	s3 =	sadd.s32 $0x88, s3;
	s6 =	simm.s32 @!p1 $0x1082;
	[sflag:s4] =	ssyncset.s32 $0xFFFFF086  }
0x25: {  	[simem:s6], [sflag:s4] =	dma.local [hbm:s3], $0xF7A  }
0x26: {  	[smem:$0x3F96] =	sst s1;
	(tag) =	ssettag s2;
	_ =	strace s9  }
0x27: {  	s1 =	sld [smem:$0x3FA6]  }
0x28: {  	s2 =	sld [smem:$0x3FA7]  }
0x29: {  	s4 =	sld [smem:$0x3FA9]  }
0x2a: {  	p0 =	seq.s32 s5, $0x0;
	s5 =	sld [smem:$0x3FAA]  }
0x2b: {  	s6 =	sld [smem:$0x3FAB]  }
0x2c: {  	s7 =	sld [smem:$0x3FAC]  }
0x2d: {  	s3 =	simm.s32 $0x108;
	s8 =	sld [smem:$0x3FAD]  }
0x2e: {  	s3 =	simm.s32 @!p0 $0x1082;
	s9 =	sld [smem:$0x3FAE]  }
0x2f: {  	lr =	sadd.s32 s0, s3;
	s0 =	sld [smem:$0x3FA5]  }
0x30: {  	s3 =	sld [smem:$0x3FA8]  }
0x31: {  	[smem:$0x3FB1] =	sst s10  }
0x32: {  	s10 =	sld [smem:$0x3FAF];
	_ =	sdelay $0x3  }
0x33: {  	p0 =	seq.s32 s10, $0x1;
	s10 =	sld [smem:$0x3FB1];
	_ =	sdelay $0x3  }
0x34: {  	[smem:$0x3FB1] =	sst s10  }
0x35: {  	s10 =	sld [smem:$0x3FB0];
	_ =	sdelay $0x3  }
0x36: {  	p1 =	seq.s32 s10, $0x1;
	s10 =	sld [smem:$0x3FB1];
	_ =	sdelay $0x3  }
0x37: {  	[smem:$0x3FB1] =	sst s10  }
0x38: {  	s10 =	sld [smem:$0x3FB2]  }
0x39: {  	_ = 	snop;
	(pc) =	sbr.ind lr, $3  }
0x3a: {  	_ = 	snop  }
0x3b: {  	_ = 	snop  }
0x3c: {  	p2 =	seq.s32 s10, $0x1;
	s10 =	sld [smem:$0x3FB1]  }
0x3d: {  	_ =	shalt  }
0x3e: {  	_ =	shalt  }
0x3f: {  	_ =	shalt  }
0x40: {  	_ =	shalt  }
0x41: {  	_ =	shalt  }
0x42: {  	_ =	shalt  }
0x43: {  	_ =	shalt  }
0x44: {  	_ =	shalt  }
0x45: {  	_ =	shalt  }
0x46: {  	_ =	shalt  }
0x47: {  	_ =	shalt  }
0x48: {  	_ =	shalt  }
0x49: {  	_ =	shalt  }
0x4a: {  	_ =	shalt  }
0x4b: {  	_ =	shalt  }
0x4c: {  	_ =	shalt  }
0x4d: {  	_ =	shalt  }
0x4e: {  	_ =	shalt  }
0x4f: {  	_ =	shalt  }
0x50: {  	_ =	shalt  }
0x51: {  	_ =	shalt  }
0x52: {  	_ =	shalt  }
0x53: {  	_ =	shalt  }
0x54: {  	_ =	shalt  }
0x55: {  	_ =	shalt  }
0x56: {  	_ =	shalt  }
0x57: {  	_ =	shalt  }
0x58: {  	_ =	shalt  }
0x59: {  	_ =	shalt  }
0x5a: {  	_ =	shalt  }
0x5b: {  	_ =	shalt  }
0x5c: {  	_ =	shalt  }
0x5d: {  	_ =	shalt  }
0x5e: {  	_ =	shalt  }
0x5f: {  	_ =	shalt  }
0x60: {  	_ =	shalt  }
0x61: {  	_ =	shalt  }
0x62: {  	_ =	shalt  }
0x63: {  	_ =	shalt  }
0x64: {  	_ =	shalt  }
0x65: {  	_ =	shalt  }
0x66: {  	_ =	shalt  }
0x67: {  	_ =	shalt  }
0x68: {  	_ =	shalt  }
0x69: {  	_ =	shalt  }
0x6a: {  	_ =	shalt  }
0x6b: {  	_ =	shalt  }
0x6c: {  	_ =	shalt  }
0x6d: {  	_ =	shalt  }
0x6e: {  	_ =	shalt  }
0x6f: {  	_ =	shalt  }
0x70: {  	_ =	shalt  }
0x71: {  	_ =	shalt  }
0x72: {  	_ =	shalt  }
0x73: {  	_ =	shalt  }
0x74: {  	_ =	shalt  }
0x75: {  	_ =	shalt  }
0x76: {  	_ =	shalt  }
0x77: {  	_ =	shalt  }
0x78: {  	_ =	shalt  }
0x79: {  	_ =	shalt  }
0x7a: {  	_ =	shalt  }
0x7b: {  	_ =	shalt  }
0x7c: {  	_ =	shalt  }
0x7d: {  	_ =	shalt  }
0x7e: {  	_ =	shalt  }
0x7f: {  	_ =	shalt  }
0x80: {  	_ =	shalt  }
0x81: {  	_ =	shalt  }
0x82: {  	_ =	shalt  }
0x83: {  	_ =	shalt  }
0x84: {  	_ =	shalt  }
0x85: {  	_ =	shalt  }
0x86: {  	_ =	shalt  }
0x87: {  	_ =	shalt  }
.Lfunc_end0:
.L_simem_size_0:
called_computation_lowered:
.L_overlay_start_0:
0x88: {  	s2 =	sld [smem:$0x3FD9]  }
0x89: {  	s3 =	sld [smem:$0x3FFE];
	_ =	sdelay $0x1  }
0x8a: {  	s1 =	srdreg.scid  }
0x8b: {  	s0 =	sand.u32 $0x1, s1  }
0x8c: {  	s16 =	sshll.u32 s0, $0xA;
	s2 =	sadd.s32 s3, s2  }
0x8d: {  	s2 =	sadd.s32 s2, s16  }
0x8e: {  	[smem:$0x3FBD] =	sst s2  }
0x8f: {  	_ = 	snop  }
0x90: {  	(tm) =	ssettm $0x1  }
0x91: {  	s17 =	sld [smem:$0x3FFB];
	_ =	sdelay $0x3  }
0x92: {  	_ =	strace s17  }
0x93: {  	s2 =	sld [smem:$0x3FFC];
	_ =	sdelay $0x3  }
0x94: {  	_ =	strace s2  }
0x95: {  	s2 =	sld [smem:$0x3FFD];
	_ =	sdelay $0x3  }
0x96: {  	_ =	strace s2  }
0x97: {  	_ =	strace $0x8FFFFFFF  }
0x98: {  	s18 =	sld [smem:$0x3FDB];
	_ =	sdelay $0x1  }
0x99: {  	s19 =	simm.s32 $_scs_section_size  }
0x9a: {  	s4 =	simm.s32 $_size__tile_overlayer_lowered;
	s5 =	simm.s32 $_tile_overlayer_lowered  }
0x9b: {  	s22 =	simm.s32 $0x1BFF;
	s21 =	sshll.u32 s5, $0x1;
	s2 =	sadd.s32 s19, s18  }
0x9c: {  	s6 =	simm.s32 $0x0;
	s20 =	sshll.u32 s4, $0x1;
	s4 =	sadd.s32 s21, s2  }
0x9d: {  	[timem:s6], [sflag:s22] =	dma.local [hbm:s4], s20  }
0x9e: {  	_ =	swait.ge [sflag:s22], s20  }
0x9f: {  	s3 =	ssub.s32 $0x0, s20;
	[sflag:s22] =	ssyncset.done $0x0  }
0xa0: {  	[sflag:s22] =	ssyncadd.s32 s3;
	_ =	sdelay $0x1  }
0xa1: {  	s23 =	simm.s32 $0x1B8B  }
0xa2: {  	_ =	swait.ge [sflag:s23], $0x1  }
0xa3: {  	[sflag:s23] =	ssyncset.done $0x0  }
0xa4: {  	s25 =	simm.s32 $0x1B8E;
	s24 =	sld [smem:$0x3FFE];
	[sflag:s23] =	ssyncadd.s32 $0xFFFFFFFF  }
0xa5: {  	s26 =	simm.s32 $execute0_lowered;
	[smem:$0x3FD2] =	sst s25  }
0xa6: {  	s4 =	sshll.u32 s26, $0x1;
	_ =	strace $0x80000046;
	[dreg:$0x1] =	wrdreg $0xFFFFFFFF  }
0xa7: {  	s28 =	simm.s32 $_size_execute0_lowered;
	s2 =	sadd.s32 s2, s4;
	[dreg:$0x0] =	wrdreg $0x0  }
0xa8: {  	s4 =	sshll.u32 s28, $0x1;
	[dreg:$0x2] =	wrdreg s2  }
0xa9: {  	[dreg:$0x3] =	wrdreg s4  }
0xaa: {  	[dreg:$0x4] =	wrdreg $0xC0  }
0xab: {  	_ =	task [dreg:s6], $0x5FFFF  }
0xac: {  	[dreg:$0x1] =	wrdreg $0xFFFFFFFF  }
0xad: {  	[dreg:$0x0] =	wrdreg $0x60  }
0xae: {  	[dreg:$0x2] =	wrdreg s24  }
0xaf: {  	[dreg:$0x3] =	wrdreg $0x9  }
0xb0: {  	_ =	task.clear_ibuf [dreg:s6], $0x4FFFF;
	_ =	strace $0x90000046  }
0xb1: {  	s29 =	simm.s32 $0x9;
	_ =	strace $0x80000048  }
0xb2: {  	_ =	swait.ge [sflag:s29], $0x1  }
0xb3: {  	[sflag:s29] =	ssyncadd.s32 $0xFFFFFFFF  }
0xb4: {  	_ =	strace $0x90000048  }
0xb5: {  	_ =	sfence  }
0xb6: {  	s30 =	sld [smem:$0x0];
	_ =	sdelay $0x2  }
0xb7: {  	s31 =	sshll.u32 s1, $0xD;
	s1 =	sshrl.u32 s1, $0x2  }
0xb8: {  	s3 =	sand.u32 $0x4000, s31;
	s1 =	sadd.s32 s1, s30  }
0xb9: {  	s0 =	sor.u32 s3, s0;
	s1 =	sshll.u32 s1, $0x11  }
0xba: {  	s0 =	sor.u32 s1, s0  }
0xbb: {  	s0 =	sadd.s32 $0x8F2B, s0  }
0xbc: {  	[sflag:s0] =	ssyncadd.remote.s32 $0x1  }
0xbd: {  	_ =	sfence.sel $0xFFFF  }
0xbe: {  	[dreg:$0x0] =	wrdreg $0xFFFFFFFF;
	(pc) =	sbr.abs _section_cstart, $3  }
0xbf: {  	[dreg:$0x1] =	wrdreg $0xFFFFFFFF  }
0xc0: {  	_ =	task.clear_ibuf [dreg:s6], $0x2FFFF;
	_ =	strace $0x9FFFFFFF  }
0xc1: {  	(tm) =	ssettm $0x7FFFFFFF  }
tec
execute0_lowered:
.L_overlay_start_1:
0x0: {  	(tag) =	ssettag $0x1  }
0x1: {  	s1 =	srdreg.scid;
	s0 =	stileid.u32  }
0x2: {  	s15 =	sand.u32 $0x1, s1;
	s31 =	sshll.u32 s0, $0x1  }
0x3: {  	s9 =	rddreg [dreg:$0x0];
	s6 =	sor.u32 s15, s31  }
0x4: {  	s2 =	simm.s32 $0x0;
	s1 =	rddreg [dreg:$0x1];
	s3 =	sshll.u32 s6, $0x7  }
0x5: {  	[smem:$0x7FF] =	sst s2;
	s3 =	sadd.s32 s3, s9  }
0x6: {  	_ =	strace $0x80000047;
	s4 =	sadd.s32 $0x2B600, s3;
	s3 =	simm.s32 $0x2  }
0x7: {  	[tilespmem:s2], [sflag:$0x2] =	stream.linear.gather [hbm4b:s4+s2], $0x280, $0x38;
	[tilespmem:$0x4400] =	vst v63  }
0x8: {  	s7 =	simm.s32 $0x400;
	_ =	swait.ge [sflag:s3], $0x280  }
0x9: {  	s8 =	simm.s32 $0x1;
	s5 =	sadd.s32 $0x4400, s9;
	[sflag:s3] =	ssyncset.done $0x0  }
0xa: {  	s10 =	smul.u32 $0x2800, s6;
	s6 =	simm.s32 $0x80;
	[sflag:s3] =	ssyncadd.s32 $0xFFFFFD80  }
0xb: {  	[tilespmem:s7], [sflag:$0x1] =	stream.indirect.gather [hbm4b:s5+s6], $0x80, s2, s6, $0xb8;
	[tilespmem:$0x4400] =	vst v63  }
0xc: {  	_ =	swait.ge [sflag:s8], $0x4000  }
0xd: {  	s16 =	sadd.s32 s10, s9;
	[sflag:s8] =	ssyncset.done $0x0  }
0xe: {  	s9 =	sadd.s32 $0x2C600, s16;
	[sflag:s8] =	ssyncadd.s32 $0xFFFFC000  }
0xf: {  	[hbm4b:s9+s2] =	stream.linear.scatter [tilespmem:s7], [sflag:$0x2], $0x4000, $0x38;
	[tilespmem:$0x4400] =	vst v63  }
0x10: {  	_ =	swait.ge [sflag:s3], $0x4000  }
0x11: {  	[sflag:s3] =	ssyncset.done $0x0  }
0x12: {  	[sflag:s3] =	ssyncadd.s32 $0xFFFFC000  }
0x13: {  	[tilespmem:s7], [sflag:$0x1] =	stream.indirect.gather [hbm4b:s5+s6], $0x80, s6, s6, $0xb8;
	[tilespmem:$0x4400] =	vst v63  }
0x14: {  	_ =	swait.ge [sflag:s8], $0x4000  }
0x15: {  	[sflag:s8] =	ssyncset.done $0x0  }
0x16: {  	s10 =	sadd.s32 $0x2CE00, s16;
	[sflag:s8] =	ssyncadd.s32 $0xFFFFC000  }
0x17: {  	[hbm4b:s10+s2] =	stream.linear.scatter [tilespmem:s7], [sflag:$0x2], $0x4000, $0x38;
	[tilespmem:$0x4400] =	vst v63  }
0x18: {  	_ =	swait.ge [sflag:s3], $0x4000  }
0x19: {  	[sflag:s3] =	ssyncset.done $0x0  }
0x1a: {  	s11 =	simm.s32 $0x100;
	[sflag:s3] =	ssyncadd.s32 $0xFFFFC000  }
0x1b: {  	[tilespmem:s7], [sflag:$0x1] =	stream.indirect.gather [hbm4b:s5+s6], $0x80, s11, s6, $0xb8;
	[tilespmem:$0x4400] =	vst v63  }
0x1c: {  	_ =	swait.ge [sflag:s8], $0x4000  }
0x1d: {  	[sflag:s8] =	ssyncset.done $0x0  }
0x1e: {  	s12 =	sadd.s32 $0x2D600, s16;
	[sflag:s8] =	ssyncadd.s32 $0xFFFFC000  }
0x1f: {  	[hbm4b:s12+s2] =	stream.linear.scatter [tilespmem:s7], [sflag:$0x2], $0x4000, $0x38;
	[tilespmem:$0x4400] =	vst v63  }
0x20: {  	_ =	swait.ge [sflag:s3], $0x4000  }
0x21: {  	[sflag:s3] =	ssyncset.done $0x0  }
0x22: {  	s13 =	simm.s32 $0x180;
	[sflag:s3] =	ssyncadd.s32 $0xFFFFC000  }
0x23: {  	[tilespmem:s7], [sflag:$0x1] =	stream.indirect.gather [hbm4b:s5+s6], $0x80, s13, s6, $0xb8;
	[tilespmem:$0x4400] =	vst v63  }
0x24: {  	_ =	swait.ge [sflag:s8], $0x4000  }
0x25: {  	[sflag:s8] =	ssyncset.done $0x0  }
0x26: {  	s17 =	ssub.s32 $0x2, s15;
	s14 =	sadd.s32 $0x2DE00, s16;
	[sflag:s8] =	ssyncadd.s32 $0xFFFFC000  }
0x27: {  	[hbm4b:s14+s2] =	stream.linear.scatter [tilespmem:s7], [sflag:$0x2], $0x4000, $0x38;
	[tilespmem:$0x4400] =	vst v63  }
0x28: {  	s18 =	sshrl.u32 s17, $0x1;
	_ =	swait.ge [sflag:s3], $0x4000  }
0x29: {  	s17 =	ssub.s32 s17, s18;
	[sflag:s3] =	ssyncset.done $0x0  }
0x2a: {  	s15 =	simm.s32 $0x200;
	s17 =	smax.u32 s17, $0x1;
	[sflag:s3] =	ssyncadd.s32 $0xFFFFC000  }
0x2b: {  	[tilespmem:s7], [sflag:$0x1] =	stream.indirect.gather [hbm4b:s5+s6], $0x80, s15, s6, $0xb8;
	[tilespmem:$0x4400] =	vst v63  }
0x2c: {  	p0 =	sne.s32 s17, $0x1;
	_ =	swait.ge [sflag:s8], $0x4000  }
.Ltmp0:
0x2d: {  	[sflag:s8] =	ssyncset.done $0x0;
	(pc) =	sbr.rel @!p0 .LBB2_2-.Ltmp0, $4  }
0x2e: {  	s16 =	sadd.s32 $0x2E600, s16;
	[sflag:s8] =	ssyncadd.s32 $0xFFFFC000  }
0x2f: {  	[hbm4b:s16+s2] =	stream.linear.scatter [tilespmem:s7], [sflag:$0x2], $0x4000, $0x38;
	[tilespmem:$0x4400] =	vst v63  }
0x30: {  	_ =	swait.ge [sflag:s3], $0x4000  }
0x31: {  	s17 =	sadd.s32 $0xFFFFFFFF, s17;
	[sflag:s3] =	ssyncset.done $0x0  }
.LBB2_1:
0x32: {  	p0 =	sne.s32 s17, $0x1;
	s17 =	sadd.s32 $0xFFFFFFFF, s17;
	[sflag:s3] =	ssyncadd.s32 $0xFFFFC000  }
0x33: {  	[tilespmem:s2], [sflag:$0x2] =	stream.linear.gather [hbm4b:s4+s2], $0x280, $0x38;
	[tilespmem:$0x4400] =	vst v63  }
0x34: {  	_ =	swait.ge [sflag:s3], $0x280  }
0x35: {  	[sflag:s3] =	ssyncset.done $0x0  }
0x36: {  	[sflag:s3] =	ssyncadd.s32 $0xFFFFFD80  }
0x37: {  	[tilespmem:s7], [sflag:$0x1] =	stream.indirect.gather [hbm4b:s5+s6], $0x80, s2, s6, $0xb8;
	[tilespmem:$0x4400] =	vst v63  }
0x38: {  	_ =	swait.ge [sflag:s8], $0x4000  }
0x39: {  	[sflag:s8] =	ssyncset.done $0x0  }
0x3a: {  	[sflag:s8] =	ssyncadd.s32 $0xFFFFC000  }
0x3b: {  	[hbm4b:s9+s2] =	stream.linear.scatter [tilespmem:s7], [sflag:$0x2], $0x4000, $0x38;
	[tilespmem:$0x4400] =	vst v63  }
0x3c: {  	_ =	swait.ge [sflag:s3], $0x4000  }
0x3d: {  	[sflag:s3] =	ssyncset.done $0x0  }
0x3e: {  	[sflag:s3] =	ssyncadd.s32 $0xFFFFC000  }
0x3f: {  	[tilespmem:s7], [sflag:$0x1] =	stream.indirect.gather [hbm4b:s5+s6], $0x80, s6, s6, $0xb8;
	[tilespmem:$0x4400] =	vst v63  }
0x40: {  	_ =	swait.ge [sflag:s8], $0x4000  }
0x41: {  	[sflag:s8] =	ssyncset.done $0x0  }
0x42: {  	[sflag:s8] =	ssyncadd.s32 $0xFFFFC000  }
0x43: {  	[hbm4b:s10+s2] =	stream.linear.scatter [tilespmem:s7], [sflag:$0x2], $0x4000, $0x38;
	[tilespmem:$0x4400] =	vst v63  }
0x44: {  	_ =	swait.ge [sflag:s3], $0x4000  }
0x45: {  	[sflag:s3] =	ssyncset.done $0x0  }
0x46: {  	[sflag:s3] =	ssyncadd.s32 $0xFFFFC000  }
0x47: {  	[tilespmem:s7], [sflag:$0x1] =	stream.indirect.gather [hbm4b:s5+s6], $0x80, s11, s6, $0xb8;
	[tilespmem:$0x4400] =	vst v63  }
0x48: {  	_ =	swait.ge [sflag:s8], $0x4000  }
0x49: {  	[sflag:s8] =	ssyncset.done $0x0  }
0x4a: {  	[sflag:s8] =	ssyncadd.s32 $0xFFFFC000  }
0x4b: {  	[hbm4b:s12+s2] =	stream.linear.scatter [tilespmem:s7], [sflag:$0x2], $0x4000, $0x38;
	[tilespmem:$0x4400] =	vst v63  }
0x4c: {  	_ =	swait.ge [sflag:s3], $0x4000  }
0x4d: {  	[sflag:s3] =	ssyncset.done $0x0  }
0x4e: {  	[sflag:s3] =	ssyncadd.s32 $0xFFFFC000  }
0x4f: {  	[tilespmem:s7], [sflag:$0x1] =	stream.indirect.gather [hbm4b:s5+s6], $0x80, s13, s6, $0xb8;
	[tilespmem:$0x4400] =	vst v63  }
0x50: {  	_ =	swait.ge [sflag:s8], $0x4000  }
0x51: {  	[sflag:s8] =	ssyncset.done $0x0  }
0x52: {  	[sflag:s8] =	ssyncadd.s32 $0xFFFFC000  }
0x53: {  	[hbm4b:s14+s2] =	stream.linear.scatter [tilespmem:s7], [sflag:$0x2], $0x4000, $0x38;
	[tilespmem:$0x4400] =	vst v63  }
0x54: {  	_ =	swait.ge [sflag:s3], $0x4000  }
0x55: {  	[sflag:s3] =	ssyncset.done $0x0  }
0x56: {  	[sflag:s3] =	ssyncadd.s32 $0xFFFFC000  }
0x57: {  	[tilespmem:s7], [sflag:$0x1] =	stream.indirect.gather [hbm4b:s5+s6], $0x80, s15, s6, $0xb8;
	[tilespmem:$0x4400] =	vst v63  }
0x58: {  	_ =	swait.ge [sflag:s8], $0x4000  }
.Ltmp1:
0x59: {  	[sflag:s8] =	ssyncset.done $0x0;
	(pc) =	sbr.rel @p0 .LBB2_1-.Ltmp1, $4  }
0x5a: {  	[sflag:s8] =	ssyncadd.s32 $0xFFFFC000  }
0x5b: {  	[hbm4b:s16+s2] =	stream.linear.scatter [tilespmem:s7], [sflag:$0x2], $0x4000, $0x38;
	[tilespmem:$0x4400] =	vst v63  }
0x5c: {  	_ =	swait.ge [sflag:s3], $0x4000  }
0x5d: {  	[sflag:s3] =	ssyncset.done $0x0  }
.LBB2_2:
0x5e: {  	[sflag:s3] =	ssyncadd.s32 $0xFFFFC000  }
0x5f: {  	_ =	sfence.sel $0x180000  }
0x60: {  	[bflag:$0x0] =	sbarrier.arrive $0xFFFF  }
0x61: {  	p0 =	sne.s32 s0, $0x0;
	_ =	strace $0x90000047  }
0x62: {  	s0 =	sadd.s32 @!p0 $0x100000, s1;
	[bflag:$0x2] =	sbarrier.arrive $0xFFFF  }
0x63: {  	[sflag:s0] =	ssyncadd.tile.s32 @!p0 $0x1;
	_ =	shalt  }
.Lfunc_end2:
_tile_overlayer_lowered:
.L_overlay_start_2:
0x64: {  	(tag) =	ssettag $0x2  }
0x65: {  	s0 =	rddreg [dreg:$0x0];
	s2 =	stileid.u32  }
0x66: {  	s1 =	rddreg [dreg:$0x1];
	p0 =	sne.s32 s2, $0x0  }
0x67: {  	s3 =	rddreg [dreg:$0x2];
	[bflag:$0x3] =	sbarrier.arrive $0xFFFF;
	s2 =	simm.s32 @!p0 $0x1C02  }
0x68: {  	[timem:s3], [sflag:s2] =	dma.local @!p0 [hbm:s0], s1  }
0x69: {  	s0 =	simm.s32 @!p0 $0x2  }
0x6a: {  	_ =	swait.ge @!p0 [sflag:s0], s1  }
0x6b: {  	s1 =	ssub.s32 @!p0 $0x0, s1;
	[sflag:s0] =	ssyncset.done @!p0 $0x0  }
0x6c: {  	[sflag:s0] =	ssyncadd.s32 @!p0 s1  }
0x6d: {  	[bflag:$0x3] =	sbarrier.arrive $0xFFFF  }
0x6e: {  	_ =	shalt  }

// kernel: kernel.21.cloned.1.call-start
scs
__scs_entry_jumppad:
0x0: {  	(pc) =	sbr.rel $0x88, $3  }
0x1: {  	(tag) =	ssettag $0x0;
	lr =	simm.s32 $0x1  }
0x2: {  	[smem:$0x3F96] =	sst lr;
	_ =	strace $0xD0000000  }
0x3: {  	_ = 	snop  }
0x4: {  	_ = 	snop  }
0x5: {  	_ = 	snop  }
0x6: {  	_ = 	snop  }
0x7: {  	_ = 	snop  }
__scs_overlays_trampoline_lowered:
0x8: {  	[smem:$0x3FA5] =	sst s0  }
0x9: {  	[smem:$0x3FA6] =	sst s1  }
0xa: {  	[smem:$0x3FA7] =	sst s2  }
0xb: {  	[smem:$0x3FA8] =	sst s3  }
0xc: {  	[smem:$0x3FA9] =	sst s4  }
0xd: {  	[smem:$0x3FAA] =	sst s5  }
0xe: {  	[smem:$0x3FAB] =	sst s6  }
0xf: {  	[smem:$0x3FAC] =	sst s7  }
0x10: {  	[smem:$0x3FAD] =	sst s8  }
0x11: {  	[smem:$0x3FAE] =	sst s9;
	s0 =	simm.s32 @!p0 $0x0  }
0x12: {  	s1 =	sld [smem:$0x3F94];
	s0 =	simm.s32 @p0 $0x1  }
0x13: {  	[smem:$0x3FAF] =	sst s0;
	s0 =	simm.s32 @!p1 $0x0  }
0x14: {  	s2 =	sld [smem:$0x3F93];
	s0 =	simm.s32 @p1 $0x1  }
0x15: {  	[smem:$0x3FB0] =	sst s0;
	s0 =	simm.s32 @!p2 $0x0  }
0x16: {  	s3 =	sld [smem:$0x3FDB];
	s0 =	simm.s32 @p2 $0x1  }
0x17: {  	s4 =	simm.s32 $0x1BF5;
	[smem:$0x3FB2] =	sst s0  }
0x18: {  	s0 =	sld [smem:$0x3F95];
	_ =	swait.ge [sflag:s4], $0x0  }
0x19: {  	s7 =	sld [smem:$0x3F96]  }
0x1a: {  	s8 =	sadd.s32 $0xFFFFE003, lr  }
0x1b: {  	s9 =	sadd.s32 $0xFFFFFEF7, lr;
	s5 =	simm.s32 $0xFFFFFFFF;
	p2 =	slt.u32 s8, $0xFFFFF086  }
0x1c: {  	p1 =	slt.u32 s9, $0xF7A;
	s5 =	simm.s32 @!p2 $0x0  }
0x1d: {  	s5 =	simm.s32 @p1 $0x1;
	p0 =	seq.s32 s7, s2  }
0x1e: {  	s7 =	smul.u32 @!p0 $0xF7A, s2;
	p2 =	seq.s32 @!p0 s5, $0x0  }
0x1f: {  	s9 =	smul.u32 $0xF7A, s1;
	s8 =	simm.s32 @!p0 $0x1BF5;
	p2 =	por !p2, p0  }
0x20: {  	[sflag:s8] =	ssyncset.s32 @!p0 $0xFFFFF086;
	s6 =	sadd.s32 @!p0 s3, s7;
	s7 =	simm.s32 @!p0 $0x108  }
0x21: {  	s3 =	sadd.s32 s3, s9;
	s6 =	sadd.s32 @!p0 $0x88, s6;
	s7 =	simm.s32 @p2 $0x1082  }
0x22: {  	[simem:s7], [sflag:s8] =	dma.local @!p0 [hbm:s6], $0xF7A  }
0x23: {  	s9 =	sor.u32 $0xD0000000, s2;
	s6 =	simm.s32 $0x108;
	_ =	swait.ge @!p0 [sflag:s8], $0x0  }
0x24: {  	s3 =	sadd.s32 $0x88, s3;
	s6 =	simm.s32 @!p1 $0x1082;
	[sflag:s4] =	ssyncset.s32 $0xFFFFF086  }
0x25: {  	[simem:s6], [sflag:s4] =	dma.local [hbm:s3], $0xF7A  }
0x26: {  	[smem:$0x3F96] =	sst s1;
	(tag) =	ssettag s2;
	_ =	strace s9  }
0x27: {  	s1 =	sld [smem:$0x3FA6]  }
0x28: {  	s2 =	sld [smem:$0x3FA7]  }
0x29: {  	s4 =	sld [smem:$0x3FA9]  }
0x2a: {  	p0 =	seq.s32 s5, $0x0;
	s5 =	sld [smem:$0x3FAA]  }
0x2b: {  	s6 =	sld [smem:$0x3FAB]  }
0x2c: {  	s7 =	sld [smem:$0x3FAC]  }
0x2d: {  	s3 =	simm.s32 $0x108;
	s8 =	sld [smem:$0x3FAD]  }
0x2e: {  	s3 =	simm.s32 @!p0 $0x1082;
	s9 =	sld [smem:$0x3FAE]  }
0x2f: {  	lr =	sadd.s32 s0, s3;
	s0 =	sld [smem:$0x3FA5]  }
0x30: {  	s3 =	sld [smem:$0x3FA8]  }
0x31: {  	[smem:$0x3FB1] =	sst s10  }
0x32: {  	s10 =	sld [smem:$0x3FAF];
	_ =	sdelay $0x3  }
0x33: {  	p0 =	seq.s32 s10, $0x1;
	s10 =	sld [smem:$0x3FB1];
	_ =	sdelay $0x3  }
0x34: {  	[smem:$0x3FB1] =	sst s10  }
0x35: {  	s10 =	sld [smem:$0x3FB0];
	_ =	sdelay $0x3  }
0x36: {  	p1 =	seq.s32 s10, $0x1;
	s10 =	sld [smem:$0x3FB1];
	_ =	sdelay $0x3  }
0x37: {  	[smem:$0x3FB1] =	sst s10  }
0x38: {  	s10 =	sld [smem:$0x3FB2]  }
0x39: {  	_ = 	snop;
	(pc) =	sbr.ind lr, $3  }
0x3a: {  	_ = 	snop  }
0x3b: {  	_ = 	snop  }
0x3c: {  	p2 =	seq.s32 s10, $0x1;
	s10 =	sld [smem:$0x3FB1]  }
0x3d: {  	_ =	shalt  }
0x3e: {  	_ =	shalt  }
0x3f: {  	_ =	shalt  }
0x40: {  	_ =	shalt  }
0x41: {  	_ =	shalt  }
0x42: {  	_ =	shalt  }
0x43: {  	_ =	shalt  }
0x44: {  	_ =	shalt  }
0x45: {  	_ =	shalt  }
0x46: {  	_ =	shalt  }
0x47: {  	_ =	shalt  }
0x48: {  	_ =	shalt  }
0x49: {  	_ =	shalt  }
0x4a: {  	_ =	shalt  }
0x4b: {  	_ =	shalt  }
0x4c: {  	_ =	shalt  }
0x4d: {  	_ =	shalt  }
0x4e: {  	_ =	shalt  }
0x4f: {  	_ =	shalt  }
0x50: {  	_ =	shalt  }
0x51: {  	_ =	shalt  }
0x52: {  	_ =	shalt  }
0x53: {  	_ =	shalt  }
0x54: {  	_ =	shalt  }
0x55: {  	_ =	shalt  }
0x56: {  	_ =	shalt  }
0x57: {  	_ =	shalt  }
0x58: {  	_ =	shalt  }
0x59: {  	_ =	shalt  }
0x5a: {  	_ =	shalt  }
0x5b: {  	_ =	shalt  }
0x5c: {  	_ =	shalt  }
0x5d: {  	_ =	shalt  }
0x5e: {  	_ =	shalt  }
0x5f: {  	_ =	shalt  }
0x60: {  	_ =	shalt  }
0x61: {  	_ =	shalt  }
0x62: {  	_ =	shalt  }
0x63: {  	_ =	shalt  }
0x64: {  	_ =	shalt  }
0x65: {  	_ =	shalt  }
0x66: {  	_ =	shalt  }
0x67: {  	_ =	shalt  }
0x68: {  	_ =	shalt  }
0x69: {  	_ =	shalt  }
0x6a: {  	_ =	shalt  }
0x6b: {  	_ =	shalt  }
0x6c: {  	_ =	shalt  }
0x6d: {  	_ =	shalt  }
0x6e: {  	_ =	shalt  }
0x6f: {  	_ =	shalt  }
0x70: {  	_ =	shalt  }
0x71: {  	_ =	shalt  }
0x72: {  	_ =	shalt  }
0x73: {  	_ =	shalt  }
0x74: {  	_ =	shalt  }
0x75: {  	_ =	shalt  }
0x76: {  	_ =	shalt  }
0x77: {  	_ =	shalt  }
0x78: {  	_ =	shalt  }
0x79: {  	_ =	shalt  }
0x7a: {  	_ =	shalt  }
0x7b: {  	_ =	shalt  }
0x7c: {  	_ =	shalt  }
0x7d: {  	_ =	shalt  }
0x7e: {  	_ =	shalt  }
0x7f: {  	_ =	shalt  }
0x80: {  	_ =	shalt  }
0x81: {  	_ =	shalt  }
0x82: {  	_ =	shalt  }
0x83: {  	_ =	shalt  }
0x84: {  	_ =	shalt  }
0x85: {  	_ =	shalt  }
0x86: {  	_ =	shalt  }
0x87: {  	_ =	shalt  }
.Lfunc_end0:
.L_simem_size_0:
called_computation.1_lowered:
.L_overlay_start_0:
0x88: {  	s2 =	sld [smem:$0x3FD9]  }
0x89: {  	s3 =	sld [smem:$0x3FFE];
	_ =	sdelay $0x1  }
0x8a: {  	s1 =	srdreg.scid  }
0x8b: {  	s0 =	sand.u32 $0x1, s1  }
0x8c: {  	s17 =	sshll.u32 s0, $0xA;
	s2 =	sadd.s32 s3, s2  }
0x8d: {  	s2 =	sadd.s32 s2, s17  }
0x8e: {  	[smem:$0x3FBD] =	sst s2  }
0x8f: {  	_ = 	snop  }
0x90: {  	(tm) =	ssettm $0x1  }
0x91: {  	s18 =	sld [smem:$0x3FFB];
	_ =	sdelay $0x3  }
0x92: {  	_ =	strace s18  }
0x93: {  	s2 =	sld [smem:$0x3FFC];
	_ =	sdelay $0x3  }
0x94: {  	_ =	strace s2  }
0x95: {  	s2 =	sld [smem:$0x3FFD];
	_ =	sdelay $0x3  }
0x96: {  	_ =	strace s2  }
0x97: {  	_ =	strace $0x8FFFFFFF  }
0x98: {  	s19 =	sld [smem:$0x3FDB];
	_ =	sdelay $0x1  }
0x99: {  	s20 =	simm.s32 $_scs_section_size  }
0x9a: {  	s4 =	simm.s32 $_size__tile_overlayer_lowered;
	s5 =	simm.s32 $_tile_overlayer_lowered  }
0x9b: {  	s6 =	simm.s32 $0x1BFF;
	s21 =	sshll.u32 s5, $0x1;
	s3 =	sadd.s32 s20, s19  }
0x9c: {  	s22 =	simm.s32 $0x0;
	s4 =	sshll.u32 s4, $0x1;
	s5 =	sadd.s32 s21, s3  }
0x9d: {  	[timem:s22], [sflag:s6] =	dma.local [hbm:s5], s4  }
0x9e: {  	_ =	swait.ge [sflag:s6], s4  }
0x9f: {  	s4 =	ssub.s32 $0x0, s4;
	[sflag:s6] =	ssyncset.done $0x0  }
0xa0: {  	[sflag:s6] =	ssyncadd.s32 s4;
	_ =	sdelay $0x1  }
0xa1: {  	s23 =	simm.s32 $0x1B8B  }
0xa2: {  	_ =	swait.ge [sflag:s23], $0x1  }
0xa3: {  	[sflag:s23] =	ssyncset.done $0x0  }
0xa4: {  	[sflag:s23] =	ssyncadd.s32 $0xFFFFFFFF  }
0xa5: {  	s4 =	sld [smem:$0x0]  }
0xa6: {  	s5 =	sand.u32 $0xFFFFFFFE, s1  }
0xa7: {  	p0 =	sne.s32 s1, s5  }
0xa8: {  	s5 =	sshll.u32 @p0 s5, $0xE  }
0xa9: {  	s5 =	sadd.s32 @p0 $0x11B8D, s5;
	s6 =	sshll.u32 @p0 s4, $0x11  }
0xaa: {  	s5 =	sor.u32 @p0 s6, s5  }
0xab: {  	[sflag:s5] =	ssyncadd.remote.s32 @p0 $0x1;
	_ =	sdelay $0x1  }
0xac: {  	s5 =	simm.s32 @p0 $0x1B8D  }
0xad: {  	_ =	swait.eq @p0 [sflag:s5], $0x1  }
0xae: {  	[sflag:s5] =	ssyncadd.s32 @p0 $0xFFFFFFFF  }
0xaf: {  	s6 =	sshll.u32 @!p0 s1, $0xE  }
0xb0: {  	s6 =	sor.u32 @!p0 $0x4000, s6;
	s5 =	simm.s32 @!p0 $0x1B8D  }
0xb1: {  	s4 =	sshll.u32 @!p0 s4, $0x11;
	s6 =	sadd.s32 @!p0 $0x11B8D, s6;
	_ =	swait.eq @!p0 [sflag:s5], $0x1  }
0xb2: {  	s4 =	sor.u32 @!p0 s4, s6;
	[sflag:s5] =	ssyncadd.s32 @!p0 $0xFFFFFFFF  }
0xb3: {  	s25 =	simm.s32 $0x1B8E;
	s24 =	sld [smem:$0x3FFE];
	[sflag:s4] =	ssyncadd.remote.s32 @!p0 $0x1  }
0xb4: {  	s26 =	simm.s32 $execute0_lowered;
	[smem:$0x3FD2] =	sst s25  }
0xb5: {  	s5 =	sshll.u32 s26, $0x1;
	_ =	strace $0x80000049;
	[dreg:$0x1] =	wrdreg $0xFFFFFFFF  }
0xb6: {  	s28 =	simm.s32 $_size_execute0_lowered;
	s3 =	sadd.s32 s3, s5;
	[dreg:$0x0] =	wrdreg $0x0  }
0xb7: {  	s5 =	sshll.u32 s28, $0x1;
	[dreg:$0x2] =	wrdreg s3  }
0xb8: {  	[dreg:$0x3] =	wrdreg s5  }
0xb9: {  	[dreg:$0x4] =	wrdreg $0xC0  }
0xba: {  	_ =	task [dreg:s22], $0x5FFFF  }
0xbb: {  	[dreg:$0x1] =	wrdreg $0xFFFFFFFF  }
0xbc: {  	[dreg:$0x0] =	wrdreg $0x60  }
0xbd: {  	[dreg:$0x2] =	wrdreg s24  }
0xbe: {  	[dreg:$0x3] =	wrdreg $0xA  }
0xbf: {  	_ =	task.clear_ibuf [dreg:s22], $0x4FFFF;
	_ =	strace $0x90000049  }
0xc0: {  	s29 =	simm.s32 $0xA;
	_ =	strace $0x8000004B  }
0xc1: {  	_ =	swait.ge [sflag:s29], $0x1  }
0xc2: {  	[sflag:s29] =	ssyncadd.s32 $0xFFFFFFFF  }
0xc3: {  	_ =	strace $0x9000004B  }
0xc4: {  	_ =	sfence  }
0xc5: {  	s30 =	sld [smem:$0x0];
	_ =	sdelay $0x2  }
0xc6: {  	s31 =	sshll.u32 s1, $0xD;
	s1 =	sshrl.u32 s1, $0x2  }
0xc7: {  	s4 =	sand.u32 $0x4000, s31;
	s1 =	sadd.s32 s1, s30  }
0xc8: {  	s0 =	sor.u32 s4, s0;
	s1 =	sshll.u32 s1, $0x11  }
0xc9: {  	s0 =	sor.u32 s1, s0  }
0xca: {  	s0 =	sadd.s32 $0x8F2B, s0  }
0xcb: {  	[sflag:s0] =	ssyncadd.remote.s32 $0x1  }
0xcc: {  	_ =	sfence.sel $0xFFFF  }
0xcd: {  	[dreg:$0x0] =	wrdreg $0xFFFFFFFF;
	(pc) =	sbr.abs _section_cstart, $3  }
0xce: {  	[dreg:$0x1] =	wrdreg $0xFFFFFFFF  }
0xcf: {  	_ =	task.clear_ibuf [dreg:s22], $0x2FFFF;
	_ =	strace $0x9FFFFFFF  }
0xd0: {  	(tm) =	ssettm $0x7FFFFFFF  }
0xd1: {  	_ =	shalt  }
tec
execute0_lowered:
.L_overlay_start_1:
0x0: {  	(tag) =	ssettag $0x1  }
0x1: {  	s1 =	srdreg.scid;
	s0 =	stileid.u32  }
0x2: {  	s25 =	sand.u32 $0x1, s1;
	s31 =	sshll.u32 s0, $0x1  }
0x3: {  	s9 =	rddreg [dreg:$0x0];
	s6 =	sor.u32 s25, s31  }
0x4: {  	s2 =	simm.s32 $0x0;
	s1 =	rddreg [dreg:$0x1];
	s3 =	sshll.u32 s6, $0x8  }
0x5: {  	[smem:$0x7FF] =	sst s2;
	s3 =	sadd.s32 s3, s9  }
0x6: {  	_ =	strace $0x8000004A;
	s4 =	sadd.s32 $0x7C600, s3;
	s3 =	simm.s32 $0x2  }
0x7: {  	[tilespmem:s2], [sflag:$0x2] =	stream.linear.gather [hbm4b:s4+s2], $0x500, $0x38;
	[tilespmem:$0x4800] =	vst v63  }
0x8: {  	s7 =	simm.s32 $0x800;
	_ =	swait.ge [sflag:s3], $0x500  }
0x9: {  	s8 =	simm.s32 $0x1;
	s5 =	sadd.s32 $0x4400, s9;
	[sflag:s3] =	ssyncset.done $0x0  }
0xa: {  	s10 =	smul.u32 $0x5000, s6;
	s6 =	simm.s32 $0x80;
	[sflag:s3] =	ssyncadd.s32 $0xFFFFFB00  }
0xb: {  	[tilespmem:s7], [sflag:$0x1] =	stream.indirect.gather [hbm4b:s5+s6], $0x80, s2, s6, $0xb8;
	[tilespmem:$0x4800] =	vst v63  }
0xc: {  	_ =	swait.ge [sflag:s8], $0x4000  }
0xd: {  	s26 =	sadd.s32 s10, s9;
	[sflag:s8] =	ssyncset.done $0x0  }
0xe: {  	s9 =	sadd.s32 $0x82600, s26;
	[sflag:s8] =	ssyncadd.s32 $0xFFFFC000  }
0xf: {  	[hbm4b:s9+s2] =	stream.linear.scatter [tilespmem:s7], [sflag:$0x2], $0x4000, $0x38;
	[tilespmem:$0x4800] =	vst v63  }
0x10: {  	_ =	swait.ge [sflag:s3], $0x4000  }
0x11: {  	[sflag:s3] =	ssyncset.done $0x0  }
0x12: {  	[sflag:s3] =	ssyncadd.s32 $0xFFFFC000  }
0x13: {  	[tilespmem:s7], [sflag:$0x1] =	stream.indirect.gather [hbm4b:s5+s6], $0x80, s6, s6, $0xb8;
	[tilespmem:$0x4800] =	vst v63  }
0x14: {  	_ =	swait.ge [sflag:s8], $0x4000  }
0x15: {  	[sflag:s8] =	ssyncset.done $0x0  }
0x16: {  	s10 =	sadd.s32 $0x82E00, s26;
	[sflag:s8] =	ssyncadd.s32 $0xFFFFC000  }
0x17: {  	[hbm4b:s10+s2] =	stream.linear.scatter [tilespmem:s7], [sflag:$0x2], $0x4000, $0x38;
	[tilespmem:$0x4800] =	vst v63  }
0x18: {  	_ =	swait.ge [sflag:s3], $0x4000  }
0x19: {  	[sflag:s3] =	ssyncset.done $0x0  }
0x1a: {  	s11 =	simm.s32 $0x100;
	[sflag:s3] =	ssyncadd.s32 $0xFFFFC000  }
0x1b: {  	[tilespmem:s7], [sflag:$0x1] =	stream.indirect.gather [hbm4b:s5+s6], $0x80, s11, s6, $0xb8;
	[tilespmem:$0x4800] =	vst v63  }
0x1c: {  	_ =	swait.ge [sflag:s8], $0x4000  }
0x1d: {  	[sflag:s8] =	ssyncset.done $0x0  }
0x1e: {  	s12 =	sadd.s32 $0x83600, s26;
	[sflag:s8] =	ssyncadd.s32 $0xFFFFC000  }
0x1f: {  	[hbm4b:s12+s2] =	stream.linear.scatter [tilespmem:s7], [sflag:$0x2], $0x4000, $0x38;
	[tilespmem:$0x4800] =	vst v63  }
0x20: {  	_ =	swait.ge [sflag:s3], $0x4000  }
0x21: {  	[sflag:s3] =	ssyncset.done $0x0  }
0x22: {  	s13 =	simm.s32 $0x180;
	[sflag:s3] =	ssyncadd.s32 $0xFFFFC000  }
0x23: {  	[tilespmem:s7], [sflag:$0x1] =	stream.indirect.gather [hbm4b:s5+s6], $0x80, s13, s6, $0xb8;
	[tilespmem:$0x4800] =	vst v63  }
0x24: {  	_ =	swait.ge [sflag:s8], $0x4000  }
0x25: {  	[sflag:s8] =	ssyncset.done $0x0  }
0x26: {  	s14 =	sadd.s32 $0x83E00, s26;
	[sflag:s8] =	ssyncadd.s32 $0xFFFFC000  }
0x27: {  	[hbm4b:s14+s2] =	stream.linear.scatter [tilespmem:s7], [sflag:$0x2], $0x4000, $0x38;
	[tilespmem:$0x4800] =	vst v63  }
0x28: {  	_ =	swait.ge [sflag:s3], $0x4000  }
0x29: {  	[sflag:s3] =	ssyncset.done $0x0  }
0x2a: {  	s15 =	simm.s32 $0x200;
	[sflag:s3] =	ssyncadd.s32 $0xFFFFC000  }
0x2b: {  	[tilespmem:s7], [sflag:$0x1] =	stream.indirect.gather [hbm4b:s5+s6], $0x80, s15, s6, $0xb8;
	[tilespmem:$0x4800] =	vst v63  }
0x2c: {  	_ =	swait.ge [sflag:s8], $0x4000  }
0x2d: {  	[sflag:s8] =	ssyncset.done $0x0  }
0x2e: {  	s16 =	sadd.s32 $0x84600, s26;
	[sflag:s8] =	ssyncadd.s32 $0xFFFFC000  }
0x2f: {  	[hbm4b:s16+s2] =	stream.linear.scatter [tilespmem:s7], [sflag:$0x2], $0x4000, $0x38;
	[tilespmem:$0x4800] =	vst v63  }
0x30: {  	_ =	swait.ge [sflag:s3], $0x4000  }
0x31: {  	[sflag:s3] =	ssyncset.done $0x0  }
0x32: {  	s17 =	simm.s32 $0x280;
	[sflag:s3] =	ssyncadd.s32 $0xFFFFC000  }
0x33: {  	[tilespmem:s7], [sflag:$0x1] =	stream.indirect.gather [hbm4b:s5+s6], $0x80, s17, s6, $0xb8;
	[tilespmem:$0x4800] =	vst v63  }
0x34: {  	_ =	swait.ge [sflag:s8], $0x4000  }
0x35: {  	[sflag:s8] =	ssyncset.done $0x0  }
0x36: {  	s18 =	sadd.s32 $0x84E00, s26;
	[sflag:s8] =	ssyncadd.s32 $0xFFFFC000  }
0x37: {  	[hbm4b:s18+s2] =	stream.linear.scatter [tilespmem:s7], [sflag:$0x2], $0x4000, $0x38;
	[tilespmem:$0x4800] =	vst v63  }
0x38: {  	_ =	swait.ge [sflag:s3], $0x4000  }
0x39: {  	[sflag:s3] =	ssyncset.done $0x0  }
0x3a: {  	s19 =	simm.s32 $0x300;
	[sflag:s3] =	ssyncadd.s32 $0xFFFFC000  }
0x3b: {  	[tilespmem:s7], [sflag:$0x1] =	stream.indirect.gather [hbm4b:s5+s6], $0x80, s19, s6, $0xb8;
	[tilespmem:$0x4800] =	vst v63  }
0x3c: {  	_ =	swait.ge [sflag:s8], $0x4000  }
0x3d: {  	[sflag:s8] =	ssyncset.done $0x0  }
0x3e: {  	s20 =	sadd.s32 $0x85600, s26;
	[sflag:s8] =	ssyncadd.s32 $0xFFFFC000  }
0x3f: {  	[hbm4b:s20+s2] =	stream.linear.scatter [tilespmem:s7], [sflag:$0x2], $0x4000, $0x38;
	[tilespmem:$0x4800] =	vst v63  }
0x40: {  	_ =	swait.ge [sflag:s3], $0x4000  }
0x41: {  	[sflag:s3] =	ssyncset.done $0x0  }
0x42: {  	s21 =	simm.s32 $0x380;
	[sflag:s3] =	ssyncadd.s32 $0xFFFFC000  }
0x43: {  	[tilespmem:s7], [sflag:$0x1] =	stream.indirect.gather [hbm4b:s5+s6], $0x80, s21, s6, $0xb8;
	[tilespmem:$0x4800] =	vst v63  }
0x44: {  	_ =	swait.ge [sflag:s8], $0x4000  }
0x45: {  	[sflag:s8] =	ssyncset.done $0x0  }
0x46: {  	s22 =	sadd.s32 $0x85E00, s26;
	[sflag:s8] =	ssyncadd.s32 $0xFFFFC000  }
0x47: {  	[hbm4b:s22+s2] =	stream.linear.scatter [tilespmem:s7], [sflag:$0x2], $0x4000, $0x38;
	[tilespmem:$0x4800] =	vst v63  }
0x48: {  	_ =	swait.ge [sflag:s3], $0x4000  }
0x49: {  	[sflag:s3] =	ssyncset.done $0x0  }
0x4a: {  	s23 =	simm.s32 $0x400;
	[sflag:s3] =	ssyncadd.s32 $0xFFFFC000  }
0x4b: {  	[tilespmem:s7], [sflag:$0x1] =	stream.indirect.gather [hbm4b:s5+s6], $0x80, s23, s6, $0xb8;
	[tilespmem:$0x4800] =	vst v63  }
0x4c: {  	_ =	swait.ge [sflag:s8], $0x4000  }
0x4d: {  	[sflag:s8] =	ssyncset.done $0x0  }
0x4e: {  	s28 =	ssub.s32 $0x2, s25;
	s24 =	sadd.s32 $0x86600, s26;
	[sflag:s8] =	ssyncadd.s32 $0xFFFFC000  }
0x4f: {  	[hbm4b:s24+s2] =	stream.linear.scatter [tilespmem:s7], [sflag:$0x2], $0x4000, $0x38;
	[tilespmem:$0x4800] =	vst v63  }
0x50: {  	s29 =	sshrl.u32 s28, $0x1;
	_ =	swait.ge [sflag:s3], $0x4000  }
0x51: {  	s28 =	ssub.s32 s28, s29;
	[sflag:s3] =	ssyncset.done $0x0  }
0x52: {  	s25 =	simm.s32 $0x480;
	s28 =	smax.u32 s28, $0x1;
	[sflag:s3] =	ssyncadd.s32 $0xFFFFC000  }
0x53: {  	[tilespmem:s7], [sflag:$0x1] =	stream.indirect.gather [hbm4b:s5+s6], $0x80, s25, s6, $0xb8;
	[tilespmem:$0x4800] =	vst v63  }
0x54: {  	p0 =	sne.s32 s28, $0x1;
	_ =	swait.ge [sflag:s8], $0x4000  }
.Ltmp0:
0x55: {  	[sflag:s8] =	ssyncset.done $0x0;
	(pc) =	sbr.rel @!p0 .LBB2_2-.Ltmp0, $4  }
0x56: {  	s26 =	sadd.s32 $0x86E00, s26;
	[sflag:s8] =	ssyncadd.s32 $0xFFFFC000  }
0x57: {  	[hbm4b:s26+s2] =	stream.linear.scatter [tilespmem:s7], [sflag:$0x2], $0x4000, $0x38;
	[tilespmem:$0x4800] =	vst v63  }
0x58: {  	_ =	swait.ge [sflag:s3], $0x4000  }
0x59: {  	s28 =	sadd.s32 $0xFFFFFFFF, s28;
	[sflag:s3] =	ssyncset.done $0x0  }
.LBB2_1:
0x5a: {  	p0 =	sne.s32 s28, $0x1;
	s28 =	sadd.s32 $0xFFFFFFFF, s28;
	[sflag:s3] =	ssyncadd.s32 $0xFFFFC000  }
0x5b: {  	[tilespmem:s2], [sflag:$0x2] =	stream.linear.gather [hbm4b:s4+s2], $0x500, $0x38;
	[tilespmem:$0x4800] =	vst v63  }
0x5c: {  	_ =	swait.ge [sflag:s3], $0x500  }
0x5d: {  	[sflag:s3] =	ssyncset.done $0x0  }
0x5e: {  	[sflag:s3] =	ssyncadd.s32 $0xFFFFFB00  }
0x5f: {  	[tilespmem:s7], [sflag:$0x1] =	stream.indirect.gather [hbm4b:s5+s6], $0x80, s2, s6, $0xb8;
	[tilespmem:$0x4800] =	vst v63  }
0x60: {  	_ =	swait.ge [sflag:s8], $0x4000  }
0x61: {  	[sflag:s8] =	ssyncset.done $0x0  }
0x62: {  	[sflag:s8] =	ssyncadd.s32 $0xFFFFC000  }
0x63: {  	[hbm4b:s9+s2] =	stream.linear.scatter [tilespmem:s7], [sflag:$0x2], $0x4000, $0x38;
	[tilespmem:$0x4800] =	vst v63  }
0x64: {  	_ =	swait.ge [sflag:s3], $0x4000  }
0x65: {  	[sflag:s3] =	ssyncset.done $0x0  }
0x66: {  	[sflag:s3] =	ssyncadd.s32 $0xFFFFC000  }
0x67: {  	[tilespmem:s7], [sflag:$0x1] =	stream.indirect.gather [hbm4b:s5+s6], $0x80, s6, s6, $0xb8;
	[tilespmem:$0x4800] =	vst v63  }
0x68: {  	_ =	swait.ge [sflag:s8], $0x4000  }
0x69: {  	[sflag:s8] =	ssyncset.done $0x0  }
0x6a: {  	[sflag:s8] =	ssyncadd.s32 $0xFFFFC000  }
0x6b: {  	[hbm4b:s10+s2] =	stream.linear.scatter [tilespmem:s7], [sflag:$0x2], $0x4000, $0x38;
	[tilespmem:$0x4800] =	vst v63  }
0x6c: {  	_ =	swait.ge [sflag:s3], $0x4000  }
0x6d: {  	[sflag:s3] =	ssyncset.done $0x0  }
0x6e: {  	[sflag:s3] =	ssyncadd.s32 $0xFFFFC000  }
0x6f: {  	[tilespmem:s7], [sflag:$0x1] =	stream.indirect.gather [hbm4b:s5+s6], $0x80, s11, s6, $0xb8;
	[tilespmem:$0x4800] =	vst v63  }
0x70: {  	_ =	swait.ge [sflag:s8], $0x4000  }
0x71: {  	[sflag:s8] =	ssyncset.done $0x0  }
0x72: {  	[sflag:s8] =	ssyncadd.s32 $0xFFFFC000  }
0x73: {  	[hbm4b:s12+s2] =	stream.linear.scatter [tilespmem:s7], [sflag:$0x2], $0x4000, $0x38;
	[tilespmem:$0x4800] =	vst v63  }
0x74: {  	_ =	swait.ge [sflag:s3], $0x4000  }
0x75: {  	[sflag:s3] =	ssyncset.done $0x0  }
0x76: {  	[sflag:s3] =	ssyncadd.s32 $0xFFFFC000  }
0x77: {  	[tilespmem:s7], [sflag:$0x1] =	stream.indirect.gather [hbm4b:s5+s6], $0x80, s13, s6, $0xb8;
	[tilespmem:$0x4800] =	vst v63  }
0x78: {  	_ =	swait.ge [sflag:s8], $0x4000  }
0x79: {  	[sflag:s8] =	ssyncset.done $0x0  }
0x7a: {  	[sflag:s8] =	ssyncadd.s32 $0xFFFFC000  }
0x7b: {  	[hbm4b:s14+s2] =	stream.linear.scatter [tilespmem:s7], [sflag:$0x2], $0x4000, $0x38;
	[tilespmem:$0x4800] =	vst v63  }
0x7c: {  	_ =	swait.ge [sflag:s3], $0x4000  }
0x7d: {  	[sflag:s3] =	ssyncset.done $0x0  }
0x7e: {  	[sflag:s3] =	ssyncadd.s32 $0xFFFFC000  }
0x7f: {  	[tilespmem:s7], [sflag:$0x1] =	stream.indirect.gather [hbm4b:s5+s6], $0x80, s15, s6, $0xb8;
	[tilespmem:$0x4800] =	vst v63  }
0x80: {  	_ =	swait.ge [sflag:s8], $0x4000  }
0x81: {  	[sflag:s8] =	ssyncset.done $0x0  }
0x82: {  	[sflag:s8] =	ssyncadd.s32 $0xFFFFC000  }
0x83: {  	[hbm4b:s16+s2] =	stream.linear.scatter [tilespmem:s7], [sflag:$0x2], $0x4000, $0x38;
	[tilespmem:$0x4800] =	vst v63  }
0x84: {  	_ =	swait.ge [sflag:s3], $0x4000  }
0x85: {  	[sflag:s3] =	ssyncset.done $0x0  }
0x86: {  	[sflag:s3] =	ssyncadd.s32 $0xFFFFC000  }
0x87: {  	[tilespmem:s7], [sflag:$0x1] =	stream.indirect.gather [hbm4b:s5+s6], $0x80, s17, s6, $0xb8;
	[tilespmem:$0x4800] =	vst v63  }
0x88: {  	_ =	swait.ge [sflag:s8], $0x4000  }
0x89: {  	[sflag:s8] =	ssyncset.done $0x0  }
0x8a: {  	[sflag:s8] =	ssyncadd.s32 $0xFFFFC000  }
0x8b: {  	[hbm4b:s18+s2] =	stream.linear.scatter [tilespmem:s7], [sflag:$0x2], $0x4000, $0x38;
	[tilespmem:$0x4800] =	vst v63  }
0x8c: {  	_ =	swait.ge [sflag:s3], $0x4000  }
0x8d: {  	[sflag:s3] =	ssyncset.done $0x0  }
0x8e: {  	[sflag:s3] =	ssyncadd.s32 $0xFFFFC000  }
0x8f: {  	[tilespmem:s7], [sflag:$0x1] =	stream.indirect.gather [hbm4b:s5+s6], $0x80, s19, s6, $0xb8;
	[tilespmem:$0x4800] =	vst v63  }
0x90: {  	_ =	swait.ge [sflag:s8], $0x4000  }
0x91: {  	[sflag:s8] =	ssyncset.done $0x0  }
0x92: {  	[sflag:s8] =	ssyncadd.s32 $0xFFFFC000  }
0x93: {  	[hbm4b:s20+s2] =	stream.linear.scatter [tilespmem:s7], [sflag:$0x2], $0x4000, $0x38;
	[tilespmem:$0x4800] =	vst v63  }
0x94: {  	_ =	swait.ge [sflag:s3], $0x4000  }
0x95: {  	[sflag:s3] =	ssyncset.done $0x0  }
0x96: {  	[sflag:s3] =	ssyncadd.s32 $0xFFFFC000  }
0x97: {  	[tilespmem:s7], [sflag:$0x1] =	stream.indirect.gather [hbm4b:s5+s6], $0x80, s21, s6, $0xb8;
	[tilespmem:$0x4800] =	vst v63  }
0x98: {  	_ =	swait.ge [sflag:s8], $0x4000  }
0x99: {  	[sflag:s8] =	ssyncset.done $0x0  }
0x9a: {  	[sflag:s8] =	ssyncadd.s32 $0xFFFFC000  }
0x9b: {  	[hbm4b:s22+s2] =	stream.linear.scatter [tilespmem:s7], [sflag:$0x2], $0x4000, $0x38;
	[tilespmem:$0x4800] =	vst v63  }
0x9c: {  	_ =	swait.ge [sflag:s3], $0x4000  }
0x9d: {  	[sflag:s3] =	ssyncset.done $0x0  }
0x9e: {  	[sflag:s3] =	ssyncadd.s32 $0xFFFFC000  }
0x9f: {  	[tilespmem:s7], [sflag:$0x1] =	stream.indirect.gather [hbm4b:s5+s6], $0x80, s23, s6, $0xb8;
	[tilespmem:$0x4800] =	vst v63  }
0xa0: {  	_ =	swait.ge [sflag:s8], $0x4000  }
0xa1: {  	[sflag:s8] =	ssyncset.done $0x0  }
0xa2: {  	[sflag:s8] =	ssyncadd.s32 $0xFFFFC000  }
0xa3: {  	[hbm4b:s24+s2] =	stream.linear.scatter [tilespmem:s7], [sflag:$0x2], $0x4000, $0x38;
	[tilespmem:$0x4800] =	vst v63  }
0xa4: {  	_ =	swait.ge [sflag:s3], $0x4000  }
0xa5: {  	[sflag:s3] =	ssyncset.done $0x0  }
0xa6: {  	[sflag:s3] =	ssyncadd.s32 $0xFFFFC000  }
0xa7: {  	[tilespmem:s7], [sflag:$0x1] =	stream.indirect.gather [hbm4b:s5+s6], $0x80, s25, s6, $0xb8;
	[tilespmem:$0x4800] =	vst v63  }
0xa8: {  	_ =	swait.ge [sflag:s8], $0x4000  }
.Ltmp1:
0xa9: {  	[sflag:s8] =	ssyncset.done $0x0;
	(pc) =	sbr.rel @p0 .LBB2_1-.Ltmp1, $4  }
0xaa: {  	[sflag:s8] =	ssyncadd.s32 $0xFFFFC000  }
0xab: {  	[hbm4b:s26+s2] =	stream.linear.scatter [tilespmem:s7], [sflag:$0x2], $0x4000, $0x38;
	[tilespmem:$0x4800] =	vst v63  }
0xac: {  	_ =	swait.ge [sflag:s3], $0x4000  }
0xad: {  	[sflag:s3] =	ssyncset.done $0x0  }
.LBB2_2:
0xae: {  	[sflag:s3] =	ssyncadd.s32 $0xFFFFC000  }
0xaf: {  	_ =	sfence.sel $0x180000  }
0xb0: {  	[bflag:$0x0] =	sbarrier.arrive $0xFFFF  }
0xb1: {  	p0 =	sne.s32 s0, $0x0;
	_ =	strace $0x9000004A  }
0xb2: {  	s0 =	sadd.s32 @!p0 $0x100000, s1;
	[bflag:$0x2] =	sbarrier.arrive $0xFFFF  }
0xb3: {  	[sflag:s0] =	ssyncadd.tile.s32 @!p0 $0x1;
	_ =	shalt  }
.Lfunc_end2:
_tile_overlayer_lowered:
.L_overlay_start_2:
0xb4: {  	(tag) =	ssettag $0x2  }
0xb5: {  	s0 =	rddreg [dreg:$0x0];
	s2 =	stileid.u32  }
0xb6: {  	s1 =	rddreg [dreg:$0x1];
	p0 =	sne.s32 s2, $0x0  }
0xb7: {  	s3 =	rddreg [dreg:$0x2];
	[bflag:$0x3] =	sbarrier.arrive $0xFFFF;
	s2 =	simm.s32 @!p0 $0x1C02  }
0xb8: {  	[timem:s3], [sflag:s2] =	dma.local @!p0 [hbm:s0], s1  }
0xb9: {  	s0 =	simm.s32 @!p0 $0x2  }
0xba: {  	_ =	swait.ge @!p0 [sflag:s0], s1  }
0xbb: {  	s1 =	ssub.s32 @!p0 $0x0, s1;
	[sflag:s0] =	ssyncset.done @!p0 $0x0  }
0xbc: {  	[sflag:s0] =	ssyncadd.s32 @!p0 s1  }
0xbd: {  	[bflag:$0x3] =	sbarrier.arrive $0xFFFF  }
0xbe: {  	_ =	shalt  }

// kernel: kernel.24.cloned.1.call-start
scs
__scs_entry_jumppad:
0x0: {  	(pc) =	sbr.rel $0x88, $3  }
0x1: {  	(tag) =	ssettag $0x0;
	lr =	simm.s32 $0x1  }
0x2: {  	[smem:$0x3F96] =	sst lr;
	_ =	strace $0xD0000000  }
0x3: {  	_ = 	snop  }
0x4: {  	_ = 	snop  }
0x5: {  	_ = 	snop  }
0x6: {  	_ = 	snop  }
0x7: {  	_ = 	snop  }
__scs_overlays_trampoline_lowered:
0x8: {  	[smem:$0x3FA5] =	sst s0  }
0x9: {  	[smem:$0x3FA6] =	sst s1  }
0xa: {  	[smem:$0x3FA7] =	sst s2  }
0xb: {  	[smem:$0x3FA8] =	sst s3  }
0xc: {  	[smem:$0x3FA9] =	sst s4  }
0xd: {  	[smem:$0x3FAA] =	sst s5  }
0xe: {  	[smem:$0x3FAB] =	sst s6  }
0xf: {  	[smem:$0x3FAC] =	sst s7  }
0x10: {  	[smem:$0x3FAD] =	sst s8  }
0x11: {  	[smem:$0x3FAE] =	sst s9;
	s0 =	simm.s32 @!p0 $0x0  }
0x12: {  	s1 =	sld [smem:$0x3F94];
	s0 =	simm.s32 @p0 $0x1  }
0x13: {  	[smem:$0x3FAF] =	sst s0;
	s0 =	simm.s32 @!p1 $0x0  }
0x14: {  	s2 =	sld [smem:$0x3F93];
	s0 =	simm.s32 @p1 $0x1  }
0x15: {  	[smem:$0x3FB0] =	sst s0;
	s0 =	simm.s32 @!p2 $0x0  }
0x16: {  	s3 =	sld [smem:$0x3FDB];
	s0 =	simm.s32 @p2 $0x1  }
0x17: {  	s4 =	simm.s32 $0x1BF5;
	[smem:$0x3FB2] =	sst s0  }
0x18: {  	s0 =	sld [smem:$0x3F95];
	_ =	swait.ge [sflag:s4], $0x0  }
0x19: {  	s7 =	sld [smem:$0x3F96]  }
0x1a: {  	s8 =	sadd.s32 $0xFFFFE003, lr  }
0x1b: {  	s9 =	sadd.s32 $0xFFFFFEF7, lr;
	s5 =	simm.s32 $0xFFFFFFFF;
	p2 =	slt.u32 s8, $0xFFFFF086  }
0x1c: {  	p1 =	slt.u32 s9, $0xF7A;
	s5 =	simm.s32 @!p2 $0x0  }
0x1d: {  	s5 =	simm.s32 @p1 $0x1;
	p0 =	seq.s32 s7, s2  }
0x1e: {  	s7 =	smul.u32 @!p0 $0xF7A, s2;
	p2 =	seq.s32 @!p0 s5, $0x0  }
0x1f: {  	s9 =	smul.u32 $0xF7A, s1;
	s8 =	simm.s32 @!p0 $0x1BF5;
	p2 =	por !p2, p0  }
0x20: {  	[sflag:s8] =	ssyncset.s32 @!p0 $0xFFFFF086;
	s6 =	sadd.s32 @!p0 s3, s7;
	s7 =	simm.s32 @!p0 $0x108  }
0x21: {  	s3 =	sadd.s32 s3, s9;
	s6 =	sadd.s32 @!p0 $0x88, s6;
	s7 =	simm.s32 @p2 $0x1082  }
0x22: {  	[simem:s7], [sflag:s8] =	dma.local @!p0 [hbm:s6], $0xF7A  }
0x23: {  	s9 =	sor.u32 $0xD0000000, s2;
	s6 =	simm.s32 $0x108;
	_ =	swait.ge @!p0 [sflag:s8], $0x0  }
0x24: {  	s3 =	sadd.s32 $0x88, s3;
	s6 =	simm.s32 @!p1 $0x1082;
	[sflag:s4] =	ssyncset.s32 $0xFFFFF086  }
0x25: {  	[simem:s6], [sflag:s4] =	dma.local [hbm:s3], $0xF7A  }
0x26: {  	[smem:$0x3F96] =	sst s1;
	(tag) =	ssettag s2;
	_ =	strace s9  }
0x27: {  	s1 =	sld [smem:$0x3FA6]  }
0x28: {  	s2 =	sld [smem:$0x3FA7]  }
0x29: {  	s4 =	sld [smem:$0x3FA9]  }
0x2a: {  	p0 =	seq.s32 s5, $0x0;
	s5 =	sld [smem:$0x3FAA]  }
0x2b: {  	s6 =	sld [smem:$0x3FAB]  }
0x2c: {  	s7 =	sld [smem:$0x3FAC]  }
0x2d: {  	s3 =	simm.s32 $0x108;
	s8 =	sld [smem:$0x3FAD]  }
0x2e: {  	s3 =	simm.s32 @!p0 $0x1082;
	s9 =	sld [smem:$0x3FAE]  }
0x2f: {  	lr =	sadd.s32 s0, s3;
	s0 =	sld [smem:$0x3FA5]  }
0x30: {  	s3 =	sld [smem:$0x3FA8]  }
0x31: {  	[smem:$0x3FB1] =	sst s10  }
0x32: {  	s10 =	sld [smem:$0x3FAF];
	_ =	sdelay $0x3  }
0x33: {  	p0 =	seq.s32 s10, $0x1;
	s10 =	sld [smem:$0x3FB1];
	_ =	sdelay $0x3  }
0x34: {  	[smem:$0x3FB1] =	sst s10  }
0x35: {  	s10 =	sld [smem:$0x3FB0];
	_ =	sdelay $0x3  }
0x36: {  	p1 =	seq.s32 s10, $0x1;
	s10 =	sld [smem:$0x3FB1];
	_ =	sdelay $0x3  }
0x37: {  	[smem:$0x3FB1] =	sst s10  }
0x38: {  	s10 =	sld [smem:$0x3FB2]  }
0x39: {  	_ = 	snop;
	(pc) =	sbr.ind lr, $3  }
0x3a: {  	_ = 	snop  }
0x3b: {  	_ = 	snop  }
0x3c: {  	p2 =	seq.s32 s10, $0x1;
	s10 =	sld [smem:$0x3FB1]  }
0x3d: {  	_ =	shalt  }
0x3e: {  	_ =	shalt  }
0x3f: {  	_ =	shalt  }
0x40: {  	_ =	shalt  }
0x41: {  	_ =	shalt  }
0x42: {  	_ =	shalt  }
0x43: {  	_ =	shalt  }
0x44: {  	_ =	shalt  }
0x45: {  	_ =	shalt  }
0x46: {  	_ =	shalt  }
0x47: {  	_ =	shalt  }
0x48: {  	_ =	shalt  }
0x49: {  	_ =	shalt  }
0x4a: {  	_ =	shalt  }
0x4b: {  	_ =	shalt  }
0x4c: {  	_ =	shalt  }
0x4d: {  	_ =	shalt  }
0x4e: {  	_ =	shalt  }
0x4f: {  	_ =	shalt  }
0x50: {  	_ =	shalt  }
0x51: {  	_ =	shalt  }
0x52: {  	_ =	shalt  }
0x53: {  	_ =	shalt  }
0x54: {  	_ =	shalt  }
0x55: {  	_ =	shalt  }
0x56: {  	_ =	shalt  }
0x57: {  	_ =	shalt  }
0x58: {  	_ =	shalt  }
0x59: {  	_ =	shalt  }
0x5a: {  	_ =	shalt  }
0x5b: {  	_ =	shalt  }
0x5c: {  	_ =	shalt  }
0x5d: {  	_ =	shalt  }
0x5e: {  	_ =	shalt  }
0x5f: {  	_ =	shalt  }
0x60: {  	_ =	shalt  }
0x61: {  	_ =	shalt  }
0x62: {  	_ =	shalt  }
0x63: {  	_ =	shalt  }
0x64: {  	_ =	shalt  }
0x65: {  	_ =	shalt  }
0x66: {  	_ =	shalt  }
0x67: {  	_ =	shalt  }
0x68: {  	_ =	shalt  }
0x69: {  	_ =	shalt  }
0x6a: {  	_ =	shalt  }
0x6b: {  	_ =	shalt  }
0x6c: {  	_ =	shalt  }
0x6d: {  	_ =	shalt  }
0x6e: {  	_ =	shalt  }
0x6f: {  	_ =	shalt  }
0x70: {  	_ =	shalt  }
0x71: {  	_ =	shalt  }
0x72: {  	_ =	shalt  }
0x73: {  	_ =	shalt  }
0x74: {  	_ =	shalt  }
0x75: {  	_ =	shalt  }
0x76: {  	_ =	shalt  }
0x77: {  	_ =	shalt  }
0x78: {  	_ =	shalt  }
0x79: {  	_ =	shalt  }
0x7a: {  	_ =	shalt  }
0x7b: {  	_ =	shalt  }
0x7c: {  	_ =	shalt  }
0x7d: {  	_ =	shalt  }
0x7e: {  	_ =	shalt  }
0x7f: {  	_ =	shalt  }
0x80: {  	_ =	shalt  }
0x81: {  	_ =	shalt  }
0x82: {  	_ =	shalt  }
0x83: {  	_ =	shalt  }
0x84: {  	_ =	shalt  }
0x85: {  	_ =	shalt  }
0x86: {  	_ =	shalt  }
0x87: {  	_ =	shalt  }
.Lfunc_end0:
.L_simem_size_0:
called_computation.2_lowered:
.L_overlay_start_0:
0x88: {  	s2 =	sld [smem:$0x3FD9]  }
0x89: {  	s3 =	sld [smem:$0x3FFE];
	_ =	sdelay $0x1  }
0x8a: {  	s1 =	srdreg.scid  }
0x8b: {  	s0 =	sand.u32 $0x1, s1  }
0x8c: {  	s17 =	sshll.u32 s0, $0xA;
	s2 =	sadd.s32 s3, s2  }
0x8d: {  	s2 =	sadd.s32 s2, s17  }
0x8e: {  	[smem:$0x3FBD] =	sst s2  }
0x8f: {  	_ = 	snop  }
0x90: {  	(tm) =	ssettm $0x1  }
0x91: {  	s18 =	sld [smem:$0x3FFB];
	_ =	sdelay $0x3  }
0x92: {  	_ =	strace s18  }
0x93: {  	s2 =	sld [smem:$0x3FFC];
	_ =	sdelay $0x3  }
0x94: {  	_ =	strace s2  }
0x95: {  	s2 =	sld [smem:$0x3FFD];
	_ =	sdelay $0x3  }
0x96: {  	_ =	strace s2  }
0x97: {  	_ =	strace $0x8FFFFFFF  }
0x98: {  	s19 =	sld [smem:$0x3FDB];
	_ =	sdelay $0x1  }
0x99: {  	s20 =	simm.s32 $_scs_section_size  }
0x9a: {  	s4 =	simm.s32 $_size__tile_overlayer_lowered;
	s5 =	simm.s32 $_tile_overlayer_lowered  }
0x9b: {  	s6 =	simm.s32 $0x1BFF;
	s21 =	sshll.u32 s5, $0x1;
	s3 =	sadd.s32 s20, s19  }
0x9c: {  	s22 =	simm.s32 $0x0;
	s4 =	sshll.u32 s4, $0x1;
	s5 =	sadd.s32 s21, s3  }
0x9d: {  	[timem:s22], [sflag:s6] =	dma.local [hbm:s5], s4  }
0x9e: {  	_ =	swait.ge [sflag:s6], s4  }
0x9f: {  	s4 =	ssub.s32 $0x0, s4;
	[sflag:s6] =	ssyncset.done $0x0  }
0xa0: {  	[sflag:s6] =	ssyncadd.s32 s4;
	_ =	sdelay $0x1  }
0xa1: {  	s23 =	simm.s32 $0x1B8B  }
0xa2: {  	_ =	swait.ge [sflag:s23], $0x1  }
0xa3: {  	[sflag:s23] =	ssyncset.done $0x0  }
0xa4: {  	[sflag:s23] =	ssyncadd.s32 $0xFFFFFFFF  }
0xa5: {  	s4 =	sld [smem:$0x0]  }
0xa6: {  	s5 =	sand.u32 $0xFFFFFFFE, s1  }
0xa7: {  	p0 =	sne.s32 s1, s5  }
0xa8: {  	s5 =	sshll.u32 @p0 s5, $0xE  }
0xa9: {  	s5 =	sadd.s32 @p0 $0x11B8D, s5;
	s6 =	sshll.u32 @p0 s4, $0x11  }
0xaa: {  	s5 =	sor.u32 @p0 s6, s5  }
0xab: {  	[sflag:s5] =	ssyncadd.remote.s32 @p0 $0x1;
	_ =	sdelay $0x1  }
0xac: {  	s5 =	simm.s32 @p0 $0x1B8D  }
0xad: {  	_ =	swait.eq @p0 [sflag:s5], $0x1  }
0xae: {  	[sflag:s5] =	ssyncadd.s32 @p0 $0xFFFFFFFF  }
0xaf: {  	s6 =	sshll.u32 @!p0 s1, $0xE  }
0xb0: {  	s6 =	sor.u32 @!p0 $0x4000, s6;
	s5 =	simm.s32 @!p0 $0x1B8D  }
0xb1: {  	s4 =	sshll.u32 @!p0 s4, $0x11;
	s6 =	sadd.s32 @!p0 $0x11B8D, s6;
	_ =	swait.eq @!p0 [sflag:s5], $0x1  }
0xb2: {  	s4 =	sor.u32 @!p0 s4, s6;
	[sflag:s5] =	ssyncadd.s32 @!p0 $0xFFFFFFFF  }
0xb3: {  	s25 =	simm.s32 $0x1B8E;
	s24 =	sld [smem:$0x3FFE];
	[sflag:s4] =	ssyncadd.remote.s32 @!p0 $0x1  }
0xb4: {  	s26 =	simm.s32 $execute0_lowered;
	[smem:$0x3FD2] =	sst s25  }
0xb5: {  	s5 =	sshll.u32 s26, $0x1;
	_ =	strace $0x8000004F;
	[dreg:$0x1] =	wrdreg $0xFFFFFFFF  }
0xb6: {  	s28 =	simm.s32 $_size_execute0_lowered;
	s3 =	sadd.s32 s3, s5;
	[dreg:$0x0] =	wrdreg $0x0  }
0xb7: {  	s5 =	sshll.u32 s28, $0x1;
	[dreg:$0x2] =	wrdreg s3  }
0xb8: {  	[dreg:$0x3] =	wrdreg s5  }
0xb9: {  	[dreg:$0x4] =	wrdreg $0xC0  }
0xba: {  	_ =	task [dreg:s22], $0x5FFFF  }
0xbb: {  	[dreg:$0x1] =	wrdreg $0xFFFFFFFF  }
0xbc: {  	[dreg:$0x0] =	wrdreg $0x60  }
0xbd: {  	[dreg:$0x2] =	wrdreg s24  }
0xbe: {  	[dreg:$0x3] =	wrdreg $0x9  }
0xbf: {  	_ =	task.clear_ibuf [dreg:s22], $0x4FFFF;
	_ =	strace $0x9000004F  }
0xc0: {  	s29 =	simm.s32 $0x9;
	_ =	strace $0x80000051  }
0xc1: {  	_ =	swait.ge [sflag:s29], $0x1  }
0xc2: {  	[sflag:s29] =	ssyncadd.s32 $0xFFFFFFFF  }
0xc3: {  	_ =	strace $0x90000051  }
0xc4: {  	_ =	sfence  }
0xc5: {  	s30 =	sld [smem:$0x0];
	_ =	sdelay $0x2  }
0xc6: {  	s31 =	sshll.u32 s1, $0xD;
	s1 =	sshrl.u32 s1, $0x2  }
0xc7: {  	s4 =	sand.u32 $0x4000, s31;
	s1 =	sadd.s32 s1, s30  }
0xc8: {  	s0 =	sor.u32 s4, s0;
	s1 =	sshll.u32 s1, $0x11  }
0xc9: {  	s0 =	sor.u32 s1, s0  }
0xca: {  	s0 =	sadd.s32 $0x8F2B, s0  }
0xcb: {  	[sflag:s0] =	ssyncadd.remote.s32 $0x1  }
0xcc: {  	_ =	sfence.sel $0xFFFF  }
0xcd: {  	[dreg:$0x0] =	wrdreg $0xFFFFFFFF;
	(pc) =	sbr.abs _section_cstart, $3  }
0xce: {  	[dreg:$0x1] =	wrdreg $0xFFFFFFFF  }
0xcf: {  	_ =	task.clear_ibuf [dreg:s22], $0x2FFFF;
	_ =	strace $0x9FFFFFFF  }
0xd0: {  	(tm) =	ssettm $0x7FFFFFFF  }
0xd1: {  	_ =	shalt  }
tec
execute0_lowered:
.L_overlay_start_1:
0x0: {  	(tag) =	ssettag $0x1  }
0x1: {  	s1 =	srdreg.scid;
	s0 =	stileid.u32  }
0x2: {  	s25 =	sand.u32 $0x1, s1;
	s31 =	sshll.u32 s0, $0x1  }
0x3: {  	s9 =	rddreg [dreg:$0x0];
	s6 =	sor.u32 s25, s31  }
0x4: {  	s2 =	simm.s32 $0x0;
	s1 =	rddreg [dreg:$0x1];
	s3 =	sshll.u32 s6, $0x8  }
0x5: {  	[smem:$0x7FF] =	sst s2;
	s3 =	sadd.s32 s3, s9  }
0x6: {  	_ =	strace $0x80000050;
	s4 =	sadd.s32 $0x7E600, s3;
	s3 =	simm.s32 $0x2  }
0x7: {  	[tilespmem:s2], [sflag:$0x2] =	stream.linear.gather [hbm4b:s4+s2], $0x500, $0x38;
	[tilespmem:$0x4800] =	vst v63  }
0x8: {  	s7 =	simm.s32 $0x800;
	_ =	swait.ge [sflag:s3], $0x500  }
0x9: {  	s8 =	simm.s32 $0x1;
	s5 =	sadd.s32 $0x4400, s9;
	[sflag:s3] =	ssyncset.done $0x0  }
0xa: {  	s10 =	smul.u32 $0x5000, s6;
	s6 =	simm.s32 $0x80;
	[sflag:s3] =	ssyncadd.s32 $0xFFFFFB00  }
0xb: {  	[tilespmem:s7], [sflag:$0x1] =	stream.indirect.gather [hbm4b:s5+s6], $0x80, s2, s6, $0xb8;
	[tilespmem:$0x4800] =	vst v63  }
0xc: {  	_ =	swait.ge [sflag:s8], $0x4000  }
0xd: {  	s26 =	sadd.s32 s10, s9;
	[sflag:s8] =	ssyncset.done $0x0  }
0xe: {  	s9 =	sadd.s32 $0x1BFA00, s26;
	[sflag:s8] =	ssyncadd.s32 $0xFFFFC000  }
0xf: {  	[hbm4b:s9+s2] =	stream.linear.scatter [tilespmem:s7], [sflag:$0x2], $0x4000, $0x38;
	[tilespmem:$0x4800] =	vst v63  }
0x10: {  	_ =	swait.ge [sflag:s3], $0x4000  }
0x11: {  	[sflag:s3] =	ssyncset.done $0x0  }
0x12: {  	[sflag:s3] =	ssyncadd.s32 $0xFFFFC000  }
0x13: {  	[tilespmem:s7], [sflag:$0x1] =	stream.indirect.gather [hbm4b:s5+s6], $0x80, s6, s6, $0xb8;
	[tilespmem:$0x4800] =	vst v63  }
0x14: {  	_ =	swait.ge [sflag:s8], $0x4000  }
0x15: {  	[sflag:s8] =	ssyncset.done $0x0  }
0x16: {  	s10 =	sadd.s32 $0x1C0200, s26;
	[sflag:s8] =	ssyncadd.s32 $0xFFFFC000  }
0x17: {  	[hbm4b:s10+s2] =	stream.linear.scatter [tilespmem:s7], [sflag:$0x2], $0x4000, $0x38;
	[tilespmem:$0x4800] =	vst v63  }
0x18: {  	_ =	swait.ge [sflag:s3], $0x4000  }
0x19: {  	[sflag:s3] =	ssyncset.done $0x0  }
0x1a: {  	s11 =	simm.s32 $0x100;
	[sflag:s3] =	ssyncadd.s32 $0xFFFFC000  }
0x1b: {  	[tilespmem:s7], [sflag:$0x1] =	stream.indirect.gather [hbm4b:s5+s6], $0x80, s11, s6, $0xb8;
	[tilespmem:$0x4800] =	vst v63  }
0x1c: {  	_ =	swait.ge [sflag:s8], $0x4000  }
0x1d: {  	[sflag:s8] =	ssyncset.done $0x0  }
0x1e: {  	s12 =	sadd.s32 $0x1C0A00, s26;
	[sflag:s8] =	ssyncadd.s32 $0xFFFFC000  }
0x1f: {  	[hbm4b:s12+s2] =	stream.linear.scatter [tilespmem:s7], [sflag:$0x2], $0x4000, $0x38;
	[tilespmem:$0x4800] =	vst v63  }
0x20: {  	_ =	swait.ge [sflag:s3], $0x4000  }
0x21: {  	[sflag:s3] =	ssyncset.done $0x0  }
0x22: {  	s13 =	simm.s32 $0x180;
	[sflag:s3] =	ssyncadd.s32 $0xFFFFC000  }
0x23: {  	[tilespmem:s7], [sflag:$0x1] =	stream.indirect.gather [hbm4b:s5+s6], $0x80, s13, s6, $0xb8;
	[tilespmem:$0x4800] =	vst v63  }
0x24: {  	_ =	swait.ge [sflag:s8], $0x4000  }
0x25: {  	[sflag:s8] =	ssyncset.done $0x0  }
0x26: {  	s14 =	sadd.s32 $0x1C1200, s26;
	[sflag:s8] =	ssyncadd.s32 $0xFFFFC000  }
0x27: {  	[hbm4b:s14+s2] =	stream.linear.scatter [tilespmem:s7], [sflag:$0x2], $0x4000, $0x38;
	[tilespmem:$0x4800] =	vst v63  }
0x28: {  	_ =	swait.ge [sflag:s3], $0x4000  }
0x29: {  	[sflag:s3] =	ssyncset.done $0x0  }
0x2a: {  	s15 =	simm.s32 $0x200;
	[sflag:s3] =	ssyncadd.s32 $0xFFFFC000  }
0x2b: {  	[tilespmem:s7], [sflag:$0x1] =	stream.indirect.gather [hbm4b:s5+s6], $0x80, s15, s6, $0xb8;
	[tilespmem:$0x4800] =	vst v63  }
0x2c: {  	_ =	swait.ge [sflag:s8], $0x4000  }
0x2d: {  	[sflag:s8] =	ssyncset.done $0x0  }
0x2e: {  	s16 =	sadd.s32 $0x1C1A00, s26;
	[sflag:s8] =	ssyncadd.s32 $0xFFFFC000  }
0x2f: {  	[hbm4b:s16+s2] =	stream.linear.scatter [tilespmem:s7], [sflag:$0x2], $0x4000, $0x38;
	[tilespmem:$0x4800] =	vst v63  }
0x30: {  	_ =	swait.ge [sflag:s3], $0x4000  }
0x31: {  	[sflag:s3] =	ssyncset.done $0x0  }
0x32: {  	s17 =	simm.s32 $0x280;
	[sflag:s3] =	ssyncadd.s32 $0xFFFFC000  }
0x33: {  	[tilespmem:s7], [sflag:$0x1] =	stream.indirect.gather [hbm4b:s5+s6], $0x80, s17, s6, $0xb8;
	[tilespmem:$0x4800] =	vst v63  }
0x34: {  	_ =	swait.ge [sflag:s8], $0x4000  }
0x35: {  	[sflag:s8] =	ssyncset.done $0x0  }
0x36: {  	s18 =	sadd.s32 $0x1C2200, s26;
	[sflag:s8] =	ssyncadd.s32 $0xFFFFC000  }
0x37: {  	[hbm4b:s18+s2] =	stream.linear.scatter [tilespmem:s7], [sflag:$0x2], $0x4000, $0x38;
	[tilespmem:$0x4800] =	vst v63  }
0x38: {  	_ =	swait.ge [sflag:s3], $0x4000  }
0x39: {  	[sflag:s3] =	ssyncset.done $0x0  }
0x3a: {  	s19 =	simm.s32 $0x300;
	[sflag:s3] =	ssyncadd.s32 $0xFFFFC000  }
0x3b: {  	[tilespmem:s7], [sflag:$0x1] =	stream.indirect.gather [hbm4b:s5+s6], $0x80, s19, s6, $0xb8;
	[tilespmem:$0x4800] =	vst v63  }
0x3c: {  	_ =	swait.ge [sflag:s8], $0x4000  }
0x3d: {  	[sflag:s8] =	ssyncset.done $0x0  }
0x3e: {  	s20 =	sadd.s32 $0x1C2A00, s26;
	[sflag:s8] =	ssyncadd.s32 $0xFFFFC000  }
0x3f: {  	[hbm4b:s20+s2] =	stream.linear.scatter [tilespmem:s7], [sflag:$0x2], $0x4000, $0x38;
	[tilespmem:$0x4800] =	vst v63  }
0x40: {  	_ =	swait.ge [sflag:s3], $0x4000  }
0x41: {  	[sflag:s3] =	ssyncset.done $0x0  }
0x42: {  	s21 =	simm.s32 $0x380;
	[sflag:s3] =	ssyncadd.s32 $0xFFFFC000  }
0x43: {  	[tilespmem:s7], [sflag:$0x1] =	stream.indirect.gather [hbm4b:s5+s6], $0x80, s21, s6, $0xb8;
	[tilespmem:$0x4800] =	vst v63  }
0x44: {  	_ =	swait.ge [sflag:s8], $0x4000  }
0x45: {  	[sflag:s8] =	ssyncset.done $0x0  }
0x46: {  	s22 =	sadd.s32 $0x1C3200, s26;
	[sflag:s8] =	ssyncadd.s32 $0xFFFFC000  }
0x47: {  	[hbm4b:s22+s2] =	stream.linear.scatter [tilespmem:s7], [sflag:$0x2], $0x4000, $0x38;
	[tilespmem:$0x4800] =	vst v63  }
0x48: {  	_ =	swait.ge [sflag:s3], $0x4000  }
0x49: {  	[sflag:s3] =	ssyncset.done $0x0  }
0x4a: {  	s23 =	simm.s32 $0x400;
	[sflag:s3] =	ssyncadd.s32 $0xFFFFC000  }
0x4b: {  	[tilespmem:s7], [sflag:$0x1] =	stream.indirect.gather [hbm4b:s5+s6], $0x80, s23, s6, $0xb8;
	[tilespmem:$0x4800] =	vst v63  }
0x4c: {  	_ =	swait.ge [sflag:s8], $0x4000  }
0x4d: {  	[sflag:s8] =	ssyncset.done $0x0  }
0x4e: {  	s28 =	ssub.s32 $0x2, s25;
	s24 =	sadd.s32 $0x1C3A00, s26;
	[sflag:s8] =	ssyncadd.s32 $0xFFFFC000  }
0x4f: {  	[hbm4b:s24+s2] =	stream.linear.scatter [tilespmem:s7], [sflag:$0x2], $0x4000, $0x38;
	[tilespmem:$0x4800] =	vst v63  }
0x50: {  	s29 =	sshrl.u32 s28, $0x1;
	_ =	swait.ge [sflag:s3], $0x4000  }
0x51: {  	s28 =	ssub.s32 s28, s29;
	[sflag:s3] =	ssyncset.done $0x0  }
0x52: {  	s25 =	simm.s32 $0x480;
	s28 =	smax.u32 s28, $0x1;
	[sflag:s3] =	ssyncadd.s32 $0xFFFFC000  }
0x53: {  	[tilespmem:s7], [sflag:$0x1] =	stream.indirect.gather [hbm4b:s5+s6], $0x80, s25, s6, $0xb8;
	[tilespmem:$0x4800] =	vst v63  }
0x54: {  	p0 =	sne.s32 s28, $0x1;
	_ =	swait.ge [sflag:s8], $0x4000  }
.Ltmp0:
0x55: {  	[sflag:s8] =	ssyncset.done $0x0;
	(pc) =	sbr.rel @!p0 .LBB2_2-.Ltmp0, $4  }
0x56: {  	s26 =	sadd.s32 $0x1C4200, s26;
	[sflag:s8] =	ssyncadd.s32 $0xFFFFC000  }
0x57: {  	[hbm4b:s26+s2] =	stream.linear.scatter [tilespmem:s7], [sflag:$0x2], $0x4000, $0x38;
	[tilespmem:$0x4800] =	vst v63  }
0x58: {  	_ =	swait.ge [sflag:s3], $0x4000  }
0x59: {  	s28 =	sadd.s32 $0xFFFFFFFF, s28;
	[sflag:s3] =	ssyncset.done $0x0  }
.LBB2_1:
0x5a: {  	p0 =	sne.s32 s28, $0x1;
	s28 =	sadd.s32 $0xFFFFFFFF, s28;
	[sflag:s3] =	ssyncadd.s32 $0xFFFFC000  }
0x5b: {  	[tilespmem:s2], [sflag:$0x2] =	stream.linear.gather [hbm4b:s4+s2], $0x500, $0x38;
	[tilespmem:$0x4800] =	vst v63  }
0x5c: {  	_ =	swait.ge [sflag:s3], $0x500  }
0x5d: {  	[sflag:s3] =	ssyncset.done $0x0  }
0x5e: {  	[sflag:s3] =	ssyncadd.s32 $0xFFFFFB00  }
0x5f: {  	[tilespmem:s7], [sflag:$0x1] =	stream.indirect.gather [hbm4b:s5+s6], $0x80, s2, s6, $0xb8;
	[tilespmem:$0x4800] =	vst v63  }
0x60: {  	_ =	swait.ge [sflag:s8], $0x4000  }
0x61: {  	[sflag:s8] =	ssyncset.done $0x0  }
0x62: {  	[sflag:s8] =	ssyncadd.s32 $0xFFFFC000  }
0x63: {  	[hbm4b:s9+s2] =	stream.linear.scatter [tilespmem:s7], [sflag:$0x2], $0x4000, $0x38;
	[tilespmem:$0x4800] =	vst v63  }
0x64: {  	_ =	swait.ge [sflag:s3], $0x4000  }
0x65: {  	[sflag:s3] =	ssyncset.done $0x0  }
0x66: {  	[sflag:s3] =	ssyncadd.s32 $0xFFFFC000  }
0x67: {  	[tilespmem:s7], [sflag:$0x1] =	stream.indirect.gather [hbm4b:s5+s6], $0x80, s6, s6, $0xb8;
	[tilespmem:$0x4800] =	vst v63  }
0x68: {  	_ =	swait.ge [sflag:s8], $0x4000  }
0x69: {  	[sflag:s8] =	ssyncset.done $0x0  }
0x6a: {  	[sflag:s8] =	ssyncadd.s32 $0xFFFFC000  }
0x6b: {  	[hbm4b:s10+s2] =	stream.linear.scatter [tilespmem:s7], [sflag:$0x2], $0x4000, $0x38;
	[tilespmem:$0x4800] =	vst v63  }
0x6c: {  	_ =	swait.ge [sflag:s3], $0x4000  }
0x6d: {  	[sflag:s3] =	ssyncset.done $0x0  }
0x6e: {  	[sflag:s3] =	ssyncadd.s32 $0xFFFFC000  }
0x6f: {  	[tilespmem:s7], [sflag:$0x1] =	stream.indirect.gather [hbm4b:s5+s6], $0x80, s11, s6, $0xb8;
	[tilespmem:$0x4800] =	vst v63  }
0x70: {  	_ =	swait.ge [sflag:s8], $0x4000  }
0x71: {  	[sflag:s8] =	ssyncset.done $0x0  }
0x72: {  	[sflag:s8] =	ssyncadd.s32 $0xFFFFC000  }
0x73: {  	[hbm4b:s12+s2] =	stream.linear.scatter [tilespmem:s7], [sflag:$0x2], $0x4000, $0x38;
	[tilespmem:$0x4800] =	vst v63  }
0x74: {  	_ =	swait.ge [sflag:s3], $0x4000  }
0x75: {  	[sflag:s3] =	ssyncset.done $0x0  }
0x76: {  	[sflag:s3] =	ssyncadd.s32 $0xFFFFC000  }
0x77: {  	[tilespmem:s7], [sflag:$0x1] =	stream.indirect.gather [hbm4b:s5+s6], $0x80, s13, s6, $0xb8;
	[tilespmem:$0x4800] =	vst v63  }
0x78: {  	_ =	swait.ge [sflag:s8], $0x4000  }
0x79: {  	[sflag:s8] =	ssyncset.done $0x0  }
0x7a: {  	[sflag:s8] =	ssyncadd.s32 $0xFFFFC000  }
0x7b: {  	[hbm4b:s14+s2] =	stream.linear.scatter [tilespmem:s7], [sflag:$0x2], $0x4000, $0x38;
	[tilespmem:$0x4800] =	vst v63  }
0x7c: {  	_ =	swait.ge [sflag:s3], $0x4000  }
0x7d: {  	[sflag:s3] =	ssyncset.done $0x0  }
0x7e: {  	[sflag:s3] =	ssyncadd.s32 $0xFFFFC000  }
0x7f: {  	[tilespmem:s7], [sflag:$0x1] =	stream.indirect.gather [hbm4b:s5+s6], $0x80, s15, s6, $0xb8;
	[tilespmem:$0x4800] =	vst v63  }
0x80: {  	_ =	swait.ge [sflag:s8], $0x4000  }
0x81: {  	[sflag:s8] =	ssyncset.done $0x0  }
0x82: {  	[sflag:s8] =	ssyncadd.s32 $0xFFFFC000  }
0x83: {  	[hbm4b:s16+s2] =	stream.linear.scatter [tilespmem:s7], [sflag:$0x2], $0x4000, $0x38;
	[tilespmem:$0x4800] =	vst v63  }
0x84: {  	_ =	swait.ge [sflag:s3], $0x4000  }
0x85: {  	[sflag:s3] =	ssyncset.done $0x0  }
0x86: {  	[sflag:s3] =	ssyncadd.s32 $0xFFFFC000  }
0x87: {  	[tilespmem:s7], [sflag:$0x1] =	stream.indirect.gather [hbm4b:s5+s6], $0x80, s17, s6, $0xb8;
	[tilespmem:$0x4800] =	vst v63  }
0x88: {  	_ =	swait.ge [sflag:s8], $0x4000  }
0x89: {  	[sflag:s8] =	ssyncset.done $0x0  }
0x8a: {  	[sflag:s8] =	ssyncadd.s32 $0xFFFFC000  }
0x8b: {  	[hbm4b:s18+s2] =	stream.linear.scatter [tilespmem:s7], [sflag:$0x2], $0x4000, $0x38;
	[tilespmem:$0x4800] =	vst v63  }
0x8c: {  	_ =	swait.ge [sflag:s3], $0x4000  }
0x8d: {  	[sflag:s3] =	ssyncset.done $0x0  }
0x8e: {  	[sflag:s3] =	ssyncadd.s32 $0xFFFFC000  }
0x8f: {  	[tilespmem:s7], [sflag:$0x1] =	stream.indirect.gather [hbm4b:s5+s6], $0x80, s19, s6, $0xb8;
	[tilespmem:$0x4800] =	vst v63  }
0x90: {  	_ =	swait.ge [sflag:s8], $0x4000  }
0x91: {  	[sflag:s8] =	ssyncset.done $0x0  }
0x92: {  	[sflag:s8] =	ssyncadd.s32 $0xFFFFC000  }
0x93: {  	[hbm4b:s20+s2] =	stream.linear.scatter [tilespmem:s7], [sflag:$0x2], $0x4000, $0x38;
	[tilespmem:$0x4800] =	vst v63  }
0x94: {  	_ =	swait.ge [sflag:s3], $0x4000  }
0x95: {  	[sflag:s3] =	ssyncset.done $0x0  }
0x96: {  	[sflag:s3] =	ssyncadd.s32 $0xFFFFC000  }
0x97: {  	[tilespmem:s7], [sflag:$0x1] =	stream.indirect.gather [hbm4b:s5+s6], $0x80, s21, s6, $0xb8;
	[tilespmem:$0x4800] =	vst v63  }
0x98: {  	_ =	swait.ge [sflag:s8], $0x4000  }
0x99: {  	[sflag:s8] =	ssyncset.done $0x0  }
0x9a: {  	[sflag:s8] =	ssyncadd.s32 $0xFFFFC000  }
0x9b: {  	[hbm4b:s22+s2] =	stream.linear.scatter [tilespmem:s7], [sflag:$0x2], $0x4000, $0x38;
	[tilespmem:$0x4800] =	vst v63  }
0x9c: {  	_ =	swait.ge [sflag:s3], $0x4000  }
0x9d: {  	[sflag:s3] =	ssyncset.done $0x0  }
0x9e: {  	[sflag:s3] =	ssyncadd.s32 $0xFFFFC000  }
0x9f: {  	[tilespmem:s7], [sflag:$0x1] =	stream.indirect.gather [hbm4b:s5+s6], $0x80, s23, s6, $0xb8;
	[tilespmem:$0x4800] =	vst v63  }
0xa0: {  	_ =	swait.ge [sflag:s8], $0x4000  }
0xa1: {  	[sflag:s8] =	ssyncset.done $0x0  }
0xa2: {  	[sflag:s8] =	ssyncadd.s32 $0xFFFFC000  }
0xa3: {  	[hbm4b:s24+s2] =	stream.linear.scatter [tilespmem:s7], [sflag:$0x2], $0x4000, $0x38;
	[tilespmem:$0x4800] =	vst v63  }
0xa4: {  	_ =	swait.ge [sflag:s3], $0x4000  }
0xa5: {  	[sflag:s3] =	ssyncset.done $0x0  }
0xa6: {  	[sflag:s3] =	ssyncadd.s32 $0xFFFFC000  }
0xa7: {  	[tilespmem:s7], [sflag:$0x1] =	stream.indirect.gather [hbm4b:s5+s6], $0x80, s25, s6, $0xb8;
	[tilespmem:$0x4800] =	vst v63  }
0xa8: {  	_ =	swait.ge [sflag:s8], $0x4000  }
.Ltmp1:
0xa9: {  	[sflag:s8] =	ssyncset.done $0x0;
	(pc) =	sbr.rel @p0 .LBB2_1-.Ltmp1, $4  }
0xaa: {  	[sflag:s8] =	ssyncadd.s32 $0xFFFFC000  }
0xab: {  	[hbm4b:s26+s2] =	stream.linear.scatter [tilespmem:s7], [sflag:$0x2], $0x4000, $0x38;
	[tilespmem:$0x4800] =	vst v63  }
0xac: {  	_ =	swait.ge [sflag:s3], $0x4000  }
0xad: {  	[sflag:s3] =	ssyncset.done $0x0  }
.LBB2_2:
0xae: {  	[sflag:s3] =	ssyncadd.s32 $0xFFFFC000  }
0xaf: {  	_ =	sfence.sel $0x180000  }
0xb0: {  	[bflag:$0x0] =	sbarrier.arrive $0xFFFF  }
0xb1: {  	p0 =	sne.s32 s0, $0x0;
	_ =	strace $0x90000050  }
0xb2: {  	s0 =	sadd.s32 @!p0 $0x100000, s1;
	[bflag:$0x2] =	sbarrier.arrive $0xFFFF  }
0xb3: {  	[sflag:s0] =	ssyncadd.tile.s32 @!p0 $0x1;
	_ =	shalt  }
.Lfunc_end2:
_tile_overlayer_lowered:
.L_overlay_start_2:
0xb4: {  	(tag) =	ssettag $0x2  }
0xb5: {  	s0 =	rddreg [dreg:$0x0];
	s2 =	stileid.u32  }
0xb6: {  	s1 =	rddreg [dreg:$0x1];
	p0 =	sne.s32 s2, $0x0  }
0xb7: {  	s3 =	rddreg [dreg:$0x2];
	[bflag:$0x3] =	sbarrier.arrive $0xFFFF;
	s2 =	simm.s32 @!p0 $0x1C02  }
0xb8: {  	[timem:s3], [sflag:s2] =	dma.local @!p0 [hbm:s0], s1  }
0xb9: {  	s0 =	simm.s32 @!p0 $0x2  }
0xba: {  	_ =	swait.ge @!p0 [sflag:s0], s1  }
0xbb: {  	s1 =	ssub.s32 @!p0 $0x0, s1;
	[sflag:s0] =	ssyncset.done @!p0 $0x0  }
0xbc: {  	[sflag:s0] =	ssyncadd.s32 @!p0 s1  }
0xbd: {  	[bflag:$0x3] =	sbarrier.arrive $0xFFFF  }
0xbe: {  	_ =	shalt  }

// kernel: kernel.27.cloned.1.call-start
scs
__scs_entry_jumppad:
0x0: {  	(pc) =	sbr.rel $0x88, $3  }
0x1: {  	(tag) =	ssettag $0x0;
	lr =	simm.s32 $0x1  }
0x2: {  	[smem:$0x3F96] =	sst lr;
	_ =	strace $0xD0000000  }
0x3: {  	_ = 	snop  }
0x4: {  	_ = 	snop  }
0x5: {  	_ = 	snop  }
0x6: {  	_ = 	snop  }
0x7: {  	_ = 	snop  }
__scs_overlays_trampoline_lowered:
0x8: {  	[smem:$0x3FA5] =	sst s0  }
0x9: {  	[smem:$0x3FA6] =	sst s1  }
0xa: {  	[smem:$0x3FA7] =	sst s2  }
0xb: {  	[smem:$0x3FA8] =	sst s3  }
0xc: {  	[smem:$0x3FA9] =	sst s4  }
0xd: {  	[smem:$0x3FAA] =	sst s5  }
0xe: {  	[smem:$0x3FAB] =	sst s6  }
0xf: {  	[smem:$0x3FAC] =	sst s7  }
0x10: {  	[smem:$0x3FAD] =	sst s8  }
0x11: {  	[smem:$0x3FAE] =	sst s9;
	s0 =	simm.s32 @!p0 $0x0  }
0x12: {  	s1 =	sld [smem:$0x3F94];
	s0 =	simm.s32 @p0 $0x1  }
0x13: {  	[smem:$0x3FAF] =	sst s0;
	s0 =	simm.s32 @!p1 $0x0  }
0x14: {  	s2 =	sld [smem:$0x3F93];
	s0 =	simm.s32 @p1 $0x1  }
0x15: {  	[smem:$0x3FB0] =	sst s0;
	s0 =	simm.s32 @!p2 $0x0  }
0x16: {  	s3 =	sld [smem:$0x3FDB];
	s0 =	simm.s32 @p2 $0x1  }
0x17: {  	s4 =	simm.s32 $0x1BF5;
	[smem:$0x3FB2] =	sst s0  }
0x18: {  	s0 =	sld [smem:$0x3F95];
	_ =	swait.ge [sflag:s4], $0x0  }
0x19: {  	s7 =	sld [smem:$0x3F96]  }
0x1a: {  	s8 =	sadd.s32 $0xFFFFE003, lr  }
0x1b: {  	s9 =	sadd.s32 $0xFFFFFEF7, lr;
	s5 =	simm.s32 $0xFFFFFFFF;
	p2 =	slt.u32 s8, $0xFFFFF086  }
0x1c: {  	p1 =	slt.u32 s9, $0xF7A;
	s5 =	simm.s32 @!p2 $0x0  }
0x1d: {  	s5 =	simm.s32 @p1 $0x1;
	p0 =	seq.s32 s7, s2  }
0x1e: {  	s7 =	smul.u32 @!p0 $0xF7A, s2;
	p2 =	seq.s32 @!p0 s5, $0x0  }
0x1f: {  	s9 =	smul.u32 $0xF7A, s1;
	s8 =	simm.s32 @!p0 $0x1BF5;
	p2 =	por !p2, p0  }
0x20: {  	[sflag:s8] =	ssyncset.s32 @!p0 $0xFFFFF086;
	s6 =	sadd.s32 @!p0 s3, s7;
	s7 =	simm.s32 @!p0 $0x108  }
0x21: {  	s3 =	sadd.s32 s3, s9;
	s6 =	sadd.s32 @!p0 $0x88, s6;
	s7 =	simm.s32 @p2 $0x1082  }
0x22: {  	[simem:s7], [sflag:s8] =	dma.local @!p0 [hbm:s6], $0xF7A  }
0x23: {  	s9 =	sor.u32 $0xD0000000, s2;
	s6 =	simm.s32 $0x108;
	_ =	swait.ge @!p0 [sflag:s8], $0x0  }
0x24: {  	s3 =	sadd.s32 $0x88, s3;
	s6 =	simm.s32 @!p1 $0x1082;
	[sflag:s4] =	ssyncset.s32 $0xFFFFF086  }
0x25: {  	[simem:s6], [sflag:s4] =	dma.local [hbm:s3], $0xF7A  }
0x26: {  	[smem:$0x3F96] =	sst s1;
	(tag) =	ssettag s2;
	_ =	strace s9  }
0x27: {  	s1 =	sld [smem:$0x3FA6]  }
0x28: {  	s2 =	sld [smem:$0x3FA7]  }
0x29: {  	s4 =	sld [smem:$0x3FA9]  }
0x2a: {  	p0 =	seq.s32 s5, $0x0;
	s5 =	sld [smem:$0x3FAA]  }
0x2b: {  	s6 =	sld [smem:$0x3FAB]  }
0x2c: {  	s7 =	sld [smem:$0x3FAC]  }
0x2d: {  	s3 =	simm.s32 $0x108;
	s8 =	sld [smem:$0x3FAD]  }
0x2e: {  	s3 =	simm.s32 @!p0 $0x1082;
	s9 =	sld [smem:$0x3FAE]  }
0x2f: {  	lr =	sadd.s32 s0, s3;
	s0 =	sld [smem:$0x3FA5]  }
0x30: {  	s3 =	sld [smem:$0x3FA8]  }
0x31: {  	[smem:$0x3FB1] =	sst s10  }
0x32: {  	s10 =	sld [smem:$0x3FAF];
	_ =	sdelay $0x3  }
0x33: {  	p0 =	seq.s32 s10, $0x1;
	s10 =	sld [smem:$0x3FB1];
	_ =	sdelay $0x3  }
0x34: {  	[smem:$0x3FB1] =	sst s10  }
0x35: {  	s10 =	sld [smem:$0x3FB0];
	_ =	sdelay $0x3  }
0x36: {  	p1 =	seq.s32 s10, $0x1;
	s10 =	sld [smem:$0x3FB1];
	_ =	sdelay $0x3  }
0x37: {  	[smem:$0x3FB1] =	sst s10  }
0x38: {  	s10 =	sld [smem:$0x3FB2]  }
0x39: {  	_ = 	snop;
	(pc) =	sbr.ind lr, $3  }
0x3a: {  	_ = 	snop  }
0x3b: {  	_ = 	snop  }
0x3c: {  	p2 =	seq.s32 s10, $0x1;
	s10 =	sld [smem:$0x3FB1]  }
0x3d: {  	_ =	shalt  }
0x3e: {  	_ =	shalt  }
0x3f: {  	_ =	shalt  }
0x40: {  	_ =	shalt  }
0x41: {  	_ =	shalt  }
0x42: {  	_ =	shalt  }
0x43: {  	_ =	shalt  }
0x44: {  	_ =	shalt  }
0x45: {  	_ =	shalt  }
0x46: {  	_ =	shalt  }
0x47: {  	_ =	shalt  }
0x48: {  	_ =	shalt  }
0x49: {  	_ =	shalt  }
0x4a: {  	_ =	shalt  }
0x4b: {  	_ =	shalt  }
0x4c: {  	_ =	shalt  }
0x4d: {  	_ =	shalt  }
0x4e: {  	_ =	shalt  }
0x4f: {  	_ =	shalt  }
0x50: {  	_ =	shalt  }
0x51: {  	_ =	shalt  }
0x52: {  	_ =	shalt  }
0x53: {  	_ =	shalt  }
0x54: {  	_ =	shalt  }
0x55: {  	_ =	shalt  }
0x56: {  	_ =	shalt  }
0x57: {  	_ =	shalt  }
0x58: {  	_ =	shalt  }
0x59: {  	_ =	shalt  }
0x5a: {  	_ =	shalt  }
0x5b: {  	_ =	shalt  }
0x5c: {  	_ =	shalt  }
0x5d: {  	_ =	shalt  }
0x5e: {  	_ =	shalt  }
0x5f: {  	_ =	shalt  }
0x60: {  	_ =	shalt  }
0x61: {  	_ =	shalt  }
0x62: {  	_ =	shalt  }
0x63: {  	_ =	shalt  }
0x64: {  	_ =	shalt  }
0x65: {  	_ =	shalt  }
0x66: {  	_ =	shalt  }
0x67: {  	_ =	shalt  }
0x68: {  	_ =	shalt  }
0x69: {  	_ =	shalt  }
0x6a: {  	_ =	shalt  }
0x6b: {  	_ =	shalt  }
0x6c: {  	_ =	shalt  }
0x6d: {  	_ =	shalt  }
0x6e: {  	_ =	shalt  }
0x6f: {  	_ =	shalt  }
0x70: {  	_ =	shalt  }
0x71: {  	_ =	shalt  }
0x72: {  	_ =	shalt  }
0x73: {  	_ =	shalt  }
0x74: {  	_ =	shalt  }
0x75: {  	_ =	shalt  }
0x76: {  	_ =	shalt  }
0x77: {  	_ =	shalt  }
0x78: {  	_ =	shalt  }
0x79: {  	_ =	shalt  }
0x7a: {  	_ =	shalt  }
0x7b: {  	_ =	shalt  }
0x7c: {  	_ =	shalt  }
0x7d: {  	_ =	shalt  }
0x7e: {  	_ =	shalt  }
0x7f: {  	_ =	shalt  }
0x80: {  	_ =	shalt  }
0x81: {  	_ =	shalt  }
0x82: {  	_ =	shalt  }
0x83: {  	_ =	shalt  }
0x84: {  	_ =	shalt  }
0x85: {  	_ =	shalt  }
0x86: {  	_ =	shalt  }
0x87: {  	_ =	shalt  }
.Lfunc_end0:
.L_simem_size_0:
called_computation.3_lowered:
.L_overlay_start_0:
0x88: {  	s2 =	sld [smem:$0x3FD9]  }
0x89: {  	s3 =	sld [smem:$0x3FFE];
	_ =	sdelay $0x1  }
0x8a: {  	s1 =	srdreg.scid  }
0x8b: {  	s0 =	sand.u32 $0x1, s1  }
0x8c: {  	s17 =	sshll.u32 s0, $0xA;
	s2 =	sadd.s32 s3, s2  }
0x8d: {  	s2 =	sadd.s32 s2, s17  }
0x8e: {  	[smem:$0x3FBD] =	sst s2  }
0x8f: {  	_ = 	snop  }
0x90: {  	(tm) =	ssettm $0x1  }
0x91: {  	s18 =	sld [smem:$0x3FFB];
	_ =	sdelay $0x3  }
0x92: {  	_ =	strace s18  }
0x93: {  	s2 =	sld [smem:$0x3FFC];
	_ =	sdelay $0x3  }
0x94: {  	_ =	strace s2  }
0x95: {  	s2 =	sld [smem:$0x3FFD];
	_ =	sdelay $0x3  }
0x96: {  	_ =	strace s2  }
0x97: {  	_ =	strace $0x8FFFFFFF  }
0x98: {  	s19 =	sld [smem:$0x3FDB];
	_ =	sdelay $0x1  }
0x99: {  	s20 =	simm.s32 $_scs_section_size  }
0x9a: {  	s4 =	simm.s32 $_size__tile_overlayer_lowered;
	s5 =	simm.s32 $_tile_overlayer_lowered  }
0x9b: {  	s6 =	simm.s32 $0x1BFF;
	s21 =	sshll.u32 s5, $0x1;
	s3 =	sadd.s32 s20, s19  }
0x9c: {  	s22 =	simm.s32 $0x0;
	s4 =	sshll.u32 s4, $0x1;
	s5 =	sadd.s32 s21, s3  }
0x9d: {  	[timem:s22], [sflag:s6] =	dma.local [hbm:s5], s4  }
0x9e: {  	_ =	swait.ge [sflag:s6], s4  }
0x9f: {  	s4 =	ssub.s32 $0x0, s4;
	[sflag:s6] =	ssyncset.done $0x0  }
0xa0: {  	[sflag:s6] =	ssyncadd.s32 s4;
	_ =	sdelay $0x1  }
0xa1: {  	s23 =	simm.s32 $0x1B8B  }
0xa2: {  	_ =	swait.ge [sflag:s23], $0x1  }
0xa3: {  	[sflag:s23] =	ssyncset.done $0x0  }
0xa4: {  	[sflag:s23] =	ssyncadd.s32 $0xFFFFFFFF  }
0xa5: {  	s4 =	sld [smem:$0x0]  }
0xa6: {  	s5 =	sand.u32 $0xFFFFFFFE, s1  }
0xa7: {  	p0 =	sne.s32 s1, s5  }
0xa8: {  	s5 =	sshll.u32 @p0 s5, $0xE  }
0xa9: {  	s5 =	sadd.s32 @p0 $0x11B8D, s5;
	s6 =	sshll.u32 @p0 s4, $0x11  }
0xaa: {  	s5 =	sor.u32 @p0 s6, s5  }
0xab: {  	[sflag:s5] =	ssyncadd.remote.s32 @p0 $0x1;
	_ =	sdelay $0x1  }
0xac: {  	s5 =	simm.s32 @p0 $0x1B8D  }
0xad: {  	_ =	swait.eq @p0 [sflag:s5], $0x1  }
0xae: {  	[sflag:s5] =	ssyncadd.s32 @p0 $0xFFFFFFFF  }
0xaf: {  	s6 =	sshll.u32 @!p0 s1, $0xE  }
0xb0: {  	s6 =	sor.u32 @!p0 $0x4000, s6;
	s5 =	simm.s32 @!p0 $0x1B8D  }
0xb1: {  	s4 =	sshll.u32 @!p0 s4, $0x11;
	s6 =	sadd.s32 @!p0 $0x11B8D, s6;
	_ =	swait.eq @!p0 [sflag:s5], $0x1  }
0xb2: {  	s4 =	sor.u32 @!p0 s4, s6;
	[sflag:s5] =	ssyncadd.s32 @!p0 $0xFFFFFFFF  }
0xb3: {  	s25 =	simm.s32 $0x1B8E;
	s24 =	sld [smem:$0x3FFE];
	[sflag:s4] =	ssyncadd.remote.s32 @!p0 $0x1  }
0xb4: {  	s26 =	simm.s32 $execute0_lowered;
	[smem:$0x3FD2] =	sst s25  }
0xb5: {  	s5 =	sshll.u32 s26, $0x1;
	_ =	strace $0x80000055;
	[dreg:$0x1] =	wrdreg $0xFFFFFFFF  }
0xb6: {  	s28 =	simm.s32 $_size_execute0_lowered;
	s3 =	sadd.s32 s3, s5;
	[dreg:$0x0] =	wrdreg $0x0  }
0xb7: {  	s5 =	sshll.u32 s28, $0x1;
	[dreg:$0x2] =	wrdreg s3  }
0xb8: {  	[dreg:$0x3] =	wrdreg s5  }
0xb9: {  	[dreg:$0x4] =	wrdreg $0xC0  }
0xba: {  	_ =	task [dreg:s22], $0x5FFFF  }
0xbb: {  	[dreg:$0x1] =	wrdreg $0xFFFFFFFF  }
0xbc: {  	[dreg:$0x0] =	wrdreg $0x60  }
0xbd: {  	[dreg:$0x2] =	wrdreg s24  }
0xbe: {  	[dreg:$0x3] =	wrdreg $0xA  }
0xbf: {  	_ =	task.clear_ibuf [dreg:s22], $0x4FFFF;
	_ =	strace $0x90000055  }
0xc0: {  	s29 =	simm.s32 $0xA;
	_ =	strace $0x80000057  }
0xc1: {  	_ =	swait.ge [sflag:s29], $0x1  }
0xc2: {  	[sflag:s29] =	ssyncadd.s32 $0xFFFFFFFF  }
0xc3: {  	_ =	strace $0x90000057  }
0xc4: {  	_ =	sfence  }
0xc5: {  	s30 =	sld [smem:$0x0];
	_ =	sdelay $0x2  }
0xc6: {  	s31 =	sshll.u32 s1, $0xD;
	s1 =	sshrl.u32 s1, $0x2  }
0xc7: {  	s4 =	sand.u32 $0x4000, s31;
	s1 =	sadd.s32 s1, s30  }
0xc8: {  	s0 =	sor.u32 s4, s0;
	s1 =	sshll.u32 s1, $0x11  }
0xc9: {  	s0 =	sor.u32 s1, s0  }
0xca: {  	s0 =	sadd.s32 $0x8F2B, s0  }
0xcb: {  	[sflag:s0] =	ssyncadd.remote.s32 $0x1  }
0xcc: {  	_ =	sfence.sel $0xFFFF  }
0xcd: {  	[dreg:$0x0] =	wrdreg $0xFFFFFFFF;
	(pc) =	sbr.abs _section_cstart, $3  }
0xce: {  	[dreg:$0x1] =	wrdreg $0xFFFFFFFF  }
0xcf: {  	_ =	task.clear_ibuf [dreg:s22], $0x2FFFF;
	_ =	strace $0x9FFFFFFF  }
0xd0: {  	(tm) =	ssettm $0x7FFFFFFF  }
0xd1: {  	_ =	shalt  }
tec
execute0_lowered:
.L_overlay_start_1:
0x0: {  	(tag) =	ssettag $0x1  }
0x1: {  	s1 =	srdreg.scid;
	s0 =	stileid.u32  }
0x2: {  	s25 =	sand.u32 $0x1, s1;
	s31 =	sshll.u32 s0, $0x1  }
0x3: {  	s9 =	rddreg [dreg:$0x0];
	s6 =	sor.u32 s25, s31  }
0x4: {  	s2 =	simm.s32 $0x0;
	s1 =	rddreg [dreg:$0x1];
	s3 =	sshll.u32 s6, $0x8  }
0x5: {  	[smem:$0x7FF] =	sst s2;
	s3 =	sadd.s32 s3, s9  }
0x6: {  	_ =	strace $0x80000056;
	s4 =	sadd.s32 $0x80600, s3;
	s3 =	simm.s32 $0x2  }
0x7: {  	[tilespmem:s2], [sflag:$0x2] =	stream.linear.gather [hbm4b:s4+s2], $0x500, $0x38;
	[tilespmem:$0x4800] =	vst v63  }
0x8: {  	s7 =	simm.s32 $0x800;
	_ =	swait.ge [sflag:s3], $0x500  }
0x9: {  	s8 =	simm.s32 $0x1;
	s5 =	sadd.s32 $0x4400, s9;
	[sflag:s3] =	ssyncset.done $0x0  }
0xa: {  	s10 =	smul.u32 $0x5000, s6;
	s6 =	simm.s32 $0x80;
	[sflag:s3] =	ssyncadd.s32 $0xFFFFFB00  }
0xb: {  	[tilespmem:s7], [sflag:$0x1] =	stream.indirect.gather [hbm4b:s5+s6], $0x80, s2, s6, $0xb8;
	[tilespmem:$0x4800] =	vst v63  }
0xc: {  	_ =	swait.ge [sflag:s8], $0x4000  }
0xd: {  	s26 =	sadd.s32 s10, s9;
	[sflag:s8] =	ssyncset.done $0x0  }
0xe: {  	s9 =	sadd.s32 $0x82600, s26;
	[sflag:s8] =	ssyncadd.s32 $0xFFFFC000  }
0xf: {  	[hbm4b:s9+s2] =	stream.linear.scatter [tilespmem:s7], [sflag:$0x2], $0x4000, $0x38;
	[tilespmem:$0x4800] =	vst v63  }
0x10: {  	_ =	swait.ge [sflag:s3], $0x4000  }
0x11: {  	[sflag:s3] =	ssyncset.done $0x0  }
0x12: {  	[sflag:s3] =	ssyncadd.s32 $0xFFFFC000  }
0x13: {  	[tilespmem:s7], [sflag:$0x1] =	stream.indirect.gather [hbm4b:s5+s6], $0x80, s6, s6, $0xb8;
	[tilespmem:$0x4800] =	vst v63  }
0x14: {  	_ =	swait.ge [sflag:s8], $0x4000  }
0x15: {  	[sflag:s8] =	ssyncset.done $0x0  }
0x16: {  	s10 =	sadd.s32 $0x82E00, s26;
	[sflag:s8] =	ssyncadd.s32 $0xFFFFC000  }
0x17: {  	[hbm4b:s10+s2] =	stream.linear.scatter [tilespmem:s7], [sflag:$0x2], $0x4000, $0x38;
	[tilespmem:$0x4800] =	vst v63  }
0x18: {  	_ =	swait.ge [sflag:s3], $0x4000  }
0x19: {  	[sflag:s3] =	ssyncset.done $0x0  }
0x1a: {  	s11 =	simm.s32 $0x100;
	[sflag:s3] =	ssyncadd.s32 $0xFFFFC000  }
0x1b: {  	[tilespmem:s7], [sflag:$0x1] =	stream.indirect.gather [hbm4b:s5+s6], $0x80, s11, s6, $0xb8;
	[tilespmem:$0x4800] =	vst v63  }
0x1c: {  	_ =	swait.ge [sflag:s8], $0x4000  }
0x1d: {  	[sflag:s8] =	ssyncset.done $0x0  }
0x1e: {  	s12 =	sadd.s32 $0x83600, s26;
	[sflag:s8] =	ssyncadd.s32 $0xFFFFC000  }
0x1f: {  	[hbm4b:s12+s2] =	stream.linear.scatter [tilespmem:s7], [sflag:$0x2], $0x4000, $0x38;
	[tilespmem:$0x4800] =	vst v63  }
0x20: {  	_ =	swait.ge [sflag:s3], $0x4000  }
0x21: {  	[sflag:s3] =	ssyncset.done $0x0  }
0x22: {  	s13 =	simm.s32 $0x180;
	[sflag:s3] =	ssyncadd.s32 $0xFFFFC000  }
0x23: {  	[tilespmem:s7], [sflag:$0x1] =	stream.indirect.gather [hbm4b:s5+s6], $0x80, s13, s6, $0xb8;
	[tilespmem:$0x4800] =	vst v63  }
0x24: {  	_ =	swait.ge [sflag:s8], $0x4000  }
0x25: {  	[sflag:s8] =	ssyncset.done $0x0  }
0x26: {  	s14 =	sadd.s32 $0x83E00, s26;
	[sflag:s8] =	ssyncadd.s32 $0xFFFFC000  }
0x27: {  	[hbm4b:s14+s2] =	stream.linear.scatter [tilespmem:s7], [sflag:$0x2], $0x4000, $0x38;
	[tilespmem:$0x4800] =	vst v63  }
0x28: {  	_ =	swait.ge [sflag:s3], $0x4000  }
0x29: {  	[sflag:s3] =	ssyncset.done $0x0  }
0x2a: {  	s15 =	simm.s32 $0x200;
	[sflag:s3] =	ssyncadd.s32 $0xFFFFC000  }
0x2b: {  	[tilespmem:s7], [sflag:$0x1] =	stream.indirect.gather [hbm4b:s5+s6], $0x80, s15, s6, $0xb8;
	[tilespmem:$0x4800] =	vst v63  }
0x2c: {  	_ =	swait.ge [sflag:s8], $0x4000  }
0x2d: {  	[sflag:s8] =	ssyncset.done $0x0  }
0x2e: {  	s16 =	sadd.s32 $0x84600, s26;
	[sflag:s8] =	ssyncadd.s32 $0xFFFFC000  }
0x2f: {  	[hbm4b:s16+s2] =	stream.linear.scatter [tilespmem:s7], [sflag:$0x2], $0x4000, $0x38;
	[tilespmem:$0x4800] =	vst v63  }
0x30: {  	_ =	swait.ge [sflag:s3], $0x4000  }
0x31: {  	[sflag:s3] =	ssyncset.done $0x0  }
0x32: {  	s17 =	simm.s32 $0x280;
	[sflag:s3] =	ssyncadd.s32 $0xFFFFC000  }
0x33: {  	[tilespmem:s7], [sflag:$0x1] =	stream.indirect.gather [hbm4b:s5+s6], $0x80, s17, s6, $0xb8;
	[tilespmem:$0x4800] =	vst v63  }
0x34: {  	_ =	swait.ge [sflag:s8], $0x4000  }
0x35: {  	[sflag:s8] =	ssyncset.done $0x0  }
0x36: {  	s18 =	sadd.s32 $0x84E00, s26;
	[sflag:s8] =	ssyncadd.s32 $0xFFFFC000  }
0x37: {  	[hbm4b:s18+s2] =	stream.linear.scatter [tilespmem:s7], [sflag:$0x2], $0x4000, $0x38;
	[tilespmem:$0x4800] =	vst v63  }
0x38: {  	_ =	swait.ge [sflag:s3], $0x4000  }
0x39: {  	[sflag:s3] =	ssyncset.done $0x0  }
0x3a: {  	s19 =	simm.s32 $0x300;
	[sflag:s3] =	ssyncadd.s32 $0xFFFFC000  }
0x3b: {  	[tilespmem:s7], [sflag:$0x1] =	stream.indirect.gather [hbm4b:s5+s6], $0x80, s19, s6, $0xb8;
	[tilespmem:$0x4800] =	vst v63  }
0x3c: {  	_ =	swait.ge [sflag:s8], $0x4000  }
0x3d: {  	[sflag:s8] =	ssyncset.done $0x0  }
0x3e: {  	s20 =	sadd.s32 $0x85600, s26;
	[sflag:s8] =	ssyncadd.s32 $0xFFFFC000  }
0x3f: {  	[hbm4b:s20+s2] =	stream.linear.scatter [tilespmem:s7], [sflag:$0x2], $0x4000, $0x38;
	[tilespmem:$0x4800] =	vst v63  }
0x40: {  	_ =	swait.ge [sflag:s3], $0x4000  }
0x41: {  	[sflag:s3] =	ssyncset.done $0x0  }
0x42: {  	s21 =	simm.s32 $0x380;
	[sflag:s3] =	ssyncadd.s32 $0xFFFFC000  }
0x43: {  	[tilespmem:s7], [sflag:$0x1] =	stream.indirect.gather [hbm4b:s5+s6], $0x80, s21, s6, $0xb8;
	[tilespmem:$0x4800] =	vst v63  }
0x44: {  	_ =	swait.ge [sflag:s8], $0x4000  }
0x45: {  	[sflag:s8] =	ssyncset.done $0x0  }
0x46: {  	s22 =	sadd.s32 $0x85E00, s26;
	[sflag:s8] =	ssyncadd.s32 $0xFFFFC000  }
0x47: {  	[hbm4b:s22+s2] =	stream.linear.scatter [tilespmem:s7], [sflag:$0x2], $0x4000, $0x38;
	[tilespmem:$0x4800] =	vst v63  }
0x48: {  	_ =	swait.ge [sflag:s3], $0x4000  }
0x49: {  	[sflag:s3] =	ssyncset.done $0x0  }
0x4a: {  	s23 =	simm.s32 $0x400;
	[sflag:s3] =	ssyncadd.s32 $0xFFFFC000  }
0x4b: {  	[tilespmem:s7], [sflag:$0x1] =	stream.indirect.gather [hbm4b:s5+s6], $0x80, s23, s6, $0xb8;
	[tilespmem:$0x4800] =	vst v63  }
0x4c: {  	_ =	swait.ge [sflag:s8], $0x4000  }
0x4d: {  	[sflag:s8] =	ssyncset.done $0x0  }
0x4e: {  	s28 =	ssub.s32 $0x2, s25;
	s24 =	sadd.s32 $0x86600, s26;
	[sflag:s8] =	ssyncadd.s32 $0xFFFFC000  }
0x4f: {  	[hbm4b:s24+s2] =	stream.linear.scatter [tilespmem:s7], [sflag:$0x2], $0x4000, $0x38;
	[tilespmem:$0x4800] =	vst v63  }
0x50: {  	s29 =	sshrl.u32 s28, $0x1;
	_ =	swait.ge [sflag:s3], $0x4000  }
0x51: {  	s28 =	ssub.s32 s28, s29;
	[sflag:s3] =	ssyncset.done $0x0  }
0x52: {  	s25 =	simm.s32 $0x480;
	s28 =	smax.u32 s28, $0x1;
	[sflag:s3] =	ssyncadd.s32 $0xFFFFC000  }
0x53: {  	[tilespmem:s7], [sflag:$0x1] =	stream.indirect.gather [hbm4b:s5+s6], $0x80, s25, s6, $0xb8;
	[tilespmem:$0x4800] =	vst v63  }
0x54: {  	p0 =	sne.s32 s28, $0x1;
	_ =	swait.ge [sflag:s8], $0x4000  }
.Ltmp0:
0x55: {  	[sflag:s8] =	ssyncset.done $0x0;
	(pc) =	sbr.rel @!p0 .LBB2_2-.Ltmp0, $4  }
0x56: {  	s26 =	sadd.s32 $0x86E00, s26;
	[sflag:s8] =	ssyncadd.s32 $0xFFFFC000  }
0x57: {  	[hbm4b:s26+s2] =	stream.linear.scatter [tilespmem:s7], [sflag:$0x2], $0x4000, $0x38;
	[tilespmem:$0x4800] =	vst v63  }
0x58: {  	_ =	swait.ge [sflag:s3], $0x4000  }
0x59: {  	s28 =	sadd.s32 $0xFFFFFFFF, s28;
	[sflag:s3] =	ssyncset.done $0x0  }
.LBB2_1:
0x5a: {  	p0 =	sne.s32 s28, $0x1;
	s28 =	sadd.s32 $0xFFFFFFFF, s28;
	[sflag:s3] =	ssyncadd.s32 $0xFFFFC000  }
0x5b: {  	[tilespmem:s2], [sflag:$0x2] =	stream.linear.gather [hbm4b:s4+s2], $0x500, $0x38;
	[tilespmem:$0x4800] =	vst v63  }
0x5c: {  	_ =	swait.ge [sflag:s3], $0x500  }
0x5d: {  	[sflag:s3] =	ssyncset.done $0x0  }
0x5e: {  	[sflag:s3] =	ssyncadd.s32 $0xFFFFFB00  }
0x5f: {  	[tilespmem:s7], [sflag:$0x1] =	stream.indirect.gather [hbm4b:s5+s6], $0x80, s2, s6, $0xb8;
	[tilespmem:$0x4800] =	vst v63  }
0x60: {  	_ =	swait.ge [sflag:s8], $0x4000  }
0x61: {  	[sflag:s8] =	ssyncset.done $0x0  }
0x62: {  	[sflag:s8] =	ssyncadd.s32 $0xFFFFC000  }
0x63: {  	[hbm4b:s9+s2] =	stream.linear.scatter [tilespmem:s7], [sflag:$0x2], $0x4000, $0x38;
	[tilespmem:$0x4800] =	vst v63  }
0x64: {  	_ =	swait.ge [sflag:s3], $0x4000  }
0x65: {  	[sflag:s3] =	ssyncset.done $0x0  }
0x66: {  	[sflag:s3] =	ssyncadd.s32 $0xFFFFC000  }
0x67: {  	[tilespmem:s7], [sflag:$0x1] =	stream.indirect.gather [hbm4b:s5+s6], $0x80, s6, s6, $0xb8;
	[tilespmem:$0x4800] =	vst v63  }
0x68: {  	_ =	swait.ge [sflag:s8], $0x4000  }
0x69: {  	[sflag:s8] =	ssyncset.done $0x0  }
0x6a: {  	[sflag:s8] =	ssyncadd.s32 $0xFFFFC000  }
0x6b: {  	[hbm4b:s10+s2] =	stream.linear.scatter [tilespmem:s7], [sflag:$0x2], $0x4000, $0x38;
	[tilespmem:$0x4800] =	vst v63  }
0x6c: {  	_ =	swait.ge [sflag:s3], $0x4000  }
0x6d: {  	[sflag:s3] =	ssyncset.done $0x0  }
0x6e: {  	[sflag:s3] =	ssyncadd.s32 $0xFFFFC000  }
0x6f: {  	[tilespmem:s7], [sflag:$0x1] =	stream.indirect.gather [hbm4b:s5+s6], $0x80, s11, s6, $0xb8;
	[tilespmem:$0x4800] =	vst v63  }
0x70: {  	_ =	swait.ge [sflag:s8], $0x4000  }
0x71: {  	[sflag:s8] =	ssyncset.done $0x0  }
0x72: {  	[sflag:s8] =	ssyncadd.s32 $0xFFFFC000  }
0x73: {  	[hbm4b:s12+s2] =	stream.linear.scatter [tilespmem:s7], [sflag:$0x2], $0x4000, $0x38;
	[tilespmem:$0x4800] =	vst v63  }
0x74: {  	_ =	swait.ge [sflag:s3], $0x4000  }
0x75: {  	[sflag:s3] =	ssyncset.done $0x0  }
0x76: {  	[sflag:s3] =	ssyncadd.s32 $0xFFFFC000  }
0x77: {  	[tilespmem:s7], [sflag:$0x1] =	stream.indirect.gather [hbm4b:s5+s6], $0x80, s13, s6, $0xb8;
	[tilespmem:$0x4800] =	vst v63  }
0x78: {  	_ =	swait.ge [sflag:s8], $0x4000  }
0x79: {  	[sflag:s8] =	ssyncset.done $0x0  }
0x7a: {  	[sflag:s8] =	ssyncadd.s32 $0xFFFFC000  }
0x7b: {  	[hbm4b:s14+s2] =	stream.linear.scatter [tilespmem:s7], [sflag:$0x2], $0x4000, $0x38;
	[tilespmem:$0x4800] =	vst v63  }
0x7c: {  	_ =	swait.ge [sflag:s3], $0x4000  }
0x7d: {  	[sflag:s3] =	ssyncset.done $0x0  }
0x7e: {  	[sflag:s3] =	ssyncadd.s32 $0xFFFFC000  }
0x7f: {  	[tilespmem:s7], [sflag:$0x1] =	stream.indirect.gather [hbm4b:s5+s6], $0x80, s15, s6, $0xb8;
	[tilespmem:$0x4800] =	vst v63  }
0x80: {  	_ =	swait.ge [sflag:s8], $0x4000  }
0x81: {  	[sflag:s8] =	ssyncset.done $0x0  }
0x82: {  	[sflag:s8] =	ssyncadd.s32 $0xFFFFC000  }
0x83: {  	[hbm4b:s16+s2] =	stream.linear.scatter [tilespmem:s7], [sflag:$0x2], $0x4000, $0x38;
	[tilespmem:$0x4800] =	vst v63  }
0x84: {  	_ =	swait.ge [sflag:s3], $0x4000  }
0x85: {  	[sflag:s3] =	ssyncset.done $0x0  }
0x86: {  	[sflag:s3] =	ssyncadd.s32 $0xFFFFC000  }
0x87: {  	[tilespmem:s7], [sflag:$0x1] =	stream.indirect.gather [hbm4b:s5+s6], $0x80, s17, s6, $0xb8;
	[tilespmem:$0x4800] =	vst v63  }
0x88: {  	_ =	swait.ge [sflag:s8], $0x4000  }
0x89: {  	[sflag:s8] =	ssyncset.done $0x0  }
0x8a: {  	[sflag:s8] =	ssyncadd.s32 $0xFFFFC000  }
0x8b: {  	[hbm4b:s18+s2] =	stream.linear.scatter [tilespmem:s7], [sflag:$0x2], $0x4000, $0x38;
	[tilespmem:$0x4800] =	vst v63  }
0x8c: {  	_ =	swait.ge [sflag:s3], $0x4000  }
0x8d: {  	[sflag:s3] =	ssyncset.done $0x0  }
0x8e: {  	[sflag:s3] =	ssyncadd.s32 $0xFFFFC000  }
0x8f: {  	[tilespmem:s7], [sflag:$0x1] =	stream.indirect.gather [hbm4b:s5+s6], $0x80, s19, s6, $0xb8;
	[tilespmem:$0x4800] =	vst v63  }
0x90: {  	_ =	swait.ge [sflag:s8], $0x4000  }
0x91: {  	[sflag:s8] =	ssyncset.done $0x0  }
0x92: {  	[sflag:s8] =	ssyncadd.s32 $0xFFFFC000  }
0x93: {  	[hbm4b:s20+s2] =	stream.linear.scatter [tilespmem:s7], [sflag:$0x2], $0x4000, $0x38;
	[tilespmem:$0x4800] =	vst v63  }
0x94: {  	_ =	swait.ge [sflag:s3], $0x4000  }
0x95: {  	[sflag:s3] =	ssyncset.done $0x0  }
0x96: {  	[sflag:s3] =	ssyncadd.s32 $0xFFFFC000  }
0x97: {  	[tilespmem:s7], [sflag:$0x1] =	stream.indirect.gather [hbm4b:s5+s6], $0x80, s21, s6, $0xb8;
	[tilespmem:$0x4800] =	vst v63  }
0x98: {  	_ =	swait.ge [sflag:s8], $0x4000  }
0x99: {  	[sflag:s8] =	ssyncset.done $0x0  }
0x9a: {  	[sflag:s8] =	ssyncadd.s32 $0xFFFFC000  }
0x9b: {  	[hbm4b:s22+s2] =	stream.linear.scatter [tilespmem:s7], [sflag:$0x2], $0x4000, $0x38;
	[tilespmem:$0x4800] =	vst v63  }
0x9c: {  	_ =	swait.ge [sflag:s3], $0x4000  }
0x9d: {  	[sflag:s3] =	ssyncset.done $0x0  }
0x9e: {  	[sflag:s3] =	ssyncadd.s32 $0xFFFFC000  }
0x9f: {  	[tilespmem:s7], [sflag:$0x1] =	stream.indirect.gather [hbm4b:s5+s6], $0x80, s23, s6, $0xb8;
	[tilespmem:$0x4800] =	vst v63  }
0xa0: {  	_ =	swait.ge [sflag:s8], $0x4000  }
0xa1: {  	[sflag:s8] =	ssyncset.done $0x0  }
0xa2: {  	[sflag:s8] =	ssyncadd.s32 $0xFFFFC000  }
0xa3: {  	[hbm4b:s24+s2] =	stream.linear.scatter [tilespmem:s7], [sflag:$0x2], $0x4000, $0x38;
	[tilespmem:$0x4800] =	vst v63  }
0xa4: {  	_ =	swait.ge [sflag:s3], $0x4000  }
0xa5: {  	[sflag:s3] =	ssyncset.done $0x0  }
0xa6: {  	[sflag:s3] =	ssyncadd.s32 $0xFFFFC000  }
0xa7: {  	[tilespmem:s7], [sflag:$0x1] =	stream.indirect.gather [hbm4b:s5+s6], $0x80, s25, s6, $0xb8;
	[tilespmem:$0x4800] =	vst v63  }
0xa8: {  	_ =	swait.ge [sflag:s8], $0x4000  }
.Ltmp1:
0xa9: {  	[sflag:s8] =	ssyncset.done $0x0;
	(pc) =	sbr.rel @p0 .LBB2_1-.Ltmp1, $4  }
0xaa: {  	[sflag:s8] =	ssyncadd.s32 $0xFFFFC000  }
0xab: {  	[hbm4b:s26+s2] =	stream.linear.scatter [tilespmem:s7], [sflag:$0x2], $0x4000, $0x38;
	[tilespmem:$0x4800] =	vst v63  }
0xac: {  	_ =	swait.ge [sflag:s3], $0x4000  }
0xad: {  	[sflag:s3] =	ssyncset.done $0x0  }
.LBB2_2:
0xae: {  	[sflag:s3] =	ssyncadd.s32 $0xFFFFC000  }
0xaf: {  	_ =	sfence.sel $0x180000  }
0xb0: {  	[bflag:$0x0] =	sbarrier.arrive $0xFFFF  }
0xb1: {  	p0 =	sne.s32 s0, $0x0;
	_ =	strace $0x90000056  }
0xb2: {  	s0 =	sadd.s32 @!p0 $0x100000, s1;
	[bflag:$0x2] =	sbarrier.arrive $0xFFFF  }
0xb3: {  	[sflag:s0] =	ssyncadd.tile.s32 @!p0 $0x1;
	_ =	shalt  }
.Lfunc_end2:
_tile_overlayer_lowered:
.L_overlay_start_2:
0xb4: {  	(tag) =	ssettag $0x2  }
0xb5: {  	s0 =	rddreg [dreg:$0x0];
	s2 =	stileid.u32  }
0xb6: {  	s1 =	rddreg [dreg:$0x1];
	p0 =	sne.s32 s2, $0x0  }
0xb7: {  	s3 =	rddreg [dreg:$0x2];
	[bflag:$0x3] =	sbarrier.arrive $0xFFFF;
	s2 =	simm.s32 @!p0 $0x1C02  }
0xb8: {  	[timem:s3], [sflag:s2] =	dma.local @!p0 [hbm:s0], s1  }
0xb9: {  	s0 =	simm.s32 @!p0 $0x2  }
0xba: {  	_ =	swait.ge @!p0 [sflag:s0], s1  }
0xbb: {  	s1 =	ssub.s32 @!p0 $0x0, s1;
	[sflag:s0] =	ssyncset.done @!p0 $0x0  }
0xbc: {  	[sflag:s0] =	ssyncadd.s32 @!p0 s1  }
0xbd: {  	[bflag:$0x3] =	sbarrier.arrive $0xFFFF  }
0xbe: {  	_ =	shalt  }

// kernel: kernel.30.cloned.1.call-start
scs
__scs_entry_jumppad:
0x0: {  	(pc) =	sbr.rel $0x88, $3  }
0x1: {  	(tag) =	ssettag $0x0;
	lr =	simm.s32 $0x1  }
0x2: {  	[smem:$0x3F96] =	sst lr;
	_ =	strace $0xD0000000  }
0x3: {  	_ = 	snop  }
0x4: {  	_ = 	snop  }
0x5: {  	_ = 	snop  }
0x6: {  	_ = 	snop  }
0x7: {  	_ = 	snop  }
__scs_overlays_trampoline_lowered:
0x8: {  	[smem:$0x3FA5] =	sst s0  }
0x9: {  	[smem:$0x3FA6] =	sst s1  }
0xa: {  	[smem:$0x3FA7] =	sst s2  }
0xb: {  	[smem:$0x3FA8] =	sst s3  }
0xc: {  	[smem:$0x3FA9] =	sst s4  }
0xd: {  	[smem:$0x3FAA] =	sst s5  }
0xe: {  	[smem:$0x3FAB] =	sst s6  }
0xf: {  	[smem:$0x3FAC] =	sst s7  }
0x10: {  	[smem:$0x3FAD] =	sst s8  }
0x11: {  	[smem:$0x3FAE] =	sst s9;
	s0 =	simm.s32 @!p0 $0x0  }
0x12: {  	s1 =	sld [smem:$0x3F94];
	s0 =	simm.s32 @p0 $0x1  }
0x13: {  	[smem:$0x3FAF] =	sst s0;
	s0 =	simm.s32 @!p1 $0x0  }
0x14: {  	s2 =	sld [smem:$0x3F93];
	s0 =	simm.s32 @p1 $0x1  }
0x15: {  	[smem:$0x3FB0] =	sst s0;
	s0 =	simm.s32 @!p2 $0x0  }
0x16: {  	s3 =	sld [smem:$0x3FDB];
	s0 =	simm.s32 @p2 $0x1  }
0x17: {  	s4 =	simm.s32 $0x1BF5;
	[smem:$0x3FB2] =	sst s0  }
0x18: {  	s0 =	sld [smem:$0x3F95];
	_ =	swait.ge [sflag:s4], $0x0  }
0x19: {  	s7 =	sld [smem:$0x3F96]  }
0x1a: {  	s8 =	sadd.s32 $0xFFFFE003, lr  }
0x1b: {  	s9 =	sadd.s32 $0xFFFFFEF7, lr;
	s5 =	simm.s32 $0xFFFFFFFF;
	p2 =	slt.u32 s8, $0xFFFFF086  }
0x1c: {  	p1 =	slt.u32 s9, $0xF7A;
	s5 =	simm.s32 @!p2 $0x0  }
0x1d: {  	s5 =	simm.s32 @p1 $0x1;
	p0 =	seq.s32 s7, s2  }
0x1e: {  	s7 =	smul.u32 @!p0 $0xF7A, s2;
	p2 =	seq.s32 @!p0 s5, $0x0  }
0x1f: {  	s9 =	smul.u32 $0xF7A, s1;
	s8 =	simm.s32 @!p0 $0x1BF5;
	p2 =	por !p2, p0  }
0x20: {  	[sflag:s8] =	ssyncset.s32 @!p0 $0xFFFFF086;
	s6 =	sadd.s32 @!p0 s3, s7;
	s7 =	simm.s32 @!p0 $0x108  }
0x21: {  	s3 =	sadd.s32 s3, s9;
	s6 =	sadd.s32 @!p0 $0x88, s6;
	s7 =	simm.s32 @p2 $0x1082  }
0x22: {  	[simem:s7], [sflag:s8] =	dma.local @!p0 [hbm:s6], $0xF7A  }
0x23: {  	s9 =	sor.u32 $0xD0000000, s2;
	s6 =	simm.s32 $0x108;
	_ =	swait.ge @!p0 [sflag:s8], $0x0  }
0x24: {  	s3 =	sadd.s32 $0x88, s3;
	s6 =	simm.s32 @!p1 $0x1082;
	[sflag:s4] =	ssyncset.s32 $0xFFFFF086  }
0x25: {  	[simem:s6], [sflag:s4] =	dma.local [hbm:s3], $0xF7A  }
0x26: {  	[smem:$0x3F96] =	sst s1;
	(tag) =	ssettag s2;
	_ =	strace s9  }
0x27: {  	s1 =	sld [smem:$0x3FA6]  }
0x28: {  	s2 =	sld [smem:$0x3FA7]  }
0x29: {  	s4 =	sld [smem:$0x3FA9]  }
0x2a: {  	p0 =	seq.s32 s5, $0x0;
	s5 =	sld [smem:$0x3FAA]  }
0x2b: {  	s6 =	sld [smem:$0x3FAB]  }
0x2c: {  	s7 =	sld [smem:$0x3FAC]  }
0x2d: {  	s3 =	simm.s32 $0x108;
	s8 =	sld [smem:$0x3FAD]  }
0x2e: {  	s3 =	simm.s32 @!p0 $0x1082;
	s9 =	sld [smem:$0x3FAE]  }
0x2f: {  	lr =	sadd.s32 s0, s3;
	s0 =	sld [smem:$0x3FA5]  }
0x30: {  	s3 =	sld [smem:$0x3FA8]  }
0x31: {  	[smem:$0x3FB1] =	sst s10  }
0x32: {  	s10 =	sld [smem:$0x3FAF];
	_ =	sdelay $0x3  }
0x33: {  	p0 =	seq.s32 s10, $0x1;
	s10 =	sld [smem:$0x3FB1];
	_ =	sdelay $0x3  }
0x34: {  	[smem:$0x3FB1] =	sst s10  }
0x35: {  	s10 =	sld [smem:$0x3FB0];
	_ =	sdelay $0x3  }
0x36: {  	p1 =	seq.s32 s10, $0x1;
	s10 =	sld [smem:$0x3FB1];
	_ =	sdelay $0x3  }
0x37: {  	[smem:$0x3FB1] =	sst s10  }
0x38: {  	s10 =	sld [smem:$0x3FB2]  }
0x39: {  	_ = 	snop;
	(pc) =	sbr.ind lr, $3  }
0x3a: {  	_ = 	snop  }
0x3b: {  	_ = 	snop  }
0x3c: {  	p2 =	seq.s32 s10, $0x1;
	s10 =	sld [smem:$0x3FB1]  }
0x3d: {  	_ =	shalt  }
0x3e: {  	_ =	shalt  }
0x3f: {  	_ =	shalt  }
0x40: {  	_ =	shalt  }
0x41: {  	_ =	shalt  }
0x42: {  	_ =	shalt  }
0x43: {  	_ =	shalt  }
0x44: {  	_ =	shalt  }
0x45: {  	_ =	shalt  }
0x46: {  	_ =	shalt  }
0x47: {  	_ =	shalt  }
0x48: {  	_ =	shalt  }
0x49: {  	_ =	shalt  }
0x4a: {  	_ =	shalt  }
0x4b: {  	_ =	shalt  }
0x4c: {  	_ =	shalt  }
0x4d: {  	_ =	shalt  }
0x4e: {  	_ =	shalt  }
0x4f: {  	_ =	shalt  }
0x50: {  	_ =	shalt  }
0x51: {  	_ =	shalt  }
0x52: {  	_ =	shalt  }
0x53: {  	_ =	shalt  }
0x54: {  	_ =	shalt  }
0x55: {  	_ =	shalt  }
0x56: {  	_ =	shalt  }
0x57: {  	_ =	shalt  }
0x58: {  	_ =	shalt  }
0x59: {  	_ =	shalt  }
0x5a: {  	_ =	shalt  }
0x5b: {  	_ =	shalt  }
0x5c: {  	_ =	shalt  }
0x5d: {  	_ =	shalt  }
0x5e: {  	_ =	shalt  }
0x5f: {  	_ =	shalt  }
0x60: {  	_ =	shalt  }
0x61: {  	_ =	shalt  }
0x62: {  	_ =	shalt  }
0x63: {  	_ =	shalt  }
0x64: {  	_ =	shalt  }
0x65: {  	_ =	shalt  }
0x66: {  	_ =	shalt  }
0x67: {  	_ =	shalt  }
0x68: {  	_ =	shalt  }
0x69: {  	_ =	shalt  }
0x6a: {  	_ =	shalt  }
0x6b: {  	_ =	shalt  }
0x6c: {  	_ =	shalt  }
0x6d: {  	_ =	shalt  }
0x6e: {  	_ =	shalt  }
0x6f: {  	_ =	shalt  }
0x70: {  	_ =	shalt  }
0x71: {  	_ =	shalt  }
0x72: {  	_ =	shalt  }
0x73: {  	_ =	shalt  }
0x74: {  	_ =	shalt  }
0x75: {  	_ =	shalt  }
0x76: {  	_ =	shalt  }
0x77: {  	_ =	shalt  }
0x78: {  	_ =	shalt  }
0x79: {  	_ =	shalt  }
0x7a: {  	_ =	shalt  }
0x7b: {  	_ =	shalt  }
0x7c: {  	_ =	shalt  }
0x7d: {  	_ =	shalt  }
0x7e: {  	_ =	shalt  }
0x7f: {  	_ =	shalt  }
0x80: {  	_ =	shalt  }
0x81: {  	_ =	shalt  }
0x82: {  	_ =	shalt  }
0x83: {  	_ =	shalt  }
0x84: {  	_ =	shalt  }
0x85: {  	_ =	shalt  }
0x86: {  	_ =	shalt  }
0x87: {  	_ =	shalt  }
.Lfunc_end0:
.L_simem_size_0:
called_computation.4_lowered:
.L_overlay_start_0:
0x88: {  	s2 =	sld [smem:$0x3FD9]  }
0x89: {  	s3 =	sld [smem:$0x3FFE];
	_ =	sdelay $0x1  }
0x8a: {  	s1 =	srdreg.scid  }
0x8b: {  	s0 =	sand.u32 $0x1, s1  }
0x8c: {  	s15 =	sshll.u32 s0, $0xA;
	s2 =	sadd.s32 s3, s2  }
0x8d: {  	s2 =	sadd.s32 s2, s15  }
0x8e: {  	[smem:$0x3FBD] =	sst s2  }
0x8f: {  	_ = 	snop  }
0x90: {  	s2 =	sld [smem:$0x3FD0];
	_ =	sdelay $0x2  }
0x91: {  	s16 =	simm.s32 $0xC;
	s4 =	simm.s32 $0x10  }
0x92: {  	[smem:s4], [sflag:s16] =	dma.local [hbm:s2], $0x1  }
0x93: {  	_ =	swait.eq [sflag:s16], $0x1  }
0x94: {  	[sflag:s16] =	ssyncset.done $0x0  }
0x95: {  	[sflag:s16] =	ssyncadd.s32 $0xFFFFFFFF  }
0x96: {  	s17 =	sld [smem:$0x11];
	(tm) =	ssettm $0x1  }
0x97: {  	s18 =	sld [smem:$0x3FFB];
	_ =	sdelay $0x3  }
0x98: {  	_ =	strace s18  }
0x99: {  	s2 =	sld [smem:$0x3FFC];
	_ =	sdelay $0x3  }
0x9a: {  	_ =	strace s2  }
0x9b: {  	s2 =	sld [smem:$0x3FFD];
	_ =	sdelay $0x3  }
0x9c: {  	_ =	strace s2  }
0x9d: {  	_ =	strace $0x8FFFFFFF  }
0x9e: {  	s19 =	sld [smem:$0x3FDB];
	_ =	sdelay $0x1  }
0x9f: {  	s20 =	simm.s32 $_scs_section_size  }
0xa0: {  	s5 =	simm.s32 $_size__tile_overlayer_lowered;
	s6 =	simm.s32 $_tile_overlayer_lowered  }
0xa1: {  	s7 =	simm.s32 $0x1BFF;
	s21 =	sshll.u32 s6, $0x1;
	s4 =	sadd.s32 s20, s19  }
0xa2: {  	s22 =	simm.s32 $0x0;
	s5 =	sshll.u32 s5, $0x1;
	s6 =	sadd.s32 s21, s4  }
0xa3: {  	[timem:s22], [sflag:s7] =	dma.local [hbm:s6], s5  }
0xa4: {  	_ =	swait.ge [sflag:s7], s5  }
0xa5: {  	s5 =	ssub.s32 $0x0, s5;
	[sflag:s7] =	ssyncset.done $0x0  }
0xa6: {  	[sflag:s7] =	ssyncadd.s32 s5;
	_ =	sdelay $0x1  }
0xa7: {  	s23 =	simm.s32 $0x1B8B  }
0xa8: {  	_ =	swait.ge [sflag:s23], $0x1  }
0xa9: {  	[sflag:s23] =	ssyncset.done $0x0  }
0xaa: {  	[sflag:s23] =	ssyncadd.s32 $0xFFFFFFFF  }
0xab: {  	s5 =	sld [smem:$0x0]  }
0xac: {  	s6 =	sand.u32 $0xFFFFFFFE, s1  }
0xad: {  	p0 =	sne.s32 s1, s6  }
0xae: {  	s6 =	sshll.u32 @p0 s6, $0xE  }
0xaf: {  	s6 =	sadd.s32 @p0 $0x11B8D, s6;
	s7 =	sshll.u32 @p0 s5, $0x11  }
0xb0: {  	s6 =	sor.u32 @p0 s7, s6  }
0xb1: {  	[sflag:s6] =	ssyncadd.remote.s32 @p0 $0x1;
	_ =	sdelay $0x1  }
0xb2: {  	s6 =	simm.s32 @p0 $0x1B8D  }
0xb3: {  	_ =	swait.eq @p0 [sflag:s6], $0x1  }
0xb4: {  	[sflag:s6] =	ssyncadd.s32 @p0 $0xFFFFFFFF  }
0xb5: {  	s7 =	sshll.u32 @!p0 s1, $0xE  }
0xb6: {  	s7 =	sor.u32 @!p0 $0x4000, s7;
	s6 =	simm.s32 @!p0 $0x1B8D  }
0xb7: {  	s5 =	sshll.u32 @!p0 s5, $0x11;
	s7 =	sadd.s32 @!p0 $0x11B8D, s7;
	_ =	swait.eq @!p0 [sflag:s6], $0x1  }
0xb8: {  	s5 =	sor.u32 @!p0 s5, s7;
	[sflag:s6] =	ssyncadd.s32 @!p0 $0xFFFFFFFF  }
0xb9: {  	s25 =	simm.s32 $0x1B8E;
	s24 =	sld [smem:$0x3FFE];
	[sflag:s5] =	ssyncadd.remote.s32 @!p0 $0x1  }
0xba: {  	s26 =	simm.s32 $execute0_lowered;
	[smem:$0x3FD2] =	sst s25  }
0xbb: {  	s6 =	sshll.u32 s26, $0x1;
	_ =	strace $0x8000005B;
	[dreg:$0x1] =	wrdreg $0xFFFFFFFF  }
0xbc: {  	s28 =	simm.s32 $_size_execute0_lowered;
	s4 =	sadd.s32 s4, s6;
	[dreg:$0x0] =	wrdreg $0x0  }
0xbd: {  	s6 =	sshll.u32 s28, $0x1;
	[dreg:$0x2] =	wrdreg s4  }
0xbe: {  	[dreg:$0x3] =	wrdreg s6  }
0xbf: {  	[dreg:$0x4] =	wrdreg $0xC0  }
0xc0: {  	_ =	task [dreg:s22], $0x5FFFF  }
0xc1: {  	[dreg:$0x1] =	wrdreg $0xFFFFFFFF  }
0xc2: {  	[dreg:$0x0] =	wrdreg $0x60  }
0xc3: {  	[dreg:$0x2] =	wrdreg s24  }
0xc4: {  	[dreg:$0x3] =	wrdreg s17  }
0xc5: {  	[dreg:$0x4] =	wrdreg $0x9  }
0xc6: {  	_ =	task.clear_ibuf [dreg:s22], $0x5FFFF;
	_ =	strace $0x9000005B  }
0xc7: {  	s29 =	simm.s32 $0x9;
	_ =	strace $0x8000005D  }
0xc8: {  	_ =	swait.ge [sflag:s29], $0x1  }
0xc9: {  	[sflag:s29] =	ssyncadd.s32 $0xFFFFFFFF  }
0xca: {  	_ =	strace $0x9000005D  }
0xcb: {  	_ =	sfence  }
0xcc: {  	s30 =	sld [smem:$0x0];
	_ =	sdelay $0x2  }
0xcd: {  	s31 =	sshll.u32 s1, $0xD;
	s1 =	sshrl.u32 s1, $0x2  }
0xce: {  	s4 =	sand.u32 $0x4000, s31;
	s1 =	sadd.s32 s1, s30  }
0xcf: {  	s0 =	sor.u32 s4, s0;
	s1 =	sshll.u32 s1, $0x11  }
0xd0: {  	s0 =	sor.u32 s1, s0  }
0xd1: {  	s0 =	sadd.s32 $0x8F2B, s0  }
0xd2: {  	[sflag:s0] =	ssyncadd.remote.s32 $0x1  }
0xd3: {  	_ =	sfence.sel $0xFFFF  }
0xd4: {  	[dreg:$0x0] =	wrdreg $0xFFFFFFFF;
	(pc) =	sbr.abs _section_cstart, $3  }
0xd5: {  	[dreg:$0x1] =	wrdreg $0xFFFFFFFF  }
0xd6: {  	_ =	task.clear_ibuf [dreg:s22], $0x2FFFF;
	_ =	strace $0x9FFFFFFF  }
0xd7: {  	(tm) =	ssettm $0x7FFFFFFF  }
tec
execute0_lowered:
.L_overlay_start_1:
0x0: {  	(tag) =	ssettag $0x1  }
0x1: {  	s4 =	rddreg [dreg:$0x0]  }
0x2: {  	s5 =	rddreg [dreg:$0x1]  }
0x3: {  	s0 =	rddreg [dreg:$0x2];
	s1 =	simm.s32 $0x0;
	s2 =	srdreg.scid  }
0x4: {  	[smem:$0x7FF] =	sst s1;
	s6 =	sand.u32 $0x1, s2  }
0x5: {  	s2 =	stileid.u32;
	s3 =	sadd.s32 $0x4400, s4;
	_ =	strace $0x8000005C  }
0x6: {  	s7 =	ssub.s32 $0x2, s6;
	s8 =	smul.u32 $0x4100, s2;
	s10 =	sshll.u32 s2, $0x9  }
0x7: {  	s11 =	sshll.u32 s6, $0x8;
	s6 =	smul.u32 $0x2080, s6;
	s9 =	sshrl.u32 s7, $0x1  }
0x8: {  	s31 =	sor.u32 s11, s10;
	s10 =	simm.s32 $0x1;
	s11 =	simm.s32 $0x0  }
0x9: {  	s8 =	sadd.s32 s8, s4;
	s7 =	ssub.s32 s7, s9;
	s4 =	sadd.s32 s5, s31  }
0xa: {  	s9 =	simm.s32 $0x800;
	s5 =	smax.u32 s7, $0x1;
	s6 =	sadd.s32 s6, s8  }
0xb: {  	s7 =	simm.s32 $0x2;
	s8 =	simm.s32 $0x28;
	s6 =	sadd.s32 $0x2B3C00, s6  }
.LBB2_1:
0xc: {  	[tilespmem:s1], [sflag:$0x2] =	stream.linear.gather [hbm4b:s4+s1], $0x680, $0x38;
	[tilespmem:$0x1C00] =	vst v63  }
0xd: {  	_ =	swait.ge [sflag:s7], $0x680  }
0xe: {  	[sflag:s7] =	ssyncset.done $0x0  }
0xf: {  	s12 =	simm.s32 $0x0;
	[sflag:s7] =	ssyncadd.s32 $0xFFFFF980  }
0x10: {  	[tilespmem:s9], [sflag:$0x1] =	stream.indirect.gather [hbm4b:s3+s8], $0x80, s12, s8, $0xb8;
	[tilespmem:$0x1C00] =	vst v63  }
0x11: {  	_ =	swait.ge [sflag:s10], $0x1400  }
0x12: {  	[sflag:s10] =	ssyncset.done $0x0  }
0x13: {  	[sflag:s10] =	ssyncadd.s32 $0xFFFFEC00  }
0x14: {  	[hbm4b:s6+s1] =	stream.linear.scatter [tilespmem:s9], [sflag:$0x2], $0x1400, $0x38;
	[tilespmem:$0x1C00] =	vst v63  }
0x15: {  	s13 =	simm.s32 $0x200;
	_ =	swait.ge [sflag:s7], $0x1400  }
0x16: {  	s14 =	simm.s32 $0x400;
	s12 =	sadd.s32 $0x280, s6;
	[sflag:s7] =	ssyncset.done $0x0  }
.LBB2_2:
0x17: {  	s15 =	sshra.s32 s13, $0x2  }
0x18: {  	[sflag:s7] =	ssyncadd.s32 $0xFFFFEC00;
	s13 =	smov.u32 s14;
	s16 =	sadd.s32 $0x200, s14  }
0x19: {  	[tilespmem:s9], [sflag:$0x1] =	stream.indirect.gather [hbm4b:s3+s8], $0x80, s15, s8, $0xb8;
	[tilespmem:$0x1C00] =	vst v63  }
0x1a: {  	p0 =	sne.s32 s14, $0x1800;
	_ =	swait.ge [sflag:s10], $0x1400  }
.Ltmp0:
0x1b: {  	[sflag:s10] =	ssyncset.done $0x0;
	(pc) =	sbr.rel @p0 .LBB2_2-.Ltmp0, $4  }
0x1c: {  	[sflag:s10] =	ssyncadd.s32 $0xFFFFEC00  }
0x1d: {  	[hbm4b:s12+s1] =	stream.linear.scatter [tilespmem:s9], [sflag:$0x2], $0x1400, $0x38;
	[tilespmem:$0x1C00] =	vst v63  }
0x1e: {  	_ =	swait.ge [sflag:s7], $0x1400  }
0x1f: {  	s14 =	smov.u32 s16;
	s12 =	sadd.s32 $0x280, s12;
	[sflag:s7] =	ssyncset.done $0x0  }
0x20: {  	s13 =	sshra.s32 s13, $0x2;
	[sflag:s7] =	ssyncadd.s32 $0xFFFFEC00  }
0x21: {  	[tilespmem:s9], [sflag:$0x1] =	stream.indirect.gather [hbm4b:s3+s8], $0x80, s13, s8, $0xb8;
	[tilespmem:$0x1C00] =	vst v63  }
0x22: {  	s11 =	sadd.s32 $0x1, s11;
	_ =	swait.ge [sflag:s10], $0x1400  }
0x23: {  	p0 =	sne.s32 s11, s5;
	[sflag:s10] =	ssyncset.done $0x0  }
.Ltmp1:
0x24: {  	[sflag:s10] =	ssyncadd.s32 $0xFFFFEC00;
	(pc) =	sbr.rel @p0 .LBB2_1-.Ltmp1, $4  }
0x25: {  	[hbm4b:s12+s1] =	stream.linear.scatter [tilespmem:s9], [sflag:$0x2], $0x1400, $0x38;
	[tilespmem:$0x1C00] =	vst v63  }
0x26: {  	_ =	swait.ge [sflag:s7], $0x1400  }
0x27: {  	[sflag:s7] =	ssyncset.done $0x0  }
0x28: {  	[sflag:s7] =	ssyncadd.s32 $0xFFFFEC00  }
0x29: {  	_ =	sfence.sel $0x180000  }
0x2a: {  	[bflag:$0x0] =	sbarrier.arrive $0xFFFF  }
0x2b: {  	p0 =	sne.s32 s2, $0x0;
	_ =	strace $0x9000005C  }
0x2c: {  	s0 =	sadd.s32 @!p0 $0x100000, s0;
	[bflag:$0x2] =	sbarrier.arrive $0xFFFF  }
0x2d: {  	[sflag:s0] =	ssyncadd.tile.s32 @!p0 $0x1;
	_ =	shalt  }
.Lfunc_end2:
_tile_overlayer_lowered:
.L_overlay_start_2:
0x2e: {  	(tag) =	ssettag $0x2  }
0x2f: {  	s0 =	rddreg [dreg:$0x0];
	s2 =	stileid.u32  }
0x30: {  	s1 =	rddreg [dreg:$0x1];
	p0 =	sne.s32 s2, $0x0  }
0x31: {  	s3 =	rddreg [dreg:$0x2];
	[bflag:$0x3] =	sbarrier.arrive $0xFFFF;
	s2 =	simm.s32 @!p0 $0x1C02  }
0x32: {  	[timem:s3], [sflag:s2] =	dma.local @!p0 [hbm:s0], s1  }
0x33: {  	s0 =	simm.s32 @!p0 $0x2  }
0x34: {  	_ =	swait.ge @!p0 [sflag:s0], s1  }
0x35: {  	s1 =	ssub.s32 @!p0 $0x0, s1;
	[sflag:s0] =	ssyncset.done @!p0 $0x0  }
0x36: {  	[sflag:s0] =	ssyncadd.s32 @!p0 s1  }
0x37: {  	[bflag:$0x3] =	sbarrier.arrive $0xFFFF  }
0x38: {  	_ =	shalt  }

// kernel: kernel.33.cloned.1.call-start
scs
__scs_entry_jumppad:
0x0: {  	(pc) =	sbr.rel $0x88, $3  }
0x1: {  	(tag) =	ssettag $0x0;
	lr =	simm.s32 $0x1  }
0x2: {  	[smem:$0x3F96] =	sst lr;
	_ =	strace $0xD0000000  }
0x3: {  	_ = 	snop  }
0x4: {  	_ = 	snop  }
0x5: {  	_ = 	snop  }
0x6: {  	_ = 	snop  }
0x7: {  	_ = 	snop  }
__scs_overlays_trampoline_lowered:
0x8: {  	[smem:$0x3FA5] =	sst s0  }
0x9: {  	[smem:$0x3FA6] =	sst s1  }
0xa: {  	[smem:$0x3FA7] =	sst s2  }
0xb: {  	[smem:$0x3FA8] =	sst s3  }
0xc: {  	[smem:$0x3FA9] =	sst s4  }
0xd: {  	[smem:$0x3FAA] =	sst s5  }
0xe: {  	[smem:$0x3FAB] =	sst s6  }
0xf: {  	[smem:$0x3FAC] =	sst s7  }
0x10: {  	[smem:$0x3FAD] =	sst s8  }
0x11: {  	[smem:$0x3FAE] =	sst s9;
	s0 =	simm.s32 @!p0 $0x0  }
0x12: {  	s1 =	sld [smem:$0x3F94];
	s0 =	simm.s32 @p0 $0x1  }
0x13: {  	[smem:$0x3FAF] =	sst s0;
	s0 =	simm.s32 @!p1 $0x0  }
0x14: {  	s2 =	sld [smem:$0x3F93];
	s0 =	simm.s32 @p1 $0x1  }
0x15: {  	[smem:$0x3FB0] =	sst s0;
	s0 =	simm.s32 @!p2 $0x0  }
0x16: {  	s3 =	sld [smem:$0x3FDB];
	s0 =	simm.s32 @p2 $0x1  }
0x17: {  	s4 =	simm.s32 $0x1BF5;
	[smem:$0x3FB2] =	sst s0  }
0x18: {  	s0 =	sld [smem:$0x3F95];
	_ =	swait.ge [sflag:s4], $0x0  }
0x19: {  	s7 =	sld [smem:$0x3F96]  }
0x1a: {  	s8 =	sadd.s32 $0xFFFFE003, lr  }
0x1b: {  	s9 =	sadd.s32 $0xFFFFFEF7, lr;
	s5 =	simm.s32 $0xFFFFFFFF;
	p2 =	slt.u32 s8, $0xFFFFF086  }
0x1c: {  	p1 =	slt.u32 s9, $0xF7A;
	s5 =	simm.s32 @!p2 $0x0  }
0x1d: {  	s5 =	simm.s32 @p1 $0x1;
	p0 =	seq.s32 s7, s2  }
0x1e: {  	s7 =	smul.u32 @!p0 $0xF7A, s2;
	p2 =	seq.s32 @!p0 s5, $0x0  }
0x1f: {  	s9 =	smul.u32 $0xF7A, s1;
	s8 =	simm.s32 @!p0 $0x1BF5;
	p2 =	por !p2, p0  }
0x20: {  	[sflag:s8] =	ssyncset.s32 @!p0 $0xFFFFF086;
	s6 =	sadd.s32 @!p0 s3, s7;
	s7 =	simm.s32 @!p0 $0x108  }
0x21: {  	s3 =	sadd.s32 s3, s9;
	s6 =	sadd.s32 @!p0 $0x88, s6;
	s7 =	simm.s32 @p2 $0x1082  }
0x22: {  	[simem:s7], [sflag:s8] =	dma.local @!p0 [hbm:s6], $0xF7A  }
0x23: {  	s9 =	sor.u32 $0xD0000000, s2;
	s6 =	simm.s32 $0x108;
	_ =	swait.ge @!p0 [sflag:s8], $0x0  }
0x24: {  	s3 =	sadd.s32 $0x88, s3;
	s6 =	simm.s32 @!p1 $0x1082;
	[sflag:s4] =	ssyncset.s32 $0xFFFFF086  }
0x25: {  	[simem:s6], [sflag:s4] =	dma.local [hbm:s3], $0xF7A  }
0x26: {  	[smem:$0x3F96] =	sst s1;
	(tag) =	ssettag s2;
	_ =	strace s9  }
0x27: {  	s1 =	sld [smem:$0x3FA6]  }
0x28: {  	s2 =	sld [smem:$0x3FA7]  }
0x29: {  	s4 =	sld [smem:$0x3FA9]  }
0x2a: {  	p0 =	seq.s32 s5, $0x0;
	s5 =	sld [smem:$0x3FAA]  }
0x2b: {  	s6 =	sld [smem:$0x3FAB]  }
0x2c: {  	s7 =	sld [smem:$0x3FAC]  }
0x2d: {  	s3 =	simm.s32 $0x108;
	s8 =	sld [smem:$0x3FAD]  }
0x2e: {  	s3 =	simm.s32 @!p0 $0x1082;
	s9 =	sld [smem:$0x3FAE]  }
0x2f: {  	lr =	sadd.s32 s0, s3;
	s0 =	sld [smem:$0x3FA5]  }
0x30: {  	s3 =	sld [smem:$0x3FA8]  }
0x31: {  	[smem:$0x3FB1] =	sst s10  }
0x32: {  	s10 =	sld [smem:$0x3FAF];
	_ =	sdelay $0x3  }
0x33: {  	p0 =	seq.s32 s10, $0x1;
	s10 =	sld [smem:$0x3FB1];
	_ =	sdelay $0x3  }
0x34: {  	[smem:$0x3FB1] =	sst s10  }
0x35: {  	s10 =	sld [smem:$0x3FB0];
	_ =	sdelay $0x3  }
0x36: {  	p1 =	seq.s32 s10, $0x1;
	s10 =	sld [smem:$0x3FB1];
	_ =	sdelay $0x3  }
0x37: {  	[smem:$0x3FB1] =	sst s10  }
0x38: {  	s10 =	sld [smem:$0x3FB2]  }
0x39: {  	_ = 	snop;
	(pc) =	sbr.ind lr, $3  }
0x3a: {  	_ = 	snop  }
0x3b: {  	_ = 	snop  }
0x3c: {  	p2 =	seq.s32 s10, $0x1;
	s10 =	sld [smem:$0x3FB1]  }
0x3d: {  	_ =	shalt  }
0x3e: {  	_ =	shalt  }
0x3f: {  	_ =	shalt  }
0x40: {  	_ =	shalt  }
0x41: {  	_ =	shalt  }
0x42: {  	_ =	shalt  }
0x43: {  	_ =	shalt  }
0x44: {  	_ =	shalt  }
0x45: {  	_ =	shalt  }
0x46: {  	_ =	shalt  }
0x47: {  	_ =	shalt  }
0x48: {  	_ =	shalt  }
0x49: {  	_ =	shalt  }
0x4a: {  	_ =	shalt  }
0x4b: {  	_ =	shalt  }
0x4c: {  	_ =	shalt  }
0x4d: {  	_ =	shalt  }
0x4e: {  	_ =	shalt  }
0x4f: {  	_ =	shalt  }
0x50: {  	_ =	shalt  }
0x51: {  	_ =	shalt  }
0x52: {  	_ =	shalt  }
0x53: {  	_ =	shalt  }
0x54: {  	_ =	shalt  }
0x55: {  	_ =	shalt  }
0x56: {  	_ =	shalt  }
0x57: {  	_ =	shalt  }
0x58: {  	_ =	shalt  }
0x59: {  	_ =	shalt  }
0x5a: {  	_ =	shalt  }
0x5b: {  	_ =	shalt  }
0x5c: {  	_ =	shalt  }
0x5d: {  	_ =	shalt  }
0x5e: {  	_ =	shalt  }
0x5f: {  	_ =	shalt  }
0x60: {  	_ =	shalt  }
0x61: {  	_ =	shalt  }
0x62: {  	_ =	shalt  }
0x63: {  	_ =	shalt  }
0x64: {  	_ =	shalt  }
0x65: {  	_ =	shalt  }
0x66: {  	_ =	shalt  }
0x67: {  	_ =	shalt  }
0x68: {  	_ =	shalt  }
0x69: {  	_ =	shalt  }
0x6a: {  	_ =	shalt  }
0x6b: {  	_ =	shalt  }
0x6c: {  	_ =	shalt  }
0x6d: {  	_ =	shalt  }
0x6e: {  	_ =	shalt  }
0x6f: {  	_ =	shalt  }
0x70: {  	_ =	shalt  }
0x71: {  	_ =	shalt  }
0x72: {  	_ =	shalt  }
0x73: {  	_ =	shalt  }
0x74: {  	_ =	shalt  }
0x75: {  	_ =	shalt  }
0x76: {  	_ =	shalt  }
0x77: {  	_ =	shalt  }
0x78: {  	_ =	shalt  }
0x79: {  	_ =	shalt  }
0x7a: {  	_ =	shalt  }
0x7b: {  	_ =	shalt  }
0x7c: {  	_ =	shalt  }
0x7d: {  	_ =	shalt  }
0x7e: {  	_ =	shalt  }
0x7f: {  	_ =	shalt  }
0x80: {  	_ =	shalt  }
0x81: {  	_ =	shalt  }
0x82: {  	_ =	shalt  }
0x83: {  	_ =	shalt  }
0x84: {  	_ =	shalt  }
0x85: {  	_ =	shalt  }
0x86: {  	_ =	shalt  }
0x87: {  	_ =	shalt  }
.Lfunc_end0:
.L_simem_size_0:
called_computation.5_lowered:
.L_overlay_start_0:
0x88: {  	s2 =	sld [smem:$0x3FD9]  }
0x89: {  	s3 =	sld [smem:$0x3FFE];
	_ =	sdelay $0x1  }
0x8a: {  	s1 =	srdreg.scid  }
0x8b: {  	s0 =	sand.u32 $0x1, s1  }
0x8c: {  	s17 =	sshll.u32 s0, $0xA;
	s2 =	sadd.s32 s3, s2  }
0x8d: {  	s2 =	sadd.s32 s2, s17  }
0x8e: {  	[smem:$0x3FBD] =	sst s2  }
0x8f: {  	_ = 	snop  }
0x90: {  	(tm) =	ssettm $0x1  }
0x91: {  	s18 =	sld [smem:$0x3FFB];
	_ =	sdelay $0x3  }
0x92: {  	_ =	strace s18  }
0x93: {  	s2 =	sld [smem:$0x3FFC];
	_ =	sdelay $0x3  }
0x94: {  	_ =	strace s2  }
0x95: {  	s2 =	sld [smem:$0x3FFD];
	_ =	sdelay $0x3  }
0x96: {  	_ =	strace s2  }
0x97: {  	_ =	strace $0x8FFFFFFF  }
0x98: {  	s19 =	sld [smem:$0x3FDB];
	_ =	sdelay $0x1  }
0x99: {  	s20 =	simm.s32 $_scs_section_size  }
0x9a: {  	s4 =	simm.s32 $_size__tile_overlayer_lowered;
	s5 =	simm.s32 $_tile_overlayer_lowered  }
0x9b: {  	s6 =	simm.s32 $0x1BFF;
	s21 =	sshll.u32 s5, $0x1;
	s3 =	sadd.s32 s20, s19  }
0x9c: {  	s22 =	simm.s32 $0x0;
	s4 =	sshll.u32 s4, $0x1;
	s5 =	sadd.s32 s21, s3  }
0x9d: {  	[timem:s22], [sflag:s6] =	dma.local [hbm:s5], s4  }
0x9e: {  	_ =	swait.ge [sflag:s6], s4  }
0x9f: {  	s4 =	ssub.s32 $0x0, s4;
	[sflag:s6] =	ssyncset.done $0x0  }
0xa0: {  	[sflag:s6] =	ssyncadd.s32 s4;
	_ =	sdelay $0x1  }
0xa1: {  	s23 =	simm.s32 $0x1B8B  }
0xa2: {  	_ =	swait.ge [sflag:s23], $0x1  }
0xa3: {  	[sflag:s23] =	ssyncset.done $0x0  }
0xa4: {  	[sflag:s23] =	ssyncadd.s32 $0xFFFFFFFF  }
0xa5: {  	s4 =	sld [smem:$0x0]  }
0xa6: {  	s5 =	sand.u32 $0xFFFFFFFE, s1  }
0xa7: {  	p0 =	sne.s32 s1, s5  }
0xa8: {  	s5 =	sshll.u32 @p0 s5, $0xE  }
0xa9: {  	s5 =	sadd.s32 @p0 $0x11B8D, s5;
	s6 =	sshll.u32 @p0 s4, $0x11  }
0xaa: {  	s5 =	sor.u32 @p0 s6, s5  }
0xab: {  	[sflag:s5] =	ssyncadd.remote.s32 @p0 $0x1;
	_ =	sdelay $0x1  }
0xac: {  	s5 =	simm.s32 @p0 $0x1B8D  }
0xad: {  	_ =	swait.eq @p0 [sflag:s5], $0x1  }
0xae: {  	[sflag:s5] =	ssyncadd.s32 @p0 $0xFFFFFFFF  }
0xaf: {  	s6 =	sshll.u32 @!p0 s1, $0xE  }
0xb0: {  	s6 =	sor.u32 @!p0 $0x4000, s6;
	s5 =	simm.s32 @!p0 $0x1B8D  }
0xb1: {  	s4 =	sshll.u32 @!p0 s4, $0x11;
	s6 =	sadd.s32 @!p0 $0x11B8D, s6;
	_ =	swait.eq @!p0 [sflag:s5], $0x1  }
0xb2: {  	s4 =	sor.u32 @!p0 s4, s6;
	[sflag:s5] =	ssyncadd.s32 @!p0 $0xFFFFFFFF  }
0xb3: {  	s25 =	simm.s32 $0x1B8E;
	s24 =	sld [smem:$0x3FFE];
	[sflag:s4] =	ssyncadd.remote.s32 @!p0 $0x1  }
0xb4: {  	s26 =	simm.s32 $execute0_lowered;
	[smem:$0x3FD2] =	sst s25  }
0xb5: {  	s5 =	sshll.u32 s26, $0x1;
	_ =	strace $0x8000004C;
	[dreg:$0x1] =	wrdreg $0xFFFFFFFF  }
0xb6: {  	s28 =	simm.s32 $_size_execute0_lowered;
	s3 =	sadd.s32 s3, s5;
	[dreg:$0x0] =	wrdreg $0x0  }
0xb7: {  	s5 =	sshll.u32 s28, $0x1;
	[dreg:$0x2] =	wrdreg s3  }
0xb8: {  	[dreg:$0x3] =	wrdreg s5  }
0xb9: {  	[dreg:$0x4] =	wrdreg $0xC0  }
0xba: {  	_ =	task [dreg:s22], $0x5FFFF  }
0xbb: {  	[dreg:$0x1] =	wrdreg $0xFFFFFFFF  }
0xbc: {  	[dreg:$0x0] =	wrdreg $0x60  }
0xbd: {  	[dreg:$0x2] =	wrdreg s24  }
0xbe: {  	[dreg:$0x3] =	wrdreg $0x44000  }
0xbf: {  	[dreg:$0x4] =	wrdreg $0xB  }
0xc0: {  	_ =	task.clear_ibuf [dreg:s22], $0x5FFFF;
	_ =	strace $0x9000004C  }
0xc1: {  	s29 =	simm.s32 $0xB;
	_ =	strace $0x8000004E  }
0xc2: {  	_ =	swait.ge [sflag:s29], $0x1  }
0xc3: {  	[sflag:s29] =	ssyncadd.s32 $0xFFFFFFFF  }
0xc4: {  	_ =	strace $0x9000004E  }
0xc5: {  	_ =	sfence  }
0xc6: {  	s30 =	sld [smem:$0x0];
	_ =	sdelay $0x2  }
0xc7: {  	s31 =	sshll.u32 s1, $0xD;
	s1 =	sshrl.u32 s1, $0x2  }
0xc8: {  	s4 =	sand.u32 $0x4000, s31;
	s1 =	sadd.s32 s1, s30  }
0xc9: {  	s0 =	sor.u32 s4, s0;
	s1 =	sshll.u32 s1, $0x11  }
0xca: {  	s0 =	sor.u32 s1, s0  }
0xcb: {  	s0 =	sadd.s32 $0x8F2B, s0  }
0xcc: {  	[sflag:s0] =	ssyncadd.remote.s32 $0x1  }
0xcd: {  	_ =	sfence.sel $0xFFFF  }
0xce: {  	[dreg:$0x0] =	wrdreg $0xFFFFFFFF;
	(pc) =	sbr.abs _section_cstart, $3  }
0xcf: {  	[dreg:$0x1] =	wrdreg $0xFFFFFFFF  }
0xd0: {  	_ =	task.clear_ibuf [dreg:s22], $0x2FFFF;
	_ =	strace $0x9FFFFFFF  }
0xd1: {  	(tm) =	ssettm $0x7FFFFFFF  }
tec
execute0_lowered:
.L_overlay_start_1:
0x0: {  	(tag) =	ssettag $0x1  }
0x1: {  	s22 =	rddreg [dreg:$0x0]  }
0x2: {  	s2 =	rddreg [dreg:$0x1];
	s1 =	srdreg.scid  }
0x3: {  	s0 =	rddreg [dreg:$0x2];
	s23 =	sand.u32 $0x1, s1  }
0x4: {  	s3 =	simm.s32 $0x0;
	s1 =	stileid.u32;
	s6 =	smul.u32 $0x138800, s23  }
0x5: {  	[smem:$0x7FF] =	sst s3;
	s4 =	smul.u32 $0x13800, s1  }
0x6: {  	s8 =	sadd.s32 $0x123600, s22;
	s5 =	sshll.u32 s1, $0x1;
	s7 =	smul.u32 $0x4E000, s1  }
0x7: {  	_ =	strace $0x8000004D;
	s30 =	sshll.u32 s1, $0x6;
	s12 =	sor.u32 s23, s5  }
0x8: {  	s5 =	sor.u32 $0x1C01, s30;
	s4 =	sadd.s32 s4, s6;
	s29 =	sshrl.u32 s7, $0x2  }
0x9: {  	s10 =	sshrl.u32 s6, $0x3;
	s24 =	sshrl.u32 s4, $0x3;
	s9 =	sadd.s32 s29, s2  }
0xa: {  	s7 =	simm.s32 $0x1;
	s4 =	sadd.s32 s8, s24;
	s6 =	sshrl.u32 s9, $0x3  }
0xb: {  	[spmem:s6], [sflag:s5] =	dma.local [hbm:s4], $0x2700  }
0xc: {  	p0 =	sne.s32 s1, $0xF;
	s25 =	sadd.s32 $0x27000, s10;
	_ =	swait.ge [sflag:s7], $0x2700  }
0xd: {  	s9 =	sadd.s32 $0x138000, s2;
	s8 =	sadd.s32 s8, s25;
	[sflag:s7] =	ssyncset.done $0x0  }
0xe: {  	s10 =	sshrl.u32 @!p0 s9, $0x3;
	s9 =	simm.s32 @!p0 $0x1;
	[sflag:s7] =	ssyncadd.s32 $0xFFFFD900  }
0xf: {  	[spmem:s10], [sflag:s5] =	dma.local @!p0 [hbm:s8], $0x100  }
0x10: {  	s11 =	sshll.u32 s12, $0x7;
	_ =	swait.ge @!p0 [sflag:s9], $0x100  }
0x11: {  	s11 =	sadd.s32 s11, s22;
	[sflag:s9] =	ssyncset.done @!p0 $0x0  }
0x12: {  	s11 =	sadd.s32 $0x122600, s11;
	[sflag:s9] =	ssyncadd.s32 @!p0 $0xFFFFFF00  }
0x13: {  	[tilespmem:s3], [sflag:$0x1] =	stream.linear.gather [hbm4b:s11+s3], $0x280, $0x38;
	[tilespmem:$0x17C80] =	vst v63  }
0x14: {  	s12 =	smul.u32 $0x2800, s12;
	_ =	swait.ge [sflag:s7], $0x280  }
0x15: {  	[sflag:s7] =	ssyncset.done $0x0  }
0x16: {  	s20 =	sadd.s32 s12, s22;
	[sflag:s7] =	ssyncadd.s32 $0xFFFFFD80  }
0x17: {  	s13 =	simm.s32 $0x400;
	s12 =	sadd.s32 $0x2B600, s20;
	[bflag:$0x0] =	sbarrier.arrive $0xFFFF  }
0x18: {  	[tilespmem:s13], [sflag:$0x1] =	stream.linear.gather [hbm4b:s12+s3], $0x4000, $0x38;
	[tilespmem:$0x17C80] =	vst v63  }
0x19: {  	_ =	swait.ge [sflag:s7], $0x4000  }
0x1a: {  	[sflag:s7] =	ssyncset.done $0x0  }
0x1b: {  	s14 =	simm.s32 $0x80;
	[sflag:s7] =	ssyncadd.s32 $0xFFFFC000  }
0x1c: {  	[spmem:s2] =	stream.indirect.scatter.add.f32 [tilespmem:s13], [sflag:$0x1], $0x80, s3, s14, $0xb8;
	[tilespmem:$0x17C80] =	vst v63  }
0x1d: {  	_ =	swait.ge [sflag:s7], $0x4000  }
0x1e: {  	[sflag:s7] =	ssyncset.done $0x0  }
0x1f: {  	s15 =	sadd.s32 $0x2BE00, s20;
	[sflag:s7] =	ssyncadd.s32 $0xFFFFC000  }
0x20: {  	[tilespmem:s13], [sflag:$0x1] =	stream.linear.gather [hbm4b:s15+s3], $0x4000, $0x38;
	[tilespmem:$0x17C80] =	vst v63  }
0x21: {  	_ =	swait.ge [sflag:s7], $0x4000  }
0x22: {  	[sflag:s7] =	ssyncset.done $0x0  }
0x23: {  	[sflag:s7] =	ssyncadd.s32 $0xFFFFC000  }
0x24: {  	[spmem:s2] =	stream.indirect.scatter.add.f32 [tilespmem:s13], [sflag:$0x1], $0x80, s14, s14, $0xb8;
	[tilespmem:$0x17C80] =	vst v63  }
0x25: {  	_ =	swait.ge [sflag:s7], $0x4000  }
0x26: {  	[sflag:s7] =	ssyncset.done $0x0  }
0x27: {  	s16 =	sadd.s32 $0x2C600, s20;
	[sflag:s7] =	ssyncadd.s32 $0xFFFFC000  }
0x28: {  	[tilespmem:s13], [sflag:$0x1] =	stream.linear.gather [hbm4b:s16+s3], $0x4000, $0x38;
	[tilespmem:$0x17C80] =	vst v63  }
0x29: {  	_ =	swait.ge [sflag:s7], $0x4000  }
0x2a: {  	[sflag:s7] =	ssyncset.done $0x0  }
0x2b: {  	s17 =	simm.s32 $0x100;
	[sflag:s7] =	ssyncadd.s32 $0xFFFFC000  }
0x2c: {  	[spmem:s2] =	stream.indirect.scatter.add.f32 [tilespmem:s13], [sflag:$0x1], $0x80, s17, s14, $0xb8;
	[tilespmem:$0x17C80] =	vst v63  }
0x2d: {  	_ =	swait.ge [sflag:s7], $0x4000  }
0x2e: {  	[sflag:s7] =	ssyncset.done $0x0  }
0x2f: {  	s18 =	sadd.s32 $0x2CE00, s20;
	[sflag:s7] =	ssyncadd.s32 $0xFFFFC000  }
0x30: {  	[tilespmem:s13], [sflag:$0x1] =	stream.linear.gather [hbm4b:s18+s3], $0x4000, $0x38;
	[tilespmem:$0x17C80] =	vst v63  }
0x31: {  	_ =	swait.ge [sflag:s7], $0x4000  }
0x32: {  	[sflag:s7] =	ssyncset.done $0x0  }
0x33: {  	s19 =	simm.s32 $0x180;
	[sflag:s7] =	ssyncadd.s32 $0xFFFFC000  }
0x34: {  	[spmem:s2] =	stream.indirect.scatter.add.f32 [tilespmem:s13], [sflag:$0x1], $0x80, s19, s14, $0xb8;
	[tilespmem:$0x17C80] =	vst v63  }
0x35: {  	_ =	swait.ge [sflag:s7], $0x4000  }
0x36: {  	[sflag:s7] =	ssyncset.done $0x0  }
0x37: {  	s20 =	sadd.s32 $0x2D600, s20;
	[sflag:s7] =	ssyncadd.s32 $0xFFFFC000  }
0x38: {  	[tilespmem:s13], [sflag:$0x1] =	stream.linear.gather [hbm4b:s20+s3], $0x4000, $0x38;
	[tilespmem:$0x17C80] =	vst v63  }
0x39: {  	_ =	swait.ge [sflag:s7], $0x4000  }
0x3a: {  	[sflag:s7] =	ssyncset.done $0x0  }
0x3b: {  	s21 =	simm.s32 $0x200;
	s23 =	ssub.s32 $0x2, s23;
	[sflag:s7] =	ssyncadd.s32 $0xFFFFC000  }
0x3c: {  	[spmem:s2] =	stream.indirect.scatter.add.f32 [tilespmem:s13], [sflag:$0x1], $0x80, s21, s14, $0xb8;
	[tilespmem:$0x17C80] =	vst v63  }
0x3d: {  	s31 =	sshrl.u32 s23, $0x1;
	_ =	swait.ge [sflag:s7], $0x4000  }
0x3e: {  	s26 =	sadd.s32 $0x171800, s22;
	s23 =	ssub.s32 s23, s31;
	[sflag:s7] =	ssyncset.done $0x0  }
0x3f: {  	s22 =	sadd.s32 s26, s24;
	s24 =	smax.u32 s23, $0x1;
	[sflag:s7] =	ssyncadd.s32 $0xFFFFC000  }
0x40: {  	s24 =	sadd.s32 $0xFFFFFFFF, s24;
	[bflag:$0x0] =	sbarrier.arrive $0xFFFF  }
0x41: {  	[hbm:s22], [sflag:s5] =	dma.local [spmem:s6], $0x2700  }
0x42: {  	p1 =	sne.s32 s24, $0x0;
	_ =	swait.ge [sflag:s7], $0x2700  }
.Ltmp0:
0x43: {  	[sflag:s7] =	ssyncset.done $0x0;
	(pc) =	sbr.rel @!p1 .LBB2_2-.Ltmp0, $4  }
0x44: {  	s23 =	sadd.s32 s26, s25;
	[sflag:s7] =	ssyncadd.s32 $0xFFFFD900  }
0x45: {  	[hbm:s23], [sflag:s5] =	dma.local @!p0 [spmem:s10], $0x100  }
0x46: {  	_ =	swait.ge @!p0 [sflag:s9], $0x100  }
0x47: {  	[sflag:s9] =	ssyncset.done @!p0 $0x0  }
.LBB2_1:
0x48: {  	s24 =	sadd.s32 $0xFFFFFFFF, s24;
	[sflag:s9] =	ssyncadd.s32 @!p0 $0xFFFFFF00  }
0x49: {  	[spmem:s6], [sflag:s5] =	dma.local [hbm:s4], $0x2700  }
0x4a: {  	p1 =	sne.s32 s24, $0x0;
	_ =	swait.ge [sflag:s7], $0x2700  }
0x4b: {  	[sflag:s7] =	ssyncset.done $0x0  }
0x4c: {  	[sflag:s7] =	ssyncadd.s32 $0xFFFFD900  }
0x4d: {  	[spmem:s10], [sflag:s5] =	dma.local @!p0 [hbm:s8], $0x100  }
0x4e: {  	_ =	swait.ge @!p0 [sflag:s9], $0x100  }
0x4f: {  	[sflag:s9] =	ssyncset.done @!p0 $0x0  }
0x50: {  	[sflag:s9] =	ssyncadd.s32 @!p0 $0xFFFFFF00  }
0x51: {  	[tilespmem:s3], [sflag:$0x1] =	stream.linear.gather [hbm4b:s11+s3], $0x280, $0x38;
	[tilespmem:$0x17C80] =	vst v63  }
0x52: {  	_ =	swait.ge [sflag:s7], $0x280  }
0x53: {  	[sflag:s7] =	ssyncset.done $0x0  }
0x54: {  	[sflag:s7] =	ssyncadd.s32 $0xFFFFFD80  }
0x55: {  	[bflag:$0x0] =	sbarrier.arrive $0xFFFF  }
0x56: {  	[tilespmem:s13], [sflag:$0x1] =	stream.linear.gather [hbm4b:s12+s3], $0x4000, $0x38;
	[tilespmem:$0x17C80] =	vst v63  }
0x57: {  	_ =	swait.ge [sflag:s7], $0x4000  }
0x58: {  	[sflag:s7] =	ssyncset.done $0x0  }
0x59: {  	[sflag:s7] =	ssyncadd.s32 $0xFFFFC000  }
0x5a: {  	[spmem:s2] =	stream.indirect.scatter.add.f32 [tilespmem:s13], [sflag:$0x1], $0x80, s3, s14, $0xb8;
	[tilespmem:$0x17C80] =	vst v63  }
0x5b: {  	_ =	swait.ge [sflag:s7], $0x4000  }
0x5c: {  	[sflag:s7] =	ssyncset.done $0x0  }
0x5d: {  	[sflag:s7] =	ssyncadd.s32 $0xFFFFC000  }
0x5e: {  	[tilespmem:s13], [sflag:$0x1] =	stream.linear.gather [hbm4b:s15+s3], $0x4000, $0x38;
	[tilespmem:$0x17C80] =	vst v63  }
0x5f: {  	_ =	swait.ge [sflag:s7], $0x4000  }
0x60: {  	[sflag:s7] =	ssyncset.done $0x0  }
0x61: {  	[sflag:s7] =	ssyncadd.s32 $0xFFFFC000  }
0x62: {  	[spmem:s2] =	stream.indirect.scatter.add.f32 [tilespmem:s13], [sflag:$0x1], $0x80, s14, s14, $0xb8;
	[tilespmem:$0x17C80] =	vst v63  }
0x63: {  	_ =	swait.ge [sflag:s7], $0x4000  }
0x64: {  	[sflag:s7] =	ssyncset.done $0x0  }
0x65: {  	[sflag:s7] =	ssyncadd.s32 $0xFFFFC000  }
0x66: {  	[tilespmem:s13], [sflag:$0x1] =	stream.linear.gather [hbm4b:s16+s3], $0x4000, $0x38;
	[tilespmem:$0x17C80] =	vst v63  }
0x67: {  	_ =	swait.ge [sflag:s7], $0x4000  }
0x68: {  	[sflag:s7] =	ssyncset.done $0x0  }
0x69: {  	[sflag:s7] =	ssyncadd.s32 $0xFFFFC000  }
0x6a: {  	[spmem:s2] =	stream.indirect.scatter.add.f32 [tilespmem:s13], [sflag:$0x1], $0x80, s17, s14, $0xb8;
	[tilespmem:$0x17C80] =	vst v63  }
0x6b: {  	_ =	swait.ge [sflag:s7], $0x4000  }
0x6c: {  	[sflag:s7] =	ssyncset.done $0x0  }
0x6d: {  	[sflag:s7] =	ssyncadd.s32 $0xFFFFC000  }
0x6e: {  	[tilespmem:s13], [sflag:$0x1] =	stream.linear.gather [hbm4b:s18+s3], $0x4000, $0x38;
	[tilespmem:$0x17C80] =	vst v63  }
0x6f: {  	_ =	swait.ge [sflag:s7], $0x4000  }
0x70: {  	[sflag:s7] =	ssyncset.done $0x0  }
0x71: {  	[sflag:s7] =	ssyncadd.s32 $0xFFFFC000  }
0x72: {  	[spmem:s2] =	stream.indirect.scatter.add.f32 [tilespmem:s13], [sflag:$0x1], $0x80, s19, s14, $0xb8;
	[tilespmem:$0x17C80] =	vst v63  }
0x73: {  	_ =	swait.ge [sflag:s7], $0x4000  }
0x74: {  	[sflag:s7] =	ssyncset.done $0x0  }
0x75: {  	[sflag:s7] =	ssyncadd.s32 $0xFFFFC000  }
0x76: {  	[tilespmem:s13], [sflag:$0x1] =	stream.linear.gather [hbm4b:s20+s3], $0x4000, $0x38;
	[tilespmem:$0x17C80] =	vst v63  }
0x77: {  	_ =	swait.ge [sflag:s7], $0x4000  }
0x78: {  	[sflag:s7] =	ssyncset.done $0x0  }
0x79: {  	[sflag:s7] =	ssyncadd.s32 $0xFFFFC000  }
0x7a: {  	[spmem:s2] =	stream.indirect.scatter.add.f32 [tilespmem:s13], [sflag:$0x1], $0x80, s21, s14, $0xb8;
	[tilespmem:$0x17C80] =	vst v63  }
0x7b: {  	_ =	swait.ge [sflag:s7], $0x4000  }
0x7c: {  	[sflag:s7] =	ssyncset.done $0x0  }
0x7d: {  	[sflag:s7] =	ssyncadd.s32 $0xFFFFC000  }
0x7e: {  	[bflag:$0x0] =	sbarrier.arrive $0xFFFF  }
0x7f: {  	[hbm:s22], [sflag:s5] =	dma.local [spmem:s6], $0x2700  }
0x80: {  	_ =	swait.ge [sflag:s7], $0x2700  }
.Ltmp1:
0x81: {  	[sflag:s7] =	ssyncset.done $0x0;
	(pc) =	sbr.rel @p1 .LBB2_1-.Ltmp1, $4  }
0x82: {  	[sflag:s7] =	ssyncadd.s32 $0xFFFFD900  }
0x83: {  	[hbm:s23], [sflag:s5] =	dma.local @!p0 [spmem:s10], $0x100  }
0x84: {  	_ =	swait.ge @!p0 [sflag:s9], $0x100  }
0x85: {  	[sflag:s9] =	ssyncset.done @!p0 $0x0  }
.LBB2_2:
0x86: {  	[sflag:s9] =	ssyncadd.s32 @!p0 $0xFFFFFF00  }
0x87: {  	_ =	sfence.sel $0x180000  }
0x88: {  	[bflag:$0x0] =	sbarrier.arrive $0xFFFF  }
0x89: {  	p0 =	sne.s32 s1, $0x0;
	_ =	strace $0x9000004D  }
0x8a: {  	s0 =	sadd.s32 @!p0 $0x100000, s0;
	[bflag:$0x2] =	sbarrier.arrive $0xFFFF  }
0x8b: {  	[sflag:s0] =	ssyncadd.tile.s32 @!p0 $0x1;
	_ =	shalt  }
.Lfunc_end2:
_tile_overlayer_lowered:
.L_overlay_start_2:
0x8c: {  	(tag) =	ssettag $0x2  }
0x8d: {  	s0 =	rddreg [dreg:$0x0];
	s2 =	stileid.u32  }
0x8e: {  	s1 =	rddreg [dreg:$0x1];
	p0 =	sne.s32 s2, $0x0  }
0x8f: {  	s3 =	rddreg [dreg:$0x2];
	[bflag:$0x3] =	sbarrier.arrive $0xFFFF;
	s2 =	simm.s32 @!p0 $0x1C01  }
0x90: {  	[timem:s3], [sflag:s2] =	dma.local @!p0 [hbm:s0], s1  }
0x91: {  	s0 =	simm.s32 @!p0 $0x1  }
0x92: {  	_ =	swait.ge @!p0 [sflag:s0], s1  }
0x93: {  	s1 =	ssub.s32 @!p0 $0x0, s1;
	[sflag:s0] =	ssyncset.done @!p0 $0x0  }
0x94: {  	[sflag:s0] =	ssyncadd.s32 @!p0 s1  }
0x95: {  	[bflag:$0x3] =	sbarrier.arrive $0xFFFF  }
0x96: {  	_ =	shalt  }

// kernel: kernel.36.cloned.1.call-start
scs
__scs_entry_jumppad:
0x0: {  	(pc) =	sbr.rel $0x88, $3  }
0x1: {  	(tag) =	ssettag $0x0;
	lr =	simm.s32 $0x1  }
0x2: {  	[smem:$0x3F96] =	sst lr;
	_ =	strace $0xD0000000  }
0x3: {  	_ = 	snop  }
0x4: {  	_ = 	snop  }
0x5: {  	_ = 	snop  }
0x6: {  	_ = 	snop  }
0x7: {  	_ = 	snop  }
__scs_overlays_trampoline_lowered:
0x8: {  	[smem:$0x3FA5] =	sst s0  }
0x9: {  	[smem:$0x3FA6] =	sst s1  }
0xa: {  	[smem:$0x3FA7] =	sst s2  }
0xb: {  	[smem:$0x3FA8] =	sst s3  }
0xc: {  	[smem:$0x3FA9] =	sst s4  }
0xd: {  	[smem:$0x3FAA] =	sst s5  }
0xe: {  	[smem:$0x3FAB] =	sst s6  }
0xf: {  	[smem:$0x3FAC] =	sst s7  }
0x10: {  	[smem:$0x3FAD] =	sst s8  }
0x11: {  	[smem:$0x3FAE] =	sst s9;
	s0 =	simm.s32 @!p0 $0x0  }
0x12: {  	s1 =	sld [smem:$0x3F94];
	s0 =	simm.s32 @p0 $0x1  }
0x13: {  	[smem:$0x3FAF] =	sst s0;
	s0 =	simm.s32 @!p1 $0x0  }
0x14: {  	s2 =	sld [smem:$0x3F93];
	s0 =	simm.s32 @p1 $0x1  }
0x15: {  	[smem:$0x3FB0] =	sst s0;
	s0 =	simm.s32 @!p2 $0x0  }
0x16: {  	s3 =	sld [smem:$0x3FDB];
	s0 =	simm.s32 @p2 $0x1  }
0x17: {  	s4 =	simm.s32 $0x1BF5;
	[smem:$0x3FB2] =	sst s0  }
0x18: {  	s0 =	sld [smem:$0x3F95];
	_ =	swait.ge [sflag:s4], $0x0  }
0x19: {  	s7 =	sld [smem:$0x3F96]  }
0x1a: {  	s8 =	sadd.s32 $0xFFFFE003, lr  }
0x1b: {  	s9 =	sadd.s32 $0xFFFFFEF7, lr;
	s5 =	simm.s32 $0xFFFFFFFF;
	p2 =	slt.u32 s8, $0xFFFFF086  }
0x1c: {  	p1 =	slt.u32 s9, $0xF7A;
	s5 =	simm.s32 @!p2 $0x0  }
0x1d: {  	s5 =	simm.s32 @p1 $0x1;
	p0 =	seq.s32 s7, s2  }
0x1e: {  	s7 =	smul.u32 @!p0 $0xF7A, s2;
	p2 =	seq.s32 @!p0 s5, $0x0  }
0x1f: {  	s9 =	smul.u32 $0xF7A, s1;
	s8 =	simm.s32 @!p0 $0x1BF5;
	p2 =	por !p2, p0  }
0x20: {  	[sflag:s8] =	ssyncset.s32 @!p0 $0xFFFFF086;
	s6 =	sadd.s32 @!p0 s3, s7;
	s7 =	simm.s32 @!p0 $0x108  }
0x21: {  	s3 =	sadd.s32 s3, s9;
	s6 =	sadd.s32 @!p0 $0x88, s6;
	s7 =	simm.s32 @p2 $0x1082  }
0x22: {  	[simem:s7], [sflag:s8] =	dma.local @!p0 [hbm:s6], $0xF7A  }
0x23: {  	s9 =	sor.u32 $0xD0000000, s2;
	s6 =	simm.s32 $0x108;
	_ =	swait.ge @!p0 [sflag:s8], $0x0  }
0x24: {  	s3 =	sadd.s32 $0x88, s3;
	s6 =	simm.s32 @!p1 $0x1082;
	[sflag:s4] =	ssyncset.s32 $0xFFFFF086  }
0x25: {  	[simem:s6], [sflag:s4] =	dma.local [hbm:s3], $0xF7A  }
0x26: {  	[smem:$0x3F96] =	sst s1;
	(tag) =	ssettag s2;
	_ =	strace s9  }
0x27: {  	s1 =	sld [smem:$0x3FA6]  }
0x28: {  	s2 =	sld [smem:$0x3FA7]  }
0x29: {  	s4 =	sld [smem:$0x3FA9]  }
0x2a: {  	p0 =	seq.s32 s5, $0x0;
	s5 =	sld [smem:$0x3FAA]  }
0x2b: {  	s6 =	sld [smem:$0x3FAB]  }
0x2c: {  	s7 =	sld [smem:$0x3FAC]  }
0x2d: {  	s3 =	simm.s32 $0x108;
	s8 =	sld [smem:$0x3FAD]  }
0x2e: {  	s3 =	simm.s32 @!p0 $0x1082;
	s9 =	sld [smem:$0x3FAE]  }
0x2f: {  	lr =	sadd.s32 s0, s3;
	s0 =	sld [smem:$0x3FA5]  }
0x30: {  	s3 =	sld [smem:$0x3FA8]  }
0x31: {  	[smem:$0x3FB1] =	sst s10  }
0x32: {  	s10 =	sld [smem:$0x3FAF];
	_ =	sdelay $0x3  }
0x33: {  	p0 =	seq.s32 s10, $0x1;
	s10 =	sld [smem:$0x3FB1];
	_ =	sdelay $0x3  }
0x34: {  	[smem:$0x3FB1] =	sst s10  }
0x35: {  	s10 =	sld [smem:$0x3FB0];
	_ =	sdelay $0x3  }
0x36: {  	p1 =	seq.s32 s10, $0x1;
	s10 =	sld [smem:$0x3FB1];
	_ =	sdelay $0x3  }
0x37: {  	[smem:$0x3FB1] =	sst s10  }
0x38: {  	s10 =	sld [smem:$0x3FB2]  }
0x39: {  	_ = 	snop;
	(pc) =	sbr.ind lr, $3  }
0x3a: {  	_ = 	snop  }
0x3b: {  	_ = 	snop  }
0x3c: {  	p2 =	seq.s32 s10, $0x1;
	s10 =	sld [smem:$0x3FB1]  }
0x3d: {  	_ =	shalt  }
0x3e: {  	_ =	shalt  }
0x3f: {  	_ =	shalt  }
0x40: {  	_ =	shalt  }
0x41: {  	_ =	shalt  }
0x42: {  	_ =	shalt  }
0x43: {  	_ =	shalt  }
0x44: {  	_ =	shalt  }
0x45: {  	_ =	shalt  }
0x46: {  	_ =	shalt  }
0x47: {  	_ =	shalt  }
0x48: {  	_ =	shalt  }
0x49: {  	_ =	shalt  }
0x4a: {  	_ =	shalt  }
0x4b: {  	_ =	shalt  }
0x4c: {  	_ =	shalt  }
0x4d: {  	_ =	shalt  }
0x4e: {  	_ =	shalt  }
0x4f: {  	_ =	shalt  }
0x50: {  	_ =	shalt  }
0x51: {  	_ =	shalt  }
0x52: {  	_ =	shalt  }
0x53: {  	_ =	shalt  }
0x54: {  	_ =	shalt  }
0x55: {  	_ =	shalt  }
0x56: {  	_ =	shalt  }
0x57: {  	_ =	shalt  }
0x58: {  	_ =	shalt  }
0x59: {  	_ =	shalt  }
0x5a: {  	_ =	shalt  }
0x5b: {  	_ =	shalt  }
0x5c: {  	_ =	shalt  }
0x5d: {  	_ =	shalt  }
0x5e: {  	_ =	shalt  }
0x5f: {  	_ =	shalt  }
0x60: {  	_ =	shalt  }
0x61: {  	_ =	shalt  }
0x62: {  	_ =	shalt  }
0x63: {  	_ =	shalt  }
0x64: {  	_ =	shalt  }
0x65: {  	_ =	shalt  }
0x66: {  	_ =	shalt  }
0x67: {  	_ =	shalt  }
0x68: {  	_ =	shalt  }
0x69: {  	_ =	shalt  }
0x6a: {  	_ =	shalt  }
0x6b: {  	_ =	shalt  }
0x6c: {  	_ =	shalt  }
0x6d: {  	_ =	shalt  }
0x6e: {  	_ =	shalt  }
0x6f: {  	_ =	shalt  }
0x70: {  	_ =	shalt  }
0x71: {  	_ =	shalt  }
0x72: {  	_ =	shalt  }
0x73: {  	_ =	shalt  }
0x74: {  	_ =	shalt  }
0x75: {  	_ =	shalt  }
0x76: {  	_ =	shalt  }
0x77: {  	_ =	shalt  }
0x78: {  	_ =	shalt  }
0x79: {  	_ =	shalt  }
0x7a: {  	_ =	shalt  }
0x7b: {  	_ =	shalt  }
0x7c: {  	_ =	shalt  }
0x7d: {  	_ =	shalt  }
0x7e: {  	_ =	shalt  }
0x7f: {  	_ =	shalt  }
0x80: {  	_ =	shalt  }
0x81: {  	_ =	shalt  }
0x82: {  	_ =	shalt  }
0x83: {  	_ =	shalt  }
0x84: {  	_ =	shalt  }
0x85: {  	_ =	shalt  }
0x86: {  	_ =	shalt  }
0x87: {  	_ =	shalt  }
.Lfunc_end0:
.L_simem_size_0:
called_computation.6_lowered:
.L_overlay_start_0:
0x88: {  	s2 =	sld [smem:$0x3FD9]  }
0x89: {  	s3 =	sld [smem:$0x3FFE];
	_ =	sdelay $0x1  }
0x8a: {  	s1 =	srdreg.scid  }
0x8b: {  	s0 =	sand.u32 $0x1, s1  }
0x8c: {  	s17 =	sshll.u32 s0, $0xA;
	s2 =	sadd.s32 s3, s2  }
0x8d: {  	s2 =	sadd.s32 s2, s17  }
0x8e: {  	[smem:$0x3FBD] =	sst s2  }
0x8f: {  	_ = 	snop  }
0x90: {  	(tm) =	ssettm $0x1  }
0x91: {  	s18 =	sld [smem:$0x3FFB];
	_ =	sdelay $0x3  }
0x92: {  	_ =	strace s18  }
0x93: {  	s2 =	sld [smem:$0x3FFC];
	_ =	sdelay $0x3  }
0x94: {  	_ =	strace s2  }
0x95: {  	s2 =	sld [smem:$0x3FFD];
	_ =	sdelay $0x3  }
0x96: {  	_ =	strace s2  }
0x97: {  	_ =	strace $0x8FFFFFFF  }
0x98: {  	s19 =	sld [smem:$0x3FDB];
	_ =	sdelay $0x1  }
0x99: {  	s20 =	simm.s32 $_scs_section_size  }
0x9a: {  	s4 =	simm.s32 $_size__tile_overlayer_lowered;
	s5 =	simm.s32 $_tile_overlayer_lowered  }
0x9b: {  	s6 =	simm.s32 $0x1BFF;
	s21 =	sshll.u32 s5, $0x1;
	s3 =	sadd.s32 s20, s19  }
0x9c: {  	s22 =	simm.s32 $0x0;
	s4 =	sshll.u32 s4, $0x1;
	s5 =	sadd.s32 s21, s3  }
0x9d: {  	[timem:s22], [sflag:s6] =	dma.local [hbm:s5], s4  }
0x9e: {  	_ =	swait.ge [sflag:s6], s4  }
0x9f: {  	s4 =	ssub.s32 $0x0, s4;
	[sflag:s6] =	ssyncset.done $0x0  }
0xa0: {  	[sflag:s6] =	ssyncadd.s32 s4;
	_ =	sdelay $0x1  }
0xa1: {  	s23 =	simm.s32 $0x1B8B  }
0xa2: {  	_ =	swait.ge [sflag:s23], $0x1  }
0xa3: {  	[sflag:s23] =	ssyncset.done $0x0  }
0xa4: {  	[sflag:s23] =	ssyncadd.s32 $0xFFFFFFFF  }
0xa5: {  	s4 =	sld [smem:$0x0]  }
0xa6: {  	s5 =	sand.u32 $0xFFFFFFFE, s1  }
0xa7: {  	p0 =	sne.s32 s1, s5  }
0xa8: {  	s5 =	sshll.u32 @p0 s5, $0xE  }
0xa9: {  	s5 =	sadd.s32 @p0 $0x11B8D, s5;
	s6 =	sshll.u32 @p0 s4, $0x11  }
0xaa: {  	s5 =	sor.u32 @p0 s6, s5  }
0xab: {  	[sflag:s5] =	ssyncadd.remote.s32 @p0 $0x1;
	_ =	sdelay $0x1  }
0xac: {  	s5 =	simm.s32 @p0 $0x1B8D  }
0xad: {  	_ =	swait.eq @p0 [sflag:s5], $0x1  }
0xae: {  	[sflag:s5] =	ssyncadd.s32 @p0 $0xFFFFFFFF  }
0xaf: {  	s6 =	sshll.u32 @!p0 s1, $0xE  }
0xb0: {  	s6 =	sor.u32 @!p0 $0x4000, s6;
	s5 =	simm.s32 @!p0 $0x1B8D  }
0xb1: {  	s4 =	sshll.u32 @!p0 s4, $0x11;
	s6 =	sadd.s32 @!p0 $0x11B8D, s6;
	_ =	swait.eq @!p0 [sflag:s5], $0x1  }
0xb2: {  	s4 =	sor.u32 @!p0 s4, s6;
	[sflag:s5] =	ssyncadd.s32 @!p0 $0xFFFFFFFF  }
0xb3: {  	s25 =	simm.s32 $0x1B8E;
	s24 =	sld [smem:$0x3FFE];
	[sflag:s4] =	ssyncadd.remote.s32 @!p0 $0x1  }
0xb4: {  	s26 =	simm.s32 $execute0_lowered;
	[smem:$0x3FD2] =	sst s25  }
0xb5: {  	s5 =	sshll.u32 s26, $0x1;
	_ =	strace $0x80000052;
	[dreg:$0x1] =	wrdreg $0xFFFFFFFF  }
0xb6: {  	s28 =	simm.s32 $_size_execute0_lowered;
	s3 =	sadd.s32 s3, s5;
	[dreg:$0x0] =	wrdreg $0x0  }
0xb7: {  	s5 =	sshll.u32 s28, $0x1;
	[dreg:$0x2] =	wrdreg s3  }
0xb8: {  	[dreg:$0x3] =	wrdreg s5  }
0xb9: {  	[dreg:$0x4] =	wrdreg $0xC0  }
0xba: {  	_ =	task [dreg:s22], $0x5FFFF  }
0xbb: {  	[dreg:$0x1] =	wrdreg $0xFFFFFFFF  }
0xbc: {  	[dreg:$0x0] =	wrdreg $0x60  }
0xbd: {  	[dreg:$0x2] =	wrdreg s24  }
0xbe: {  	[dreg:$0x3] =	wrdreg $0x48000  }
0xbf: {  	[dreg:$0x4] =	wrdreg $0xB  }
0xc0: {  	_ =	task.clear_ibuf [dreg:s22], $0x5FFFF;
	_ =	strace $0x90000052  }
0xc1: {  	s29 =	simm.s32 $0xB;
	_ =	strace $0x80000054  }
0xc2: {  	_ =	swait.ge [sflag:s29], $0x1  }
0xc3: {  	[sflag:s29] =	ssyncadd.s32 $0xFFFFFFFF  }
0xc4: {  	_ =	strace $0x90000054  }
0xc5: {  	_ =	sfence  }
0xc6: {  	s30 =	sld [smem:$0x0];
	_ =	sdelay $0x2  }
0xc7: {  	s31 =	sshll.u32 s1, $0xD;
	s1 =	sshrl.u32 s1, $0x2  }
0xc8: {  	s4 =	sand.u32 $0x4000, s31;
	s1 =	sadd.s32 s1, s30  }
0xc9: {  	s0 =	sor.u32 s4, s0;
	s1 =	sshll.u32 s1, $0x11  }
0xca: {  	s0 =	sor.u32 s1, s0  }
0xcb: {  	s0 =	sadd.s32 $0x8F2B, s0  }
0xcc: {  	[sflag:s0] =	ssyncadd.remote.s32 $0x1  }
0xcd: {  	_ =	sfence.sel $0xFFFF  }
0xce: {  	[dreg:$0x0] =	wrdreg $0xFFFFFFFF;
	(pc) =	sbr.abs _section_cstart, $3  }
0xcf: {  	[dreg:$0x1] =	wrdreg $0xFFFFFFFF  }
0xd0: {  	_ =	task.clear_ibuf [dreg:s22], $0x2FFFF;
	_ =	strace $0x9FFFFFFF  }
0xd1: {  	(tm) =	ssettm $0x7FFFFFFF  }
tec
execute0_lowered:
.L_overlay_start_1:
0x0: {  	(tag) =	ssettag $0x1  }
0x1: {  	s0 =	srdreg.scid;
	s12 =	rddreg [dreg:$0x0]  }
0x2: {  	s9 =	stileid.u32;
	s2 =	rddreg [dreg:$0x1]  }
0x3: {  	s3 =	simm.s32 $0x0;
	s1 =	sand.u32 $0x1, s0;
	s18 =	smul.u32 $0x4E000, s9  }
0x4: {  	s5 =	smul.u32 $0x13800, s9;
	[smem:$0x7FF] =	sst s3;
	s6 =	sadd.s32 $0x171800, s12  }
0x5: {  	s19 =	sshll.u32 s9, $0x1;
	s21 =	sadd.s32 $0x138000, s2;
	s4 =	smul.u32 $0x138800, s1  }
0x6: {  	_ =	strace $0x80000053;
	s7 =	sor.u32 s1, s19;
	s0 =	sshrl.u32 s18, $0x2  }
0x7: {  	[dreg:$0x5] =	wrdreg s21;
	s5 =	sadd.s32 s5, s4;
	s0 =	sadd.s32 s0, s2  }
0x8: {  	s22 =	sshrl.u32 s4, $0x3;
	s28 =	sshrl.u32 s5, $0x3;
	[dreg:$0x3] =	wrdreg s0  }
0x9: {  	s29 =	sadd.s32 $0x27000, s22;
	s20 =	sadd.s32 s6, s28;
	s23 =	rddreg [dreg:$0x3]  }
0xa: {  	s5 =	sshll.u32 s7, $0x8;
	s6 =	sadd.s32 s6, s29;
	[dreg:$0x4] =	wrdreg s20  }
0xb: {  	s24 =	sshll.u32 s9, $0x6;
	s5 =	sadd.s32 s5, s12;
	[dreg:$0x6] =	wrdreg s6  }
0xc: {  	s4 =	sor.u32 $0x1C01, s24;
	s5 =	sadd.s32 $0x25FA00, s5;
	s8 =	rddreg [dreg:$0x4]  }
0xd: {  	s31 =	sshrl.u32 s23, $0x3;
	[dreg:$0x7] =	wrdreg s5;
	s5 =	simm.s32 $0x1  }
0xe: {  	[spmem:s31], [sflag:s4] =	dma.local [hbm:s8], $0x2700  }
0xf: {  	p0 =	sne.s32 s9, $0xF;
	_ =	swait.ge [sflag:s5], $0x2700  }
0x10: {  	s6 =	simm.s32 @!p0 $0x1;
	s0 =	rddreg [dreg:$0x5];
	[sflag:s5] =	ssyncset.done $0x0  }
0x11: {  	s8 =	rddreg [dreg:$0x6];
	[sflag:s5] =	ssyncadd.s32 $0xFFFFD900;
	s30 =	sshrl.u32 @!p0 s0, $0x3  }
0x12: {  	[spmem:s30], [sflag:s4] =	dma.local @!p0 [hbm:s8], $0x100  }
0x13: {  	_ =	swait.ge @!p0 [sflag:s6], $0x100  }
0x14: {  	[sflag:s6] =	ssyncset.done @!p0 $0x0  }
0x15: {  	s25 =	rddreg [dreg:$0x7];
	[sflag:s6] =	ssyncadd.s32 @!p0 $0xFFFFFF00  }
0x16: {  	[tilespmem:s3], [sflag:$0x1] =	stream.linear.gather [hbm4b:s25+s3], $0x500, $0x38;
	[tilespmem:$0x18080] =	vst v63  }
0x17: {  	s7 =	smul.u32 $0x5000, s7;
	_ =	swait.ge [sflag:s5], $0x500  }
0x18: {  	[sflag:s5] =	ssyncset.done $0x0  }
0x19: {  	s25 =	sadd.s32 s7, s12;
	[sflag:s5] =	ssyncadd.s32 $0xFFFFFB00  }
0x1a: {  	s8 =	simm.s32 $0x800;
	s7 =	sadd.s32 $0x265A00, s25;
	[bflag:$0x0] =	sbarrier.arrive $0xFFFF  }
0x1b: {  	[tilespmem:s8], [sflag:$0x1] =	stream.linear.gather [hbm4b:s7+s3], $0x4000, $0x38;
	[tilespmem:$0x18080] =	vst v63  }
0x1c: {  	_ =	swait.ge [sflag:s5], $0x4000  }
0x1d: {  	[sflag:s5] =	ssyncset.done $0x0  }
0x1e: {  	s9 =	simm.s32 $0x80;
	[sflag:s5] =	ssyncadd.s32 $0xFFFFC000  }
0x1f: {  	[spmem:s2] =	stream.indirect.scatter.add.f32 [tilespmem:s8], [sflag:$0x1], $0x80, s3, s9, $0xb8;
	[tilespmem:$0x18080] =	vst v63  }
0x20: {  	_ =	swait.ge [sflag:s5], $0x4000  }
0x21: {  	[sflag:s5] =	ssyncset.done $0x0  }
0x22: {  	s10 =	sadd.s32 $0x266200, s25;
	[sflag:s5] =	ssyncadd.s32 $0xFFFFC000  }
0x23: {  	[tilespmem:s8], [sflag:$0x1] =	stream.linear.gather [hbm4b:s10+s3], $0x4000, $0x38;
	[tilespmem:$0x18080] =	vst v63  }
0x24: {  	_ =	swait.ge [sflag:s5], $0x4000  }
0x25: {  	[sflag:s5] =	ssyncset.done $0x0  }
0x26: {  	[sflag:s5] =	ssyncadd.s32 $0xFFFFC000  }
0x27: {  	[spmem:s2] =	stream.indirect.scatter.add.f32 [tilespmem:s8], [sflag:$0x1], $0x80, s9, s9, $0xb8;
	[tilespmem:$0x18080] =	vst v63  }
0x28: {  	_ =	swait.ge [sflag:s5], $0x4000  }
0x29: {  	[sflag:s5] =	ssyncset.done $0x0  }
0x2a: {  	s11 =	sadd.s32 $0x266A00, s25;
	[sflag:s5] =	ssyncadd.s32 $0xFFFFC000  }
0x2b: {  	[tilespmem:s8], [sflag:$0x1] =	stream.linear.gather [hbm4b:s11+s3], $0x4000, $0x38;
	[tilespmem:$0x18080] =	vst v63  }
0x2c: {  	_ =	swait.ge [sflag:s5], $0x4000  }
0x2d: {  	[sflag:s5] =	ssyncset.done $0x0  }
0x2e: {  	s26 =	simm.s32 $0x100;
	[sflag:s5] =	ssyncadd.s32 $0xFFFFC000  }
0x2f: {  	[spmem:s2] =	stream.indirect.scatter.add.f32 [tilespmem:s8], [sflag:$0x1], $0x80, s26, s9, $0xb8;
	[tilespmem:$0x18080] =	vst v63  }
0x30: {  	_ =	swait.ge [sflag:s5], $0x4000  }
0x31: {  	[sflag:s5] =	ssyncset.done $0x0  }
0x32: {  	s13 =	sadd.s32 $0x267200, s25;
	[sflag:s5] =	ssyncadd.s32 $0xFFFFC000  }
0x33: {  	[tilespmem:s8], [sflag:$0x1] =	stream.linear.gather [hbm4b:s13+s3], $0x4000, $0x38;
	[tilespmem:$0x18080] =	vst v63  }
0x34: {  	_ =	swait.ge [sflag:s5], $0x4000  }
0x35: {  	[sflag:s5] =	ssyncset.done $0x0  }
0x36: {  	s14 =	simm.s32 $0x180;
	[sflag:s5] =	ssyncadd.s32 $0xFFFFC000  }
0x37: {  	[spmem:s2] =	stream.indirect.scatter.add.f32 [tilespmem:s8], [sflag:$0x1], $0x80, s14, s9, $0xb8;
	[tilespmem:$0x18080] =	vst v63  }
0x38: {  	_ =	swait.ge [sflag:s5], $0x4000  }
0x39: {  	[sflag:s5] =	ssyncset.done $0x0  }
0x3a: {  	s15 =	sadd.s32 $0x267A00, s25;
	[sflag:s5] =	ssyncadd.s32 $0xFFFFC000  }
0x3b: {  	[tilespmem:s8], [sflag:$0x1] =	stream.linear.gather [hbm4b:s15+s3], $0x4000, $0x38;
	[tilespmem:$0x18080] =	vst v63  }
0x3c: {  	_ =	swait.ge [sflag:s5], $0x4000  }
0x3d: {  	[sflag:s5] =	ssyncset.done $0x0  }
0x3e: {  	s16 =	simm.s32 $0x200;
	[sflag:s5] =	ssyncadd.s32 $0xFFFFC000  }
0x3f: {  	[spmem:s2] =	stream.indirect.scatter.add.f32 [tilespmem:s8], [sflag:$0x1], $0x80, s16, s9, $0xb8;
	[tilespmem:$0x18080] =	vst v63  }
0x40: {  	_ =	swait.ge [sflag:s5], $0x4000  }
0x41: {  	[sflag:s5] =	ssyncset.done $0x0  }
0x42: {  	s17 =	sadd.s32 $0x268200, s25;
	[sflag:s5] =	ssyncadd.s32 $0xFFFFC000  }
0x43: {  	[tilespmem:s8], [sflag:$0x1] =	stream.linear.gather [hbm4b:s17+s3], $0x4000, $0x38;
	[tilespmem:$0x18080] =	vst v63  }
0x44: {  	_ =	swait.ge [sflag:s5], $0x4000  }
0x45: {  	[sflag:s5] =	ssyncset.done $0x0  }
0x46: {  	s18 =	simm.s32 $0x280;
	[sflag:s5] =	ssyncadd.s32 $0xFFFFC000  }
0x47: {  	[spmem:s2] =	stream.indirect.scatter.add.f32 [tilespmem:s8], [sflag:$0x1], $0x80, s18, s9, $0xb8;
	[tilespmem:$0x18080] =	vst v63  }
0x48: {  	_ =	swait.ge [sflag:s5], $0x4000  }
0x49: {  	[sflag:s5] =	ssyncset.done $0x0  }
0x4a: {  	s19 =	sadd.s32 $0x268A00, s25;
	[sflag:s5] =	ssyncadd.s32 $0xFFFFC000  }
0x4b: {  	[tilespmem:s8], [sflag:$0x1] =	stream.linear.gather [hbm4b:s19+s3], $0x4000, $0x38;
	[tilespmem:$0x18080] =	vst v63  }
0x4c: {  	_ =	swait.ge [sflag:s5], $0x4000  }
0x4d: {  	[sflag:s5] =	ssyncset.done $0x0  }
0x4e: {  	s20 =	simm.s32 $0x300;
	[sflag:s5] =	ssyncadd.s32 $0xFFFFC000  }
0x4f: {  	[spmem:s2] =	stream.indirect.scatter.add.f32 [tilespmem:s8], [sflag:$0x1], $0x80, s20, s9, $0xb8;
	[tilespmem:$0x18080] =	vst v63  }
0x50: {  	_ =	swait.ge [sflag:s5], $0x4000  }
0x51: {  	[sflag:s5] =	ssyncset.done $0x0  }
0x52: {  	s21 =	sadd.s32 $0x269200, s25;
	[sflag:s5] =	ssyncadd.s32 $0xFFFFC000  }
0x53: {  	[tilespmem:s8], [sflag:$0x1] =	stream.linear.gather [hbm4b:s21+s3], $0x4000, $0x38;
	[tilespmem:$0x18080] =	vst v63  }
0x54: {  	_ =	swait.ge [sflag:s5], $0x4000  }
0x55: {  	[sflag:s5] =	ssyncset.done $0x0  }
0x56: {  	s22 =	simm.s32 $0x380;
	[sflag:s5] =	ssyncadd.s32 $0xFFFFC000  }
0x57: {  	[spmem:s2] =	stream.indirect.scatter.add.f32 [tilespmem:s8], [sflag:$0x1], $0x80, s22, s9, $0xb8;
	[tilespmem:$0x18080] =	vst v63  }
0x58: {  	_ =	swait.ge [sflag:s5], $0x4000  }
0x59: {  	[sflag:s5] =	ssyncset.done $0x0  }
0x5a: {  	s23 =	sadd.s32 $0x269A00, s25;
	[sflag:s5] =	ssyncadd.s32 $0xFFFFC000  }
0x5b: {  	[tilespmem:s8], [sflag:$0x1] =	stream.linear.gather [hbm4b:s23+s3], $0x4000, $0x38;
	[tilespmem:$0x18080] =	vst v63  }
0x5c: {  	_ =	swait.ge [sflag:s5], $0x4000  }
0x5d: {  	[sflag:s5] =	ssyncset.done $0x0  }
0x5e: {  	s24 =	simm.s32 $0x400;
	[sflag:s5] =	ssyncadd.s32 $0xFFFFC000  }
0x5f: {  	[spmem:s2] =	stream.indirect.scatter.add.f32 [tilespmem:s8], [sflag:$0x1], $0x80, s24, s9, $0xb8;
	[tilespmem:$0x18080] =	vst v63  }
0x60: {  	_ =	swait.ge [sflag:s5], $0x4000  }
0x61: {  	[sflag:s5] =	ssyncset.done $0x0  }
0x62: {  	s25 =	sadd.s32 $0x26A200, s25;
	[sflag:s5] =	ssyncadd.s32 $0xFFFFC000  }
0x63: {  	[tilespmem:s8], [sflag:$0x1] =	stream.linear.gather [hbm4b:s25+s3], $0x4000, $0x38;
	[tilespmem:$0x18080] =	vst v63  }
0x64: {  	_ =	swait.ge [sflag:s5], $0x4000  }
0x65: {  	[sflag:s5] =	ssyncset.done $0x0  }
0x66: {  	s26 =	simm.s32 $0x480;
	[sflag:s5] =	ssyncadd.s32 $0xFFFFC000  }
0x67: {  	[spmem:s2] =	stream.indirect.scatter.add.f32 [tilespmem:s8], [sflag:$0x1], $0x80, s26, s9, $0xb8;
	[tilespmem:$0x18080] =	vst v63  }
0x68: {  	_ =	swait.ge [sflag:s5], $0x4000  }
0x69: {  	[sflag:s5] =	ssyncset.done $0x0  }
0x6a: {  	s0 =	sadd.s32 $0x2B600, s12;
	[sflag:s5] =	ssyncadd.s32 $0xFFFFC000  }
0x6b: {  	s1 =	ssub.s32 $0x2, s1;
	s28 =	sadd.s32 s0, s28;
	[bflag:$0x0] =	sbarrier.arrive $0xFFFF  }
0x6c: {  	[hbm:s28], [sflag:s4] =	dma.local [spmem:s31], $0x2700  }
0x6d: {  	s12 =	sshrl.u32 s1, $0x1;
	_ =	swait.ge [sflag:s5], $0x2700  }
0x6e: {  	s1 =	ssub.s32 s1, s12;
	[sflag:s5] =	ssyncset.done $0x0  }
0x6f: {  	s29 =	sadd.s32 s0, s29;
	s31 =	smax.u32 s1, $0x1;
	[sflag:s5] =	ssyncadd.s32 $0xFFFFD900  }
0x70: {  	[hbm:s29], [sflag:s4] =	dma.local @!p0 [spmem:s30], $0x100  }
0x71: {  	s30 =	sadd.s32 $0xFFFFFFFF, s31  }
0x72: {  	p1 =	sne.s32 s30, $0x0  }
.Ltmp0:
0x73: {  	_ = 	snop;
	(pc) =	sbr.rel @!p1 .LBB2_2-.Ltmp0, $2  }
0x74: {  	_ =	sdelay $0x2  }
0x75: {  	_ =	swait.ge @!p0 [sflag:s6], $0x100  }
.LBB2_1:
0x76: {  	s0 =	rddreg [dreg:$0x3];
	[sflag:s6] =	ssyncset.done @!p0 $0x0  }
0x77: {  	s1 =	rddreg [dreg:$0x4];
	s31 =	sshrl.u32 s0, $0x3;
	[sflag:s6] =	ssyncadd.s32 @!p0 $0xFFFFFF00  }
0x78: {  	[spmem:s31], [sflag:s4] =	dma.local [hbm:s1], $0x2700  }
0x79: {  	_ =	swait.ge [sflag:s5], $0x2700  }
0x7a: {  	[sflag:s5] =	ssyncset.done $0x0;
	s0 =	rddreg [dreg:$0x5]  }
0x7b: {  	s12 =	rddreg [dreg:$0x6];
	[sflag:s5] =	ssyncadd.s32 $0xFFFFD900;
	s1 =	sshrl.u32 @!p0 s0, $0x3  }
0x7c: {  	[spmem:s1], [sflag:s4] =	dma.local @!p0 [hbm:s12], $0x100  }
0x7d: {  	_ =	swait.ge @!p0 [sflag:s6], $0x100  }
0x7e: {  	[sflag:s6] =	ssyncset.done @!p0 $0x0  }
0x7f: {  	s12 =	rddreg [dreg:$0x7];
	[sflag:s6] =	ssyncadd.s32 @!p0 $0xFFFFFF00  }
0x80: {  	[tilespmem:s3], [sflag:$0x1] =	stream.linear.gather [hbm4b:s12+s3], $0x500, $0x38;
	[tilespmem:$0x18080] =	vst v63  }
0x81: {  	_ =	swait.ge [sflag:s5], $0x500  }
0x82: {  	[sflag:s5] =	ssyncset.done $0x0  }
0x83: {  	[sflag:s5] =	ssyncadd.s32 $0xFFFFFB00  }
0x84: {  	[bflag:$0x0] =	sbarrier.arrive $0xFFFF  }
0x85: {  	[tilespmem:s8], [sflag:$0x1] =	stream.linear.gather [hbm4b:s7+s3], $0x4000, $0x38;
	[tilespmem:$0x18080] =	vst v63  }
0x86: {  	_ =	swait.ge [sflag:s5], $0x4000  }
0x87: {  	[sflag:s5] =	ssyncset.done $0x0  }
0x88: {  	[sflag:s5] =	ssyncadd.s32 $0xFFFFC000  }
0x89: {  	[spmem:s2] =	stream.indirect.scatter.add.f32 [tilespmem:s8], [sflag:$0x1], $0x80, s3, s9, $0xb8;
	[tilespmem:$0x18080] =	vst v63  }
0x8a: {  	_ =	swait.ge [sflag:s5], $0x4000  }
0x8b: {  	[sflag:s5] =	ssyncset.done $0x0  }
0x8c: {  	[sflag:s5] =	ssyncadd.s32 $0xFFFFC000  }
0x8d: {  	[tilespmem:s8], [sflag:$0x1] =	stream.linear.gather [hbm4b:s10+s3], $0x4000, $0x38;
	[tilespmem:$0x18080] =	vst v63  }
0x8e: {  	_ =	swait.ge [sflag:s5], $0x4000  }
0x8f: {  	[sflag:s5] =	ssyncset.done $0x0  }
0x90: {  	[sflag:s5] =	ssyncadd.s32 $0xFFFFC000  }
0x91: {  	[spmem:s2] =	stream.indirect.scatter.add.f32 [tilespmem:s8], [sflag:$0x1], $0x80, s9, s9, $0xb8;
	[tilespmem:$0x18080] =	vst v63  }
0x92: {  	_ =	swait.ge [sflag:s5], $0x4000  }
0x93: {  	[sflag:s5] =	ssyncset.done $0x0  }
0x94: {  	[sflag:s5] =	ssyncadd.s32 $0xFFFFC000  }
0x95: {  	[tilespmem:s8], [sflag:$0x1] =	stream.linear.gather [hbm4b:s11+s3], $0x4000, $0x38;
	[tilespmem:$0x18080] =	vst v63  }
0x96: {  	_ =	swait.ge [sflag:s5], $0x4000  }
0x97: {  	[sflag:s5] =	ssyncset.done $0x0  }
0x98: {  	s12 =	simm.s32 $0x100;
	[sflag:s5] =	ssyncadd.s32 $0xFFFFC000  }
0x99: {  	[spmem:s2] =	stream.indirect.scatter.add.f32 [tilespmem:s8], [sflag:$0x1], $0x80, s12, s9, $0xb8;
	[tilespmem:$0x18080] =	vst v63  }
0x9a: {  	_ =	swait.ge [sflag:s5], $0x4000  }
0x9b: {  	[sflag:s5] =	ssyncset.done $0x0  }
0x9c: {  	[sflag:s5] =	ssyncadd.s32 $0xFFFFC000  }
0x9d: {  	[tilespmem:s8], [sflag:$0x1] =	stream.linear.gather [hbm4b:s13+s3], $0x4000, $0x38;
	[tilespmem:$0x18080] =	vst v63  }
0x9e: {  	_ =	swait.ge [sflag:s5], $0x4000  }
0x9f: {  	[sflag:s5] =	ssyncset.done $0x0  }
0xa0: {  	[sflag:s5] =	ssyncadd.s32 $0xFFFFC000  }
0xa1: {  	[spmem:s2] =	stream.indirect.scatter.add.f32 [tilespmem:s8], [sflag:$0x1], $0x80, s14, s9, $0xb8;
	[tilespmem:$0x18080] =	vst v63  }
0xa2: {  	_ =	swait.ge [sflag:s5], $0x4000  }
0xa3: {  	[sflag:s5] =	ssyncset.done $0x0  }
0xa4: {  	[sflag:s5] =	ssyncadd.s32 $0xFFFFC000  }
0xa5: {  	[tilespmem:s8], [sflag:$0x1] =	stream.linear.gather [hbm4b:s15+s3], $0x4000, $0x38;
	[tilespmem:$0x18080] =	vst v63  }
0xa6: {  	_ =	swait.ge [sflag:s5], $0x4000  }
0xa7: {  	[sflag:s5] =	ssyncset.done $0x0  }
0xa8: {  	[sflag:s5] =	ssyncadd.s32 $0xFFFFC000  }
0xa9: {  	[spmem:s2] =	stream.indirect.scatter.add.f32 [tilespmem:s8], [sflag:$0x1], $0x80, s16, s9, $0xb8;
	[tilespmem:$0x18080] =	vst v63  }
0xaa: {  	_ =	swait.ge [sflag:s5], $0x4000  }
0xab: {  	[sflag:s5] =	ssyncset.done $0x0  }
0xac: {  	[sflag:s5] =	ssyncadd.s32 $0xFFFFC000  }
0xad: {  	[tilespmem:s8], [sflag:$0x1] =	stream.linear.gather [hbm4b:s17+s3], $0x4000, $0x38;
	[tilespmem:$0x18080] =	vst v63  }
0xae: {  	_ =	swait.ge [sflag:s5], $0x4000  }
0xaf: {  	[sflag:s5] =	ssyncset.done $0x0  }
0xb0: {  	[sflag:s5] =	ssyncadd.s32 $0xFFFFC000  }
0xb1: {  	[spmem:s2] =	stream.indirect.scatter.add.f32 [tilespmem:s8], [sflag:$0x1], $0x80, s18, s9, $0xb8;
	[tilespmem:$0x18080] =	vst v63  }
0xb2: {  	_ =	swait.ge [sflag:s5], $0x4000  }
0xb3: {  	[sflag:s5] =	ssyncset.done $0x0  }
0xb4: {  	[sflag:s5] =	ssyncadd.s32 $0xFFFFC000  }
0xb5: {  	[tilespmem:s8], [sflag:$0x1] =	stream.linear.gather [hbm4b:s19+s3], $0x4000, $0x38;
	[tilespmem:$0x18080] =	vst v63  }
0xb6: {  	_ =	swait.ge [sflag:s5], $0x4000  }
0xb7: {  	[sflag:s5] =	ssyncset.done $0x0  }
0xb8: {  	[sflag:s5] =	ssyncadd.s32 $0xFFFFC000  }
0xb9: {  	[spmem:s2] =	stream.indirect.scatter.add.f32 [tilespmem:s8], [sflag:$0x1], $0x80, s20, s9, $0xb8;
	[tilespmem:$0x18080] =	vst v63  }
0xba: {  	_ =	swait.ge [sflag:s5], $0x4000  }
0xbb: {  	[sflag:s5] =	ssyncset.done $0x0  }
0xbc: {  	[sflag:s5] =	ssyncadd.s32 $0xFFFFC000  }
0xbd: {  	[tilespmem:s8], [sflag:$0x1] =	stream.linear.gather [hbm4b:s21+s3], $0x4000, $0x38;
	[tilespmem:$0x18080] =	vst v63  }
0xbe: {  	_ =	swait.ge [sflag:s5], $0x4000  }
0xbf: {  	[sflag:s5] =	ssyncset.done $0x0  }
0xc0: {  	[sflag:s5] =	ssyncadd.s32 $0xFFFFC000  }
0xc1: {  	[spmem:s2] =	stream.indirect.scatter.add.f32 [tilespmem:s8], [sflag:$0x1], $0x80, s22, s9, $0xb8;
	[tilespmem:$0x18080] =	vst v63  }
0xc2: {  	_ =	swait.ge [sflag:s5], $0x4000  }
0xc3: {  	[sflag:s5] =	ssyncset.done $0x0  }
0xc4: {  	[sflag:s5] =	ssyncadd.s32 $0xFFFFC000  }
0xc5: {  	[tilespmem:s8], [sflag:$0x1] =	stream.linear.gather [hbm4b:s23+s3], $0x4000, $0x38;
	[tilespmem:$0x18080] =	vst v63  }
0xc6: {  	_ =	swait.ge [sflag:s5], $0x4000  }
0xc7: {  	[sflag:s5] =	ssyncset.done $0x0  }
0xc8: {  	[sflag:s5] =	ssyncadd.s32 $0xFFFFC000  }
0xc9: {  	[spmem:s2] =	stream.indirect.scatter.add.f32 [tilespmem:s8], [sflag:$0x1], $0x80, s24, s9, $0xb8;
	[tilespmem:$0x18080] =	vst v63  }
0xca: {  	_ =	swait.ge [sflag:s5], $0x4000  }
0xcb: {  	[sflag:s5] =	ssyncset.done $0x0  }
0xcc: {  	[sflag:s5] =	ssyncadd.s32 $0xFFFFC000  }
0xcd: {  	[tilespmem:s8], [sflag:$0x1] =	stream.linear.gather [hbm4b:s25+s3], $0x4000, $0x38;
	[tilespmem:$0x18080] =	vst v63  }
0xce: {  	_ =	swait.ge [sflag:s5], $0x4000  }
0xcf: {  	[sflag:s5] =	ssyncset.done $0x0  }
0xd0: {  	[sflag:s5] =	ssyncadd.s32 $0xFFFFC000  }
0xd1: {  	[spmem:s2] =	stream.indirect.scatter.add.f32 [tilespmem:s8], [sflag:$0x1], $0x80, s26, s9, $0xb8;
	[tilespmem:$0x18080] =	vst v63  }
0xd2: {  	_ =	swait.ge [sflag:s5], $0x4000  }
0xd3: {  	[sflag:s5] =	ssyncset.done $0x0  }
0xd4: {  	s30 =	sadd.s32 $0xFFFFFFFF, s30;
	[sflag:s5] =	ssyncadd.s32 $0xFFFFC000  }
0xd5: {  	p1 =	sne.s32 s30, $0x0;
	[bflag:$0x0] =	sbarrier.arrive $0xFFFF  }
0xd6: {  	[hbm:s28], [sflag:s4] =	dma.local [spmem:s31], $0x2700  }
.Ltmp1:
0xd7: {  	_ =	swait.ge [sflag:s5], $0x2700;
	(pc) =	sbr.rel @p1 .LBB2_1-.Ltmp1, $4  }
0xd8: {  	[sflag:s5] =	ssyncset.done $0x0  }
0xd9: {  	[sflag:s5] =	ssyncadd.s32 $0xFFFFD900  }
0xda: {  	[hbm:s29], [sflag:s4] =	dma.local @!p0 [spmem:s1], $0x100  }
0xdb: {  	_ =	swait.ge @!p0 [sflag:s6], $0x100  }
.LBB2_2:
0xdc: {  	[sflag:s6] =	ssyncset.done @!p0 $0x0  }
0xdd: {  	[sflag:s6] =	ssyncadd.s32 @!p0 $0xFFFFFF00  }
0xde: {  	_ =	sfence.sel $0x180000  }
0xdf: {  	[bflag:$0x0] =	sbarrier.arrive $0xFFFF  }
0xe0: {  	_ =	strace $0x90000053  }
0xe1: {  	s0 =	stileid.u32;
	[bflag:$0x2] =	sbarrier.arrive $0xFFFF  }
0xe2: {  	p0 =	sne.s32 s0, $0x0;
	s0 =	rddreg [dreg:$0x2]  }
0xe3: {  	s0 =	sadd.s32 @!p0 $0x100000, s0  }
0xe4: {  	[sflag:s0] =	ssyncadd.tile.s32 @!p0 $0x1;
	_ =	shalt  }
.Lfunc_end2:
_tile_overlayer_lowered:
.L_overlay_start_2:
0xe5: {  	(tag) =	ssettag $0x2  }
0xe6: {  	s0 =	rddreg [dreg:$0x0];
	s2 =	stileid.u32  }
0xe7: {  	s1 =	rddreg [dreg:$0x1];
	p0 =	sne.s32 s2, $0x0  }
0xe8: {  	s3 =	rddreg [dreg:$0x2];
	[bflag:$0x3] =	sbarrier.arrive $0xFFFF;
	s2 =	simm.s32 @!p0 $0x1C01  }
0xe9: {  	[timem:s3], [sflag:s2] =	dma.local @!p0 [hbm:s0], s1  }
0xea: {  	s0 =	simm.s32 @!p0 $0x1  }
0xeb: {  	_ =	swait.ge @!p0 [sflag:s0], s1  }
0xec: {  	s1 =	ssub.s32 @!p0 $0x0, s1;
	[sflag:s0] =	ssyncset.done @!p0 $0x0  }
0xed: {  	[sflag:s0] =	ssyncadd.s32 @!p0 s1  }
0xee: {  	[bflag:$0x3] =	sbarrier.arrive $0xFFFF  }
0xef: {  	_ =	shalt  }

// kernel: kernel.39.cloned.1.call-start
scs
__scs_entry_jumppad:
0x0: {  	(pc) =	sbr.rel $0x88, $3  }
0x1: {  	(tag) =	ssettag $0x0;
	lr =	simm.s32 $0x1  }
0x2: {  	[smem:$0x3F96] =	sst lr;
	_ =	strace $0xD0000000  }
0x3: {  	_ = 	snop  }
0x4: {  	_ = 	snop  }
0x5: {  	_ = 	snop  }
0x6: {  	_ = 	snop  }
0x7: {  	_ = 	snop  }
__scs_overlays_trampoline_lowered:
0x8: {  	[smem:$0x3FA5] =	sst s0  }
0x9: {  	[smem:$0x3FA6] =	sst s1  }
0xa: {  	[smem:$0x3FA7] =	sst s2  }
0xb: {  	[smem:$0x3FA8] =	sst s3  }
0xc: {  	[smem:$0x3FA9] =	sst s4  }
0xd: {  	[smem:$0x3FAA] =	sst s5  }
0xe: {  	[smem:$0x3FAB] =	sst s6  }
0xf: {  	[smem:$0x3FAC] =	sst s7  }
0x10: {  	[smem:$0x3FAD] =	sst s8  }
0x11: {  	[smem:$0x3FAE] =	sst s9;
	s0 =	simm.s32 @!p0 $0x0  }
0x12: {  	s1 =	sld [smem:$0x3F94];
	s0 =	simm.s32 @p0 $0x1  }
0x13: {  	[smem:$0x3FAF] =	sst s0;
	s0 =	simm.s32 @!p1 $0x0  }
0x14: {  	s2 =	sld [smem:$0x3F93];
	s0 =	simm.s32 @p1 $0x1  }
0x15: {  	[smem:$0x3FB0] =	sst s0;
	s0 =	simm.s32 @!p2 $0x0  }
0x16: {  	s3 =	sld [smem:$0x3FDB];
	s0 =	simm.s32 @p2 $0x1  }
0x17: {  	s4 =	simm.s32 $0x1BF5;
	[smem:$0x3FB2] =	sst s0  }
0x18: {  	s0 =	sld [smem:$0x3F95];
	_ =	swait.ge [sflag:s4], $0x0  }
0x19: {  	s7 =	sld [smem:$0x3F96]  }
0x1a: {  	s8 =	sadd.s32 $0xFFFFE003, lr  }
0x1b: {  	s9 =	sadd.s32 $0xFFFFFEF7, lr;
	s5 =	simm.s32 $0xFFFFFFFF;
	p2 =	slt.u32 s8, $0xFFFFF086  }
0x1c: {  	p1 =	slt.u32 s9, $0xF7A;
	s5 =	simm.s32 @!p2 $0x0  }
0x1d: {  	s5 =	simm.s32 @p1 $0x1;
	p0 =	seq.s32 s7, s2  }
0x1e: {  	s7 =	smul.u32 @!p0 $0xF7A, s2;
	p2 =	seq.s32 @!p0 s5, $0x0  }
0x1f: {  	s9 =	smul.u32 $0xF7A, s1;
	s8 =	simm.s32 @!p0 $0x1BF5;
	p2 =	por !p2, p0  }
0x20: {  	[sflag:s8] =	ssyncset.s32 @!p0 $0xFFFFF086;
	s6 =	sadd.s32 @!p0 s3, s7;
	s7 =	simm.s32 @!p0 $0x108  }
0x21: {  	s3 =	sadd.s32 s3, s9;
	s6 =	sadd.s32 @!p0 $0x88, s6;
	s7 =	simm.s32 @p2 $0x1082  }
0x22: {  	[simem:s7], [sflag:s8] =	dma.local @!p0 [hbm:s6], $0xF7A  }
0x23: {  	s9 =	sor.u32 $0xD0000000, s2;
	s6 =	simm.s32 $0x108;
	_ =	swait.ge @!p0 [sflag:s8], $0x0  }
0x24: {  	s3 =	sadd.s32 $0x88, s3;
	s6 =	simm.s32 @!p1 $0x1082;
	[sflag:s4] =	ssyncset.s32 $0xFFFFF086  }
0x25: {  	[simem:s6], [sflag:s4] =	dma.local [hbm:s3], $0xF7A  }
0x26: {  	[smem:$0x3F96] =	sst s1;
	(tag) =	ssettag s2;
	_ =	strace s9  }
0x27: {  	s1 =	sld [smem:$0x3FA6]  }
0x28: {  	s2 =	sld [smem:$0x3FA7]  }
0x29: {  	s4 =	sld [smem:$0x3FA9]  }
0x2a: {  	p0 =	seq.s32 s5, $0x0;
	s5 =	sld [smem:$0x3FAA]  }
0x2b: {  	s6 =	sld [smem:$0x3FAB]  }
0x2c: {  	s7 =	sld [smem:$0x3FAC]  }
0x2d: {  	s3 =	simm.s32 $0x108;
	s8 =	sld [smem:$0x3FAD]  }
0x2e: {  	s3 =	simm.s32 @!p0 $0x1082;
	s9 =	sld [smem:$0x3FAE]  }
0x2f: {  	lr =	sadd.s32 s0, s3;
	s0 =	sld [smem:$0x3FA5]  }
0x30: {  	s3 =	sld [smem:$0x3FA8]  }
0x31: {  	[smem:$0x3FB1] =	sst s10  }
0x32: {  	s10 =	sld [smem:$0x3FAF];
	_ =	sdelay $0x3  }
0x33: {  	p0 =	seq.s32 s10, $0x1;
	s10 =	sld [smem:$0x3FB1];
	_ =	sdelay $0x3  }
0x34: {  	[smem:$0x3FB1] =	sst s10  }
0x35: {  	s10 =	sld [smem:$0x3FB0];
	_ =	sdelay $0x3  }
0x36: {  	p1 =	seq.s32 s10, $0x1;
	s10 =	sld [smem:$0x3FB1];
	_ =	sdelay $0x3  }
0x37: {  	[smem:$0x3FB1] =	sst s10  }
0x38: {  	s10 =	sld [smem:$0x3FB2]  }
0x39: {  	_ = 	snop;
	(pc) =	sbr.ind lr, $3  }
0x3a: {  	_ = 	snop  }
0x3b: {  	_ = 	snop  }
0x3c: {  	p2 =	seq.s32 s10, $0x1;
	s10 =	sld [smem:$0x3FB1]  }
0x3d: {  	_ =	shalt  }
0x3e: {  	_ =	shalt  }
0x3f: {  	_ =	shalt  }
0x40: {  	_ =	shalt  }
0x41: {  	_ =	shalt  }
0x42: {  	_ =	shalt  }
0x43: {  	_ =	shalt  }
0x44: {  	_ =	shalt  }
0x45: {  	_ =	shalt  }
0x46: {  	_ =	shalt  }
0x47: {  	_ =	shalt  }
0x48: {  	_ =	shalt  }
0x49: {  	_ =	shalt  }
0x4a: {  	_ =	shalt  }
0x4b: {  	_ =	shalt  }
0x4c: {  	_ =	shalt  }
0x4d: {  	_ =	shalt  }
0x4e: {  	_ =	shalt  }
0x4f: {  	_ =	shalt  }
0x50: {  	_ =	shalt  }
0x51: {  	_ =	shalt  }
0x52: {  	_ =	shalt  }
0x53: {  	_ =	shalt  }
0x54: {  	_ =	shalt  }
0x55: {  	_ =	shalt  }
0x56: {  	_ =	shalt  }
0x57: {  	_ =	shalt  }
0x58: {  	_ =	shalt  }
0x59: {  	_ =	shalt  }
0x5a: {  	_ =	shalt  }
0x5b: {  	_ =	shalt  }
0x5c: {  	_ =	shalt  }
0x5d: {  	_ =	shalt  }
0x5e: {  	_ =	shalt  }
0x5f: {  	_ =	shalt  }
0x60: {  	_ =	shalt  }
0x61: {  	_ =	shalt  }
0x62: {  	_ =	shalt  }
0x63: {  	_ =	shalt  }
0x64: {  	_ =	shalt  }
0x65: {  	_ =	shalt  }
0x66: {  	_ =	shalt  }
0x67: {  	_ =	shalt  }
0x68: {  	_ =	shalt  }
0x69: {  	_ =	shalt  }
0x6a: {  	_ =	shalt  }
0x6b: {  	_ =	shalt  }
0x6c: {  	_ =	shalt  }
0x6d: {  	_ =	shalt  }
0x6e: {  	_ =	shalt  }
0x6f: {  	_ =	shalt  }
0x70: {  	_ =	shalt  }
0x71: {  	_ =	shalt  }
0x72: {  	_ =	shalt  }
0x73: {  	_ =	shalt  }
0x74: {  	_ =	shalt  }
0x75: {  	_ =	shalt  }
0x76: {  	_ =	shalt  }
0x77: {  	_ =	shalt  }
0x78: {  	_ =	shalt  }
0x79: {  	_ =	shalt  }
0x7a: {  	_ =	shalt  }
0x7b: {  	_ =	shalt  }
0x7c: {  	_ =	shalt  }
0x7d: {  	_ =	shalt  }
0x7e: {  	_ =	shalt  }
0x7f: {  	_ =	shalt  }
0x80: {  	_ =	shalt  }
0x81: {  	_ =	shalt  }
0x82: {  	_ =	shalt  }
0x83: {  	_ =	shalt  }
0x84: {  	_ =	shalt  }
0x85: {  	_ =	shalt  }
0x86: {  	_ =	shalt  }
0x87: {  	_ =	shalt  }
.Lfunc_end0:
.L_simem_size_0:
called_computation.7_lowered:
.L_overlay_start_0:
0x88: {  	s2 =	sld [smem:$0x3FD9]  }
0x89: {  	s3 =	sld [smem:$0x3FFE];
	_ =	sdelay $0x1  }
0x8a: {  	s1 =	srdreg.scid  }
0x8b: {  	s0 =	sand.u32 $0x1, s1  }
0x8c: {  	s17 =	sshll.u32 s0, $0xA;
	s2 =	sadd.s32 s3, s2  }
0x8d: {  	s2 =	sadd.s32 s2, s17  }
0x8e: {  	[smem:$0x3FBD] =	sst s2  }
0x8f: {  	_ = 	snop  }
0x90: {  	(tm) =	ssettm $0x1  }
0x91: {  	s18 =	sld [smem:$0x3FFB];
	_ =	sdelay $0x3  }
0x92: {  	_ =	strace s18  }
0x93: {  	s2 =	sld [smem:$0x3FFC];
	_ =	sdelay $0x3  }
0x94: {  	_ =	strace s2  }
0x95: {  	s2 =	sld [smem:$0x3FFD];
	_ =	sdelay $0x3  }
0x96: {  	_ =	strace s2  }
0x97: {  	_ =	strace $0x8FFFFFFF  }
0x98: {  	s19 =	sld [smem:$0x3FDB];
	_ =	sdelay $0x1  }
0x99: {  	s20 =	simm.s32 $_scs_section_size  }
0x9a: {  	s4 =	simm.s32 $_size__tile_overlayer_lowered;
	s5 =	simm.s32 $_tile_overlayer_lowered  }
0x9b: {  	s6 =	simm.s32 $0x1BFF;
	s21 =	sshll.u32 s5, $0x1;
	s3 =	sadd.s32 s20, s19  }
0x9c: {  	s22 =	simm.s32 $0x0;
	s4 =	sshll.u32 s4, $0x1;
	s5 =	sadd.s32 s21, s3  }
0x9d: {  	[timem:s22], [sflag:s6] =	dma.local [hbm:s5], s4  }
0x9e: {  	_ =	swait.ge [sflag:s6], s4  }
0x9f: {  	s4 =	ssub.s32 $0x0, s4;
	[sflag:s6] =	ssyncset.done $0x0  }
0xa0: {  	[sflag:s6] =	ssyncadd.s32 s4;
	_ =	sdelay $0x1  }
0xa1: {  	s23 =	simm.s32 $0x1B8B  }
0xa2: {  	_ =	swait.ge [sflag:s23], $0x1  }
0xa3: {  	[sflag:s23] =	ssyncset.done $0x0  }
0xa4: {  	[sflag:s23] =	ssyncadd.s32 $0xFFFFFFFF  }
0xa5: {  	s4 =	sld [smem:$0x0]  }
0xa6: {  	s5 =	sand.u32 $0xFFFFFFFE, s1  }
0xa7: {  	p0 =	sne.s32 s1, s5  }
0xa8: {  	s5 =	sshll.u32 @p0 s5, $0xE  }
0xa9: {  	s5 =	sadd.s32 @p0 $0x11B8D, s5;
	s6 =	sshll.u32 @p0 s4, $0x11  }
0xaa: {  	s5 =	sor.u32 @p0 s6, s5  }
0xab: {  	[sflag:s5] =	ssyncadd.remote.s32 @p0 $0x1;
	_ =	sdelay $0x1  }
0xac: {  	s5 =	simm.s32 @p0 $0x1B8D  }
0xad: {  	_ =	swait.eq @p0 [sflag:s5], $0x1  }
0xae: {  	[sflag:s5] =	ssyncadd.s32 @p0 $0xFFFFFFFF  }
0xaf: {  	s6 =	sshll.u32 @!p0 s1, $0xE  }
0xb0: {  	s6 =	sor.u32 @!p0 $0x4000, s6;
	s5 =	simm.s32 @!p0 $0x1B8D  }
0xb1: {  	s4 =	sshll.u32 @!p0 s4, $0x11;
	s6 =	sadd.s32 @!p0 $0x11B8D, s6;
	_ =	swait.eq @!p0 [sflag:s5], $0x1  }
0xb2: {  	s4 =	sor.u32 @!p0 s4, s6;
	[sflag:s5] =	ssyncadd.s32 @!p0 $0xFFFFFFFF  }
0xb3: {  	s25 =	simm.s32 $0x1B8E;
	s24 =	sld [smem:$0x3FFE];
	[sflag:s4] =	ssyncadd.remote.s32 @!p0 $0x1  }
0xb4: {  	s26 =	simm.s32 $execute0_lowered;
	[smem:$0x3FD2] =	sst s25  }
0xb5: {  	s5 =	sshll.u32 s26, $0x1;
	_ =	strace $0x80000058;
	[dreg:$0x1] =	wrdreg $0xFFFFFFFF  }
0xb6: {  	s28 =	simm.s32 $_size_execute0_lowered;
	s3 =	sadd.s32 s3, s5;
	[dreg:$0x0] =	wrdreg $0x0  }
0xb7: {  	s5 =	sshll.u32 s28, $0x1;
	[dreg:$0x2] =	wrdreg s3  }
0xb8: {  	[dreg:$0x3] =	wrdreg s5  }
0xb9: {  	[dreg:$0x4] =	wrdreg $0xC0  }
0xba: {  	_ =	task [dreg:s22], $0x5FFFF  }
0xbb: {  	[dreg:$0x1] =	wrdreg $0xFFFFFFFF  }
0xbc: {  	[dreg:$0x0] =	wrdreg $0x60  }
0xbd: {  	[dreg:$0x2] =	wrdreg s24  }
0xbe: {  	[dreg:$0x3] =	wrdreg $0x48000  }
0xbf: {  	[dreg:$0x4] =	wrdreg $0xB  }
0xc0: {  	_ =	task.clear_ibuf [dreg:s22], $0x5FFFF;
	_ =	strace $0x90000058  }
0xc1: {  	s29 =	simm.s32 $0xB;
	_ =	strace $0x8000005A  }
0xc2: {  	_ =	swait.ge [sflag:s29], $0x1  }
0xc3: {  	[sflag:s29] =	ssyncadd.s32 $0xFFFFFFFF  }
0xc4: {  	_ =	strace $0x9000005A  }
0xc5: {  	_ =	sfence  }
0xc6: {  	s30 =	sld [smem:$0x0];
	_ =	sdelay $0x2  }
0xc7: {  	s31 =	sshll.u32 s1, $0xD;
	s1 =	sshrl.u32 s1, $0x2  }
0xc8: {  	s4 =	sand.u32 $0x4000, s31;
	s1 =	sadd.s32 s1, s30  }
0xc9: {  	s0 =	sor.u32 s4, s0;
	s1 =	sshll.u32 s1, $0x11  }
0xca: {  	s0 =	sor.u32 s1, s0  }
0xcb: {  	s0 =	sadd.s32 $0x8F2B, s0  }
0xcc: {  	[sflag:s0] =	ssyncadd.remote.s32 $0x1  }
0xcd: {  	_ =	sfence.sel $0xFFFF  }
0xce: {  	[dreg:$0x0] =	wrdreg $0xFFFFFFFF;
	(pc) =	sbr.abs _section_cstart, $3  }
0xcf: {  	[dreg:$0x1] =	wrdreg $0xFFFFFFFF  }
0xd0: {  	_ =	task.clear_ibuf [dreg:s22], $0x2FFFF;
	_ =	strace $0x9FFFFFFF  }
0xd1: {  	(tm) =	ssettm $0x7FFFFFFF  }
tec
execute0_lowered:
.L_overlay_start_1:
0x0: {  	(tag) =	ssettag $0x1  }
0x1: {  	s0 =	srdreg.scid;
	s12 =	rddreg [dreg:$0x0]  }
0x2: {  	s9 =	stileid.u32;
	s2 =	rddreg [dreg:$0x1]  }
0x3: {  	s3 =	simm.s32 $0x0;
	s1 =	sand.u32 $0x1, s0;
	s18 =	smul.u32 $0x4E000, s9  }
0x4: {  	s5 =	smul.u32 $0x13800, s9;
	[smem:$0x7FF] =	sst s3;
	s6 =	sadd.s32 $0x2B600, s12  }
0x5: {  	s19 =	sshll.u32 s9, $0x1;
	s21 =	sadd.s32 $0x138000, s2;
	s4 =	smul.u32 $0x138800, s1  }
0x6: {  	_ =	strace $0x80000059;
	s7 =	sor.u32 s1, s19;
	s0 =	sshrl.u32 s18, $0x2  }
0x7: {  	[dreg:$0x5] =	wrdreg s21;
	s5 =	sadd.s32 s5, s4;
	s0 =	sadd.s32 s0, s2  }
0x8: {  	s22 =	sshrl.u32 s4, $0x3;
	s28 =	sshrl.u32 s5, $0x3;
	[dreg:$0x3] =	wrdreg s0  }
0x9: {  	s29 =	sadd.s32 $0x27000, s22;
	s20 =	sadd.s32 s6, s28;
	s23 =	rddreg [dreg:$0x3]  }
0xa: {  	s5 =	sshll.u32 s7, $0x8;
	s6 =	sadd.s32 s6, s29;
	[dreg:$0x4] =	wrdreg s20  }
0xb: {  	s24 =	sshll.u32 s9, $0x6;
	s5 =	sadd.s32 s5, s12;
	[dreg:$0x6] =	wrdreg s6  }
0xc: {  	s4 =	sor.u32 $0x1C01, s24;
	s5 =	sadd.s32 $0x261A00, s5;
	s8 =	rddreg [dreg:$0x4]  }
0xd: {  	s31 =	sshrl.u32 s23, $0x3;
	[dreg:$0x7] =	wrdreg s5;
	s5 =	simm.s32 $0x1  }
0xe: {  	[spmem:s31], [sflag:s4] =	dma.local [hbm:s8], $0x2700  }
0xf: {  	p0 =	sne.s32 s9, $0xF;
	_ =	swait.ge [sflag:s5], $0x2700  }
0x10: {  	s6 =	simm.s32 @!p0 $0x1;
	s0 =	rddreg [dreg:$0x5];
	[sflag:s5] =	ssyncset.done $0x0  }
0x11: {  	s8 =	rddreg [dreg:$0x6];
	[sflag:s5] =	ssyncadd.s32 $0xFFFFD900;
	s30 =	sshrl.u32 @!p0 s0, $0x3  }
0x12: {  	[spmem:s30], [sflag:s4] =	dma.local @!p0 [hbm:s8], $0x100  }
0x13: {  	_ =	swait.ge @!p0 [sflag:s6], $0x100  }
0x14: {  	[sflag:s6] =	ssyncset.done @!p0 $0x0  }
0x15: {  	s25 =	rddreg [dreg:$0x7];
	[sflag:s6] =	ssyncadd.s32 @!p0 $0xFFFFFF00  }
0x16: {  	[tilespmem:s3], [sflag:$0x1] =	stream.linear.gather [hbm4b:s25+s3], $0x500, $0x38;
	[tilespmem:$0x18080] =	vst v63  }
0x17: {  	s7 =	smul.u32 $0x5000, s7;
	_ =	swait.ge [sflag:s5], $0x500  }
0x18: {  	[sflag:s5] =	ssyncset.done $0x0  }
0x19: {  	s25 =	sadd.s32 s7, s12;
	[sflag:s5] =	ssyncadd.s32 $0xFFFFFB00  }
0x1a: {  	s8 =	simm.s32 $0x800;
	s7 =	sadd.s32 $0x305A00, s25;
	[bflag:$0x0] =	sbarrier.arrive $0xFFFF  }
0x1b: {  	[tilespmem:s8], [sflag:$0x1] =	stream.linear.gather [hbm4b:s7+s3], $0x4000, $0x38;
	[tilespmem:$0x18080] =	vst v63  }
0x1c: {  	_ =	swait.ge [sflag:s5], $0x4000  }
0x1d: {  	[sflag:s5] =	ssyncset.done $0x0  }
0x1e: {  	s9 =	simm.s32 $0x80;
	[sflag:s5] =	ssyncadd.s32 $0xFFFFC000  }
0x1f: {  	[spmem:s2] =	stream.indirect.scatter.add.f32 [tilespmem:s8], [sflag:$0x1], $0x80, s3, s9, $0xb8;
	[tilespmem:$0x18080] =	vst v63  }
0x20: {  	_ =	swait.ge [sflag:s5], $0x4000  }
0x21: {  	[sflag:s5] =	ssyncset.done $0x0  }
0x22: {  	s10 =	sadd.s32 $0x306200, s25;
	[sflag:s5] =	ssyncadd.s32 $0xFFFFC000  }
0x23: {  	[tilespmem:s8], [sflag:$0x1] =	stream.linear.gather [hbm4b:s10+s3], $0x4000, $0x38;
	[tilespmem:$0x18080] =	vst v63  }
0x24: {  	_ =	swait.ge [sflag:s5], $0x4000  }
0x25: {  	[sflag:s5] =	ssyncset.done $0x0  }
0x26: {  	[sflag:s5] =	ssyncadd.s32 $0xFFFFC000  }
0x27: {  	[spmem:s2] =	stream.indirect.scatter.add.f32 [tilespmem:s8], [sflag:$0x1], $0x80, s9, s9, $0xb8;
	[tilespmem:$0x18080] =	vst v63  }
0x28: {  	_ =	swait.ge [sflag:s5], $0x4000  }
0x29: {  	[sflag:s5] =	ssyncset.done $0x0  }
0x2a: {  	s11 =	sadd.s32 $0x306A00, s25;
	[sflag:s5] =	ssyncadd.s32 $0xFFFFC000  }
0x2b: {  	[tilespmem:s8], [sflag:$0x1] =	stream.linear.gather [hbm4b:s11+s3], $0x4000, $0x38;
	[tilespmem:$0x18080] =	vst v63  }
0x2c: {  	_ =	swait.ge [sflag:s5], $0x4000  }
0x2d: {  	[sflag:s5] =	ssyncset.done $0x0  }
0x2e: {  	s26 =	simm.s32 $0x100;
	[sflag:s5] =	ssyncadd.s32 $0xFFFFC000  }
0x2f: {  	[spmem:s2] =	stream.indirect.scatter.add.f32 [tilespmem:s8], [sflag:$0x1], $0x80, s26, s9, $0xb8;
	[tilespmem:$0x18080] =	vst v63  }
0x30: {  	_ =	swait.ge [sflag:s5], $0x4000  }
0x31: {  	[sflag:s5] =	ssyncset.done $0x0  }
0x32: {  	s13 =	sadd.s32 $0x307200, s25;
	[sflag:s5] =	ssyncadd.s32 $0xFFFFC000  }
0x33: {  	[tilespmem:s8], [sflag:$0x1] =	stream.linear.gather [hbm4b:s13+s3], $0x4000, $0x38;
	[tilespmem:$0x18080] =	vst v63  }
0x34: {  	_ =	swait.ge [sflag:s5], $0x4000  }
0x35: {  	[sflag:s5] =	ssyncset.done $0x0  }
0x36: {  	s14 =	simm.s32 $0x180;
	[sflag:s5] =	ssyncadd.s32 $0xFFFFC000  }
0x37: {  	[spmem:s2] =	stream.indirect.scatter.add.f32 [tilespmem:s8], [sflag:$0x1], $0x80, s14, s9, $0xb8;
	[tilespmem:$0x18080] =	vst v63  }
0x38: {  	_ =	swait.ge [sflag:s5], $0x4000  }
0x39: {  	[sflag:s5] =	ssyncset.done $0x0  }
0x3a: {  	s15 =	sadd.s32 $0x307A00, s25;
	[sflag:s5] =	ssyncadd.s32 $0xFFFFC000  }
0x3b: {  	[tilespmem:s8], [sflag:$0x1] =	stream.linear.gather [hbm4b:s15+s3], $0x4000, $0x38;
	[tilespmem:$0x18080] =	vst v63  }
0x3c: {  	_ =	swait.ge [sflag:s5], $0x4000  }
0x3d: {  	[sflag:s5] =	ssyncset.done $0x0  }
0x3e: {  	s16 =	simm.s32 $0x200;
	[sflag:s5] =	ssyncadd.s32 $0xFFFFC000  }
0x3f: {  	[spmem:s2] =	stream.indirect.scatter.add.f32 [tilespmem:s8], [sflag:$0x1], $0x80, s16, s9, $0xb8;
	[tilespmem:$0x18080] =	vst v63  }
0x40: {  	_ =	swait.ge [sflag:s5], $0x4000  }
0x41: {  	[sflag:s5] =	ssyncset.done $0x0  }
0x42: {  	s17 =	sadd.s32 $0x308200, s25;
	[sflag:s5] =	ssyncadd.s32 $0xFFFFC000  }
0x43: {  	[tilespmem:s8], [sflag:$0x1] =	stream.linear.gather [hbm4b:s17+s3], $0x4000, $0x38;
	[tilespmem:$0x18080] =	vst v63  }
0x44: {  	_ =	swait.ge [sflag:s5], $0x4000  }
0x45: {  	[sflag:s5] =	ssyncset.done $0x0  }
0x46: {  	s18 =	simm.s32 $0x280;
	[sflag:s5] =	ssyncadd.s32 $0xFFFFC000  }
0x47: {  	[spmem:s2] =	stream.indirect.scatter.add.f32 [tilespmem:s8], [sflag:$0x1], $0x80, s18, s9, $0xb8;
	[tilespmem:$0x18080] =	vst v63  }
0x48: {  	_ =	swait.ge [sflag:s5], $0x4000  }
0x49: {  	[sflag:s5] =	ssyncset.done $0x0  }
0x4a: {  	s19 =	sadd.s32 $0x308A00, s25;
	[sflag:s5] =	ssyncadd.s32 $0xFFFFC000  }
0x4b: {  	[tilespmem:s8], [sflag:$0x1] =	stream.linear.gather [hbm4b:s19+s3], $0x4000, $0x38;
	[tilespmem:$0x18080] =	vst v63  }
0x4c: {  	_ =	swait.ge [sflag:s5], $0x4000  }
0x4d: {  	[sflag:s5] =	ssyncset.done $0x0  }
0x4e: {  	s20 =	simm.s32 $0x300;
	[sflag:s5] =	ssyncadd.s32 $0xFFFFC000  }
0x4f: {  	[spmem:s2] =	stream.indirect.scatter.add.f32 [tilespmem:s8], [sflag:$0x1], $0x80, s20, s9, $0xb8;
	[tilespmem:$0x18080] =	vst v63  }
0x50: {  	_ =	swait.ge [sflag:s5], $0x4000  }
0x51: {  	[sflag:s5] =	ssyncset.done $0x0  }
0x52: {  	s21 =	sadd.s32 $0x309200, s25;
	[sflag:s5] =	ssyncadd.s32 $0xFFFFC000  }
0x53: {  	[tilespmem:s8], [sflag:$0x1] =	stream.linear.gather [hbm4b:s21+s3], $0x4000, $0x38;
	[tilespmem:$0x18080] =	vst v63  }
0x54: {  	_ =	swait.ge [sflag:s5], $0x4000  }
0x55: {  	[sflag:s5] =	ssyncset.done $0x0  }
0x56: {  	s22 =	simm.s32 $0x380;
	[sflag:s5] =	ssyncadd.s32 $0xFFFFC000  }
0x57: {  	[spmem:s2] =	stream.indirect.scatter.add.f32 [tilespmem:s8], [sflag:$0x1], $0x80, s22, s9, $0xb8;
	[tilespmem:$0x18080] =	vst v63  }
0x58: {  	_ =	swait.ge [sflag:s5], $0x4000  }
0x59: {  	[sflag:s5] =	ssyncset.done $0x0  }
0x5a: {  	s23 =	sadd.s32 $0x309A00, s25;
	[sflag:s5] =	ssyncadd.s32 $0xFFFFC000  }
0x5b: {  	[tilespmem:s8], [sflag:$0x1] =	stream.linear.gather [hbm4b:s23+s3], $0x4000, $0x38;
	[tilespmem:$0x18080] =	vst v63  }
0x5c: {  	_ =	swait.ge [sflag:s5], $0x4000  }
0x5d: {  	[sflag:s5] =	ssyncset.done $0x0  }
0x5e: {  	s24 =	simm.s32 $0x400;
	[sflag:s5] =	ssyncadd.s32 $0xFFFFC000  }
0x5f: {  	[spmem:s2] =	stream.indirect.scatter.add.f32 [tilespmem:s8], [sflag:$0x1], $0x80, s24, s9, $0xb8;
	[tilespmem:$0x18080] =	vst v63  }
0x60: {  	_ =	swait.ge [sflag:s5], $0x4000  }
0x61: {  	[sflag:s5] =	ssyncset.done $0x0  }
0x62: {  	s25 =	sadd.s32 $0x30A200, s25;
	[sflag:s5] =	ssyncadd.s32 $0xFFFFC000  }
0x63: {  	[tilespmem:s8], [sflag:$0x1] =	stream.linear.gather [hbm4b:s25+s3], $0x4000, $0x38;
	[tilespmem:$0x18080] =	vst v63  }
0x64: {  	_ =	swait.ge [sflag:s5], $0x4000  }
0x65: {  	[sflag:s5] =	ssyncset.done $0x0  }
0x66: {  	s26 =	simm.s32 $0x480;
	[sflag:s5] =	ssyncadd.s32 $0xFFFFC000  }
0x67: {  	[spmem:s2] =	stream.indirect.scatter.add.f32 [tilespmem:s8], [sflag:$0x1], $0x80, s26, s9, $0xb8;
	[tilespmem:$0x18080] =	vst v63  }
0x68: {  	_ =	swait.ge [sflag:s5], $0x4000  }
0x69: {  	[sflag:s5] =	ssyncset.done $0x0  }
0x6a: {  	s0 =	sadd.s32 $0x265A00, s12;
	[sflag:s5] =	ssyncadd.s32 $0xFFFFC000  }
0x6b: {  	s1 =	ssub.s32 $0x2, s1;
	s28 =	sadd.s32 s0, s28;
	[bflag:$0x0] =	sbarrier.arrive $0xFFFF  }
0x6c: {  	[hbm:s28], [sflag:s4] =	dma.local [spmem:s31], $0x2700  }
0x6d: {  	s12 =	sshrl.u32 s1, $0x1;
	_ =	swait.ge [sflag:s5], $0x2700  }
0x6e: {  	s1 =	ssub.s32 s1, s12;
	[sflag:s5] =	ssyncset.done $0x0  }
0x6f: {  	s29 =	sadd.s32 s0, s29;
	s31 =	smax.u32 s1, $0x1;
	[sflag:s5] =	ssyncadd.s32 $0xFFFFD900  }
0x70: {  	[hbm:s29], [sflag:s4] =	dma.local @!p0 [spmem:s30], $0x100  }
0x71: {  	s30 =	sadd.s32 $0xFFFFFFFF, s31  }
0x72: {  	p1 =	sne.s32 s30, $0x0  }
.Ltmp0:
0x73: {  	_ = 	snop;
	(pc) =	sbr.rel @!p1 .LBB2_2-.Ltmp0, $2  }
0x74: {  	_ =	sdelay $0x2  }
0x75: {  	_ =	swait.ge @!p0 [sflag:s6], $0x100  }
.LBB2_1:
0x76: {  	s0 =	rddreg [dreg:$0x3];
	[sflag:s6] =	ssyncset.done @!p0 $0x0  }
0x77: {  	s1 =	rddreg [dreg:$0x4];
	s31 =	sshrl.u32 s0, $0x3;
	[sflag:s6] =	ssyncadd.s32 @!p0 $0xFFFFFF00  }
0x78: {  	[spmem:s31], [sflag:s4] =	dma.local [hbm:s1], $0x2700  }
0x79: {  	_ =	swait.ge [sflag:s5], $0x2700  }
0x7a: {  	[sflag:s5] =	ssyncset.done $0x0;
	s0 =	rddreg [dreg:$0x5]  }
0x7b: {  	s12 =	rddreg [dreg:$0x6];
	[sflag:s5] =	ssyncadd.s32 $0xFFFFD900;
	s1 =	sshrl.u32 @!p0 s0, $0x3  }
0x7c: {  	[spmem:s1], [sflag:s4] =	dma.local @!p0 [hbm:s12], $0x100  }
0x7d: {  	_ =	swait.ge @!p0 [sflag:s6], $0x100  }
0x7e: {  	[sflag:s6] =	ssyncset.done @!p0 $0x0  }
0x7f: {  	s12 =	rddreg [dreg:$0x7];
	[sflag:s6] =	ssyncadd.s32 @!p0 $0xFFFFFF00  }
0x80: {  	[tilespmem:s3], [sflag:$0x1] =	stream.linear.gather [hbm4b:s12+s3], $0x500, $0x38;
	[tilespmem:$0x18080] =	vst v63  }
0x81: {  	_ =	swait.ge [sflag:s5], $0x500  }
0x82: {  	[sflag:s5] =	ssyncset.done $0x0  }
0x83: {  	[sflag:s5] =	ssyncadd.s32 $0xFFFFFB00  }
0x84: {  	[bflag:$0x0] =	sbarrier.arrive $0xFFFF  }
0x85: {  	[tilespmem:s8], [sflag:$0x1] =	stream.linear.gather [hbm4b:s7+s3], $0x4000, $0x38;
	[tilespmem:$0x18080] =	vst v63  }
0x86: {  	_ =	swait.ge [sflag:s5], $0x4000  }
0x87: {  	[sflag:s5] =	ssyncset.done $0x0  }
0x88: {  	[sflag:s5] =	ssyncadd.s32 $0xFFFFC000  }
0x89: {  	[spmem:s2] =	stream.indirect.scatter.add.f32 [tilespmem:s8], [sflag:$0x1], $0x80, s3, s9, $0xb8;
	[tilespmem:$0x18080] =	vst v63  }
0x8a: {  	_ =	swait.ge [sflag:s5], $0x4000  }
0x8b: {  	[sflag:s5] =	ssyncset.done $0x0  }
0x8c: {  	[sflag:s5] =	ssyncadd.s32 $0xFFFFC000  }
0x8d: {  	[tilespmem:s8], [sflag:$0x1] =	stream.linear.gather [hbm4b:s10+s3], $0x4000, $0x38;
	[tilespmem:$0x18080] =	vst v63  }
0x8e: {  	_ =	swait.ge [sflag:s5], $0x4000  }
0x8f: {  	[sflag:s5] =	ssyncset.done $0x0  }
0x90: {  	[sflag:s5] =	ssyncadd.s32 $0xFFFFC000  }
0x91: {  	[spmem:s2] =	stream.indirect.scatter.add.f32 [tilespmem:s8], [sflag:$0x1], $0x80, s9, s9, $0xb8;
	[tilespmem:$0x18080] =	vst v63  }
0x92: {  	_ =	swait.ge [sflag:s5], $0x4000  }
0x93: {  	[sflag:s5] =	ssyncset.done $0x0  }
0x94: {  	[sflag:s5] =	ssyncadd.s32 $0xFFFFC000  }
0x95: {  	[tilespmem:s8], [sflag:$0x1] =	stream.linear.gather [hbm4b:s11+s3], $0x4000, $0x38;
	[tilespmem:$0x18080] =	vst v63  }
0x96: {  	_ =	swait.ge [sflag:s5], $0x4000  }
0x97: {  	[sflag:s5] =	ssyncset.done $0x0  }
0x98: {  	s12 =	simm.s32 $0x100;
	[sflag:s5] =	ssyncadd.s32 $0xFFFFC000  }
0x99: {  	[spmem:s2] =	stream.indirect.scatter.add.f32 [tilespmem:s8], [sflag:$0x1], $0x80, s12, s9, $0xb8;
	[tilespmem:$0x18080] =	vst v63  }
0x9a: {  	_ =	swait.ge [sflag:s5], $0x4000  }
0x9b: {  	[sflag:s5] =	ssyncset.done $0x0  }
0x9c: {  	[sflag:s5] =	ssyncadd.s32 $0xFFFFC000  }
0x9d: {  	[tilespmem:s8], [sflag:$0x1] =	stream.linear.gather [hbm4b:s13+s3], $0x4000, $0x38;
	[tilespmem:$0x18080] =	vst v63  }
0x9e: {  	_ =	swait.ge [sflag:s5], $0x4000  }
0x9f: {  	[sflag:s5] =	ssyncset.done $0x0  }
0xa0: {  	[sflag:s5] =	ssyncadd.s32 $0xFFFFC000  }
0xa1: {  	[spmem:s2] =	stream.indirect.scatter.add.f32 [tilespmem:s8], [sflag:$0x1], $0x80, s14, s9, $0xb8;
	[tilespmem:$0x18080] =	vst v63  }
0xa2: {  	_ =	swait.ge [sflag:s5], $0x4000  }
0xa3: {  	[sflag:s5] =	ssyncset.done $0x0  }
0xa4: {  	[sflag:s5] =	ssyncadd.s32 $0xFFFFC000  }
0xa5: {  	[tilespmem:s8], [sflag:$0x1] =	stream.linear.gather [hbm4b:s15+s3], $0x4000, $0x38;
	[tilespmem:$0x18080] =	vst v63  }
0xa6: {  	_ =	swait.ge [sflag:s5], $0x4000  }
0xa7: {  	[sflag:s5] =	ssyncset.done $0x0  }
0xa8: {  	[sflag:s5] =	ssyncadd.s32 $0xFFFFC000  }
0xa9: {  	[spmem:s2] =	stream.indirect.scatter.add.f32 [tilespmem:s8], [sflag:$0x1], $0x80, s16, s9, $0xb8;
	[tilespmem:$0x18080] =	vst v63  }
0xaa: {  	_ =	swait.ge [sflag:s5], $0x4000  }
0xab: {  	[sflag:s5] =	ssyncset.done $0x0  }
0xac: {  	[sflag:s5] =	ssyncadd.s32 $0xFFFFC000  }
0xad: {  	[tilespmem:s8], [sflag:$0x1] =	stream.linear.gather [hbm4b:s17+s3], $0x4000, $0x38;
	[tilespmem:$0x18080] =	vst v63  }
0xae: {  	_ =	swait.ge [sflag:s5], $0x4000  }
0xaf: {  	[sflag:s5] =	ssyncset.done $0x0  }
0xb0: {  	[sflag:s5] =	ssyncadd.s32 $0xFFFFC000  }
0xb1: {  	[spmem:s2] =	stream.indirect.scatter.add.f32 [tilespmem:s8], [sflag:$0x1], $0x80, s18, s9, $0xb8;
	[tilespmem:$0x18080] =	vst v63  }
0xb2: {  	_ =	swait.ge [sflag:s5], $0x4000  }
0xb3: {  	[sflag:s5] =	ssyncset.done $0x0  }
0xb4: {  	[sflag:s5] =	ssyncadd.s32 $0xFFFFC000  }
0xb5: {  	[tilespmem:s8], [sflag:$0x1] =	stream.linear.gather [hbm4b:s19+s3], $0x4000, $0x38;
	[tilespmem:$0x18080] =	vst v63  }
0xb6: {  	_ =	swait.ge [sflag:s5], $0x4000  }
0xb7: {  	[sflag:s5] =	ssyncset.done $0x0  }
0xb8: {  	[sflag:s5] =	ssyncadd.s32 $0xFFFFC000  }
0xb9: {  	[spmem:s2] =	stream.indirect.scatter.add.f32 [tilespmem:s8], [sflag:$0x1], $0x80, s20, s9, $0xb8;
	[tilespmem:$0x18080] =	vst v63  }
0xba: {  	_ =	swait.ge [sflag:s5], $0x4000  }
0xbb: {  	[sflag:s5] =	ssyncset.done $0x0  }
0xbc: {  	[sflag:s5] =	ssyncadd.s32 $0xFFFFC000  }
0xbd: {  	[tilespmem:s8], [sflag:$0x1] =	stream.linear.gather [hbm4b:s21+s3], $0x4000, $0x38;
	[tilespmem:$0x18080] =	vst v63  }
0xbe: {  	_ =	swait.ge [sflag:s5], $0x4000  }
0xbf: {  	[sflag:s5] =	ssyncset.done $0x0  }
0xc0: {  	[sflag:s5] =	ssyncadd.s32 $0xFFFFC000  }
0xc1: {  	[spmem:s2] =	stream.indirect.scatter.add.f32 [tilespmem:s8], [sflag:$0x1], $0x80, s22, s9, $0xb8;
	[tilespmem:$0x18080] =	vst v63  }
0xc2: {  	_ =	swait.ge [sflag:s5], $0x4000  }
0xc3: {  	[sflag:s5] =	ssyncset.done $0x0  }
0xc4: {  	[sflag:s5] =	ssyncadd.s32 $0xFFFFC000  }
0xc5: {  	[tilespmem:s8], [sflag:$0x1] =	stream.linear.gather [hbm4b:s23+s3], $0x4000, $0x38;
	[tilespmem:$0x18080] =	vst v63  }
0xc6: {  	_ =	swait.ge [sflag:s5], $0x4000  }
0xc7: {  	[sflag:s5] =	ssyncset.done $0x0  }
0xc8: {  	[sflag:s5] =	ssyncadd.s32 $0xFFFFC000  }
0xc9: {  	[spmem:s2] =	stream.indirect.scatter.add.f32 [tilespmem:s8], [sflag:$0x1], $0x80, s24, s9, $0xb8;
	[tilespmem:$0x18080] =	vst v63  }
0xca: {  	_ =	swait.ge [sflag:s5], $0x4000  }
0xcb: {  	[sflag:s5] =	ssyncset.done $0x0  }
0xcc: {  	[sflag:s5] =	ssyncadd.s32 $0xFFFFC000  }
0xcd: {  	[tilespmem:s8], [sflag:$0x1] =	stream.linear.gather [hbm4b:s25+s3], $0x4000, $0x38;
	[tilespmem:$0x18080] =	vst v63  }
0xce: {  	_ =	swait.ge [sflag:s5], $0x4000  }
0xcf: {  	[sflag:s5] =	ssyncset.done $0x0  }
0xd0: {  	[sflag:s5] =	ssyncadd.s32 $0xFFFFC000  }
0xd1: {  	[spmem:s2] =	stream.indirect.scatter.add.f32 [tilespmem:s8], [sflag:$0x1], $0x80, s26, s9, $0xb8;
	[tilespmem:$0x18080] =	vst v63  }
0xd2: {  	_ =	swait.ge [sflag:s5], $0x4000  }
0xd3: {  	[sflag:s5] =	ssyncset.done $0x0  }
0xd4: {  	s30 =	sadd.s32 $0xFFFFFFFF, s30;
	[sflag:s5] =	ssyncadd.s32 $0xFFFFC000  }
0xd5: {  	p1 =	sne.s32 s30, $0x0;
	[bflag:$0x0] =	sbarrier.arrive $0xFFFF  }
0xd6: {  	[hbm:s28], [sflag:s4] =	dma.local [spmem:s31], $0x2700  }
.Ltmp1:
0xd7: {  	_ =	swait.ge [sflag:s5], $0x2700;
	(pc) =	sbr.rel @p1 .LBB2_1-.Ltmp1, $4  }
0xd8: {  	[sflag:s5] =	ssyncset.done $0x0  }
0xd9: {  	[sflag:s5] =	ssyncadd.s32 $0xFFFFD900  }
0xda: {  	[hbm:s29], [sflag:s4] =	dma.local @!p0 [spmem:s1], $0x100  }
0xdb: {  	_ =	swait.ge @!p0 [sflag:s6], $0x100  }
.LBB2_2:
0xdc: {  	[sflag:s6] =	ssyncset.done @!p0 $0x0  }
0xdd: {  	[sflag:s6] =	ssyncadd.s32 @!p0 $0xFFFFFF00  }
0xde: {  	_ =	sfence.sel $0x180000  }
0xdf: {  	[bflag:$0x0] =	sbarrier.arrive $0xFFFF  }
0xe0: {  	_ =	strace $0x90000059  }
0xe1: {  	s0 =	stileid.u32;
	[bflag:$0x2] =	sbarrier.arrive $0xFFFF  }
0xe2: {  	p0 =	sne.s32 s0, $0x0;
	s0 =	rddreg [dreg:$0x2]  }
0xe3: {  	s0 =	sadd.s32 @!p0 $0x100000, s0  }
0xe4: {  	[sflag:s0] =	ssyncadd.tile.s32 @!p0 $0x1;
	_ =	shalt  }
.Lfunc_end2:
_tile_overlayer_lowered:
.L_overlay_start_2:
0xe5: {  	(tag) =	ssettag $0x2  }
0xe6: {  	s0 =	rddreg [dreg:$0x0];
	s2 =	stileid.u32  }
0xe7: {  	s1 =	rddreg [dreg:$0x1];
	p0 =	sne.s32 s2, $0x0  }
0xe8: {  	s3 =	rddreg [dreg:$0x2];
	[bflag:$0x3] =	sbarrier.arrive $0xFFFF;
	s2 =	simm.s32 @!p0 $0x1C01  }
0xe9: {  	[timem:s3], [sflag:s2] =	dma.local @!p0 [hbm:s0], s1  }
0xea: {  	s0 =	simm.s32 @!p0 $0x1  }
0xeb: {  	_ =	swait.ge @!p0 [sflag:s0], s1  }
0xec: {  	s1 =	ssub.s32 @!p0 $0x0, s1;
	[sflag:s0] =	ssyncset.done @!p0 $0x0  }
0xed: {  	[sflag:s0] =	ssyncadd.s32 @!p0 s1  }
0xee: {  	[bflag:$0x3] =	sbarrier.arrive $0xFFFF  }
0xef: {  	_ =	shalt  }

// kernel: kernel.42.cloned.1.call-start
scs
__scs_entry_jumppad:
0x0: {  	(pc) =	sbr.rel $0x88, $3  }
0x1: {  	(tag) =	ssettag $0x0;
	lr =	simm.s32 $0x1  }
0x2: {  	[smem:$0x3F96] =	sst lr;
	_ =	strace $0xD0000000  }
0x3: {  	_ = 	snop  }
0x4: {  	_ = 	snop  }
0x5: {  	_ = 	snop  }
0x6: {  	_ = 	snop  }
0x7: {  	_ = 	snop  }
__scs_overlays_trampoline_lowered:
0x8: {  	[smem:$0x3FA5] =	sst s0  }
0x9: {  	[smem:$0x3FA6] =	sst s1  }
0xa: {  	[smem:$0x3FA7] =	sst s2  }
0xb: {  	[smem:$0x3FA8] =	sst s3  }
0xc: {  	[smem:$0x3FA9] =	sst s4  }
0xd: {  	[smem:$0x3FAA] =	sst s5  }
0xe: {  	[smem:$0x3FAB] =	sst s6  }
0xf: {  	[smem:$0x3FAC] =	sst s7  }
0x10: {  	[smem:$0x3FAD] =	sst s8  }
0x11: {  	[smem:$0x3FAE] =	sst s9;
	s0 =	simm.s32 @!p0 $0x0  }
0x12: {  	s1 =	sld [smem:$0x3F94];
	s0 =	simm.s32 @p0 $0x1  }
0x13: {  	[smem:$0x3FAF] =	sst s0;
	s0 =	simm.s32 @!p1 $0x0  }
0x14: {  	s2 =	sld [smem:$0x3F93];
	s0 =	simm.s32 @p1 $0x1  }
0x15: {  	[smem:$0x3FB0] =	sst s0;
	s0 =	simm.s32 @!p2 $0x0  }
0x16: {  	s3 =	sld [smem:$0x3FDB];
	s0 =	simm.s32 @p2 $0x1  }
0x17: {  	s4 =	simm.s32 $0x1BF5;
	[smem:$0x3FB2] =	sst s0  }
0x18: {  	s0 =	sld [smem:$0x3F95];
	_ =	swait.ge [sflag:s4], $0x0  }
0x19: {  	s7 =	sld [smem:$0x3F96]  }
0x1a: {  	s8 =	sadd.s32 $0xFFFFE003, lr  }
0x1b: {  	s9 =	sadd.s32 $0xFFFFFEF7, lr;
	s5 =	simm.s32 $0xFFFFFFFF;
	p2 =	slt.u32 s8, $0xFFFFF086  }
0x1c: {  	p1 =	slt.u32 s9, $0xF7A;
	s5 =	simm.s32 @!p2 $0x0  }
0x1d: {  	s5 =	simm.s32 @p1 $0x1;
	p0 =	seq.s32 s7, s2  }
0x1e: {  	s7 =	smul.u32 @!p0 $0xF7A, s2;
	p2 =	seq.s32 @!p0 s5, $0x0  }
0x1f: {  	s9 =	smul.u32 $0xF7A, s1;
	s8 =	simm.s32 @!p0 $0x1BF5;
	p2 =	por !p2, p0  }
0x20: {  	[sflag:s8] =	ssyncset.s32 @!p0 $0xFFFFF086;
	s6 =	sadd.s32 @!p0 s3, s7;
	s7 =	simm.s32 @!p0 $0x108  }
0x21: {  	s3 =	sadd.s32 s3, s9;
	s6 =	sadd.s32 @!p0 $0x88, s6;
	s7 =	simm.s32 @p2 $0x1082  }
0x22: {  	[simem:s7], [sflag:s8] =	dma.local @!p0 [hbm:s6], $0xF7A  }
0x23: {  	s9 =	sor.u32 $0xD0000000, s2;
	s6 =	simm.s32 $0x108;
	_ =	swait.ge @!p0 [sflag:s8], $0x0  }
0x24: {  	s3 =	sadd.s32 $0x88, s3;
	s6 =	simm.s32 @!p1 $0x1082;
	[sflag:s4] =	ssyncset.s32 $0xFFFFF086  }
0x25: {  	[simem:s6], [sflag:s4] =	dma.local [hbm:s3], $0xF7A  }
0x26: {  	[smem:$0x3F96] =	sst s1;
	(tag) =	ssettag s2;
	_ =	strace s9  }
0x27: {  	s1 =	sld [smem:$0x3FA6]  }
0x28: {  	s2 =	sld [smem:$0x3FA7]  }
0x29: {  	s4 =	sld [smem:$0x3FA9]  }
0x2a: {  	p0 =	seq.s32 s5, $0x0;
	s5 =	sld [smem:$0x3FAA]  }
0x2b: {  	s6 =	sld [smem:$0x3FAB]  }
0x2c: {  	s7 =	sld [smem:$0x3FAC]  }
0x2d: {  	s3 =	simm.s32 $0x108;
	s8 =	sld [smem:$0x3FAD]  }
0x2e: {  	s3 =	simm.s32 @!p0 $0x1082;
	s9 =	sld [smem:$0x3FAE]  }
0x2f: {  	lr =	sadd.s32 s0, s3;
	s0 =	sld [smem:$0x3FA5]  }
0x30: {  	s3 =	sld [smem:$0x3FA8]  }
0x31: {  	[smem:$0x3FB1] =	sst s10  }
0x32: {  	s10 =	sld [smem:$0x3FAF];
	_ =	sdelay $0x3  }
0x33: {  	p0 =	seq.s32 s10, $0x1;
	s10 =	sld [smem:$0x3FB1];
	_ =	sdelay $0x3  }
0x34: {  	[smem:$0x3FB1] =	sst s10  }
0x35: {  	s10 =	sld [smem:$0x3FB0];
	_ =	sdelay $0x3  }
0x36: {  	p1 =	seq.s32 s10, $0x1;
	s10 =	sld [smem:$0x3FB1];
	_ =	sdelay $0x3  }
0x37: {  	[smem:$0x3FB1] =	sst s10  }
0x38: {  	s10 =	sld [smem:$0x3FB2]  }
0x39: {  	_ = 	snop;
	(pc) =	sbr.ind lr, $3  }
0x3a: {  	_ = 	snop  }
0x3b: {  	_ = 	snop  }
0x3c: {  	p2 =	seq.s32 s10, $0x1;
	s10 =	sld [smem:$0x3FB1]  }
0x3d: {  	_ =	shalt  }
0x3e: {  	_ =	shalt  }
0x3f: {  	_ =	shalt  }
0x40: {  	_ =	shalt  }
0x41: {  	_ =	shalt  }
0x42: {  	_ =	shalt  }
0x43: {  	_ =	shalt  }
0x44: {  	_ =	shalt  }
0x45: {  	_ =	shalt  }
0x46: {  	_ =	shalt  }
0x47: {  	_ =	shalt  }
0x48: {  	_ =	shalt  }
0x49: {  	_ =	shalt  }
0x4a: {  	_ =	shalt  }
0x4b: {  	_ =	shalt  }
0x4c: {  	_ =	shalt  }
0x4d: {  	_ =	shalt  }
0x4e: {  	_ =	shalt  }
0x4f: {  	_ =	shalt  }
0x50: {  	_ =	shalt  }
0x51: {  	_ =	shalt  }
0x52: {  	_ =	shalt  }
0x53: {  	_ =	shalt  }
0x54: {  	_ =	shalt  }
0x55: {  	_ =	shalt  }
0x56: {  	_ =	shalt  }
0x57: {  	_ =	shalt  }
0x58: {  	_ =	shalt  }
0x59: {  	_ =	shalt  }
0x5a: {  	_ =	shalt  }
0x5b: {  	_ =	shalt  }
0x5c: {  	_ =	shalt  }
0x5d: {  	_ =	shalt  }
0x5e: {  	_ =	shalt  }
0x5f: {  	_ =	shalt  }
0x60: {  	_ =	shalt  }
0x61: {  	_ =	shalt  }
0x62: {  	_ =	shalt  }
0x63: {  	_ =	shalt  }
0x64: {  	_ =	shalt  }
0x65: {  	_ =	shalt  }
0x66: {  	_ =	shalt  }
0x67: {  	_ =	shalt  }
0x68: {  	_ =	shalt  }
0x69: {  	_ =	shalt  }
0x6a: {  	_ =	shalt  }
0x6b: {  	_ =	shalt  }
0x6c: {  	_ =	shalt  }
0x6d: {  	_ =	shalt  }
0x6e: {  	_ =	shalt  }
0x6f: {  	_ =	shalt  }
0x70: {  	_ =	shalt  }
0x71: {  	_ =	shalt  }
0x72: {  	_ =	shalt  }
0x73: {  	_ =	shalt  }
0x74: {  	_ =	shalt  }
0x75: {  	_ =	shalt  }
0x76: {  	_ =	shalt  }
0x77: {  	_ =	shalt  }
0x78: {  	_ =	shalt  }
0x79: {  	_ =	shalt  }
0x7a: {  	_ =	shalt  }
0x7b: {  	_ =	shalt  }
0x7c: {  	_ =	shalt  }
0x7d: {  	_ =	shalt  }
0x7e: {  	_ =	shalt  }
0x7f: {  	_ =	shalt  }
0x80: {  	_ =	shalt  }
0x81: {  	_ =	shalt  }
0x82: {  	_ =	shalt  }
0x83: {  	_ =	shalt  }
0x84: {  	_ =	shalt  }
0x85: {  	_ =	shalt  }
0x86: {  	_ =	shalt  }
0x87: {  	_ =	shalt  }
.Lfunc_end0:
.L_simem_size_0:
called_computation.8_lowered:
.L_overlay_start_0:
0x88: {  	s2 =	sld [smem:$0x3FD9]  }
0x89: {  	s3 =	sld [smem:$0x3FFE];
	_ =	sdelay $0x1  }
0x8a: {  	s1 =	srdreg.scid  }
0x8b: {  	s0 =	sand.u32 $0x1, s1  }
0x8c: {  	s17 =	sshll.u32 s0, $0xA;
	s2 =	sadd.s32 s3, s2  }
0x8d: {  	s2 =	sadd.s32 s2, s17  }
0x8e: {  	[smem:$0x3FBD] =	sst s2  }
0x8f: {  	_ = 	snop  }
0x90: {  	(tm) =	ssettm $0x1  }
0x91: {  	s18 =	sld [smem:$0x3FFB];
	_ =	sdelay $0x3  }
0x92: {  	_ =	strace s18  }
0x93: {  	s2 =	sld [smem:$0x3FFC];
	_ =	sdelay $0x3  }
0x94: {  	_ =	strace s2  }
0x95: {  	s2 =	sld [smem:$0x3FFD];
	_ =	sdelay $0x3  }
0x96: {  	_ =	strace s2  }
0x97: {  	_ =	strace $0x8FFFFFFF  }
0x98: {  	s19 =	sld [smem:$0x3FDB];
	_ =	sdelay $0x1  }
0x99: {  	s20 =	simm.s32 $_scs_section_size  }
0x9a: {  	s4 =	simm.s32 $_size__tile_overlayer_lowered;
	s5 =	simm.s32 $_tile_overlayer_lowered  }
0x9b: {  	s6 =	simm.s32 $0x1BFF;
	s21 =	sshll.u32 s5, $0x1;
	s3 =	sadd.s32 s20, s19  }
0x9c: {  	s22 =	simm.s32 $0x0;
	s4 =	sshll.u32 s4, $0x1;
	s5 =	sadd.s32 s21, s3  }
0x9d: {  	[timem:s22], [sflag:s6] =	dma.local [hbm:s5], s4  }
0x9e: {  	_ =	swait.ge [sflag:s6], s4  }
0x9f: {  	s4 =	ssub.s32 $0x0, s4;
	[sflag:s6] =	ssyncset.done $0x0  }
0xa0: {  	[sflag:s6] =	ssyncadd.s32 s4;
	_ =	sdelay $0x1  }
0xa1: {  	s23 =	simm.s32 $0x1B8B  }
0xa2: {  	_ =	swait.ge [sflag:s23], $0x1  }
0xa3: {  	[sflag:s23] =	ssyncset.done $0x0  }
0xa4: {  	[sflag:s23] =	ssyncadd.s32 $0xFFFFFFFF  }
0xa5: {  	s4 =	sld [smem:$0x0]  }
0xa6: {  	s5 =	sand.u32 $0xFFFFFFFE, s1  }
0xa7: {  	p0 =	sne.s32 s1, s5  }
0xa8: {  	s5 =	sshll.u32 @p0 s5, $0xE  }
0xa9: {  	s5 =	sadd.s32 @p0 $0x11B8D, s5;
	s6 =	sshll.u32 @p0 s4, $0x11  }
0xaa: {  	s5 =	sor.u32 @p0 s6, s5  }
0xab: {  	[sflag:s5] =	ssyncadd.remote.s32 @p0 $0x1;
	_ =	sdelay $0x1  }
0xac: {  	s5 =	simm.s32 @p0 $0x1B8D  }
0xad: {  	_ =	swait.eq @p0 [sflag:s5], $0x1  }
0xae: {  	[sflag:s5] =	ssyncadd.s32 @p0 $0xFFFFFFFF  }
0xaf: {  	s6 =	sshll.u32 @!p0 s1, $0xE  }
0xb0: {  	s6 =	sor.u32 @!p0 $0x4000, s6;
	s5 =	simm.s32 @!p0 $0x1B8D  }
0xb1: {  	s4 =	sshll.u32 @!p0 s4, $0x11;
	s6 =	sadd.s32 @!p0 $0x11B8D, s6;
	_ =	swait.eq @!p0 [sflag:s5], $0x1  }
0xb2: {  	s4 =	sor.u32 @!p0 s4, s6;
	[sflag:s5] =	ssyncadd.s32 @!p0 $0xFFFFFFFF  }
0xb3: {  	s25 =	simm.s32 $0x1B8E;
	s24 =	sld [smem:$0x3FFE];
	[sflag:s4] =	ssyncadd.remote.s32 @!p0 $0x1  }
0xb4: {  	s26 =	simm.s32 $execute0_lowered;
	[smem:$0x3FD2] =	sst s25  }
0xb5: {  	s5 =	sshll.u32 s26, $0x1;
	_ =	strace $0x8000005E;
	[dreg:$0x1] =	wrdreg $0xFFFFFFFF  }
0xb6: {  	s28 =	simm.s32 $_size_execute0_lowered;
	s3 =	sadd.s32 s3, s5;
	[dreg:$0x0] =	wrdreg $0x0  }
0xb7: {  	s5 =	sshll.u32 s28, $0x1;
	[dreg:$0x2] =	wrdreg s3  }
0xb8: {  	[dreg:$0x3] =	wrdreg s5  }
0xb9: {  	[dreg:$0x4] =	wrdreg $0xC0  }
0xba: {  	_ =	task [dreg:s22], $0x5FFFF  }
0xbb: {  	[dreg:$0x1] =	wrdreg $0xFFFFFFFF  }
0xbc: {  	[dreg:$0x0] =	wrdreg $0x60  }
0xbd: {  	[dreg:$0x2] =	wrdreg s24  }
0xbe: {  	[dreg:$0x3] =	wrdreg $0x48000  }
0xbf: {  	[dreg:$0x4] =	wrdreg $0xA  }
0xc0: {  	_ =	task.clear_ibuf [dreg:s22], $0x5FFFF;
	_ =	strace $0x9000005E  }
0xc1: {  	s29 =	simm.s32 $0xA;
	_ =	strace $0x80000060  }
0xc2: {  	_ =	swait.ge [sflag:s29], $0x1  }
0xc3: {  	[sflag:s29] =	ssyncadd.s32 $0xFFFFFFFF  }
0xc4: {  	_ =	strace $0x90000060  }
0xc5: {  	_ =	sfence  }
0xc6: {  	s30 =	sld [smem:$0x0];
	_ =	sdelay $0x2  }
0xc7: {  	s31 =	sshll.u32 s1, $0xD;
	s1 =	sshrl.u32 s1, $0x2  }
0xc8: {  	s4 =	sand.u32 $0x4000, s31;
	s1 =	sadd.s32 s1, s30  }
0xc9: {  	s0 =	sor.u32 s4, s0;
	s1 =	sshll.u32 s1, $0x11  }
0xca: {  	s0 =	sor.u32 s1, s0  }
0xcb: {  	s0 =	sadd.s32 $0x8F2B, s0  }
0xcc: {  	[sflag:s0] =	ssyncadd.remote.s32 $0x1  }
0xcd: {  	_ =	sfence.sel $0xFFFF  }
0xce: {  	[dreg:$0x0] =	wrdreg $0xFFFFFFFF;
	(pc) =	sbr.abs _section_cstart, $3  }
0xcf: {  	[dreg:$0x1] =	wrdreg $0xFFFFFFFF  }
0xd0: {  	_ =	task.clear_ibuf [dreg:s22], $0x2FFFF;
	_ =	strace $0x9FFFFFFF  }
0xd1: {  	(tm) =	ssettm $0x7FFFFFFF  }
tec
execute0_lowered:
.L_overlay_start_1:
0x0: {  	(tag) =	ssettag $0x1  }
0x1: {  	s0 =	srdreg.scid;
	s12 =	rddreg [dreg:$0x0]  }
0x2: {  	s9 =	stileid.u32;
	s2 =	rddreg [dreg:$0x1]  }
0x3: {  	s3 =	simm.s32 $0x0;
	s1 =	sand.u32 $0x1, s0;
	s18 =	smul.u32 $0x4E000, s9  }
0x4: {  	s5 =	smul.u32 $0x13800, s9;
	[smem:$0x7FF] =	sst s3;
	s6 =	sadd.s32 $0x265A00, s12  }
0x5: {  	s19 =	sshll.u32 s9, $0x1;
	s21 =	sadd.s32 $0x138000, s2;
	s4 =	smul.u32 $0x138800, s1  }
0x6: {  	_ =	strace $0x8000005F;
	s7 =	sor.u32 s1, s19;
	s0 =	sshrl.u32 s18, $0x2  }
0x7: {  	[dreg:$0x5] =	wrdreg s21;
	s5 =	sadd.s32 s5, s4;
	s0 =	sadd.s32 s0, s2  }
0x8: {  	s22 =	sshrl.u32 s4, $0x3;
	s28 =	sshrl.u32 s5, $0x3;
	[dreg:$0x3] =	wrdreg s0  }
0x9: {  	s29 =	sadd.s32 $0x27000, s22;
	s20 =	sadd.s32 s6, s28;
	s23 =	rddreg [dreg:$0x3]  }
0xa: {  	s5 =	sshll.u32 s7, $0x8;
	s6 =	sadd.s32 s6, s29;
	[dreg:$0x4] =	wrdreg s20  }
0xb: {  	s24 =	sshll.u32 s9, $0x6;
	s5 =	sadd.s32 s5, s12;
	[dreg:$0x6] =	wrdreg s6  }
0xc: {  	s4 =	sor.u32 $0x1C01, s24;
	s5 =	sadd.s32 $0x263A00, s5;
	s8 =	rddreg [dreg:$0x4]  }
0xd: {  	s31 =	sshrl.u32 s23, $0x3;
	[dreg:$0x7] =	wrdreg s5;
	s5 =	simm.s32 $0x1  }
0xe: {  	[spmem:s31], [sflag:s4] =	dma.local [hbm:s8], $0x2700  }
0xf: {  	p0 =	sne.s32 s9, $0xF;
	_ =	swait.ge [sflag:s5], $0x2700  }
0x10: {  	s6 =	simm.s32 @!p0 $0x1;
	s0 =	rddreg [dreg:$0x5];
	[sflag:s5] =	ssyncset.done $0x0  }
0x11: {  	s8 =	rddreg [dreg:$0x6];
	[sflag:s5] =	ssyncadd.s32 $0xFFFFD900;
	s30 =	sshrl.u32 @!p0 s0, $0x3  }
0x12: {  	[spmem:s30], [sflag:s4] =	dma.local @!p0 [hbm:s8], $0x100  }
0x13: {  	_ =	swait.ge @!p0 [sflag:s6], $0x100  }
0x14: {  	[sflag:s6] =	ssyncset.done @!p0 $0x0  }
0x15: {  	s25 =	rddreg [dreg:$0x7];
	[sflag:s6] =	ssyncadd.s32 @!p0 $0xFFFFFF00  }
0x16: {  	[tilespmem:s3], [sflag:$0x1] =	stream.linear.gather [hbm4b:s25+s3], $0x500, $0x38;
	[tilespmem:$0x18080] =	vst v63  }
0x17: {  	s7 =	smul.u32 $0x5000, s7;
	_ =	swait.ge [sflag:s5], $0x500  }
0x18: {  	[sflag:s5] =	ssyncset.done $0x0  }
0x19: {  	s25 =	sadd.s32 s7, s12;
	[sflag:s5] =	ssyncadd.s32 $0xFFFFFB00  }
0x1a: {  	s8 =	simm.s32 $0x800;
	s7 =	sadd.s32 $0x122600, s25;
	[bflag:$0x0] =	sbarrier.arrive $0xFFFF  }
0x1b: {  	[tilespmem:s8], [sflag:$0x1] =	stream.linear.gather [hbm4b:s7+s3], $0x4000, $0x38;
	[tilespmem:$0x18080] =	vst v63  }
0x1c: {  	_ =	swait.ge [sflag:s5], $0x4000  }
0x1d: {  	[sflag:s5] =	ssyncset.done $0x0  }
0x1e: {  	s9 =	simm.s32 $0x80;
	[sflag:s5] =	ssyncadd.s32 $0xFFFFC000  }
0x1f: {  	[spmem:s2] =	stream.indirect.scatter.add.f32 [tilespmem:s8], [sflag:$0x1], $0x80, s3, s9, $0xb8;
	[tilespmem:$0x18080] =	vst v63  }
0x20: {  	_ =	swait.ge [sflag:s5], $0x4000  }
0x21: {  	[sflag:s5] =	ssyncset.done $0x0  }
0x22: {  	s10 =	sadd.s32 $0x122E00, s25;
	[sflag:s5] =	ssyncadd.s32 $0xFFFFC000  }
0x23: {  	[tilespmem:s8], [sflag:$0x1] =	stream.linear.gather [hbm4b:s10+s3], $0x4000, $0x38;
	[tilespmem:$0x18080] =	vst v63  }
0x24: {  	_ =	swait.ge [sflag:s5], $0x4000  }
0x25: {  	[sflag:s5] =	ssyncset.done $0x0  }
0x26: {  	[sflag:s5] =	ssyncadd.s32 $0xFFFFC000  }
0x27: {  	[spmem:s2] =	stream.indirect.scatter.add.f32 [tilespmem:s8], [sflag:$0x1], $0x80, s9, s9, $0xb8;
	[tilespmem:$0x18080] =	vst v63  }
0x28: {  	_ =	swait.ge [sflag:s5], $0x4000  }
0x29: {  	[sflag:s5] =	ssyncset.done $0x0  }
0x2a: {  	s11 =	sadd.s32 $0x123600, s25;
	[sflag:s5] =	ssyncadd.s32 $0xFFFFC000  }
0x2b: {  	[tilespmem:s8], [sflag:$0x1] =	stream.linear.gather [hbm4b:s11+s3], $0x4000, $0x38;
	[tilespmem:$0x18080] =	vst v63  }
0x2c: {  	_ =	swait.ge [sflag:s5], $0x4000  }
0x2d: {  	[sflag:s5] =	ssyncset.done $0x0  }
0x2e: {  	s26 =	simm.s32 $0x100;
	[sflag:s5] =	ssyncadd.s32 $0xFFFFC000  }
0x2f: {  	[spmem:s2] =	stream.indirect.scatter.add.f32 [tilespmem:s8], [sflag:$0x1], $0x80, s26, s9, $0xb8;
	[tilespmem:$0x18080] =	vst v63  }
0x30: {  	_ =	swait.ge [sflag:s5], $0x4000  }
0x31: {  	[sflag:s5] =	ssyncset.done $0x0  }
0x32: {  	s13 =	sadd.s32 $0x123E00, s25;
	[sflag:s5] =	ssyncadd.s32 $0xFFFFC000  }
0x33: {  	[tilespmem:s8], [sflag:$0x1] =	stream.linear.gather [hbm4b:s13+s3], $0x4000, $0x38;
	[tilespmem:$0x18080] =	vst v63  }
0x34: {  	_ =	swait.ge [sflag:s5], $0x4000  }
0x35: {  	[sflag:s5] =	ssyncset.done $0x0  }
0x36: {  	s14 =	simm.s32 $0x180;
	[sflag:s5] =	ssyncadd.s32 $0xFFFFC000  }
0x37: {  	[spmem:s2] =	stream.indirect.scatter.add.f32 [tilespmem:s8], [sflag:$0x1], $0x80, s14, s9, $0xb8;
	[tilespmem:$0x18080] =	vst v63  }
0x38: {  	_ =	swait.ge [sflag:s5], $0x4000  }
0x39: {  	[sflag:s5] =	ssyncset.done $0x0  }
0x3a: {  	s15 =	sadd.s32 $0x124600, s25;
	[sflag:s5] =	ssyncadd.s32 $0xFFFFC000  }
0x3b: {  	[tilespmem:s8], [sflag:$0x1] =	stream.linear.gather [hbm4b:s15+s3], $0x4000, $0x38;
	[tilespmem:$0x18080] =	vst v63  }
0x3c: {  	_ =	swait.ge [sflag:s5], $0x4000  }
0x3d: {  	[sflag:s5] =	ssyncset.done $0x0  }
0x3e: {  	s16 =	simm.s32 $0x200;
	[sflag:s5] =	ssyncadd.s32 $0xFFFFC000  }
0x3f: {  	[spmem:s2] =	stream.indirect.scatter.add.f32 [tilespmem:s8], [sflag:$0x1], $0x80, s16, s9, $0xb8;
	[tilespmem:$0x18080] =	vst v63  }
0x40: {  	_ =	swait.ge [sflag:s5], $0x4000  }
0x41: {  	[sflag:s5] =	ssyncset.done $0x0  }
0x42: {  	s17 =	sadd.s32 $0x124E00, s25;
	[sflag:s5] =	ssyncadd.s32 $0xFFFFC000  }
0x43: {  	[tilespmem:s8], [sflag:$0x1] =	stream.linear.gather [hbm4b:s17+s3], $0x4000, $0x38;
	[tilespmem:$0x18080] =	vst v63  }
0x44: {  	_ =	swait.ge [sflag:s5], $0x4000  }
0x45: {  	[sflag:s5] =	ssyncset.done $0x0  }
0x46: {  	s18 =	simm.s32 $0x280;
	[sflag:s5] =	ssyncadd.s32 $0xFFFFC000  }
0x47: {  	[spmem:s2] =	stream.indirect.scatter.add.f32 [tilespmem:s8], [sflag:$0x1], $0x80, s18, s9, $0xb8;
	[tilespmem:$0x18080] =	vst v63  }
0x48: {  	_ =	swait.ge [sflag:s5], $0x4000  }
0x49: {  	[sflag:s5] =	ssyncset.done $0x0  }
0x4a: {  	s19 =	sadd.s32 $0x125600, s25;
	[sflag:s5] =	ssyncadd.s32 $0xFFFFC000  }
0x4b: {  	[tilespmem:s8], [sflag:$0x1] =	stream.linear.gather [hbm4b:s19+s3], $0x4000, $0x38;
	[tilespmem:$0x18080] =	vst v63  }
0x4c: {  	_ =	swait.ge [sflag:s5], $0x4000  }
0x4d: {  	[sflag:s5] =	ssyncset.done $0x0  }
0x4e: {  	s20 =	simm.s32 $0x300;
	[sflag:s5] =	ssyncadd.s32 $0xFFFFC000  }
0x4f: {  	[spmem:s2] =	stream.indirect.scatter.add.f32 [tilespmem:s8], [sflag:$0x1], $0x80, s20, s9, $0xb8;
	[tilespmem:$0x18080] =	vst v63  }
0x50: {  	_ =	swait.ge [sflag:s5], $0x4000  }
0x51: {  	[sflag:s5] =	ssyncset.done $0x0  }
0x52: {  	s21 =	sadd.s32 $0x125E00, s25;
	[sflag:s5] =	ssyncadd.s32 $0xFFFFC000  }
0x53: {  	[tilespmem:s8], [sflag:$0x1] =	stream.linear.gather [hbm4b:s21+s3], $0x4000, $0x38;
	[tilespmem:$0x18080] =	vst v63  }
0x54: {  	_ =	swait.ge [sflag:s5], $0x4000  }
0x55: {  	[sflag:s5] =	ssyncset.done $0x0  }
0x56: {  	s22 =	simm.s32 $0x380;
	[sflag:s5] =	ssyncadd.s32 $0xFFFFC000  }
0x57: {  	[spmem:s2] =	stream.indirect.scatter.add.f32 [tilespmem:s8], [sflag:$0x1], $0x80, s22, s9, $0xb8;
	[tilespmem:$0x18080] =	vst v63  }
0x58: {  	_ =	swait.ge [sflag:s5], $0x4000  }
0x59: {  	[sflag:s5] =	ssyncset.done $0x0  }
0x5a: {  	s23 =	sadd.s32 $0x126600, s25;
	[sflag:s5] =	ssyncadd.s32 $0xFFFFC000  }
0x5b: {  	[tilespmem:s8], [sflag:$0x1] =	stream.linear.gather [hbm4b:s23+s3], $0x4000, $0x38;
	[tilespmem:$0x18080] =	vst v63  }
0x5c: {  	_ =	swait.ge [sflag:s5], $0x4000  }
0x5d: {  	[sflag:s5] =	ssyncset.done $0x0  }
0x5e: {  	s24 =	simm.s32 $0x400;
	[sflag:s5] =	ssyncadd.s32 $0xFFFFC000  }
0x5f: {  	[spmem:s2] =	stream.indirect.scatter.add.f32 [tilespmem:s8], [sflag:$0x1], $0x80, s24, s9, $0xb8;
	[tilespmem:$0x18080] =	vst v63  }
0x60: {  	_ =	swait.ge [sflag:s5], $0x4000  }
0x61: {  	[sflag:s5] =	ssyncset.done $0x0  }
0x62: {  	s25 =	sadd.s32 $0x126E00, s25;
	[sflag:s5] =	ssyncadd.s32 $0xFFFFC000  }
0x63: {  	[tilespmem:s8], [sflag:$0x1] =	stream.linear.gather [hbm4b:s25+s3], $0x4000, $0x38;
	[tilespmem:$0x18080] =	vst v63  }
0x64: {  	_ =	swait.ge [sflag:s5], $0x4000  }
0x65: {  	[sflag:s5] =	ssyncset.done $0x0  }
0x66: {  	s26 =	simm.s32 $0x480;
	[sflag:s5] =	ssyncadd.s32 $0xFFFFC000  }
0x67: {  	[spmem:s2] =	stream.indirect.scatter.add.f32 [tilespmem:s8], [sflag:$0x1], $0x80, s26, s9, $0xb8;
	[tilespmem:$0x18080] =	vst v63  }
0x68: {  	_ =	swait.ge [sflag:s5], $0x4000  }
0x69: {  	[sflag:s5] =	ssyncset.done $0x0  }
0x6a: {  	s0 =	sadd.s32 $0x1C2600, s12;
	[sflag:s5] =	ssyncadd.s32 $0xFFFFC000  }
0x6b: {  	s1 =	ssub.s32 $0x2, s1;
	s28 =	sadd.s32 s0, s28;
	[bflag:$0x0] =	sbarrier.arrive $0xFFFF  }
0x6c: {  	[hbm:s28], [sflag:s4] =	dma.local [spmem:s31], $0x2700  }
0x6d: {  	s12 =	sshrl.u32 s1, $0x1;
	_ =	swait.ge [sflag:s5], $0x2700  }
0x6e: {  	s1 =	ssub.s32 s1, s12;
	[sflag:s5] =	ssyncset.done $0x0  }
0x6f: {  	s29 =	sadd.s32 s0, s29;
	s31 =	smax.u32 s1, $0x1;
	[sflag:s5] =	ssyncadd.s32 $0xFFFFD900  }
0x70: {  	[hbm:s29], [sflag:s4] =	dma.local @!p0 [spmem:s30], $0x100  }
0x71: {  	s30 =	sadd.s32 $0xFFFFFFFF, s31  }
0x72: {  	p1 =	sne.s32 s30, $0x0  }
.Ltmp0:
0x73: {  	_ = 	snop;
	(pc) =	sbr.rel @!p1 .LBB2_2-.Ltmp0, $2  }
0x74: {  	_ =	sdelay $0x2  }
0x75: {  	_ =	swait.ge @!p0 [sflag:s6], $0x100  }
.LBB2_1:
0x76: {  	s0 =	rddreg [dreg:$0x3];
	[sflag:s6] =	ssyncset.done @!p0 $0x0  }
0x77: {  	s1 =	rddreg [dreg:$0x4];
	s31 =	sshrl.u32 s0, $0x3;
	[sflag:s6] =	ssyncadd.s32 @!p0 $0xFFFFFF00  }
0x78: {  	[spmem:s31], [sflag:s4] =	dma.local [hbm:s1], $0x2700  }
0x79: {  	_ =	swait.ge [sflag:s5], $0x2700  }
0x7a: {  	[sflag:s5] =	ssyncset.done $0x0;
	s0 =	rddreg [dreg:$0x5]  }
0x7b: {  	s12 =	rddreg [dreg:$0x6];
	[sflag:s5] =	ssyncadd.s32 $0xFFFFD900;
	s1 =	sshrl.u32 @!p0 s0, $0x3  }
0x7c: {  	[spmem:s1], [sflag:s4] =	dma.local @!p0 [hbm:s12], $0x100  }
0x7d: {  	_ =	swait.ge @!p0 [sflag:s6], $0x100  }
0x7e: {  	[sflag:s6] =	ssyncset.done @!p0 $0x0  }
0x7f: {  	s12 =	rddreg [dreg:$0x7];
	[sflag:s6] =	ssyncadd.s32 @!p0 $0xFFFFFF00  }
0x80: {  	[tilespmem:s3], [sflag:$0x1] =	stream.linear.gather [hbm4b:s12+s3], $0x500, $0x38;
	[tilespmem:$0x18080] =	vst v63  }
0x81: {  	_ =	swait.ge [sflag:s5], $0x500  }
0x82: {  	[sflag:s5] =	ssyncset.done $0x0  }
0x83: {  	[sflag:s5] =	ssyncadd.s32 $0xFFFFFB00  }
0x84: {  	[bflag:$0x0] =	sbarrier.arrive $0xFFFF  }
0x85: {  	[tilespmem:s8], [sflag:$0x1] =	stream.linear.gather [hbm4b:s7+s3], $0x4000, $0x38;
	[tilespmem:$0x18080] =	vst v63  }
0x86: {  	_ =	swait.ge [sflag:s5], $0x4000  }
0x87: {  	[sflag:s5] =	ssyncset.done $0x0  }
0x88: {  	[sflag:s5] =	ssyncadd.s32 $0xFFFFC000  }
0x89: {  	[spmem:s2] =	stream.indirect.scatter.add.f32 [tilespmem:s8], [sflag:$0x1], $0x80, s3, s9, $0xb8;
	[tilespmem:$0x18080] =	vst v63  }
0x8a: {  	_ =	swait.ge [sflag:s5], $0x4000  }
0x8b: {  	[sflag:s5] =	ssyncset.done $0x0  }
0x8c: {  	[sflag:s5] =	ssyncadd.s32 $0xFFFFC000  }
0x8d: {  	[tilespmem:s8], [sflag:$0x1] =	stream.linear.gather [hbm4b:s10+s3], $0x4000, $0x38;
	[tilespmem:$0x18080] =	vst v63  }
0x8e: {  	_ =	swait.ge [sflag:s5], $0x4000  }
0x8f: {  	[sflag:s5] =	ssyncset.done $0x0  }
0x90: {  	[sflag:s5] =	ssyncadd.s32 $0xFFFFC000  }
0x91: {  	[spmem:s2] =	stream.indirect.scatter.add.f32 [tilespmem:s8], [sflag:$0x1], $0x80, s9, s9, $0xb8;
	[tilespmem:$0x18080] =	vst v63  }
0x92: {  	_ =	swait.ge [sflag:s5], $0x4000  }
0x93: {  	[sflag:s5] =	ssyncset.done $0x0  }
0x94: {  	[sflag:s5] =	ssyncadd.s32 $0xFFFFC000  }
0x95: {  	[tilespmem:s8], [sflag:$0x1] =	stream.linear.gather [hbm4b:s11+s3], $0x4000, $0x38;
	[tilespmem:$0x18080] =	vst v63  }
0x96: {  	_ =	swait.ge [sflag:s5], $0x4000  }
0x97: {  	[sflag:s5] =	ssyncset.done $0x0  }
0x98: {  	s12 =	simm.s32 $0x100;
	[sflag:s5] =	ssyncadd.s32 $0xFFFFC000  }
0x99: {  	[spmem:s2] =	stream.indirect.scatter.add.f32 [tilespmem:s8], [sflag:$0x1], $0x80, s12, s9, $0xb8;
	[tilespmem:$0x18080] =	vst v63  }
0x9a: {  	_ =	swait.ge [sflag:s5], $0x4000  }
0x9b: {  	[sflag:s5] =	ssyncset.done $0x0  }
0x9c: {  	[sflag:s5] =	ssyncadd.s32 $0xFFFFC000  }
0x9d: {  	[tilespmem:s8], [sflag:$0x1] =	stream.linear.gather [hbm4b:s13+s3], $0x4000, $0x38;
	[tilespmem:$0x18080] =	vst v63  }
0x9e: {  	_ =	swait.ge [sflag:s5], $0x4000  }
0x9f: {  	[sflag:s5] =	ssyncset.done $0x0  }
0xa0: {  	[sflag:s5] =	ssyncadd.s32 $0xFFFFC000  }
0xa1: {  	[spmem:s2] =	stream.indirect.scatter.add.f32 [tilespmem:s8], [sflag:$0x1], $0x80, s14, s9, $0xb8;
	[tilespmem:$0x18080] =	vst v63  }
0xa2: {  	_ =	swait.ge [sflag:s5], $0x4000  }
0xa3: {  	[sflag:s5] =	ssyncset.done $0x0  }
0xa4: {  	[sflag:s5] =	ssyncadd.s32 $0xFFFFC000  }
0xa5: {  	[tilespmem:s8], [sflag:$0x1] =	stream.linear.gather [hbm4b:s15+s3], $0x4000, $0x38;
	[tilespmem:$0x18080] =	vst v63  }
0xa6: {  	_ =	swait.ge [sflag:s5], $0x4000  }
0xa7: {  	[sflag:s5] =	ssyncset.done $0x0  }
0xa8: {  	[sflag:s5] =	ssyncadd.s32 $0xFFFFC000  }
0xa9: {  	[spmem:s2] =	stream.indirect.scatter.add.f32 [tilespmem:s8], [sflag:$0x1], $0x80, s16, s9, $0xb8;
	[tilespmem:$0x18080] =	vst v63  }
0xaa: {  	_ =	swait.ge [sflag:s5], $0x4000  }
0xab: {  	[sflag:s5] =	ssyncset.done $0x0  }
0xac: {  	[sflag:s5] =	ssyncadd.s32 $0xFFFFC000  }
0xad: {  	[tilespmem:s8], [sflag:$0x1] =	stream.linear.gather [hbm4b:s17+s3], $0x4000, $0x38;
	[tilespmem:$0x18080] =	vst v63  }
0xae: {  	_ =	swait.ge [sflag:s5], $0x4000  }
0xaf: {  	[sflag:s5] =	ssyncset.done $0x0  }
0xb0: {  	[sflag:s5] =	ssyncadd.s32 $0xFFFFC000  }
0xb1: {  	[spmem:s2] =	stream.indirect.scatter.add.f32 [tilespmem:s8], [sflag:$0x1], $0x80, s18, s9, $0xb8;
	[tilespmem:$0x18080] =	vst v63  }
0xb2: {  	_ =	swait.ge [sflag:s5], $0x4000  }
0xb3: {  	[sflag:s5] =	ssyncset.done $0x0  }
0xb4: {  	[sflag:s5] =	ssyncadd.s32 $0xFFFFC000  }
0xb5: {  	[tilespmem:s8], [sflag:$0x1] =	stream.linear.gather [hbm4b:s19+s3], $0x4000, $0x38;
	[tilespmem:$0x18080] =	vst v63  }
0xb6: {  	_ =	swait.ge [sflag:s5], $0x4000  }
0xb7: {  	[sflag:s5] =	ssyncset.done $0x0  }
0xb8: {  	[sflag:s5] =	ssyncadd.s32 $0xFFFFC000  }
0xb9: {  	[spmem:s2] =	stream.indirect.scatter.add.f32 [tilespmem:s8], [sflag:$0x1], $0x80, s20, s9, $0xb8;
	[tilespmem:$0x18080] =	vst v63  }
0xba: {  	_ =	swait.ge [sflag:s5], $0x4000  }
0xbb: {  	[sflag:s5] =	ssyncset.done $0x0  }
0xbc: {  	[sflag:s5] =	ssyncadd.s32 $0xFFFFC000  }
0xbd: {  	[tilespmem:s8], [sflag:$0x1] =	stream.linear.gather [hbm4b:s21+s3], $0x4000, $0x38;
	[tilespmem:$0x18080] =	vst v63  }
0xbe: {  	_ =	swait.ge [sflag:s5], $0x4000  }
0xbf: {  	[sflag:s5] =	ssyncset.done $0x0  }
0xc0: {  	[sflag:s5] =	ssyncadd.s32 $0xFFFFC000  }
0xc1: {  	[spmem:s2] =	stream.indirect.scatter.add.f32 [tilespmem:s8], [sflag:$0x1], $0x80, s22, s9, $0xb8;
	[tilespmem:$0x18080] =	vst v63  }
0xc2: {  	_ =	swait.ge [sflag:s5], $0x4000  }
0xc3: {  	[sflag:s5] =	ssyncset.done $0x0  }
0xc4: {  	[sflag:s5] =	ssyncadd.s32 $0xFFFFC000  }
0xc5: {  	[tilespmem:s8], [sflag:$0x1] =	stream.linear.gather [hbm4b:s23+s3], $0x4000, $0x38;
	[tilespmem:$0x18080] =	vst v63  }
0xc6: {  	_ =	swait.ge [sflag:s5], $0x4000  }
0xc7: {  	[sflag:s5] =	ssyncset.done $0x0  }
0xc8: {  	[sflag:s5] =	ssyncadd.s32 $0xFFFFC000  }
0xc9: {  	[spmem:s2] =	stream.indirect.scatter.add.f32 [tilespmem:s8], [sflag:$0x1], $0x80, s24, s9, $0xb8;
	[tilespmem:$0x18080] =	vst v63  }
0xca: {  	_ =	swait.ge [sflag:s5], $0x4000  }
0xcb: {  	[sflag:s5] =	ssyncset.done $0x0  }
0xcc: {  	[sflag:s5] =	ssyncadd.s32 $0xFFFFC000  }
0xcd: {  	[tilespmem:s8], [sflag:$0x1] =	stream.linear.gather [hbm4b:s25+s3], $0x4000, $0x38;
	[tilespmem:$0x18080] =	vst v63  }
0xce: {  	_ =	swait.ge [sflag:s5], $0x4000  }
0xcf: {  	[sflag:s5] =	ssyncset.done $0x0  }
0xd0: {  	[sflag:s5] =	ssyncadd.s32 $0xFFFFC000  }
0xd1: {  	[spmem:s2] =	stream.indirect.scatter.add.f32 [tilespmem:s8], [sflag:$0x1], $0x80, s26, s9, $0xb8;
	[tilespmem:$0x18080] =	vst v63  }
0xd2: {  	_ =	swait.ge [sflag:s5], $0x4000  }
0xd3: {  	[sflag:s5] =	ssyncset.done $0x0  }
0xd4: {  	s30 =	sadd.s32 $0xFFFFFFFF, s30;
	[sflag:s5] =	ssyncadd.s32 $0xFFFFC000  }
0xd5: {  	p1 =	sne.s32 s30, $0x0;
	[bflag:$0x0] =	sbarrier.arrive $0xFFFF  }
0xd6: {  	[hbm:s28], [sflag:s4] =	dma.local [spmem:s31], $0x2700  }
.Ltmp1:
0xd7: {  	_ =	swait.ge [sflag:s5], $0x2700;
	(pc) =	sbr.rel @p1 .LBB2_1-.Ltmp1, $4  }
0xd8: {  	[sflag:s5] =	ssyncset.done $0x0  }
0xd9: {  	[sflag:s5] =	ssyncadd.s32 $0xFFFFD900  }
0xda: {  	[hbm:s29], [sflag:s4] =	dma.local @!p0 [spmem:s1], $0x100  }
0xdb: {  	_ =	swait.ge @!p0 [sflag:s6], $0x100  }
.LBB2_2:
0xdc: {  	[sflag:s6] =	ssyncset.done @!p0 $0x0  }
0xdd: {  	[sflag:s6] =	ssyncadd.s32 @!p0 $0xFFFFFF00  }
0xde: {  	_ =	sfence.sel $0x180000  }
0xdf: {  	[bflag:$0x0] =	sbarrier.arrive $0xFFFF  }
0xe0: {  	_ =	strace $0x9000005F  }
0xe1: {  	s0 =	stileid.u32;
	[bflag:$0x2] =	sbarrier.arrive $0xFFFF  }
0xe2: {  	p0 =	sne.s32 s0, $0x0;
	s0 =	rddreg [dreg:$0x2]  }
0xe3: {  	s0 =	sadd.s32 @!p0 $0x100000, s0  }
0xe4: {  	[sflag:s0] =	ssyncadd.tile.s32 @!p0 $0x1;
	_ =	shalt  }
.Lfunc_end2:
_tile_overlayer_lowered:
.L_overlay_start_2:
0xe5: {  	(tag) =	ssettag $0x2  }
0xe6: {  	s0 =	rddreg [dreg:$0x0];
	s2 =	stileid.u32  }
0xe7: {  	s1 =	rddreg [dreg:$0x1];
	p0 =	sne.s32 s2, $0x0  }
0xe8: {  	s3 =	rddreg [dreg:$0x2];
	[bflag:$0x3] =	sbarrier.arrive $0xFFFF;
	s2 =	simm.s32 @!p0 $0x1C01  }
0xe9: {  	[timem:s3], [sflag:s2] =	dma.local @!p0 [hbm:s0], s1  }
0xea: {  	s0 =	simm.s32 @!p0 $0x1  }
0xeb: {  	_ =	swait.ge @!p0 [sflag:s0], s1  }
0xec: {  	s1 =	ssub.s32 @!p0 $0x0, s1;
	[sflag:s0] =	ssyncset.done @!p0 $0x0  }
0xed: {  	[sflag:s0] =	ssyncadd.s32 @!p0 s1  }
0xee: {  	[bflag:$0x3] =	sbarrier.arrive $0xFFFF  }
0xef: {  	_ =	shalt  }

// kernel: kernel.45.cloned.1.call-start
scs
__scs_entry_jumppad:
0x0: {  	(pc) =	sbr.rel $0x88, $3  }
0x1: {  	(tag) =	ssettag $0x0;
	lr =	simm.s32 $0x1  }
0x2: {  	[smem:$0x3F96] =	sst lr;
	_ =	strace $0xD0000000  }
0x3: {  	_ = 	snop  }
0x4: {  	_ = 	snop  }
0x5: {  	_ = 	snop  }
0x6: {  	_ = 	snop  }
0x7: {  	_ = 	snop  }
__scs_overlays_trampoline_lowered:
0x8: {  	[smem:$0x3FA5] =	sst s0  }
0x9: {  	[smem:$0x3FA6] =	sst s1  }
0xa: {  	[smem:$0x3FA7] =	sst s2  }
0xb: {  	[smem:$0x3FA8] =	sst s3  }
0xc: {  	[smem:$0x3FA9] =	sst s4  }
0xd: {  	[smem:$0x3FAA] =	sst s5  }
0xe: {  	[smem:$0x3FAB] =	sst s6  }
0xf: {  	[smem:$0x3FAC] =	sst s7  }
0x10: {  	[smem:$0x3FAD] =	sst s8  }
0x11: {  	[smem:$0x3FAE] =	sst s9;
	s0 =	simm.s32 @!p0 $0x0  }
0x12: {  	s1 =	sld [smem:$0x3F94];
	s0 =	simm.s32 @p0 $0x1  }
0x13: {  	[smem:$0x3FAF] =	sst s0;
	s0 =	simm.s32 @!p1 $0x0  }
0x14: {  	s2 =	sld [smem:$0x3F93];
	s0 =	simm.s32 @p1 $0x1  }
0x15: {  	[smem:$0x3FB0] =	sst s0;
	s0 =	simm.s32 @!p2 $0x0  }
0x16: {  	s3 =	sld [smem:$0x3FDB];
	s0 =	simm.s32 @p2 $0x1  }
0x17: {  	s4 =	simm.s32 $0x1BF5;
	[smem:$0x3FB2] =	sst s0  }
0x18: {  	s0 =	sld [smem:$0x3F95];
	_ =	swait.ge [sflag:s4], $0x0  }
0x19: {  	s7 =	sld [smem:$0x3F96]  }
0x1a: {  	s8 =	sadd.s32 $0xFFFFE003, lr  }
0x1b: {  	s9 =	sadd.s32 $0xFFFFFEF7, lr;
	s5 =	simm.s32 $0xFFFFFFFF;
	p2 =	slt.u32 s8, $0xFFFFF086  }
0x1c: {  	p1 =	slt.u32 s9, $0xF7A;
	s5 =	simm.s32 @!p2 $0x0  }
0x1d: {  	s5 =	simm.s32 @p1 $0x1;
	p0 =	seq.s32 s7, s2  }
0x1e: {  	s7 =	smul.u32 @!p0 $0xF7A, s2;
	p2 =	seq.s32 @!p0 s5, $0x0  }
0x1f: {  	s9 =	smul.u32 $0xF7A, s1;
	s8 =	simm.s32 @!p0 $0x1BF5;
	p2 =	por !p2, p0  }
0x20: {  	[sflag:s8] =	ssyncset.s32 @!p0 $0xFFFFF086;
	s6 =	sadd.s32 @!p0 s3, s7;
	s7 =	simm.s32 @!p0 $0x108  }
0x21: {  	s3 =	sadd.s32 s3, s9;
	s6 =	sadd.s32 @!p0 $0x88, s6;
	s7 =	simm.s32 @p2 $0x1082  }
0x22: {  	[simem:s7], [sflag:s8] =	dma.local @!p0 [hbm:s6], $0xF7A  }
0x23: {  	s9 =	sor.u32 $0xD0000000, s2;
	s6 =	simm.s32 $0x108;
	_ =	swait.ge @!p0 [sflag:s8], $0x0  }
0x24: {  	s3 =	sadd.s32 $0x88, s3;
	s6 =	simm.s32 @!p1 $0x1082;
	[sflag:s4] =	ssyncset.s32 $0xFFFFF086  }
0x25: {  	[simem:s6], [sflag:s4] =	dma.local [hbm:s3], $0xF7A  }
0x26: {  	[smem:$0x3F96] =	sst s1;
	(tag) =	ssettag s2;
	_ =	strace s9  }
0x27: {  	s1 =	sld [smem:$0x3FA6]  }
0x28: {  	s2 =	sld [smem:$0x3FA7]  }
0x29: {  	s4 =	sld [smem:$0x3FA9]  }
0x2a: {  	p0 =	seq.s32 s5, $0x0;
	s5 =	sld [smem:$0x3FAA]  }
0x2b: {  	s6 =	sld [smem:$0x3FAB]  }
0x2c: {  	s7 =	sld [smem:$0x3FAC]  }
0x2d: {  	s3 =	simm.s32 $0x108;
	s8 =	sld [smem:$0x3FAD]  }
0x2e: {  	s3 =	simm.s32 @!p0 $0x1082;
	s9 =	sld [smem:$0x3FAE]  }
0x2f: {  	lr =	sadd.s32 s0, s3;
	s0 =	sld [smem:$0x3FA5]  }
0x30: {  	s3 =	sld [smem:$0x3FA8]  }
0x31: {  	[smem:$0x3FB1] =	sst s10  }
0x32: {  	s10 =	sld [smem:$0x3FAF];
	_ =	sdelay $0x3  }
0x33: {  	p0 =	seq.s32 s10, $0x1;
	s10 =	sld [smem:$0x3FB1];
	_ =	sdelay $0x3  }
0x34: {  	[smem:$0x3FB1] =	sst s10  }
0x35: {  	s10 =	sld [smem:$0x3FB0];
	_ =	sdelay $0x3  }
0x36: {  	p1 =	seq.s32 s10, $0x1;
	s10 =	sld [smem:$0x3FB1];
	_ =	sdelay $0x3  }
0x37: {  	[smem:$0x3FB1] =	sst s10  }
0x38: {  	s10 =	sld [smem:$0x3FB2]  }
0x39: {  	_ = 	snop;
	(pc) =	sbr.ind lr, $3  }
0x3a: {  	_ = 	snop  }
0x3b: {  	_ = 	snop  }
0x3c: {  	p2 =	seq.s32 s10, $0x1;
	s10 =	sld [smem:$0x3FB1]  }
0x3d: {  	_ =	shalt  }
0x3e: {  	_ =	shalt  }
0x3f: {  	_ =	shalt  }
0x40: {  	_ =	shalt  }
0x41: {  	_ =	shalt  }
0x42: {  	_ =	shalt  }
0x43: {  	_ =	shalt  }
0x44: {  	_ =	shalt  }
0x45: {  	_ =	shalt  }
0x46: {  	_ =	shalt  }
0x47: {  	_ =	shalt  }
0x48: {  	_ =	shalt  }
0x49: {  	_ =	shalt  }
0x4a: {  	_ =	shalt  }
0x4b: {  	_ =	shalt  }
0x4c: {  	_ =	shalt  }
0x4d: {  	_ =	shalt  }
0x4e: {  	_ =	shalt  }
0x4f: {  	_ =	shalt  }
0x50: {  	_ =	shalt  }
0x51: {  	_ =	shalt  }
0x52: {  	_ =	shalt  }
0x53: {  	_ =	shalt  }
0x54: {  	_ =	shalt  }
0x55: {  	_ =	shalt  }
0x56: {  	_ =	shalt  }
0x57: {  	_ =	shalt  }
0x58: {  	_ =	shalt  }
0x59: {  	_ =	shalt  }
0x5a: {  	_ =	shalt  }
0x5b: {  	_ =	shalt  }
0x5c: {  	_ =	shalt  }
0x5d: {  	_ =	shalt  }
0x5e: {  	_ =	shalt  }
0x5f: {  	_ =	shalt  }
0x60: {  	_ =	shalt  }
0x61: {  	_ =	shalt  }
0x62: {  	_ =	shalt  }
0x63: {  	_ =	shalt  }
0x64: {  	_ =	shalt  }
0x65: {  	_ =	shalt  }
0x66: {  	_ =	shalt  }
0x67: {  	_ =	shalt  }
0x68: {  	_ =	shalt  }
0x69: {  	_ =	shalt  }
0x6a: {  	_ =	shalt  }
0x6b: {  	_ =	shalt  }
0x6c: {  	_ =	shalt  }
0x6d: {  	_ =	shalt  }
0x6e: {  	_ =	shalt  }
0x6f: {  	_ =	shalt  }
0x70: {  	_ =	shalt  }
0x71: {  	_ =	shalt  }
0x72: {  	_ =	shalt  }
0x73: {  	_ =	shalt  }
0x74: {  	_ =	shalt  }
0x75: {  	_ =	shalt  }
0x76: {  	_ =	shalt  }
0x77: {  	_ =	shalt  }
0x78: {  	_ =	shalt  }
0x79: {  	_ =	shalt  }
0x7a: {  	_ =	shalt  }
0x7b: {  	_ =	shalt  }
0x7c: {  	_ =	shalt  }
0x7d: {  	_ =	shalt  }
0x7e: {  	_ =	shalt  }
0x7f: {  	_ =	shalt  }
0x80: {  	_ =	shalt  }
0x81: {  	_ =	shalt  }
0x82: {  	_ =	shalt  }
0x83: {  	_ =	shalt  }
0x84: {  	_ =	shalt  }
0x85: {  	_ =	shalt  }
0x86: {  	_ =	shalt  }
0x87: {  	_ =	shalt  }
.Lfunc_end0:
.L_simem_size_0:
called_computation.9_lowered:
.L_overlay_start_0:
0x88: {  	s2 =	sld [smem:$0x3FD9]  }
0x89: {  	s3 =	sld [smem:$0x3FFE];
	_ =	sdelay $0x1  }
0x8a: {  	s1 =	srdreg.scid  }
0x8b: {  	s0 =	sand.u32 $0x1, s1  }
0x8c: {  	s14 =	sshll.u32 s0, $0xA;
	s2 =	sadd.s32 s3, s2  }
0x8d: {  	s2 =	sadd.s32 s2, s14  }
0x8e: {  	[smem:$0x3FBD] =	sst s2  }
0x8f: {  	_ = 	snop  }
0x90: {  	s2 =	sld [smem:$0x3FD0];
	_ =	sdelay $0x2  }
0x91: {  	s15 =	simm.s32 $0xC;
	s4 =	simm.s32 $0x10  }
0x92: {  	[smem:s4], [sflag:s15] =	dma.local [hbm:s2], $0x1  }
0x93: {  	_ =	swait.eq [sflag:s15], $0x1  }
0x94: {  	[sflag:s15] =	ssyncset.done $0x0  }
0x95: {  	[sflag:s15] =	ssyncadd.s32 $0xFFFFFFFF  }
0x96: {  	s16 =	sld [smem:$0x10];
	(tm) =	ssettm $0x1  }
0x97: {  	s17 =	sld [smem:$0x3FFB];
	_ =	sdelay $0x3  }
0x98: {  	_ =	strace s17  }
0x99: {  	s3 =	sld [smem:$0x3FFC];
	_ =	sdelay $0x3  }
0x9a: {  	_ =	strace s3  }
0x9b: {  	s3 =	sld [smem:$0x3FFD];
	_ =	sdelay $0x3  }
0x9c: {  	_ =	strace s3  }
0x9d: {  	_ =	strace $0x8FFFFFFF  }
0x9e: {  	s18 =	sld [smem:$0x3FDB];
	_ =	sdelay $0x1  }
0x9f: {  	s19 =	simm.s32 $_scs_section_size  }
0xa0: {  	s5 =	simm.s32 $_size__tile_overlayer_lowered;
	s6 =	simm.s32 $_tile_overlayer_lowered  }
0xa1: {  	s22 =	simm.s32 $0x1BFF;
	s21 =	sshll.u32 s6, $0x1;
	s3 =	sadd.s32 s19, s18  }
0xa2: {  	s7 =	simm.s32 $0x0;
	s20 =	sshll.u32 s5, $0x1;
	s5 =	sadd.s32 s21, s3  }
0xa3: {  	[timem:s7], [sflag:s22] =	dma.local [hbm:s5], s20  }
0xa4: {  	_ =	swait.ge [sflag:s22], s20  }
0xa5: {  	s4 =	ssub.s32 $0x0, s20;
	[sflag:s22] =	ssyncset.done $0x0  }
0xa6: {  	[sflag:s22] =	ssyncadd.s32 s4;
	_ =	sdelay $0x1  }
0xa7: {  	s23 =	simm.s32 $0x1B8B  }
0xa8: {  	_ =	swait.ge [sflag:s23], $0x1  }
0xa9: {  	[sflag:s23] =	ssyncset.done $0x0  }
0xaa: {  	s25 =	simm.s32 $0x1B8E;
	s24 =	sld [smem:$0x3FFE];
	[sflag:s23] =	ssyncadd.s32 $0xFFFFFFFF  }
0xab: {  	s26 =	simm.s32 $execute0_lowered;
	[smem:$0x3FD2] =	sst s25  }
0xac: {  	s5 =	sshll.u32 s26, $0x1;
	_ =	strace $0x80000061;
	[dreg:$0x1] =	wrdreg $0xFFFFFFFF  }
0xad: {  	s28 =	simm.s32 $_size_execute0_lowered;
	s3 =	sadd.s32 s3, s5;
	[dreg:$0x0] =	wrdreg $0x0  }
0xae: {  	s5 =	sshll.u32 s28, $0x1;
	[dreg:$0x2] =	wrdreg s3  }
0xaf: {  	[dreg:$0x3] =	wrdreg s5  }
0xb0: {  	[dreg:$0x4] =	wrdreg $0xC0  }
0xb1: {  	_ =	task [dreg:s7], $0x5FFFF  }
0xb2: {  	[dreg:$0x1] =	wrdreg $0xFFFFFFFF  }
0xb3: {  	[dreg:$0x0] =	wrdreg $0x60  }
0xb4: {  	[dreg:$0x2] =	wrdreg s24  }
0xb5: {  	[dreg:$0x3] =	wrdreg s16  }
0xb6: {  	[dreg:$0x4] =	wrdreg $0x1C000  }
0xb7: {  	[dreg:$0x5] =	wrdreg $0x9  }
0xb8: {  	_ =	task.clear_ibuf [dreg:s7], $0x6FFFF;
	_ =	strace $0x90000061  }
0xb9: {  	s29 =	simm.s32 $0x9;
	_ =	strace $0x80000063  }
0xba: {  	_ =	swait.ge [sflag:s29], $0x1  }
0xbb: {  	[sflag:s29] =	ssyncadd.s32 $0xFFFFFFFF  }
0xbc: {  	_ =	strace $0x90000063  }
0xbd: {  	_ =	sfence  }
0xbe: {  	s30 =	sld [smem:$0x0];
	_ =	sdelay $0x2  }
0xbf: {  	s31 =	sshll.u32 s1, $0xD;
	s1 =	sshrl.u32 s1, $0x2  }
0xc0: {  	s3 =	sand.u32 $0x4000, s31;
	s1 =	sadd.s32 s1, s30  }
0xc1: {  	s0 =	sor.u32 s3, s0;
	s1 =	sshll.u32 s1, $0x11  }
0xc2: {  	s0 =	sor.u32 s1, s0  }
0xc3: {  	s0 =	sadd.s32 $0x8F2B, s0  }
0xc4: {  	[sflag:s0] =	ssyncadd.remote.s32 $0x1  }
0xc5: {  	_ =	sfence.sel $0xFFFF  }
0xc6: {  	[dreg:$0x0] =	wrdreg $0xFFFFFFFF;
	(pc) =	sbr.abs _section_cstart, $3  }
0xc7: {  	[dreg:$0x1] =	wrdreg $0xFFFFFFFF  }
0xc8: {  	_ =	task.clear_ibuf [dreg:s7], $0x2FFFF;
	_ =	strace $0x9FFFFFFF  }
0xc9: {  	(tm) =	ssettm $0x7FFFFFFF  }
tec
execute0_lowered:
.L_overlay_start_1:
0x0: {  	(tag) =	ssettag $0x1  }
0x1: {  	s4 =	rddreg [dreg:$0x0]  }
0x2: {  	s7 =	rddreg [dreg:$0x1]  }
0x3: {  	s2 =	rddreg [dreg:$0x2]  }
0x4: {  	s0 =	rddreg [dreg:$0x3]  }
0x5: {  	s3 =	simm.s32 $0x0;
	s1 =	stileid.u32;
	s5 =	srdreg.scid  }
0x6: {  	[smem:$0x7FF] =	sst s3;
	s6 =	smul.u32 $0x4100, s1  }
0x7: {  	s8 =	sand.u32 $0x1, s5;
	s22 =	smul.u32 $0x13800, s1;
	s11 =	sadd.s32 $0x1C2600, s4  }
0x8: {  	s13 =	smul.u32 $0x4E000, s1;
	s14 =	sadd.s32 $0x2B600, s4;
	s26 =	sshll.u32 s1, $0x6  }
0x9: {  	s29 =	sshll.u32 s1, $0x9;
	s18 =	sadd.s32 $0x138000, s2;
	p0 =	sne.s32 s1, $0xF  }
0xa: {  	_ =	strace $0x80000062;
	s9 =	smul.u32 $0x138800, s8;
	s5 =	ssub.s32 $0x2, s8  }
0xb: {  	s16 =	sshll.u32 s8, $0x8;
	s30 =	smul.u32 $0x2080, s8;
	s10 =	sadd.s32 s6, s4  }
0xc: {  	s12 =	sshrl.u32 s5, $0x1;
	s24 =	sshrl.u32 s13, $0x2;
	s13 =	simm.s32 $0x1  }
0xd: {  	s12 =	ssub.s32 s5, s12;
	s23 =	sadd.s32 s22, s9;
	s15 =	sadd.s32 s24, s2  }
0xe: {  	s5 =	sor.u32 $0x1C01, s26;
	s28 =	sshrl.u32 s9, $0x3;
	s9 =	sor.u32 s16, s29  }
0xf: {  	s31 =	sadd.s32 s30, s10;
	s16 =	simm.s32 $0x28;
	s25 =	sshrl.u32 s23, $0x3  }
0x10: {  	s17 =	sadd.s32 $0x27000, s28;
	s7 =	sadd.s32 s7, s9;
	s10 =	smax.u32 s12, $0x1  }
0x11: {  	s12 =	sshrl.u32 s15, $0x3;
	s15 =	simm.s32 $0x800;
	s4 =	sadd.s32 s11, s25  }
0x12: {  	s6 =	sadd.s32 s11, s17;
	s8 =	sadd.s32 s14, s25;
	s9 =	sadd.s32 s14, s17  }
0x13: {  	s11 =	sadd.s32 $0x210800, s31;
	s14 =	sshrl.u32 @!p0 s18, $0x3;
	s17 =	simm.s32 $0x0  }
.LBB2_1:
0x14: {  	[spmem:s12], [sflag:s5] =	dma.local [hbm:s4], $0x2700  }
0x15: {  	_ =	swait.ge [sflag:s13], $0x2700  }
0x16: {  	[sflag:s13] =	ssyncset.done $0x0  }
0x17: {  	s18 =	simm.s32 @!p0 $0x1;
	[sflag:s13] =	ssyncadd.s32 $0xFFFFD900  }
0x18: {  	[spmem:s14], [sflag:s5] =	dma.local @!p0 [hbm:s6], $0x100  }
0x19: {  	_ =	swait.ge @!p0 [sflag:s18], $0x100  }
0x1a: {  	[sflag:s18] =	ssyncset.done @!p0 $0x0  }
0x1b: {  	[sflag:s18] =	ssyncadd.s32 @!p0 $0xFFFFFF00  }
0x1c: {  	[tilespmem:s3], [sflag:$0x1] =	stream.linear.gather [hbm4b:s7+s3], $0x680, $0x38;
	[tilespmem:$0x15480] =	vst v63  }
0x1d: {  	_ =	swait.ge [sflag:s13], $0x680  }
0x1e: {  	[sflag:s13] =	ssyncset.done $0x0  }
0x1f: {  	[sflag:s13] =	ssyncadd.s32 $0xFFFFF980  }
0x20: {  	[bflag:$0x0] =	sbarrier.arrive $0xFFFF  }
0x21: {  	[tilespmem:s15], [sflag:$0x1] =	stream.linear.gather [hbm4b:s11+s3], $0x1400, $0x38;
	[tilespmem:$0x15480] =	vst v63  }
0x22: {  	_ =	swait.ge [sflag:s13], $0x1400  }
0x23: {  	[sflag:s13] =	ssyncset.done $0x0  }
0x24: {  	s31 =	simm.s32 $0x0;
	[sflag:s13] =	ssyncadd.s32 $0xFFFFEC00  }
0x25: {  	[spmem:s2] =	stream.indirect.scatter.add.f32 [tilespmem:s15], [sflag:$0x1], $0x80, s31, s16, $0xb8;
	[tilespmem:$0x15480] =	vst v63  }
0x26: {  	_ =	swait.ge [sflag:s13], $0x1400  }
0x27: {  	s19 =	smov.u32 s11;
	s18 =	simm.s32 $0x200;
	[sflag:s13] =	ssyncset.done $0x0  }
.LBB2_2:
0x28: {  	p1 =	sne.s32 s18, $0x1800;
	[sflag:s13] =	ssyncadd.s32 $0xFFFFEC00;
	s19 =	sadd.s32 $0x280, s19  }
0x29: {  	[tilespmem:s15], [sflag:$0x1] =	stream.linear.gather [hbm4b:s19+s3], $0x1400, $0x38;
	[tilespmem:$0x15480] =	vst v63  }
0x2a: {  	s20 =	smov.u32 s18;
	s18 =	sadd.s32 $0x200, s18;
	_ =	swait.ge [sflag:s13], $0x1400  }
.Ltmp0:
0x2b: {  	[sflag:s13] =	ssyncset.done $0x0;
	(pc) =	sbr.rel @p1 .LBB2_2-.Ltmp0, $4  }
0x2c: {  	s20 =	sshra.s32 s20, $0x2;
	[sflag:s13] =	ssyncadd.s32 $0xFFFFEC00  }
0x2d: {  	[spmem:s2] =	stream.indirect.scatter.add.f32 [tilespmem:s15], [sflag:$0x1], $0x80, s20, s16, $0xb8;
	[tilespmem:$0x15480] =	vst v63  }
0x2e: {  	_ =	swait.ge [sflag:s13], $0x1400  }
0x2f: {  	[sflag:s13] =	ssyncset.done $0x0  }
0x30: {  	[sflag:s13] =	ssyncadd.s32 $0xFFFFEC00  }
0x31: {  	[bflag:$0x0] =	sbarrier.arrive $0xFFFF  }
0x32: {  	[hbm:s8], [sflag:s5] =	dma.local [spmem:s12], $0x2700  }
0x33: {  	s17 =	sadd.s32 $0x1, s17;
	_ =	swait.ge [sflag:s13], $0x2700  }
0x34: {  	p1 =	sne.s32 s17, s10;
	[sflag:s13] =	ssyncset.done $0x0  }
.Ltmp1:
0x35: {  	s18 =	simm.s32 @!p0 $0x1;
	[sflag:s13] =	ssyncadd.s32 $0xFFFFD900;
	(pc) =	sbr.rel @p1 .LBB2_1-.Ltmp1, $4  }
0x36: {  	[hbm:s9], [sflag:s5] =	dma.local @!p0 [spmem:s14], $0x100  }
0x37: {  	_ =	swait.ge @!p0 [sflag:s18], $0x100  }
0x38: {  	[sflag:s18] =	ssyncset.done @!p0 $0x0  }
0x39: {  	[sflag:s18] =	ssyncadd.s32 @!p0 $0xFFFFFF00  }
0x3a: {  	_ =	sfence.sel $0x180000  }
0x3b: {  	[bflag:$0x0] =	sbarrier.arrive $0xFFFF  }
0x3c: {  	p0 =	sne.s32 s1, $0x0;
	_ =	strace $0x90000062  }
0x3d: {  	s0 =	sadd.s32 @!p0 $0x100000, s0;
	[bflag:$0x2] =	sbarrier.arrive $0xFFFF  }
0x3e: {  	[sflag:s0] =	ssyncadd.tile.s32 @!p0 $0x1;
	_ =	shalt  }
.Lfunc_end2:
_tile_overlayer_lowered:
.L_overlay_start_2:
0x3f: {  	(tag) =	ssettag $0x2  }
0x40: {  	s0 =	rddreg [dreg:$0x0];
	s2 =	stileid.u32  }
0x41: {  	s1 =	rddreg [dreg:$0x1];
	p0 =	sne.s32 s2, $0x0  }
0x42: {  	s3 =	rddreg [dreg:$0x2];
	[bflag:$0x3] =	sbarrier.arrive $0xFFFF;
	s2 =	simm.s32 @!p0 $0x1C01  }
0x43: {  	[timem:s3], [sflag:s2] =	dma.local @!p0 [hbm:s0], s1  }
0x44: {  	s0 =	simm.s32 @!p0 $0x1  }
0x45: {  	_ =	swait.ge @!p0 [sflag:s0], s1  }
0x46: {  	s1 =	ssub.s32 @!p0 $0x0, s1;
	[sflag:s0] =	ssyncset.done @!p0 $0x0  }
0x47: {  	[sflag:s0] =	ssyncadd.s32 @!p0 s1  }
0x48: {  	[bflag:$0x3] =	sbarrier.arrive $0xFFFF  }
0x49: {  	_ =	shalt  }

</sc_bundles>
